<compile_context>
chip_gen: v7x
topology: tpu7x:2x2x1
jax: 0.10.2.dev20260603
libtpu: 0.0.44.dev20260713+nightly
codegen_flags: <defaults>
</compile_context>

<pallas_src>
import functools

import jax
import jax.numpy as jnp
from jax import lax
from jax.experimental import pallas as pl
from jax.experimental.pallas import tpu as pltpu
from jax.experimental.pallas import tpu_sc as plsc

_N = 10000
_E = 160000
_HID = 256
_NC = 2
_NS = 16
_NP = 10240
_EP = 163840
_CK = 128
_CKE = 64
_ECH = _EP // _CK
_ROWS_PER_SUB = _NP // _NS

_f32 = jnp.float32
_MESH = plsc.VectorSubcoreMesh(core_axis_name="c", subcore_axis_name="s")


def _zero_rows(ref, nrows, ncols):
    def body(i, carry):
        for l in range(ncols // 16):
            ref[i, pl.ds(l * 16, 16)] = jnp.zeros((16,), _f32)
        return carry
    lax.fori_loop(0, nrows, body, 0)


def _edge_pipeline(table, acc_sh, sidx, didx, rows, gsems, ssems, nch):
    def start_gather(j, l):
        pltpu.async_copy(table.at[sidx.at[j]], rows[l], gsems[l])
    def wait_gather(l):
        pltpu.make_async_copy(table.at[sidx.at[0]], rows[l], gsems[l]).wait()
    def start_scatter(j, l):
        pltpu.async_copy(rows[l], acc_sh.at[didx.at[j]], ssems[l], add=True)
    def wait_scatter(l):
        pltpu.make_async_copy(rows[l], acc_sh.at[didx.at[0]], ssems[l]).wait()
    start_gather(0, 0)
    start_gather(1, 1)
    start_gather(2, 2)
    wait_gather(0)
    start_scatter(0, 0)
    start_gather(3, 3)
    wait_gather(1)
    start_scatter(1, 1)
    def body(jj, carry):
        j0 = 4 * jj + 2
        for u in range(4):
            l = (2 + u) % 4
            l2 = u % 4
            wait_scatter(l2)
            start_gather(j0 + u + 2, l2)
            wait_gather(l)
            start_scatter(j0 + u, l)
        return carry
    lax.fori_loop(0, (nch - 4) // 4, body, 0)
    wait_scatter(0)
    wait_gather(2)
    start_scatter(nch - 2, 2)
    wait_scatter(1)
    wait_gather(3)
    start_scatter(nch - 1, 3)
    wait_scatter(2)
    wait_scatter(3)


@functools.partial(
    pl.kernel,
    out_type=jax.ShapeDtypeStruct((_NC, _NP, 16), _f32),
    mesh=_MESH,
    compiler_params=pltpu.CompilerParams(use_tc_tiling_on_sc=False),
    scratch_types=[
        pltpu.VMEM((_ECH // _NS, _CK), jnp.int32),
        pltpu.VMEM((_CK, 16), _f32),
        pltpu.VMEM((_ROWS_PER_SUB, 16), _f32),
        pltpu.VMEM_SHARED((_NP, 16), _f32),
        pltpu.SemaphoreType.DMA,
    ],
)
def _sc_degrees(ei_hbm, deg_hbm, idx_v, ones_v, stage_v, acc_sh, sem):
    c = lax.axis_index("c")
    s = lax.axis_index("s")
    def fill(i, carry):
        ones_v[i] = jnp.ones((16,), _f32)
        return carry
    lax.fori_loop(0, _CK, fill, 0)
    _zero_rows(stage_v, _ROWS_PER_SUB, 16)
    pltpu.sync_copy(stage_v, acc_sh.at[pl.ds(s * _ROWS_PER_SUB, _ROWS_PER_SUB)])
    nch = _ECH // _NS
    pltpu.sync_copy(ei_hbm.at[c].at[pl.ds(s * nch, nch)], idx_v)
    plsc.subcore_barrier()
    lag = 8
    def body(j, carry):
        pltpu.async_copy(ones_v, acc_sh.at[idx_v.at[j]], sem, add=True)
        @pl.when(j >= lag)
        def _():
            pltpu.make_async_copy(ones_v, acc_sh.at[idx_v.at[0]], sem).wait()
        return carry
    lax.fori_loop(0, nch, body, 0)
    def drain(j, carry):
        pltpu.make_async_copy(ones_v, acc_sh.at[idx_v.at[0]], sem).wait()
        return carry
    lax.fori_loop(0, lag, drain, 0)
    plsc.subcore_barrier()
    pltpu.sync_copy(acc_sh.at[pl.ds(s * _ROWS_PER_SUB, _ROWS_PER_SUB)], stage_v)
    pltpu.sync_copy(stage_v, deg_hbm.at[c].at[pl.ds(s * _ROWS_PER_SUB, _ROWS_PER_SUB)])


@functools.partial(
    pl.kernel,
    out_type=jax.ShapeDtypeStruct((_NC, _NP, 16), _f32),
    mesh=_MESH,
    compiler_params=pltpu.CompilerParams(use_tc_tiling_on_sc=False),
    scratch_types=[
        pltpu.VMEM((_ECH // (_NC * _NS), _CK), jnp.int32),
        pltpu.VMEM((_ECH // (_NC * _NS), _CK), jnp.int32),
        pltpu.VMEM((_CK, 16), _f32),
        pltpu.VMEM((_CK, 16), _f32),
        pltpu.VMEM((_CK, 16), _f32),
        pltpu.VMEM((_CK, 16), _f32),
        pltpu.VMEM((_ROWS_PER_SUB, 16), _f32),
        pltpu.VMEM_SHARED((_NP, 16), _f32),
        pltpu.VMEM_SHARED((_NP, 16), _f32),
        [pltpu.SemaphoreType.DMA] * 4,
        [pltpu.SemaphoreType.DMA] * 4,
    ],
)
def _sc_agg16(ei_hbm, x_hbm, agg_hbm, sidx, didx, r0, r1, r2, r3, stage_v,
              x_sh, acc_sh, gsems, ssems):
    c = lax.axis_index("c")
    s = lax.axis_index("s")
    rows = pl.ds(s * _ROWS_PER_SUB, _ROWS_PER_SUB)
    _zero_rows(stage_v, _ROWS_PER_SUB, 16)
    pltpu.sync_copy(stage_v, acc_sh.at[rows])
    pltpu.sync_copy(x_hbm.at[rows], x_sh.at[rows])
    nch = _ECH // (_NC * _NS)
    base = c * (_ECH // _NC) + s * nch
    pltpu.sync_copy(ei_hbm.at[0].at[pl.ds(base, nch)], sidx)
    pltpu.sync_copy(ei_hbm.at[1].at[pl.ds(base, nch)], didx)
    plsc.subcore_barrier()
    _edge_pipeline(x_sh, acc_sh, sidx, didx, [r0, r1, r2, r3],
                   gsems, ssems, nch)
    plsc.subcore_barrier()
    pltpu.sync_copy(acc_sh.at[rows], agg_hbm.at[c].at[rows])


@functools.partial(
    pl.kernel,
    out_type=jax.ShapeDtypeStruct((2 * _NC, _NP, 64), _f32),
    mesh=_MESH,
    compiler_params=pltpu.CompilerParams(use_tc_tiling_on_sc=False),
    scratch_types=[
        pltpu.VMEM((_ECH // (_NC * _NS), _CK), jnp.int32),
        pltpu.VMEM((_ECH // (_NC * _NS), _CK), jnp.int32),
        pltpu.VMEM((_CK, 64), _f32),
        pltpu.VMEM((_CK, 64), _f32),
        pltpu.VMEM((_CK, 64), _f32),
        pltpu.VMEM((_CK, 64), _f32),
        pltpu.VMEM_SHARED((_NP, 64), _f32),
        pltpu.VMEM_SHARED((_NP, 64), _f32),
        [pltpu.SemaphoreType.DMA] * 4,
        [pltpu.SemaphoreType.DMA] * 4,
    ],
)
def _sc_agg128(ei_hbm, y_hbm, agg_hbm, sidx, didx, r0, r1, r2, r3, y_sh,
               acc_sh, gsems, ssems):
    c = lax.axis_index("c")
    s = lax.axis_index("s")
    rows = pl.ds(s * _ROWS_PER_SUB, _ROWS_PER_SUB)
    nchp = _ECH // (2 * _NS)
    for sub in range(2):
        q = 2 * c + sub
        _zero_rows(r0, _CK, 64)
        for blk in range(_ROWS_PER_SUB // _CK):
            pltpu.sync_copy(
                r0, acc_sh.at[pl.ds(s * _ROWS_PER_SUB + blk * _CK, _CK)])
        pltpu.sync_copy(y_hbm.at[q].at[rows], y_sh.at[rows])
        plsc.subcore_barrier()
        for p in range(2):
            base = s * (2 * nchp) + p * nchp
            pltpu.sync_copy(ei_hbm.at[0].at[pl.ds(base, nchp)], sidx)
            pltpu.sync_copy(ei_hbm.at[1].at[pl.ds(base, nchp)], didx)
            _edge_pipeline(y_sh, acc_sh, sidx, didx, [r0, r1, r2, r3],
                           gsems, ssems, nchp)
        plsc.subcore_barrier()
        pltpu.sync_copy(acc_sh.at[rows], agg_hbm.at[q].at[rows])
        if sub == 0:
            plsc.subcore_barrier()


def _tcb_body(do_ref, di_ref, at_ref, ty_ref, x_ref, ns_ref, nd_ref):
    do = do_ref[:, 0:1]
    di = di_ref[:, 0:1]
    ns = lax.rsqrt(jnp.maximum(do, 1.0))
    nd = lax.rsqrt(jnp.maximum(di, 1.0))
    lane = lax.broadcasted_iota(jnp.int32, (_NP, 16), 1)
    a = at_ref[...] * ns
    b = ty_ref[...] * ns
    x_ref[...] = jnp.where(lane == 0, a, jnp.where(lane == 1, b, 0.0))
    ns_ref[...] = ns
    nd_ref[...] = nd


def _tc_prep(dg_out, dg_in, at, ty):
    return pl.pallas_call(
        _tcb_body,
        out_shape=(
            jax.ShapeDtypeStruct((_NP, 16), _f32),
            jax.ShapeDtypeStruct((_NP, 1), _f32),
            jax.ShapeDtypeStruct((_NP, 1), _f32),
        ),
    )(dg_out, dg_in, at, ty)


_RB = 1280


def _tcd_body(agg_ref, ns_ref, nd_ref, w1_ref, b1_ref, y_ref):
    z = agg_ref[0] + agg_ref[1]
    h = z[:, 0:1] * w1_ref[0:1, :] + z[:, 1:2] * w1_ref[1:2, :]
    h = jnp.maximum(h * nd_ref[...] + b1_ref[...], 0.0)
    y = h * ns_ref[...]
    for q in range(4):
        y_ref[q] = y[:, q * 64:(q + 1) * 64]


def _tc_mid(agg1, ns, nd, W1, b1):
    return pl.pallas_call(
        _tcd_body,
        grid=(_NP // _RB,),
        in_specs=[
            pl.BlockSpec((2, _RB, 16), lambda i: (0, i, 0)),
            pl.BlockSpec((_RB, 1), lambda i: (i, 0)),
            pl.BlockSpec((_RB, 1), lambda i: (i, 0)),
            pl.BlockSpec((2, _HID), lambda i: (0, 0)),
            pl.BlockSpec((1, _HID), lambda i: (0, 0)),
        ],
        out_specs=pl.BlockSpec((4, _RB, 64), lambda i: (0, i, 0)),
        out_shape=jax.ShapeDtypeStruct((4, _NP, 64), _f32),
    )(agg1, ns, nd, W1, b1)


def _tcf_body(agg_ref, nd_ref, w2_ref, b2_ref, wc_ref, bc_ref,
              out_ref, acc_ref):
    i = pl.program_id(0)
    g = sum(jnp.dot(agg_ref[q], w2_ref[q], preferred_element_type=_f32)
            for q in range(4))
    h = jnp.maximum(g * nd_ref[...] + b2_ref[...], 0.0)
    row = i * _RB + lax.broadcasted_iota(jnp.int32, (_RB, _HID), 0)
    h = jnp.where(row < _N, h, 0.0)
    part = jnp.sum(h, axis=0, keepdims=True)

    @pl.when(i == 0)
    def _():
        acc_ref[...] = part

    @pl.when(i > 0)
    def _():
        acc_ref[...] = acc_ref[...] + part

    out_ref[...] = (jnp.dot(acc_ref[...] * (1.0 / _N), wc_ref[...],
                            preferred_element_type=_f32) + bc_ref[...])


def _tc_head(agg2, nd, W2q, b2, Wc, bc):
    return pl.pallas_call(
        _tcf_body,
        grid=(_NP // _RB,),
        in_specs=[
            pl.BlockSpec((4, _RB, 64), lambda i: (0, i, 0)),
            pl.BlockSpec((_RB, 1), lambda i: (i, 0)),
            pl.BlockSpec((4, 64, _HID), lambda i: (0, 0, 0)),
            pl.BlockSpec((1, _HID), lambda i: (0, 0)),
            pl.BlockSpec((_HID, 2), lambda i: (0, 0)),
            pl.BlockSpec((1, 2), lambda i: (0, 0)),
        ],
        out_specs=pl.BlockSpec((1, 2), lambda i: (0, 0)),
        out_shape=jax.ShapeDtypeStruct((1, 2), _f32),
        scratch_shapes=[pltpu.VMEM((1, _HID), _f32)],
    )(agg2, nd, W2q, b2, Wc, bc)


def kernel(action_time, action_type, edge_index, W1, b1, W2, b2, Wc, bc):
    pad_e = _EP - _E
    dummy = jnp.full((pad_e,), _N, jnp.int32)
    src_p = jnp.concatenate([edge_index[0], dummy])
    dst_p = jnp.concatenate([edge_index[1], dummy])
    ei2d = jnp.stack([src_p, dst_p]).reshape(2, _ECH, _CK)

    deg = _sc_degrees(ei2d)

    pad_n = _NP - _N
    at_p = jnp.pad(action_time, (0, pad_n)).reshape(_NP, 1)
    ty_p = jnp.pad(action_type, (0, pad_n)).reshape(_NP, 1)
    xpad, ns, nd = _tc_prep(deg[0], deg[1], at_p, ty_p)

    agg1 = _sc_agg16(ei2d, xpad)
    y = _tc_mid(agg1, ns, nd, W1, b1.reshape(1, _HID))
    agg2 = _sc_agg128(ei2d, y)
    out = _tc_head(agg2, nd, W2.reshape(4, 64, _HID), b2.reshape(1, _HID),
                   Wc, bc.reshape(1, 2))
    return out

# --- scband reference (transcript-rebuilt; emitter-appended) ---
"""Pipeline reference for scband-gcn-74208444940737 (READ-ONLY COPY).

The authoritative reference and input builder live on the scoring server;
editing this copy changes nothing except your own understanding.
"""

import jax, jax.numpy as jnp
import numpy as np

N = 10000
E = 160000
HID = 256
NCLS = 2


def setup_inputs(seed: int = 0) -> dict:
    key = jax.random.key(seed)
    ks = jax.random.split(key, 8)
    action_time = jax.random.normal(ks[0], (N,), dtype=jnp.float32)
    action_type = jax.random.normal(ks[1], (N,), dtype=jnp.float32)
    edge_index = jax.random.randint(ks[2], (2, E), 0, N, dtype=jnp.int32)
    W1 = jax.random.normal(ks[3], (2, HID), dtype=jnp.float32) * (1.0 / np.sqrt(2.0))
    b1 = jnp.zeros((HID,), dtype=jnp.float32)
    W2 = jax.random.normal(ks[4], (HID, HID), dtype=jnp.float32) * (1.0 / np.sqrt(HID))
    b2 = jnp.zeros((HID,), dtype=jnp.float32)
    Wc = jax.random.normal(ks[5], (HID, NCLS), dtype=jnp.float32) * (1.0 / np.sqrt(HID))
    bc = jnp.zeros((NCLS,), dtype=jnp.float32)
    return {"action_time": action_time, "action_type": action_type, "edge_index": edge_index,
            "W1": W1, "b1": b1, "W2": W2, "b2": b2, "Wc": Wc, "bc": bc}


def _gcn_layer(h, src, dst, W, b):
    # DGL GraphConv with norm='both': D_out^{-1/2} on src, sum-aggregate, D_in^{-1/2} on dst, + bias
    out_deg = jnp.zeros((N,), jnp.float32).at[src].add(1.0)
    in_deg = jnp.zeros((N,), jnp.float32).at[dst].add(1.0)
    norm_src = jnp.power(jnp.clip(out_deg, 1.0, None), -0.5)
    norm_dst = jnp.power(jnp.clip(in_deg, 1.0, None), -0.5)
    h = h * norm_src[:, None]
    h = h @ W
    msgs = h[src]                                  # gather over edges
    agg = jnp.zeros((N, h.shape[1]), h.dtype).at[dst].add(msgs)  # scatter-add
    return agg * norm_dst[:, None] + b


def reference(action_time, action_type, edge_index, W1, b1, W2, b2, Wc, bc):
    src = edge_index[0]
    dst = edge_index[1]
    # h = stack((action_Time, action_Type), axis=1) -> [N, 2]
    h = jnp.stack([action_time, action_type], axis=1)
    h = jax.nn.relu(_gcn_layer(h, src, dst, W1, b1))
    h = jax.nn.relu(_gcn_layer(h, src, dst, W2, b2))
    # dgl.mean_nodes over a single graph -> [1, HID]
    hg = jnp.mean(h, axis=0, keepdims=True)
    return hg @ Wc + bc

if __name__ == "__main__":
    import jax
    _d = setup_inputs()
    print(jax.jit(kernel)(*tuple(_d.values())))

</pallas_src>

<mosaic_0001>
#map = affine_map<(d0, d1) -> (0, 0, 0)>
module attributes {stable_mosaic.version = 14 : i64} {
  func.func @_sc_degrees(%arg0: i32, %arg1: i32, %arg2: memref<2x1280x128xi32, #tpu.memory_space<hbm>>, %arg3: memref<2x10240x16xf32, #tpu.memory_space<hbm>>, %arg4: memref<80x128xi32, #tpu.memory_space<vmem>>, %arg5: memref<128x16xf32, #tpu.memory_space<vmem>>, %arg6: memref<640x16xf32, #tpu.memory_space<vmem>>, %arg7: memref<10240x16xf32, #tpu.memory_space<vmem_shared>>, %arg8: memref<!tpu.dma_semaphore, #tpu.memory_space<semaphore_mem>>) attributes {dimension_semantics = [#tpu.dimension_semantics<core_parallel>, #tpu.dimension_semantics<subcore_parallel>], iteration_bounds = array<i64: 2, 16>, scalar_prefetch = 0 : i64, scratch_operands = 5 : i64, tpu.core_type = #tpu.core_type<sc_vector_subcore>, window_params = [{transform_indices = #map}, {transform_indices = #map}]} {
    %scan3A = arith.constant 0 : i32
    %scan3A_0 = arith.constant 0 : i32
    %scan3A_1 = arith.constant 128 : i32
    %scan3A_2 = arith.addi %scan3A_0, %scan3A_1 : i32
    %scan3A_3 = arith.constant 1 : i32
    scf.for %scan3A_31 = %scan3A_0 to %scan3A_2 step %scan3A_3  : i32 {
      %broadcast_in_dim3A = arith.constant 1.000000e+00 : f32
      %broadcast_in_dim3A_32 = vector.broadcast %broadcast_in_dim3A : f32 to vector<16xf32>
      %swap3A = arith.index_cast %scan3A_31 : i32 to index
      %swap3A_33 = arith.constant 0 : index
      %swap3A_34 = tpu.vector_load %arg5[%swap3A, %swap3A_33] {strides = array<i32>} : memref<128x16xf32, #tpu.memory_space<vmem>>, vector<1x16xf32>,
      %swap3A_35 = vector.shape_cast %swap3A_34 : vector<1x16xf32> to vector<16xf32>
      %swap3A_36 = vector.shape_cast %broadcast_in_dim3A_32 : vector<16xf32> to vector<1x16xf32>
      tpu.vector_store %arg5[%swap3A, %swap3A_33], %swap3A_36 {strides = array<i32>} : memref<128x16xf32, #tpu.memory_space<vmem>>, vector<1x16xf32>,
    }
    %scan3A_4 = arith.constant 128 : i32
    %scan3A_5 = arith.constant 0 : i32
    %scan3A_6 = arith.constant 0 : i32
    %scan3A_7 = arith.constant 640 : i32
    %scan3A_8 = arith.addi %scan3A_6, %scan3A_7 : i32
    %scan3A_9 = arith.constant 1 : i32
    scf.for %scan3A_31 = %scan3A_6 to %scan3A_8 step %scan3A_9  : i32 {
      %broadcast_in_dim3A = arith.constant 0.000000e+00 : f32
      %broadcast_in_dim3A_32 = vector.broadcast %broadcast_in_dim3A : f32 to vector<16xf32>
      %swap3A = arith.index_cast %scan3A_31 : i32 to index
      %swap3A_33 = arith.constant 0 : index
      %swap3A_34 = tpu.vector_load %arg6[%swap3A, %swap3A_33] {strides = array<i32>} : memref<640x16xf32, #tpu.memory_space<vmem>>, vector<1x16xf32>,
      %swap3A_35 = vector.shape_cast %swap3A_34 : vector<1x16xf32> to vector<16xf32>
      %swap3A_36 = vector.shape_cast %broadcast_in_dim3A_32 : vector<16xf32> to vector<1x16xf32>
      tpu.vector_store %arg6[%swap3A, %swap3A_33], %swap3A_36 {strides = array<i32>} : memref<640x16xf32, #tpu.memory_space<vmem>>, vector<1x16xf32>,
    }
    %scan3A_10 = arith.constant 640 : i32
    %mul3A = arith.constant 640 : i32
    %mul3A_11 = arith.muli %arg1, %mul3A : i32
    "tpu.region"() ({
      %run_scoped3A = tpu.sem_alloc : memref<!tpu.dma_semaphore, #tpu.memory_space<semaphore_mem>>
      %dma_start3A = arith.constant 0 : i32
      %dma_start3A_31 = tpu.memref_slice %arg7[%mul3A_11, %dma_start3A] : memref<10240x16xf32, #tpu.memory_space<vmem_shared>> -> memref<640x16xf32, #tpu.memory_space<vmem_shared>>
      %dma_start3A_32 = arith.constant 0 : i32
      %dma_start3A_33 = tpu.memref_slice %arg7[%mul3A_11, %dma_start3A_32] : memref<10240x16xf32, #tpu.memory_space<vmem_shared>> -> memref<640x16xf32, #tpu.memory_space<vmem_shared>>
      tpu.enqueue_dma source(%arg6 : memref<640x16xf32, #tpu.memory_space<vmem>>) target(%dma_start3A_33 : memref<640x16xf32, #tpu.memory_space<vmem_shared>>) target_semaphore(%run_scoped3A : memref<!tpu.dma_semaphore, #tpu.memory_space<semaphore_mem>>)
      %dma_wait3A = arith.constant 0 : i32
      %dma_wait3A_34 = tpu.memref_slice %arg7[%mul3A_11, %dma_wait3A] : memref<10240x16xf32, #tpu.memory_space<vmem_shared>> -> memref<640x16xf32, #tpu.memory_space<vmem_shared>>
      %dma_wait3A_35 = arith.constant 0 : i32
      %dma_wait3A_36 = tpu.memref_slice %arg7[%mul3A_11, %dma_wait3A_35] : memref<10240x16xf32, #tpu.memory_space<vmem_shared>> -> memref<640x16xf32, #tpu.memory_space<vmem_shared>>
      tpu.wait_dma2 semaphore(%run_scoped3A : memref<!tpu.dma_semaphore, #tpu.memory_space<semaphore_mem>>) src(%arg6 : memref<640x16xf32, #tpu.memory_space<vmem>>) dst(%dma_wait3A_36 : memref<640x16xf32, #tpu.memory_space<vmem_shared>>)
      tpu.yield
    }) : () -> ()
    %mul3A_12 = arith.constant 80 : i32
    %mul3A_13 = arith.muli %arg1, %mul3A_12 : i32
    "tpu.region"() ({
      %run_scoped3A = tpu.sem_alloc : memref<!tpu.dma_semaphore, #tpu.memory_space<semaphore_mem>>
      %dma_start3A = arith.constant 0 : i32
      %dma_start3A_31 = arith.constant 0 : i32
      %dma_start3A_32 = tpu.memref_slice %arg2[%arg0, %dma_start3A, %dma_start3A_31] : memref<2x1280x128xi32, #tpu.memory_space<hbm>> -> memref<1x1280x128xi32, #tpu.memory_space<hbm>>
      %dma_start3A_33 = tpu.memref_squeeze %dma_start3A_32 : memref<1x1280x128xi32, #tpu.memory_space<hbm>> -> memref<1280x128xi32, #tpu.memory_space<hbm>>
      %dma_start3A_34 = arith.constant 0 : i32
      %dma_start3A_35 = tpu.memref_slice %dma_start3A_33[%mul3A_13, %dma_start3A_34] : memref<1280x128xi32, #tpu.memory_space<hbm>> -> memref<80x128xi32, #tpu.memory_space<hbm>>
      %dma_start3A_36 = arith.constant 0 : i32
      %dma_start3A_37 = arith.constant 0 : i32
      %dma_start3A_38 = tpu.memref_slice %arg2[%arg0, %dma_start3A_36, %dma_start3A_37] : memref<2x1280x128xi32, #tpu.memory_space<hbm>> -> memref<1x1280x128xi32, #tpu.memory_space<hbm>>
      %dma_start3A_39 = tpu.memref_squeeze %dma_start3A_38 : memref<1x1280x128xi32, #tpu.memory_space<hbm>> -> memref<1280x128xi32, #tpu.memory_space<hbm>>
      %dma_start3A_40 = arith.constant 0 : i32
      %dma_start3A_41 = tpu.memref_slice %dma_start3A_39[%mul3A_13, %dma_start3A_40] : memref<1280x128xi32, #tpu.memory_space<hbm>> -> memref<80x128xi32, #tpu.memory_space<hbm>>
      tpu.enqueue_dma source(%dma_start3A_41 : memref<80x128xi32, #tpu.memory_space<hbm>>) target(%arg4 : memref<80x128xi32, #tpu.memory_space<vmem>>) target_semaphore(%run_scoped3A : memref<!tpu.dma_semaphore, #tpu.memory_space<semaphore_mem>>)
      %dma_wait3A = arith.constant 0 : i32
      %dma_wait3A_42 = arith.constant 0 : i32
      %dma_wait3A_43 = tpu.memref_slice %arg2[%arg0, %dma_wait3A, %dma_wait3A_42] : memref<2x1280x128xi32, #tpu.memory_space<hbm>> -> memref<1x1280x128xi32, #tpu.memory_space<hbm>>
      %dma_wait3A_44 = tpu.memref_squeeze %dma_wait3A_43 : memref<1x1280x128xi32, #tpu.memory_space<hbm>> -> memref<1280x128xi32, #tpu.memory_space<hbm>>
      %dma_wait3A_45 = arith.constant 0 : i32
      %dma_wait3A_46 = tpu.memref_slice %dma_wait3A_44[%mul3A_13, %dma_wait3A_45] : memref<1280x128xi32, #tpu.memory_space<hbm>> -> memref<80x128xi32, #tpu.memory_space<hbm>>
      %dma_wait3A_47 = arith.constant 0 : i32
      %dma_wait3A_48 = arith.constant 0 : i32
      %dma_wait3A_49 = tpu.memref_slice %arg2[%arg0, %dma_wait3A_47, %dma_wait3A_48] : memref<2x1280x128xi32, #tpu.memory_space<hbm>> -> memref<1x1280x128xi32, #tpu.memory_space<hbm>>
      %dma_wait3A_50 = tpu.memref_squeeze %dma_wait3A_49 : memref<1x1280x128xi32, #tpu.memory_space<hbm>> -> memref<1280x128xi32, #tpu.memory_space<hbm>>
      %dma_wait3A_51 = arith.constant 0 : i32
      %dma_wait3A_52 = tpu.memref_slice %dma_wait3A_50[%mul3A_13, %dma_wait3A_51] : memref<1280x128xi32, #tpu.memory_space<hbm>> -> memref<80x128xi32, #tpu.memory_space<hbm>>
      tpu.wait_dma2 semaphore(%run_scoped3A : memref<!tpu.dma_semaphore, #tpu.memory_space<semaphore_mem>>) src(%dma_wait3A_52 : memref<80x128xi32, #tpu.memory_space<hbm>>) dst(%arg4 : memref<80x128xi32, #tpu.memory_space<vmem>>)
      tpu.yield
    }) : () -> ()
    %barrier3A = arith.constant 0 : index
    tpu.barrier barrier_id(%barrier3A)
    %scan3A_14 = arith.constant 0 : i32
    %scan3A_15 = arith.constant 0 : i32
    %scan3A_16 = arith.constant 80 : i32
    %scan3A_17 = arith.addi %scan3A_15, %scan3A_16 : i32
    %scan3A_18 = arith.constant 1 : i32
    scf.for %scan3A_31 = %scan3A_15 to %scan3A_17 step %scan3A_18  : i32 {
      %dma_start3A = arith.constant 0 : i32
      %dma_start3A_32 = tpu.memref_slice %arg4[%scan3A_31, %dma_start3A] : memref<80x128xi32, #tpu.memory_space<vmem>> -> memref<1x128xi32, #tpu.memory_space<vmem>>
      %dma_start3A_33 = tpu.memref_squeeze %dma_start3A_32 : memref<1x128xi32, #tpu.memory_space<vmem>> -> memref<128xi32, #tpu.memory_space<vmem>>
      %dma_start3A_34 = arith.constant 0 : i32
      %dma_start3A_35 = arith.constant 0 : i32
      %dma_start3A_36 = tpu.memref_slice %arg7[%dma_start3A_34, %dma_start3A_35] : memref<10240x16xf32, #tpu.memory_space<vmem_shared>> -> memref<10240x16xf32, #tpu.memory_space<vmem_shared>>
      tpu.enqueue_indirect_dma source(%arg5 : memref<128x16xf32, #tpu.memory_space<vmem>>) target(%dma_start3A_36 : memref<10240x16xf32, #tpu.memory_space<vmem_shared>>) offsets(%dma_start3A_33 : memref<128xi32, #tpu.memory_space<vmem>>) semaphore(%arg8 : memref<!tpu.dma_semaphore, #tpu.memory_space<semaphore_mem>>) {add = true}
      %ge3A = arith.constant 8 : i32
      %ge3A_37 = arith.cmpi sge, %scan3A_31, %ge3A : i32
      %convert_element_type3A = arith.extui %ge3A_37 : i1 to i32
      %cond3A = arith.constant 0 : i32
      %cond3A_38 = arith.cmpi ne, %convert_element_type3A, %cond3A : i32
      scf.if %cond3A_38 {
        %dma_wait3A = arith.constant 0 : i32
        %dma_wait3A_39 = arith.constant 0 : i32
        %dma_wait3A_40 = tpu.memref_slice %arg4[%dma_wait3A, %dma_wait3A_39] : memref<80x128xi32, #tpu.memory_space<vmem>> -> memref<1x128xi32, #tpu.memory_space<vmem>>
        %dma_wait3A_41 = tpu.memref_squeeze %dma_wait3A_40 : memref<1x128xi32, #tpu.memory_space<vmem>> -> memref<128xi32, #tpu.memory_space<vmem>>
        %dma_wait3A_42 = arith.constant 0 : i32
        %dma_wait3A_43 = arith.constant 0 : i32
        %dma_wait3A_44 = tpu.memref_slice %arg7[%dma_wait3A_42, %dma_wait3A_43] : memref<10240x16xf32, #tpu.memory_space<vmem_shared>> -> memref<10240x16xf32, #tpu.memory_space<vmem_shared>>
        tpu.wait_indirect_dma semaphore(%arg8 : memref<!tpu.dma_semaphore, #tpu.memory_space<semaphore_mem>>) src(%arg5 : memref<128x16xf32, #tpu.memory_space<vmem>>) dst(%dma_wait3A_44 : memref<10240x16xf32, #tpu.memory_space<vmem_shared>>)
      } else {
      }
    }
    %scan3A_19 = arith.constant 80 : i32
    %scan3A_20 = arith.constant 0 : i32
    %scan3A_21 = arith.constant 0 : i32
    %scan3A_22 = arith.constant 8 : i32
    %scan3A_23 = arith.addi %scan3A_21, %scan3A_22 : i32
    %scan3A_24 = arith.constant 1 : i32
    scf.for %scan3A_31 = %scan3A_21 to %scan3A_23 step %scan3A_24  : i32 {
      %dma_wait3A = arith.constant 0 : i32
      %dma_wait3A_32 = arith.constant 0 : i32
      %dma_wait3A_33 = tpu.memref_slice %arg4[%dma_wait3A, %dma_wait3A_32] : memref<80x128xi32, #tpu.memory_space<vmem>> -> memref<1x128xi32, #tpu.memory_space<vmem>>
      %dma_wait3A_34 = tpu.memref_squeeze %dma_wait3A_33 : memref<1x128xi32, #tpu.memory_space<vmem>> -> memref<128xi32, #tpu.memory_space<vmem>>
      %dma_wait3A_35 = arith.constant 0 : i32
      %dma_wait3A_36 = arith.constant 0 : i32
      %dma_wait3A_37 = tpu.memref_slice %arg7[%dma_wait3A_35, %dma_wait3A_36] : memref<10240x16xf32, #tpu.memory_space<vmem_shared>> -> memref<10240x16xf32, #tpu.memory_space<vmem_shared>>
      tpu.wait_indirect_dma semaphore(%arg8 : memref<!tpu.dma_semaphore, #tpu.memory_space<semaphore_mem>>) src(%arg5 : memref<128x16xf32, #tpu.memory_space<vmem>>) dst(%dma_wait3A_37 : memref<10240x16xf32, #tpu.memory_space<vmem_shared>>)
    }
    %scan3A_25 = arith.constant 8 : i32
    %barrier3A_26 = arith.constant 0 : index
    tpu.barrier barrier_id(%barrier3A_26)
    %mul3A_27 = arith.constant 640 : i32
    %mul3A_28 = arith.muli %arg1, %mul3A_27 : i32
    "tpu.region"() ({
      %run_scoped3A = tpu.sem_alloc : memref<!tpu.dma_semaphore, #tpu.memory_space<semaphore_mem>>
      %dma_start3A = arith.constant 0 : i32
      %dma_start3A_31 = tpu.memref_slice %arg7[%mul3A_28, %dma_start3A] : memref<10240x16xf32, #tpu.memory_space<vmem_shared>> -> memref<640x16xf32, #tpu.memory_space<vmem_shared>>
      %dma_start3A_32 = arith.constant 0 : i32
      %dma_start3A_33 = tpu.memref_slice %arg7[%mul3A_28, %dma_start3A_32] : memref<10240x16xf32, #tpu.memory_space<vmem_shared>> -> memref<640x16xf32, #tpu.memory_space<vmem_shared>>
      tpu.enqueue_dma source(%dma_start3A_33 : memref<640x16xf32, #tpu.memory_space<vmem_shared>>) target(%arg6 : memref<640x16xf32, #tpu.memory_space<vmem>>) target_semaphore(%run_scoped3A : memref<!tpu.dma_semaphore, #tpu.memory_space<semaphore_mem>>)
      %dma_wait3A = arith.constant 0 : i32
      %dma_wait3A_34 = tpu.memref_slice %arg7[%mul3A_28, %dma_wait3A] : memref<10240x16xf32, #tpu.memory_space<vmem_shared>> -> memref<640x16xf32, #tpu.memory_space<vmem_shared>>
      %dma_wait3A_35 = arith.constant 0 : i32
      %dma_wait3A_36 = tpu.memref_slice %arg7[%mul3A_28, %dma_wait3A_35] : memref<10240x16xf32, #tpu.memory_space<vmem_shared>> -> memref<640x16xf32, #tpu.memory_space<vmem_shared>>
      tpu.wait_dma2 semaphore(%run_scoped3A : memref<!tpu.dma_semaphore, #tpu.memory_space<semaphore_mem>>) src(%dma_wait3A_36 : memref<640x16xf32, #tpu.memory_space<vmem_shared>>) dst(%arg6 : memref<640x16xf32, #tpu.memory_space<vmem>>)
      tpu.yield
    }) : () -> ()
    %mul3A_29 = arith.constant 640 : i32
    %mul3A_30 = arith.muli %arg1, %mul3A_29 : i32
    "tpu.region"() ({
      %run_scoped3A = tpu.sem_alloc : memref<!tpu.dma_semaphore, #tpu.memory_space<semaphore_mem>>
      %dma_start3A = arith.constant 0 : i32
      %dma_start3A_31 = arith.constant 0 : i32
      %dma_start3A_32 = tpu.memref_slice %arg3[%arg0, %dma_start3A, %dma_start3A_31] : memref<2x10240x16xf32, #tpu.memory_space<hbm>> -> memref<1x10240x16xf32, #tpu.memory_space<hbm>>
      %dma_start3A_33 = tpu.memref_squeeze %dma_start3A_32 : memref<1x10240x16xf32, #tpu.memory_space<hbm>> -> memref<10240x16xf32, #tpu.memory_space<hbm>>
      %dma_start3A_34 = arith.constant 0 : i32
      %dma_start3A_35 = tpu.memref_slice %dma_start3A_33[%mul3A_30, %dma_start3A_34] : memref<10240x16xf32, #tpu.memory_space<hbm>> -> memref<640x16xf32, #tpu.memory_space<hbm>>
      %dma_start3A_36 = arith.constant 0 : i32
      %dma_start3A_37 = arith.constant 0 : i32
      %dma_start3A_38 = tpu.memref_slice %arg3[%arg0, %dma_start3A_36, %dma_start3A_37] : memref<2x10240x16xf32, #tpu.memory_space<hbm>> -> memref<1x10240x16xf32, #tpu.memory_space<hbm>>
      %dma_start3A_39 = tpu.memref_squeeze %dma_start3A_38 : memref<1x10240x16xf32, #tpu.memory_space<hbm>> -> memref<10240x16xf32, #tpu.memory_space<hbm>>
      %dma_start3A_40 = arith.constant 0 : i32
      %dma_start3A_41 = tpu.memref_slice %dma_start3A_39[%mul3A_30, %dma_start3A_40] : memref<10240x16xf32, #tpu.memory_space<hbm>> -> memref<640x16xf32, #tpu.memory_space<hbm>>
      tpu.enqueue_dma source(%arg6 : memref<640x16xf32, #tpu.memory_space<vmem>>) target(%dma_start3A_41 : memref<640x16xf32, #tpu.memory_space<hbm>>) target_semaphore(%run_scoped3A : memref<!tpu.dma_semaphore, #tpu.memory_space<semaphore_mem>>)
      %dma_wait3A = arith.constant 0 : i32
      %dma_wait3A_42 = arith.constant 0 : i32
      %dma_wait3A_43 = tpu.memref_slice %arg3[%arg0, %dma_wait3A, %dma_wait3A_42] : memref<2x10240x16xf32, #tpu.memory_space<hbm>> -> memref<1x10240x16xf32, #tpu.memory_space<hbm>>
      %dma_wait3A_44 = tpu.memref_squeeze %dma_wait3A_43 : memref<1x10240x16xf32, #tpu.memory_space<hbm>> -> memref<10240x16xf32, #tpu.memory_space<hbm>>
      %dma_wait3A_45 = arith.constant 0 : i32
      %dma_wait3A_46 = tpu.memref_slice %dma_wait3A_44[%mul3A_30, %dma_wait3A_45] : memref<10240x16xf32, #tpu.memory_space<hbm>> -> memref<640x16xf32, #tpu.memory_space<hbm>>
      %dma_wait3A_47 = arith.constant 0 : i32
      %dma_wait3A_48 = arith.constant 0 : i32
      %dma_wait3A_49 = tpu.memref_slice %arg3[%arg0, %dma_wait3A_47, %dma_wait3A_48] : memref<2x10240x16xf32, #tpu.memory_space<hbm>> -> memref<1x10240x16xf32, #tpu.memory_space<hbm>>
      %dma_wait3A_50 = tpu.memref_squeeze %dma_wait3A_49 : memref<1x10240x16xf32, #tpu.memory_space<hbm>> -> memref<10240x16xf32, #tpu.memory_space<hbm>>
      %dma_wait3A_51 = arith.constant 0 : i32
      %dma_wait3A_52 = tpu.memref_slice %dma_wait3A_50[%mul3A_30, %dma_wait3A_51] : memref<10240x16xf32, #tpu.memory_space<hbm>> -> memref<640x16xf32, #tpu.memory_space<hbm>>
      tpu.wait_dma2 semaphore(%run_scoped3A : memref<!tpu.dma_semaphore, #tpu.memory_space<semaphore_mem>>) src(%arg6 : memref<640x16xf32, #tpu.memory_space<vmem>>) dst(%dma_wait3A_52 : memref<640x16xf32, #tpu.memory_space<hbm>>)
      tpu.yield
    }) : () -> ()
    return
  }
}

#map = affine_map<(d0, d1) -> (0, 0, 0)>
module attributes {stable_mosaic.version = 14 : i64} {
  func.func @_sc_agg128(%arg0: i32, %arg1: i32, %arg2: memref<2x1280x128xi32, #tpu.memory_space<hbm>>, %arg3: memref<4x10240x64xf32, #tpu.memory_space<hbm>>, %arg4: memref<4x10240x64xf32, #tpu.memory_space<hbm>>, %arg5: memref<40x128xi32, #tpu.memory_space<vmem>>, %arg6: memref<40x128xi32, #tpu.memory_space<vmem>>, %arg7: memref<128x64xf32, #tpu.memory_space<vmem>>, %arg8: memref<128x64xf32, #tpu.memory_space<vmem>>, %arg9: memref<128x64xf32, #tpu.memory_space<vmem>>, %arg10: memref<128x64xf32, #tpu.memory_space<vmem>>, %arg11: memref<10240x64xf32, #tpu.memory_space<vmem_shared>>, %arg12: memref<10240x64xf32, #tpu.memory_space<vmem_shared>>, %arg13: memref<!tpu.dma_semaphore, #tpu.memory_space<semaphore_mem>>, %arg14: memref<!tpu.dma_semaphore, #tpu.memory_space<semaphore_mem>>, %arg15: memref<!tpu.dma_semaphore, #tpu.memory_space<semaphore_mem>>, %arg16: memref<!tpu.dma_semaphore, #tpu.memory_space<semaphore_mem>>, %arg17: memref<!tpu.dma_semaphore, #tpu.memory_space<semaphore_mem>>, %arg18: memref<!tpu.dma_semaphore, #tpu.memory_space<semaphore_mem>>, %arg19: memref<!tpu.dma_semaphore, #tpu.memory_space<semaphore_mem>>, %arg20: memref<!tpu.dma_semaphore, #tpu.memory_space<semaphore_mem>>) attributes {dimension_semantics = [#tpu.dimension_semantics<core_parallel>, #tpu.dimension_semantics<subcore_parallel>], iteration_bounds = array<i64: 2, 16>, scalar_prefetch = 0 : i64, scratch_operands = 16 : i64, tpu.core_type = #tpu.core_type<sc_vector_subcore>, window_params = [{transform_indices = #map}, {transform_indices = #map}, {transform_indices = #map}]} {
    %mul3A = arith.constant 640 : i32
    %mul3A_0 = arith.muli %arg1, %mul3A : i32
    %mul3A_1 = arith.constant 2 : i32
    %mul3A_2 = arith.muli %mul3A_1, %arg0 : i32
    %add3A = arith.constant 0 : i32
    %add3A_3 = arith.addi %mul3A_2, %add3A : i32
    %scan3A = arith.constant 0 : i32
    %scan3A_4 = arith.constant 0 : i32
    %scan3A_5 = arith.constant 128 : i32
    %scan3A_6 = arith.addi %scan3A_4, %scan3A_5 : i32
    %scan3A_7 = arith.constant 1 : i32
    scf.for %scan3A_556 = %scan3A_4 to %scan3A_6 step %scan3A_7  : i32 {
      %broadcast_in_dim3A = arith.constant 0.000000e+00 : f32
      %broadcast_in_dim3A_557 = vector.broadcast %broadcast_in_dim3A : f32 to vector<16xf32>
      %swap3A = arith.index_cast %scan3A_556 : i32 to index
      %swap3A_558 = arith.constant 0 : index
      %swap3A_559 = tpu.vector_load %arg7[%swap3A, %swap3A_558] {strides = array<i32>} : memref<128x64xf32, #tpu.memory_space<vmem>>, vector<1x16xf32>,
      %swap3A_560 = vector.shape_cast %swap3A_559 : vector<1x16xf32> to vector<16xf32>
      %swap3A_561 = vector.shape_cast %broadcast_in_dim3A_557 : vector<16xf32> to vector<1x16xf32>
      tpu.vector_store %arg7[%swap3A, %swap3A_558], %swap3A_561 {strides = array<i32>} : memref<128x64xf32, #tpu.memory_space<vmem>>, vector<1x16xf32>,
      %broadcast_in_dim3A_562 = arith.constant 0.000000e+00 : f32
      %broadcast_in_dim3A_563 = vector.broadcast %broadcast_in_dim3A_562 : f32 to vector<16xf32>
      %swap3A_564 = arith.index_cast %scan3A_556 : i32 to index
      %swap3A_565 = arith.constant 16 : index
      %swap3A_566 = tpu.vector_load %arg7[%swap3A_564, %swap3A_565] {strides = array<i32>} : memref<128x64xf32, #tpu.memory_space<vmem>>, vector<1x16xf32>,
      %swap3A_567 = vector.shape_cast %swap3A_566 : vector<1x16xf32> to vector<16xf32>
      %swap3A_568 = vector.shape_cast %broadcast_in_dim3A_563 : vector<16xf32> to vector<1x16xf32>
      tpu.vector_store %arg7[%swap3A_564, %swap3A_565], %swap3A_568 {strides = array<i32>} : memref<128x64xf32, #tpu.memory_space<vmem>>, vector<1x16xf32>,
      %broadcast_in_dim3A_569 = arith.constant 0.000000e+00 : f32
      %broadcast_in_dim3A_570 = vector.broadcast %broadcast_in_dim3A_569 : f32 to vector<16xf32>
      %swap3A_571 = arith.index_cast %scan3A_556 : i32 to index
      %swap3A_572 = arith.constant 32 : index
      %swap3A_573 = tpu.vector_load %arg7[%swap3A_571, %swap3A_572] {strides = array<i32>} : memref<128x64xf32, #tpu.memory_space<vmem>>, vector<1x16xf32>,
      %swap3A_574 = vector.shape_cast %swap3A_573 : vector<1x16xf32> to vector<16xf32>
      %swap3A_575 = vector.shape_cast %broadcast_in_dim3A_570 : vector<16xf32> to vector<1x16xf32>
      tpu.vector_store %arg7[%swap3A_571, %swap3A_572], %swap3A_575 {strides = array<i32>} : memref<128x64xf32, #tpu.memory_space<vmem>>, vector<1x16xf32>,
      %broadcast_in_dim3A_576 = arith.constant 0.000000e+00 : f32
      %broadcast_in_dim3A_577 = vector.broadcast %broadcast_in_dim3A_576 : f32 to vector<16xf32>
      %swap3A_578 = arith.index_cast %scan3A_556 : i32 to index
      %swap3A_579 = arith.constant 48 : index
      %swap3A_580 = tpu.vector_load %arg7[%swap3A_578, %swap3A_579] {strides = array<i32>} : memref<128x64xf32, #tpu.memory_space<vmem>>, vector<1x16xf32>,
      %swap3A_581 = vector.shape_cast %swap3A_580 : vector<1x16xf32> to vector<16xf32>
      %swap3A_582 = vector.shape_cast %broadcast_in_dim3A_577 : vector<16xf32> to vector<1x16xf32>
      tpu.vector_store %arg7[%swap3A_578, %swap3A_579], %swap3A_582 {strides = array<i32>} : memref<128x64xf32, #tpu.memory_space<vmem>>, vector<1x16xf32>,
    }
    %scan3A_8 = arith.constant 128 : i32
    %mul3A_9 = arith.constant 640 : i32
    %mul3A_10 = arith.muli %arg1, %mul3A_9 : i32
    %add3A_11 = arith.constant 0 : i32
    %add3A_12 = arith.addi %mul3A_10, %add3A_11 : i32
    "tpu.region"() ({
      %run_scoped3A_556 = tpu.sem_alloc : memref<!tpu.dma_semaphore, #tpu.memory_space<semaphore_mem>>
      %dma_start3A_557 = arith.constant 0 : i32
      %dma_start3A_558 = tpu.memref_slice %arg12[%add3A_12, %dma_start3A_557] : memref<10240x64xf32, #tpu.memory_space<vmem_shared>> -> memref<128x64xf32, #tpu.memory_space<vmem_shared>>
      %dma_start3A_559 = arith.constant 0 : i32
      %dma_start3A_560 = tpu.memref_slice %arg12[%add3A_12, %dma_start3A_559] : memref<10240x64xf32, #tpu.memory_space<vmem_shared>> -> memref<128x64xf32, #tpu.memory_space<vmem_shared>>
      tpu.enqueue_dma source(%arg7 : memref<128x64xf32, #tpu.memory_space<vmem>>) target(%dma_start3A_560 : memref<128x64xf32, #tpu.memory_space<vmem_shared>>) target_semaphore(%run_scoped3A_556 : memref<!tpu.dma_semaphore, #tpu.memory_space<semaphore_mem>>)
      %dma_wait3A_561 = arith.constant 0 : i32
      %dma_wait3A_562 = tpu.memref_slice %arg12[%add3A_12, %dma_wait3A_561] : memref<10240x64xf32, #tpu.memory_space<vmem_shared>> -> memref<128x64xf32, #tpu.memory_space<vmem_shared>>
      %dma_wait3A_563 = arith.constant 0 : i32
      %dma_wait3A_564 = tpu.memref_slice %arg12[%add3A_12, %dma_wait3A_563] : memref<10240x64xf32, #tpu.memory_space<vmem_shared>> -> memref<128x64xf32, #tpu.memory_space<vmem_shared>>
      tpu.wait_dma2 semaphore(%run_scoped3A_556 : memref<!tpu.dma_semaphore, #tpu.memory_space<semaphore_mem>>) src(%arg7 : memref<128x64xf32, #tpu.memory_space<vmem>>) dst(%dma_wait3A_564 : memref<128x64xf32, #tpu.memory_space<vmem_shared>>)
      tpu.yield
    }) : () -> ()
    %mul3A_13 = arith.constant 640 : i32
    %mul3A_14 = arith.muli %arg1, %mul3A_13 : i32
    %add3A_15 = arith.constant 128 : i32
    %add3A_16 = arith.addi %mul3A_14, %add3A_15 : i32
    "tpu.region"() ({
      %run_scoped3A_556 = tpu.sem_alloc : memref<!tpu.dma_semaphore, #tpu.memory_space<semaphore_mem>>
      %dma_start3A_557 = arith.constant 0 : i32
      %dma_start3A_558 = tpu.memref_slice %arg12[%add3A_16, %dma_start3A_557] : memref<10240x64xf32, #tpu.memory_space<vmem_shared>> -> memref<128x64xf32, #tpu.memory_space<vmem_shared>>
      %dma_start3A_559 = arith.constant 0 : i32
      %dma_start3A_560 = tpu.memref_slice %arg12[%add3A_16, %dma_start3A_559] : memref<10240x64xf32, #tpu.memory_space<vmem_shared>> -> memref<128x64xf32, #tpu.memory_space<vmem_shared>>
      tpu.enqueue_dma source(%arg7 : memref<128x64xf32, #tpu.memory_space<vmem>>) target(%dma_start3A_560 : memref<128x64xf32, #tpu.memory_space<vmem_shared>>) target_semaphore(%run_scoped3A_556 : memref<!tpu.dma_semaphore, #tpu.memory_space<semaphore_mem>>)
      %dma_wait3A_561 = arith.constant 0 : i32
      %dma_wait3A_562 = tpu.memref_slice %arg12[%add3A_16, %dma_wait3A_561] : memref<10240x64xf32, #tpu.memory_space<vmem_shared>> -> memref<128x64xf32, #tpu.memory_space<vmem_shared>>
      %dma_wait3A_563 = arith.constant 0 : i32
      %dma_wait3A_564 = tpu.memref_slice %arg12[%add3A_16, %dma_wait3A_563] : memref<10240x64xf32, #tpu.memory_space<vmem_shared>> -> memref<128x64xf32, #tpu.memory_space<vmem_shared>>
      tpu.wait_dma2 semaphore(%run_scoped3A_556 : memref<!tpu.dma_semaphore, #tpu.memory_space<semaphore_mem>>) src(%arg7 : memref<128x64xf32, #tpu.memory_space<vmem>>) dst(%dma_wait3A_564 : memref<128x64xf32, #tpu.memory_space<vmem_shared>>)
      tpu.yield
    }) : () -> ()
    %mul3A_17 = arith.constant 640 : i32
    %mul3A_18 = arith.muli %arg1, %mul3A_17 : i32
    %add3A_19 = arith.constant 256 : i32
    %add3A_20 = arith.addi %mul3A_18, %add3A_19 : i32
    "tpu.region"() ({
      %run_scoped3A_556 = tpu.sem_alloc : memref<!tpu.dma_semaphore, #tpu.memory_space<semaphore_mem>>
      %dma_start3A_557 = arith.constant 0 : i32
      %dma_start3A_558 = tpu.memref_slice %arg12[%add3A_20, %dma_start3A_557] : memref<10240x64xf32, #tpu.memory_space<vmem_shared>> -> memref<128x64xf32, #tpu.memory_space<vmem_shared>>
      %dma_start3A_559 = arith.constant 0 : i32
      %dma_start3A_560 = tpu.memref_slice %arg12[%add3A_20, %dma_start3A_559] : memref<10240x64xf32, #tpu.memory_space<vmem_shared>> -> memref<128x64xf32, #tpu.memory_space<vmem_shared>>
      tpu.enqueue_dma source(%arg7 : memref<128x64xf32, #tpu.memory_space<vmem>>) target(%dma_start3A_560 : memref<128x64xf32, #tpu.memory_space<vmem_shared>>) target_semaphore(%run_scoped3A_556 : memref<!tpu.dma_semaphore, #tpu.memory_space<semaphore_mem>>)
      %dma_wait3A_561 = arith.constant 0 : i32
      %dma_wait3A_562 = tpu.memref_slice %arg12[%add3A_20, %dma_wait3A_561] : memref<10240x64xf32, #tpu.memory_space<vmem_shared>> -> memref<128x64xf32, #tpu.memory_space<vmem_shared>>
      %dma_wait3A_563 = arith.constant 0 : i32
      %dma_wait3A_564 = tpu.memref_slice %arg12[%add3A_20, %dma_wait3A_563] : memref<10240x64xf32, #tpu.memory_space<vmem_shared>> -> memref<128x64xf32, #tpu.memory_space<vmem_shared>>
      tpu.wait_dma2 semaphore(%run_scoped3A_556 : memref<!tpu.dma_semaphore, #tpu.memory_space<semaphore_mem>>) src(%arg7 : memref<128x64xf32, #tpu.memory_space<vmem>>) dst(%dma_wait3A_564 : memref<128x64xf32, #tpu.memory_space<vmem_shared>>)
      tpu.yield
    }) : () -> ()
    %mul3A_21 = arith.constant 640 : i32
    %mul3A_22 = arith.muli %arg1, %mul3A_21 : i32
    %add3A_23 = arith.constant 384 : i32
    %add3A_24 = arith.addi %mul3A_22, %add3A_23 : i32
    "tpu.region"() ({
      %run_scoped3A_556 = tpu.sem_alloc : memref<!tpu.dma_semaphore, #tpu.memory_space<semaphore_mem>>
      %dma_start3A_557 = arith.constant 0 : i32
      %dma_start3A_558 = tpu.memref_slice %arg12[%add3A_24, %dma_start3A_557] : memref<10240x64xf32, #tpu.memory_space<vmem_shared>> -> memref<128x64xf32, #tpu.memory_space<vmem_shared>>
      %dma_start3A_559 = arith.constant 0 : i32
      %dma_start3A_560 = tpu.memref_slice %arg12[%add3A_24, %dma_start3A_559] : memref<10240x64xf32, #tpu.memory_space<vmem_shared>> -> memref<128x64xf32, #tpu.memory_space<vmem_shared>>
      tpu.enqueue_dma source(%arg7 : memref<128x64xf32, #tpu.memory_space<vmem>>) target(%dma_start3A_560 : memref<128x64xf32, #tpu.memory_space<vmem_shared>>) target_semaphore(%run_scoped3A_556 : memref<!tpu.dma_semaphore, #tpu.memory_space<semaphore_mem>>)
      %dma_wait3A_561 = arith.constant 0 : i32
      %dma_wait3A_562 = tpu.memref_slice %arg12[%add3A_24, %dma_wait3A_561] : memref<10240x64xf32, #tpu.memory_space<vmem_shared>> -> memref<128x64xf32, #tpu.memory_space<vmem_shared>>
      %dma_wait3A_563 = arith.constant 0 : i32
      %dma_wait3A_564 = tpu.memref_slice %arg12[%add3A_24, %dma_wait3A_563] : memref<10240x64xf32, #tpu.memory_space<vmem_shared>> -> memref<128x64xf32, #tpu.memory_space<vmem_shared>>
      tpu.wait_dma2 semaphore(%run_scoped3A_556 : memref<!tpu.dma_semaphore, #tpu.memory_space<semaphore_mem>>) src(%arg7 : memref<128x64xf32, #tpu.memory_space<vmem>>) dst(%dma_wait3A_564 : memref<128x64xf32, #tpu.memory_space<vmem_shared>>)
      tpu.yield
    }) : () -> ()
    %mul3A_25 = arith.constant 640 : i32
    %mul3A_26 = arith.muli %arg1, %mul3A_25 : i32
    %add3A_27 = arith.constant 512 : i32
    %add3A_28 = arith.addi %mul3A_26, %add3A_27 : i32
    "tpu.region"() ({
      %run_scoped3A_556 = tpu.sem_alloc : memref<!tpu.dma_semaphore, #tpu.memory_space<semaphore_mem>>
      %dma_start3A_557 = arith.constant 0 : i32
      %dma_start3A_558 = tpu.memref_slice %arg12[%add3A_28, %dma_start3A_557] : memref<10240x64xf32, #tpu.memory_space<vmem_shared>> -> memref<128x64xf32, #tpu.memory_space<vmem_shared>>
      %dma_start3A_559 = arith.constant 0 : i32
      %dma_start3A_560 = tpu.memref_slice %arg12[%add3A_28, %dma_start3A_559] : memref<10240x64xf32, #tpu.memory_space<vmem_shared>> -> memref<128x64xf32, #tpu.memory_space<vmem_shared>>
      tpu.enqueue_dma source(%arg7 : memref<128x64xf32, #tpu.memory_space<vmem>>) target(%dma_start3A_560 : memref<128x64xf32, #tpu.memory_space<vmem_shared>>) target_semaphore(%run_scoped3A_556 : memref<!tpu.dma_semaphore, #tpu.memory_space<semaphore_mem>>)
      %dma_wait3A_561 = arith.constant 0 : i32
      %dma_wait3A_562 = tpu.memref_slice %arg12[%add3A_28, %dma_wait3A_561] : memref<10240x64xf32, #tpu.memory_space<vmem_shared>> -> memref<128x64xf32, #tpu.memory_space<vmem_shared>>
      %dma_wait3A_563 = arith.constant 0 : i32
      %dma_wait3A_564 = tpu.memref_slice %arg12[%add3A_28, %dma_wait3A_563] : memref<10240x64xf32, #tpu.memory_space<vmem_shared>> -> memref<128x64xf32, #tpu.memory_space<vmem_shared>>
      tpu.wait_dma2 semaphore(%run_scoped3A_556 : memref<!tpu.dma_semaphore, #tpu.memory_space<semaphore_mem>>) src(%arg7 : memref<128x64xf32, #tpu.memory_space<vmem>>) dst(%dma_wait3A_564 : memref<128x64xf32, #tpu.memory_space<vmem_shared>>)
      tpu.yield
    }) : () -> ()
    "tpu.region"() ({
      %run_scoped3A_556 = tpu.sem_alloc : memref<!tpu.dma_semaphore, #tpu.memory_space<semaphore_mem>>
      %dma_start3A_557 = arith.constant 0 : i32
      %dma_start3A_558 = tpu.memref_slice %arg11[%mul3A_0, %dma_start3A_557] : memref<10240x64xf32, #tpu.memory_space<vmem_shared>> -> memref<640x64xf32, #tpu.memory_space<vmem_shared>>
      %dma_start3A_559 = arith.constant 0 : i32
      %dma_start3A_560 = arith.constant 0 : i32
      %dma_start3A_561 = tpu.memref_slice %arg3[%add3A_3, %dma_start3A_559, %dma_start3A_560] : memref<4x10240x64xf32, #tpu.memory_space<hbm>> -> memref<1x10240x64xf32, #tpu.memory_space<hbm>>
      %dma_start3A_562 = tpu.memref_squeeze %dma_start3A_561 : memref<1x10240x64xf32, #tpu.memory_space<hbm>> -> memref<10240x64xf32, #tpu.memory_space<hbm>>
      %dma_start3A_563 = arith.constant 0 : i32
      %dma_start3A_564 = tpu.memref_slice %dma_start3A_562[%mul3A_0, %dma_start3A_563] : memref<10240x64xf32, #tpu.memory_space<hbm>> -> memref<640x64xf32, #tpu.memory_space<hbm>>
      tpu.enqueue_dma source(%dma_start3A_564 : memref<640x64xf32, #tpu.memory_space<hbm>>) target(%dma_start3A_558 : memref<640x64xf32, #tpu.memory_space<vmem_shared>>) target_semaphore(%run_scoped3A_556 : memref<!tpu.dma_semaphore, #tpu.memory_space<semaphore_mem>>)
      %dma_wait3A_565 = arith.constant 0 : i32
      %dma_wait3A_566 = tpu.memref_slice %arg11[%mul3A_0, %dma_wait3A_565] : memref<10240x64xf32, #tpu.memory_space<vmem_shared>> -> memref<640x64xf32, #tpu.memory_space<vmem_shared>>
      %dma_wait3A_567 = arith.constant 0 : i32
      %dma_wait3A_568 = arith.constant 0 : i32
      %dma_wait3A_569 = tpu.memref_slice %arg3[%add3A_3, %dma_wait3A_567, %dma_wait3A_568] : memref<4x10240x64xf32, #tpu.memory_space<hbm>> -> memref<1x10240x64xf32, #tpu.memory_space<hbm>>
      %dma_wait3A_570 = tpu.memref_squeeze %dma_wait3A_569 : memref<1x10240x64xf32, #tpu.memory_space<hbm>> -> memref<10240x64xf32, #tpu.memory_space<hbm>>
      %dma_wait3A_571 = arith.constant 0 : i32
      %dma_wait3A_572 = tpu.memref_slice %dma_wait3A_570[%mul3A_0, %dma_wait3A_571] : memref<10240x64xf32, #tpu.memory_space<hbm>> -> memref<640x64xf32, #tpu.memory_space<hbm>>
      tpu.wait_dma2 semaphore(%run_scoped3A_556 : memref<!tpu.dma_semaphore, #tpu.memory_space<semaphore_mem>>) src(%dma_wait3A_572 : memref<640x64xf32, #tpu.memory_space<hbm>>) dst(%dma_wait3A_566 : memref<640x64xf32, #tpu.memory_space<vmem_shared>>)
      tpu.yield
    }) : () -> ()
    %barrier3A = arith.constant 0 : index
    tpu.barrier barrier_id(%barrier3A)
    %mul3A_29 = arith.constant 80 : i32
    %mul3A_30 = arith.muli %arg1, %mul3A_29 : i32
    %add3A_31 = arith.constant 0 : i32
    %add3A_32 = arith.addi %mul3A_30, %add3A_31 : i32
    %run_scoped3A = arith.constant 0 : i32
    "tpu.region"() ({
      %run_scoped3A_556 = tpu.sem_alloc : memref<!tpu.dma_semaphore, #tpu.memory_space<semaphore_mem>>
      %dma_start3A_557 = arith.constant 0 : i32
      %dma_start3A_558 = arith.constant 0 : i32
      %dma_start3A_559 = tpu.memref_slice %arg2[%run_scoped3A, %dma_start3A_557, %dma_start3A_558] : memref<2x1280x128xi32, #tpu.memory_space<hbm>> -> memref<1x1280x128xi32, #tpu.memory_space<hbm>>
      %dma_start3A_560 = tpu.memref_squeeze %dma_start3A_559 : memref<1x1280x128xi32, #tpu.memory_space<hbm>> -> memref<1280x128xi32, #tpu.memory_space<hbm>>
      %dma_start3A_561 = arith.constant 0 : i32
      %dma_start3A_562 = tpu.memref_slice %dma_start3A_560[%add3A_32, %dma_start3A_561] : memref<1280x128xi32, #tpu.memory_space<hbm>> -> memref<40x128xi32, #tpu.memory_space<hbm>>
      %dma_start3A_563 = arith.constant 0 : i32
      %dma_start3A_564 = arith.constant 0 : i32
      %dma_start3A_565 = tpu.memref_slice %arg2[%run_scoped3A, %dma_start3A_563, %dma_start3A_564] : memref<2x1280x128xi32, #tpu.memory_space<hbm>> -> memref<1x1280x128xi32, #tpu.memory_space<hbm>>
      %dma_start3A_566 = tpu.memref_squeeze %dma_start3A_565 : memref<1x1280x128xi32, #tpu.memory_space<hbm>> -> memref<1280x128xi32, #tpu.memory_space<hbm>>
      %dma_start3A_567 = arith.constant 0 : i32
      %dma_start3A_568 = tpu.memref_slice %dma_start3A_566[%add3A_32, %dma_start3A_567] : memref<1280x128xi32, #tpu.memory_space<hbm>> -> memref<40x128xi32, #tpu.memory_space<hbm>>
      tpu.enqueue_dma source(%dma_start3A_568 : memref<40x128xi32, #tpu.memory_space<hbm>>) target(%arg5 : memref<40x128xi32, #tpu.memory_space<vmem>>) target_semaphore(%run_scoped3A_556 : memref<!tpu.dma_semaphore, #tpu.memory_space<semaphore_mem>>)
      %dma_wait3A_569 = arith.constant 0 : i32
      %dma_wait3A_570 = arith.constant 0 : i32
      %dma_wait3A_571 = tpu.memref_slice %arg2[%run_scoped3A, %dma_wait3A_569, %dma_wait3A_570] : memref<2x1280x128xi32, #tpu.memory_space<hbm>> -> memref<1x1280x128xi32, #tpu.memory_space<hbm>>
      %dma_wait3A_572 = tpu.memref_squeeze %dma_wait3A_571 : memref<1x1280x128xi32, #tpu.memory_space<hbm>> -> memref<1280x128xi32, #tpu.memory_space<hbm>>
      %dma_wait3A_573 = arith.constant 0 : i32
      %dma_wait3A_574 = tpu.memref_slice %dma_wait3A_572[%add3A_32, %dma_wait3A_573] : memref<1280x128xi32, #tpu.memory_space<hbm>> -> memref<40x128xi32, #tpu.memory_space<hbm>>
      %dma_wait3A_575 = arith.constant 0 : i32
      %dma_wait3A_576 = arith.constant 0 : i32
      %dma_wait3A_577 = tpu.memref_slice %arg2[%run_scoped3A, %dma_wait3A_575, %dma_wait3A_576] : memref<2x1280x128xi32, #tpu.memory_space<hbm>> -> memref<1x1280x128xi32, #tpu.memory_space<hbm>>
      %dma_wait3A_578 = tpu.memref_squeeze %dma_wait3A_577 : memref<1x1280x128xi32, #tpu.memory_space<hbm>> -> memref<1280x128xi32, #tpu.memory_space<hbm>>
      %dma_wait3A_579 = arith.constant 0 : i32
      %dma_wait3A_580 = tpu.memref_slice %dma_wait3A_578[%add3A_32, %dma_wait3A_579] : memref<1280x128xi32, #tpu.memory_space<hbm>> -> memref<40x128xi32, #tpu.memory_space<hbm>>
      tpu.wait_dma2 semaphore(%run_scoped3A_556 : memref<!tpu.dma_semaphore, #tpu.memory_space<semaphore_mem>>) src(%dma_wait3A_580 : memref<40x128xi32, #tpu.memory_space<hbm>>) dst(%arg5 : memref<40x128xi32, #tpu.memory_space<vmem>>)
      tpu.yield
    }) : () -> ()
    %run_scoped3A_33 = arith.constant 1 : i32
    "tpu.region"() ({
      %run_scoped3A_556 = tpu.sem_alloc : memref<!tpu.dma_semaphore, #tpu.memory_space<semaphore_mem>>
      %dma_start3A_557 = arith.constant 0 : i32
      %dma_start3A_558 = arith.constant 0 : i32
      %dma_start3A_559 = tpu.memref_slice %arg2[%run_scoped3A_33, %dma_start3A_557, %dma_start3A_558] : memref<2x1280x128xi32, #tpu.memory_space<hbm>> -> memref<1x1280x128xi32, #tpu.memory_space<hbm>>
      %dma_start3A_560 = tpu.memref_squeeze %dma_start3A_559 : memref<1x1280x128xi32, #tpu.memory_space<hbm>> -> memref<1280x128xi32, #tpu.memory_space<hbm>>
      %dma_start3A_561 = arith.constant 0 : i32
      %dma_start3A_562 = tpu.memref_slice %dma_start3A_560[%add3A_32, %dma_start3A_561] : memref<1280x128xi32, #tpu.memory_space<hbm>> -> memref<40x128xi32, #tpu.memory_space<hbm>>
      %dma_start3A_563 = arith.constant 0 : i32
      %dma_start3A_564 = arith.constant 0 : i32
      %dma_start3A_565 = tpu.memref_slice %arg2[%run_scoped3A_33, %dma_start3A_563, %dma_start3A_564] : memref<2x1280x128xi32, #tpu.memory_space<hbm>> -> memref<1x1280x128xi32, #tpu.memory_space<hbm>>
      %dma_start3A_566 = tpu.memref_squeeze %dma_start3A_565 : memref<1x1280x128xi32, #tpu.memory_space<hbm>> -> memref<1280x128xi32, #tpu.memory_space<hbm>>
      %dma_start3A_567 = arith.constant 0 : i32
      %dma_start3A_568 = tpu.memref_slice %dma_start3A_566[%add3A_32, %dma_start3A_567] : memref<1280x128xi32, #tpu.memory_space<hbm>> -> memref<40x128xi32, #tpu.memory_space<hbm>>
      tpu.enqueue_dma source(%dma_start3A_568 : memref<40x128xi32, #tpu.memory_space<hbm>>) target(%arg6 : memref<40x128xi32, #tpu.memory_space<vmem>>) target_semaphore(%run_scoped3A_556 : memref<!tpu.dma_semaphore, #tpu.memory_space<semaphore_mem>>)
      %dma_wait3A_569 = arith.constant 0 : i32
      %dma_wait3A_570 = arith.constant 0 : i32
      %dma_wait3A_571 = tpu.memref_slice %arg2[%run_scoped3A_33, %dma_wait3A_569, %dma_wait3A_570] : memref<2x1280x128xi32, #tpu.memory_space<hbm>> -> memref<1x1280x128xi32, #tpu.memory_space<hbm>>
      %dma_wait3A_572 = tpu.memref_squeeze %dma_wait3A_571 : memref<1x1280x128xi32, #tpu.memory_space<hbm>> -> memref<1280x128xi32, #tpu.memory_space<hbm>>
      %dma_wait3A_573 = arith.constant 0 : i32
      %dma_wait3A_574 = tpu.memref_slice %dma_wait3A_572[%add3A_32, %dma_wait3A_573] : memref<1280x128xi32, #tpu.memory_space<hbm>> -> memref<40x128xi32, #tpu.memory_space<hbm>>
      %dma_wait3A_575 = arith.constant 0 : i32
      %dma_wait3A_576 = arith.constant 0 : i32
      %dma_wait3A_577 = tpu.memref_slice %arg2[%run_scoped3A_33, %dma_wait3A_575, %dma_wait3A_576] : memref<2x1280x128xi32, #tpu.memory_space<hbm>> -> memref<1x1280x128xi32, #tpu.memory_space<hbm>>
      %dma_wait3A_578 = tpu.memref_squeeze %dma_wait3A_577 : memref<1x1280x128xi32, #tpu.memory_space<hbm>> -> memref<1280x128xi32, #tpu.memory_space<hbm>>
      %dma_wait3A_579 = arith.constant 0 : i32
      %dma_wait3A_580 = tpu.memref_slice %dma_wait3A_578[%add3A_32, %dma_wait3A_579] : memref<1280x128xi32, #tpu.memory_space<hbm>> -> memref<40x128xi32, #tpu.memory_space<hbm>>
      tpu.wait_dma2 semaphore(%run_scoped3A_556 : memref<!tpu.dma_semaphore, #tpu.memory_space<semaphore_mem>>) src(%dma_wait3A_580 : memref<40x128xi32, #tpu.memory_space<hbm>>) dst(%arg6 : memref<40x128xi32, #tpu.memory_space<vmem>>)
      tpu.yield
    }) : () -> ()
    %dma_start3A = arith.constant 0 : i32
    %dma_start3A_34 = arith.constant 0 : i32
    %dma_start3A_35 = tpu.memref_slice %arg5[%dma_start3A, %dma_start3A_34] : memref<40x128xi32, #tpu.memory_space<vmem>> -> memref<1x128xi32, #tpu.memory_space<vmem>>
    %dma_start3A_36 = tpu.memref_squeeze %dma_start3A_35 : memref<1x128xi32, #tpu.memory_space<vmem>> -> memref<128xi32, #tpu.memory_space<vmem>>
    %dma_start3A_37 = arith.constant 0 : i32
    %dma_start3A_38 = arith.constant 0 : i32
    %dma_start3A_39 = tpu.memref_slice %arg11[%dma_start3A_37, %dma_start3A_38] : memref<10240x64xf32, #tpu.memory_space<vmem_shared>> -> memref<10240x64xf32, #tpu.memory_space<vmem_shared>>
    tpu.enqueue_indirect_dma source(%dma_start3A_39 : memref<10240x64xf32, #tpu.memory_space<vmem_shared>>) target(%arg7 : memref<128x64xf32, #tpu.memory_space<vmem>>) offsets(%dma_start3A_36 : memref<128xi32, #tpu.memory_space<vmem>>) semaphore(%arg13 : memref<!tpu.dma_semaphore, #tpu.memory_space<semaphore_mem>>)
    %dma_start3A_40 = arith.constant 1 : i32
    %dma_start3A_41 = arith.constant 0 : i32
    %dma_start3A_42 = tpu.memref_slice %arg5[%dma_start3A_40, %dma_start3A_41] : memref<40x128xi32, #tpu.memory_space<vmem>> -> memref<1x128xi32, #tpu.memory_space<vmem>>
    %dma_start3A_43 = tpu.memref_squeeze %dma_start3A_42 : memref<1x128xi32, #tpu.memory_space<vmem>> -> memref<128xi32, #tpu.memory_space<vmem>>
    %dma_start3A_44 = arith.constant 0 : i32
    %dma_start3A_45 = arith.constant 0 : i32
    %dma_start3A_46 = tpu.memref_slice %arg11[%dma_start3A_44, %dma_start3A_45] : memref<10240x64xf32, #tpu.memory_space<vmem_shared>> -> memref<10240x64xf32, #tpu.memory_space<vmem_shared>>
    tpu.enqueue_indirect_dma source(%dma_start3A_46 : memref<10240x64xf32, #tpu.memory_space<vmem_shared>>) target(%arg8 : memref<128x64xf32, #tpu.memory_space<vmem>>) offsets(%dma_start3A_43 : memref<128xi32, #tpu.memory_space<vmem>>) semaphore(%arg14 : memref<!tpu.dma_semaphore, #tpu.memory_space<semaphore_mem>>)
    %dma_start3A_47 = arith.constant 2 : i32
    %dma_start3A_48 = arith.constant 0 : i32
    %dma_start3A_49 = tpu.memref_slice %arg5[%dma_start3A_47, %dma_start3A_48] : memref<40x128xi32, #tpu.memory_space<vmem>> -> memref<1x128xi32, #tpu.memory_space<vmem>>
    %dma_start3A_50 = tpu.memref_squeeze %dma_start3A_49 : memref<1x128xi32, #tpu.memory_space<vmem>> -> memref<128xi32, #tpu.memory_space<vmem>>
    %dma_start3A_51 = arith.constant 0 : i32
    %dma_start3A_52 = arith.constant 0 : i32
    %dma_start3A_53 = tpu.memref_slice %arg11[%dma_start3A_51, %dma_start3A_52] : memref<10240x64xf32, #tpu.memory_space<vmem_shared>> -> memref<10240x64xf32, #tpu.memory_space<vmem_shared>>
    tpu.enqueue_indirect_dma source(%dma_start3A_53 : memref<10240x64xf32, #tpu.memory_space<vmem_shared>>) target(%arg9 : memref<128x64xf32, #tpu.memory_space<vmem>>) offsets(%dma_start3A_50 : memref<128xi32, #tpu.memory_space<vmem>>) semaphore(%arg15 : memref<!tpu.dma_semaphore, #tpu.memory_space<semaphore_mem>>)
    %dma_wait3A = arith.constant 0 : i32
    %dma_wait3A_54 = arith.constant 0 : i32
    %dma_wait3A_55 = tpu.memref_slice %arg5[%dma_wait3A, %dma_wait3A_54] : memref<40x128xi32, #tpu.memory_space<vmem>> -> memref<1x128xi32, #tpu.memory_space<vmem>>
    %dma_wait3A_56 = tpu.memref_squeeze %dma_wait3A_55 : memref<1x128xi32, #tpu.memory_space<vmem>> -> memref<128xi32, #tpu.memory_space<vmem>>
    %dma_wait3A_57 = arith.constant 0 : i32
    %dma_wait3A_58 = arith.constant 0 : i32
    %dma_wait3A_59 = tpu.memref_slice %arg11[%dma_wait3A_57, %dma_wait3A_58] : memref<10240x64xf32, #tpu.memory_space<vmem_shared>> -> memref<10240x64xf32, #tpu.memory_space<vmem_shared>>
    tpu.wait_indirect_dma semaphore(%arg13 : memref<!tpu.dma_semaphore, #tpu.memory_space<semaphore_mem>>) src(%dma_wait3A_59 : memref<10240x64xf32, #tpu.memory_space<vmem_shared>>) dst(%arg7 : memref<128x64xf32, #tpu.memory_space<vmem>>)
    %dma_start3A_60 = arith.constant 0 : i32
    %dma_start3A_61 = arith.constant 0 : i32
    %dma_start3A_62 = tpu.memref_slice %arg6[%dma_start3A_60, %dma_start3A_61] : memref<40x128xi32, #tpu.memory_space<vmem>> -> memref<1x128xi32, #tpu.memory_space<vmem>>
    %dma_start3A_63 = tpu.memref_squeeze %dma_start3A_62 : memref<1x128xi32, #tpu.memory_space<vmem>> -> memref<128xi32, #tpu.memory_space<vmem>>
    %dma_start3A_64 = arith.constant 0 : i32
    %dma_start3A_65 = arith.constant 0 : i32
    %dma_start3A_66 = tpu.memref_slice %arg12[%dma_start3A_64, %dma_start3A_65] : memref<10240x64xf32, #tpu.memory_space<vmem_shared>> -> memref<10240x64xf32, #tpu.memory_space<vmem_shared>>
    tpu.enqueue_indirect_dma source(%arg7 : memref<128x64xf32, #tpu.memory_space<vmem>>) target(%dma_start3A_66 : memref<10240x64xf32, #tpu.memory_space<vmem_shared>>) offsets(%dma_start3A_63 : memref<128xi32, #tpu.memory_space<vmem>>) semaphore(%arg17 : memref<!tpu.dma_semaphore, #tpu.memory_space<semaphore_mem>>) {add = true}
    %dma_start3A_67 = arith.constant 3 : i32
    %dma_start3A_68 = arith.constant 0 : i32
    %dma_start3A_69 = tpu.memref_slice %arg5[%dma_start3A_67, %dma_start3A_68] : memref<40x128xi32, #tpu.memory_space<vmem>> -> memref<1x128xi32, #tpu.memory_space<vmem>>
    %dma_start3A_70 = tpu.memref_squeeze %dma_start3A_69 : memref<1x128xi32, #tpu.memory_space<vmem>> -> memref<128xi32, #tpu.memory_space<vmem>>
    %dma_start3A_71 = arith.constant 0 : i32
    %dma_start3A_72 = arith.constant 0 : i32
    %dma_start3A_73 = tpu.memref_slice %arg11[%dma_start3A_71, %dma_start3A_72] : memref<10240x64xf32, #tpu.memory_space<vmem_shared>> -> memref<10240x64xf32, #tpu.memory_space<vmem_shared>>
    tpu.enqueue_indirect_dma source(%dma_start3A_73 : memref<10240x64xf32, #tpu.memory_space<vmem_shared>>) target(%arg10 : memref<128x64xf32, #tpu.memory_space<vmem>>) offsets(%dma_start3A_70 : memref<128xi32, #tpu.memory_space<vmem>>) semaphore(%arg16 : memref<!tpu.dma_semaphore, #tpu.memory_space<semaphore_mem>>)
    %dma_wait3A_74 = arith.constant 0 : i32
    %dma_wait3A_75 = arith.constant 0 : i32
    %dma_wait3A_76 = tpu.memref_slice %arg5[%dma_wait3A_74, %dma_wait3A_75] : memref<40x128xi32, #tpu.memory_space<vmem>> -> memref<1x128xi32, #tpu.memory_space<vmem>>
    %dma_wait3A_77 = tpu.memref_squeeze %dma_wait3A_76 : memref<1x128xi32, #tpu.memory_space<vmem>> -> memref<128xi32, #tpu.memory_space<vmem>>
    %dma_wait3A_78 = arith.constant 0 : i32
    %dma_wait3A_79 = arith.constant 0 : i32
    %dma_wait3A_80 = tpu.memref_slice %arg11[%dma_wait3A_78, %dma_wait3A_79] : memref<10240x64xf32, #tpu.memory_space<vmem_shared>> -> memref<10240x64xf32, #tpu.memory_space<vmem_shared>>
    tpu.wait_indirect_dma semaphore(%arg14 : memref<!tpu.dma_semaphore, #tpu.memory_space<semaphore_mem>>) src(%dma_wait3A_80 : memref<10240x64xf32, #tpu.memory_space<vmem_shared>>) dst(%arg8 : memref<128x64xf32, #tpu.memory_space<vmem>>)
    %dma_start3A_81 = arith.constant 1 : i32
    %dma_start3A_82 = arith.constant 0 : i32
    %dma_start3A_83 = tpu.memref_slice %arg6[%dma_start3A_81, %dma_start3A_82] : memref<40x128xi32, #tpu.memory_space<vmem>> -> memref<1x128xi32, #tpu.memory_space<vmem>>
    %dma_start3A_84 = tpu.memref_squeeze %dma_start3A_83 : memref<1x128xi32, #tpu.memory_space<vmem>> -> memref<128xi32, #tpu.memory_space<vmem>>
    %dma_start3A_85 = arith.constant 0 : i32
    %dma_start3A_86 = arith.constant 0 : i32
    %dma_start3A_87 = tpu.memref_slice %arg12[%dma_start3A_85, %dma_start3A_86] : memref<10240x64xf32, #tpu.memory_space<vmem_shared>> -> memref<10240x64xf32, #tpu.memory_space<vmem_shared>>
    tpu.enqueue_indirect_dma source(%arg8 : memref<128x64xf32, #tpu.memory_space<vmem>>) target(%dma_start3A_87 : memref<10240x64xf32, #tpu.memory_space<vmem_shared>>) offsets(%dma_start3A_84 : memref<128xi32, #tpu.memory_space<vmem>>) semaphore(%arg18 : memref<!tpu.dma_semaphore, #tpu.memory_space<semaphore_mem>>) {add = true}
    %scan3A_88 = arith.constant 0 : i32
    %scan3A_89 = arith.constant 0 : i32
    %scan3A_90 = arith.constant 9 : i32
    %scan3A_91 = arith.addi %scan3A_89, %scan3A_90 : i32
    %scan3A_92 = arith.constant 1 : i32
    scf.for %scan3A_556 = %scan3A_89 to %scan3A_91 step %scan3A_92  : i32 {
      %mul3A_557 = arith.constant 4 : i32
      %mul3A_558 = arith.muli %mul3A_557, %scan3A_556 : i32
      %add3A_559 = arith.constant 2 : i32
      %add3A_560 = arith.addi %mul3A_558, %add3A_559 : i32
      %dma_wait3A_561 = arith.constant 0 : i32
      %dma_wait3A_562 = arith.constant 0 : i32
      %dma_wait3A_563 = tpu.memref_slice %arg6[%dma_wait3A_561, %dma_wait3A_562] : memref<40x128xi32, #tpu.memory_space<vmem>> -> memref<1x128xi32, #tpu.memory_space<vmem>>
      %dma_wait3A_564 = tpu.memref_squeeze %dma_wait3A_563 : memref<1x128xi32, #tpu.memory_space<vmem>> -> memref<128xi32, #tpu.memory_space<vmem>>
      %dma_wait3A_565 = arith.constant 0 : i32
      %dma_wait3A_566 = arith.constant 0 : i32
      %dma_wait3A_567 = tpu.memref_slice %arg12[%dma_wait3A_565, %dma_wait3A_566] : memref<10240x64xf32, #tpu.memory_space<vmem_shared>> -> memref<10240x64xf32, #tpu.memory_space<vmem_shared>>
      tpu.wait_indirect_dma semaphore(%arg17 : memref<!tpu.dma_semaphore, #tpu.memory_space<semaphore_mem>>) src(%arg7 : memref<128x64xf32, #tpu.memory_space<vmem>>) dst(%dma_wait3A_567 : memref<10240x64xf32, #tpu.memory_space<vmem_shared>>)
      %add3A_568 = arith.constant 0 : i32
      %add3A_569 = arith.addi %add3A_560, %add3A_568 : i32
      %add3A_570 = arith.constant 2 : i32
      %add3A_571 = arith.addi %add3A_569, %add3A_570 : i32
      %dma_start3A_572 = arith.constant 0 : i32
      %dma_start3A_573 = tpu.memref_slice %arg5[%add3A_571, %dma_start3A_572] : memref<40x128xi32, #tpu.memory_space<vmem>> -> memref<1x128xi32, #tpu.memory_space<vmem>>
      %dma_start3A_574 = tpu.memref_squeeze %dma_start3A_573 : memref<1x128xi32, #tpu.memory_space<vmem>> -> memref<128xi32, #tpu.memory_space<vmem>>
      %dma_start3A_575 = arith.constant 0 : i32
      %dma_start3A_576 = arith.constant 0 : i32
      %dma_start3A_577 = tpu.memref_slice %arg11[%dma_start3A_575, %dma_start3A_576] : memref<10240x64xf32, #tpu.memory_space<vmem_shared>> -> memref<10240x64xf32, #tpu.memory_space<vmem_shared>>
      tpu.enqueue_indirect_dma source(%dma_start3A_577 : memref<10240x64xf32, #tpu.memory_space<vmem_shared>>) target(%arg7 : memref<128x64xf32, #tpu.memory_space<vmem>>) offsets(%dma_start3A_574 : memref<128xi32, #tpu.memory_space<vmem>>) semaphore(%arg13 : memref<!tpu.dma_semaphore, #tpu.memory_space<semaphore_mem>>)
      %dma_wait3A_578 = arith.constant 0 : i32
      %dma_wait3A_579 = arith.constant 0 : i32
      %dma_wait3A_580 = tpu.memref_slice %arg5[%dma_wait3A_578, %dma_wait3A_579] : memref<40x128xi32, #tpu.memory_space<vmem>> -> memref<1x128xi32, #tpu.memory_space<vmem>>
      %dma_wait3A_581 = tpu.memref_squeeze %dma_wait3A_580 : memref<1x128xi32, #tpu.memory_space<vmem>> -> memref<128xi32, #tpu.memory_space<vmem>>
      %dma_wait3A_582 = arith.constant 0 : i32
      %dma_wait3A_583 = arith.constant 0 : i32
      %dma_wait3A_584 = tpu.memref_slice %arg11[%dma_wait3A_582, %dma_wait3A_583] : memref<10240x64xf32, #tpu.memory_space<vmem_shared>> -> memref<10240x64xf32, #tpu.memory_space<vmem_shared>>
      tpu.wait_indirect_dma semaphore(%arg15 : memref<!tpu.dma_semaphore, #tpu.memory_space<semaphore_mem>>) src(%dma_wait3A_584 : memref<10240x64xf32, #tpu.memory_space<vmem_shared>>) dst(%arg9 : memref<128x64xf32, #tpu.memory_space<vmem>>)
      %add3A_585 = arith.constant 0 : i32
      %add3A_586 = arith.addi %add3A_560, %add3A_585 : i32
      %dma_start3A_587 = arith.constant 0 : i32
      %dma_start3A_588 = tpu.memref_slice %arg6[%add3A_586, %dma_start3A_587] : memref<40x128xi32, #tpu.memory_space<vmem>> -> memref<1x128xi32, #tpu.memory_space<vmem>>
      %dma_start3A_589 = tpu.memref_squeeze %dma_start3A_588 : memref<1x128xi32, #tpu.memory_space<vmem>> -> memref<128xi32, #tpu.memory_space<vmem>>
      %dma_start3A_590 = arith.constant 0 : i32
      %dma_start3A_591 = arith.constant 0 : i32
      %dma_start3A_592 = tpu.memref_slice %arg12[%dma_start3A_590, %dma_start3A_591] : memref<10240x64xf32, #tpu.memory_space<vmem_shared>> -> memref<10240x64xf32, #tpu.memory_space<vmem_shared>>
      tpu.enqueue_indirect_dma source(%arg9 : memref<128x64xf32, #tpu.memory_space<vmem>>) target(%dma_start3A_592 : memref<10240x64xf32, #tpu.memory_space<vmem_shared>>) offsets(%dma_start3A_589 : memref<128xi32, #tpu.memory_space<vmem>>) semaphore(%arg19 : memref<!tpu.dma_semaphore, #tpu.memory_space<semaphore_mem>>) {add = true}
      %dma_wait3A_593 = arith.constant 0 : i32
      %dma_wait3A_594 = arith.constant 0 : i32
      %dma_wait3A_595 = tpu.memref_slice %arg6[%dma_wait3A_593, %dma_wait3A_594] : memref<40x128xi32, #tpu.memory_space<vmem>> -> memref<1x128xi32, #tpu.memory_space<vmem>>
      %dma_wait3A_596 = tpu.memref_squeeze %dma_wait3A_595 : memref<1x128xi32, #tpu.memory_space<vmem>> -> memref<128xi32, #tpu.memory_space<vmem>>
      %dma_wait3A_597 = arith.constant 0 : i32
      %dma_wait3A_598 = arith.constant 0 : i32
      %dma_wait3A_599 = tpu.memref_slice %arg12[%dma_wait3A_597, %dma_wait3A_598] : memref<10240x64xf32, #tpu.memory_space<vmem_shared>> -> memref<10240x64xf32, #tpu.memory_space<vmem_shared>>
      tpu.wait_indirect_dma semaphore(%arg18 : memref<!tpu.dma_semaphore, #tpu.memory_space<semaphore_mem>>) src(%arg8 : memref<128x64xf32, #tpu.memory_space<vmem>>) dst(%dma_wait3A_599 : memref<10240x64xf32, #tpu.memory_space<vmem_shared>>)
      %add3A_600 = arith.constant 1 : i32
      %add3A_601 = arith.addi %add3A_560, %add3A_600 : i32
      %add3A_602 = arith.constant 2 : i32
      %add3A_603 = arith.addi %add3A_601, %add3A_602 : i32
      %dma_start3A_604 = arith.constant 0 : i32
      %dma_start3A_605 = tpu.memref_slice %arg5[%add3A_603, %dma_start3A_604] : memref<40x128xi32, #tpu.memory_space<vmem>> -> memref<1x128xi32, #tpu.memory_space<vmem>>
      %dma_start3A_606 = tpu.memref_squeeze %dma_start3A_605 : memref<1x128xi32, #tpu.memory_space<vmem>> -> memref<128xi32, #tpu.memory_space<vmem>>
      %dma_start3A_607 = arith.constant 0 : i32
      %dma_start3A_608 = arith.constant 0 : i32
      %dma_start3A_609 = tpu.memref_slice %arg11[%dma_start3A_607, %dma_start3A_608] : memref<10240x64xf32, #tpu.memory_space<vmem_shared>> -> memref<10240x64xf32, #tpu.memory_space<vmem_shared>>
      tpu.enqueue_indirect_dma source(%dma_start3A_609 : memref<10240x64xf32, #tpu.memory_space<vmem_shared>>) target(%arg8 : memref<128x64xf32, #tpu.memory_space<vmem>>) offsets(%dma_start3A_606 : memref<128xi32, #tpu.memory_space<vmem>>) semaphore(%arg14 : memref<!tpu.dma_semaphore, #tpu.memory_space<semaphore_mem>>)
      %dma_wait3A_610 = arith.constant 0 : i32
      %dma_wait3A_611 = arith.constant 0 : i32
      %dma_wait3A_612 = tpu.memref_slice %arg5[%dma_wait3A_610, %dma_wait3A_611] : memref<40x128xi32, #tpu.memory_space<vmem>> -> memref<1x128xi32, #tpu.memory_space<vmem>>
      %dma_wait3A_613 = tpu.memref_squeeze %dma_wait3A_612 : memref<1x128xi32, #tpu.memory_space<vmem>> -> memref<128xi32, #tpu.memory_space<vmem>>
      %dma_wait3A_614 = arith.constant 0 : i32
      %dma_wait3A_615 = arith.constant 0 : i32
      %dma_wait3A_616 = tpu.memref_slice %arg11[%dma_wait3A_614, %dma_wait3A_615] : memref<10240x64xf32, #tpu.memory_space<vmem_shared>> -> memref<10240x64xf32, #tpu.memory_space<vmem_shared>>
      tpu.wait_indirect_dma semaphore(%arg16 : memref<!tpu.dma_semaphore, #tpu.memory_space<semaphore_mem>>) src(%dma_wait3A_616 : memref<10240x64xf32, #tpu.memory_space<vmem_shared>>) dst(%arg10 : memref<128x64xf32, #tpu.memory_space<vmem>>)
      %add3A_617 = arith.constant 1 : i32
      %add3A_618 = arith.addi %add3A_560, %add3A_617 : i32
      %dma_start3A_619 = arith.constant 0 : i32
      %dma_start3A_620 = tpu.memref_slice %arg6[%add3A_618, %dma_start3A_619] : memref<40x128xi32, #tpu.memory_space<vmem>> -> memref<1x128xi32, #tpu.memory_space<vmem>>
      %dma_start3A_621 = tpu.memref_squeeze %dma_start3A_620 : memref<1x128xi32, #tpu.memory_space<vmem>> -> memref<128xi32, #tpu.memory_space<vmem>>
      %dma_start3A_622 = arith.constant 0 : i32
      %dma_start3A_623 = arith.constant 0 : i32
      %dma_start3A_624 = tpu.memref_slice %arg12[%dma_start3A_622, %dma_start3A_623] : memref<10240x64xf32, #tpu.memory_space<vmem_shared>> -> memref<10240x64xf32, #tpu.memory_space<vmem_shared>>
      tpu.enqueue_indirect_dma source(%arg10 : memref<128x64xf32, #tpu.memory_space<vmem>>) target(%dma_start3A_624 : memref<10240x64xf32, #tpu.memory_space<vmem_shared>>) offsets(%dma_start3A_621 : memref<128xi32, #tpu.memory_space<vmem>>) semaphore(%arg20 : memref<!tpu.dma_semaphore, #tpu.memory_space<semaphore_mem>>) {add = true}
      %dma_wait3A_625 = arith.constant 0 : i32
      %dma_wait3A_626 = arith.constant 0 : i32
      %dma_wait3A_627 = tpu.memref_slice %arg6[%dma_wait3A_625, %dma_wait3A_626] : memref<40x128xi32, #tpu.memory_space<vmem>> -> memref<1x128xi32, #tpu.memory_space<vmem>>
      %dma_wait3A_628 = tpu.memref_squeeze %dma_wait3A_627 : memref<1x128xi32, #tpu.memory_space<vmem>> -> memref<128xi32, #tpu.memory_space<vmem>>
      %dma_wait3A_629 = arith.constant 0 : i32
      %dma_wait3A_630 = arith.constant 0 : i32
      %dma_wait3A_631 = tpu.memref_slice %arg12[%dma_wait3A_629, %dma_wait3A_630] : memref<10240x64xf32, #tpu.memory_space<vmem_shared>> -> memref<10240x64xf32, #tpu.memory_space<vmem_shared>>
      tpu.wait_indirect_dma semaphore(%arg19 : memref<!tpu.dma_semaphore, #tpu.memory_space<semaphore_mem>>) src(%arg9 : memref<128x64xf32, #tpu.memory_space<vmem>>) dst(%dma_wait3A_631 : memref<10240x64xf32, #tpu.memory_space<vmem_shared>>)
      %add3A_632 = arith.constant 2 : i32
      %add3A_633 = arith.addi %add3A_560, %add3A_632 : i32
      %add3A_634 = arith.constant 2 : i32
      %add3A_635 = arith.addi %add3A_633, %add3A_634 : i32
      %dma_start3A_636 = arith.constant 0 : i32
      %dma_start3A_637 = tpu.memref_slice %arg5[%add3A_635, %dma_start3A_636] : memref<40x128xi32, #tpu.memory_space<vmem>> -> memref<1x128xi32, #tpu.memory_space<vmem>>
      %dma_start3A_638 = tpu.memref_squeeze %dma_start3A_637 : memref<1x128xi32, #tpu.memory_space<vmem>> -> memref<128xi32, #tpu.memory_space<vmem>>
      %dma_start3A_639 = arith.constant 0 : i32
      %dma_start3A_640 = arith.constant 0 : i32
      %dma_start3A_641 = tpu.memref_slice %arg11[%dma_start3A_639, %dma_start3A_640] : memref<10240x64xf32, #tpu.memory_space<vmem_shared>> -> memref<10240x64xf32, #tpu.memory_space<vmem_shared>>
      tpu.enqueue_indirect_dma source(%dma_start3A_641 : memref<10240x64xf32, #tpu.memory_space<vmem_shared>>) target(%arg9 : memref<128x64xf32, #tpu.memory_space<vmem>>) offsets(%dma_start3A_638 : memref<128xi32, #tpu.memory_space<vmem>>) semaphore(%arg15 : memref<!tpu.dma_semaphore, #tpu.memory_space<semaphore_mem>>)
      %dma_wait3A_642 = arith.constant 0 : i32
      %dma_wait3A_643 = arith.constant 0 : i32
      %dma_wait3A_644 = tpu.memref_slice %arg5[%dma_wait3A_642, %dma_wait3A_643] : memref<40x128xi32, #tpu.memory_space<vmem>> -> memref<1x128xi32, #tpu.memory_space<vmem>>
      %dma_wait3A_645 = tpu.memref_squeeze %dma_wait3A_644 : memref<1x128xi32, #tpu.memory_space<vmem>> -> memref<128xi32, #tpu.memory_space<vmem>>
      %dma_wait3A_646 = arith.constant 0 : i32
      %dma_wait3A_647 = arith.constant 0 : i32
      %dma_wait3A_648 = tpu.memref_slice %arg11[%dma_wait3A_646, %dma_wait3A_647] : memref<10240x64xf32, #tpu.memory_space<vmem_shared>> -> memref<10240x64xf32, #tpu.memory_space<vmem_shared>>
      tpu.wait_indirect_dma semaphore(%arg13 : memref<!tpu.dma_semaphore, #tpu.memory_space<semaphore_mem>>) src(%dma_wait3A_648 : memref<10240x64xf32, #tpu.memory_space<vmem_shared>>) dst(%arg7 : memref<128x64xf32, #tpu.memory_space<vmem>>)
      %add3A_649 = arith.constant 2 : i32
      %add3A_650 = arith.addi %add3A_560, %add3A_649 : i32
      %dma_start3A_651 = arith.constant 0 : i32
      %dma_start3A_652 = tpu.memref_slice %arg6[%add3A_650, %dma_start3A_651] : memref<40x128xi32, #tpu.memory_space<vmem>> -> memref<1x128xi32, #tpu.memory_space<vmem>>
      %dma_start3A_653 = tpu.memref_squeeze %dma_start3A_652 : memref<1x128xi32, #tpu.memory_space<vmem>> -> memref<128xi32, #tpu.memory_space<vmem>>
      %dma_start3A_654 = arith.constant 0 : i32
      %dma_start3A_655 = arith.constant 0 : i32
      %dma_start3A_656 = tpu.memref_slice %arg12[%dma_start3A_654, %dma_start3A_655] : memref<10240x64xf32, #tpu.memory_space<vmem_shared>> -> memref<10240x64xf32, #tpu.memory_space<vmem_shared>>
      tpu.enqueue_indirect_dma source(%arg7 : memref<128x64xf32, #tpu.memory_space<vmem>>) target(%dma_start3A_656 : memref<10240x64xf32, #tpu.memory_space<vmem_shared>>) offsets(%dma_start3A_653 : memref<128xi32, #tpu.memory_space<vmem>>) semaphore(%arg17 : memref<!tpu.dma_semaphore, #tpu.memory_space<semaphore_mem>>) {add = true}
      %dma_wait3A_657 = arith.constant 0 : i32
      %dma_wait3A_658 = arith.constant 0 : i32
      %dma_wait3A_659 = tpu.memref_slice %arg6[%dma_wait3A_657, %dma_wait3A_658] : memref<40x128xi32, #tpu.memory_space<vmem>> -> memref<1x128xi32, #tpu.memory_space<vmem>>
      %dma_wait3A_660 = tpu.memref_squeeze %dma_wait3A_659 : memref<1x128xi32, #tpu.memory_space<vmem>> -> memref<128xi32, #tpu.memory_space<vmem>>
      %dma_wait3A_661 = arith.constant 0 : i32
      %dma_wait3A_662 = arith.constant 0 : i32
      %dma_wait3A_663 = tpu.memref_slice %arg12[%dma_wait3A_661, %dma_wait3A_662] : memref<10240x64xf32, #tpu.memory_space<vmem_shared>> -> memref<10240x64xf32, #tpu.memory_space<vmem_shared>>
      tpu.wait_indirect_dma semaphore(%arg20 : memref<!tpu.dma_semaphore, #tpu.memory_space<semaphore_mem>>) src(%arg10 : memref<128x64xf32, #tpu.memory_space<vmem>>) dst(%dma_wait3A_663 : memref<10240x64xf32, #tpu.memory_space<vmem_shared>>)
      %add3A_664 = arith.constant 3 : i32
      %add3A_665 = arith.addi %add3A_560, %add3A_664 : i32
      %add3A_666 = arith.constant 2 : i32
      %add3A_667 = arith.addi %add3A_665, %add3A_666 : i32
      %dma_start3A_668 = arith.constant 0 : i32
      %dma_start3A_669 = tpu.memref_slice %arg5[%add3A_667, %dma_start3A_668] : memref<40x128xi32, #tpu.memory_space<vmem>> -> memref<1x128xi32, #tpu.memory_space<vmem>>
      %dma_start3A_670 = tpu.memref_squeeze %dma_start3A_669 : memref<1x128xi32, #tpu.memory_space<vmem>> -> memref<128xi32, #tpu.memory_space<vmem>>
      %dma_start3A_671 = arith.constant 0 : i32
      %dma_start3A_672 = arith.constant 0 : i32
      %dma_start3A_673 = tpu.memref_slice %arg11[%dma_start3A_671, %dma_start3A_672] : memref<10240x64xf32, #tpu.memory_space<vmem_shared>> -> memref<10240x64xf32, #tpu.memory_space<vmem_shared>>
      tpu.enqueue_indirect_dma source(%dma_start3A_673 : memref<10240x64xf32, #tpu.memory_space<vmem_shared>>) target(%arg10 : memref<128x64xf32, #tpu.memory_space<vmem>>) offsets(%dma_start3A_670 : memref<128xi32, #tpu.memory_space<vmem>>) semaphore(%arg16 : memref<!tpu.dma_semaphore, #tpu.memory_space<semaphore_mem>>)
      %dma_wait3A_674 = arith.constant 0 : i32
      %dma_wait3A_675 = arith.constant 0 : i32
      %dma_wait3A_676 = tpu.memref_slice %arg5[%dma_wait3A_674, %dma_wait3A_675] : memref<40x128xi32, #tpu.memory_space<vmem>> -> memref<1x128xi32, #tpu.memory_space<vmem>>
      %dma_wait3A_677 = tpu.memref_squeeze %dma_wait3A_676 : memref<1x128xi32, #tpu.memory_space<vmem>> -> memref<128xi32, #tpu.memory_space<vmem>>
      %dma_wait3A_678 = arith.constant 0 : i32
      %dma_wait3A_679 = arith.constant 0 : i32
      %dma_wait3A_680 = tpu.memref_slice %arg11[%dma_wait3A_678, %dma_wait3A_679] : memref<10240x64xf32, #tpu.memory_space<vmem_shared>> -> memref<10240x64xf32, #tpu.memory_space<vmem_shared>>
      tpu.wait_indirect_dma semaphore(%arg14 : memref<!tpu.dma_semaphore, #tpu.memory_space<semaphore_mem>>) src(%dma_wait3A_680 : memref<10240x64xf32, #tpu.memory_space<vmem_shared>>) dst(%arg8 : memref<128x64xf32, #tpu.memory_space<vmem>>)
      %add3A_681 = arith.constant 3 : i32
      %add3A_682 = arith.addi %add3A_560, %add3A_681 : i32
      %dma_start3A_683 = arith.constant 0 : i32
      %dma_start3A_684 = tpu.memref_slice %arg6[%add3A_682, %dma_start3A_683] : memref<40x128xi32, #tpu.memory_space<vmem>> -> memref<1x128xi32, #tpu.memory_space<vmem>>
      %dma_start3A_685 = tpu.memref_squeeze %dma_start3A_684 : memref<1x128xi32, #tpu.memory_space<vmem>> -> memref<128xi32, #tpu.memory_space<vmem>>
      %dma_start3A_686 = arith.constant 0 : i32
      %dma_start3A_687 = arith.constant 0 : i32
      %dma_start3A_688 = tpu.memref_slice %arg12[%dma_start3A_686, %dma_start3A_687] : memref<10240x64xf32, #tpu.memory_space<vmem_shared>> -> memref<10240x64xf32, #tpu.memory_space<vmem_shared>>
      tpu.enqueue_indirect_dma source(%arg8 : memref<128x64xf32, #tpu.memory_space<vmem>>) target(%dma_start3A_688 : memref<10240x64xf32, #tpu.memory_space<vmem_shared>>) offsets(%dma_start3A_685 : memref<128xi32, #tpu.memory_space<vmem>>) semaphore(%arg18 : memref<!tpu.dma_semaphore, #tpu.memory_space<semaphore_mem>>) {add = true}
    }
    %scan3A_93 = arith.constant 9 : i32
    %dma_wait3A_94 = arith.constant 0 : i32
    %dma_wait3A_95 = arith.constant 0 : i32
    %dma_wait3A_96 = tpu.memref_slice %arg6[%dma_wait3A_94, %dma_wait3A_95] : memref<40x128xi32, #tpu.memory_space<vmem>> -> memref<1x128xi32, #tpu.memory_space<vmem>>
    %dma_wait3A_97 = tpu.memref_squeeze %dma_wait3A_96 : memref<1x128xi32, #tpu.memory_space<vmem>> -> memref<128xi32, #tpu.memory_space<vmem>>
    %dma_wait3A_98 = arith.constant 0 : i32
    %dma_wait3A_99 = arith.constant 0 : i32
    %dma_wait3A_100 = tpu.memref_slice %arg12[%dma_wait3A_98, %dma_wait3A_99] : memref<10240x64xf32, #tpu.memory_space<vmem_shared>> -> memref<10240x64xf32, #tpu.memory_space<vmem_shared>>
    tpu.wait_indirect_dma semaphore(%arg17 : memref<!tpu.dma_semaphore, #tpu.memory_space<semaphore_mem>>) src(%arg7 : memref<128x64xf32, #tpu.memory_space<vmem>>) dst(%dma_wait3A_100 : memref<10240x64xf32, #tpu.memory_space<vmem_shared>>)
    %dma_wait3A_101 = arith.constant 0 : i32
    %dma_wait3A_102 = arith.constant 0 : i32
    %dma_wait3A_103 = tpu.memref_slice %arg5[%dma_wait3A_101, %dma_wait3A_102] : memref<40x128xi32, #tpu.memory_space<vmem>> -> memref<1x128xi32, #tpu.memory_space<vmem>>
    %dma_wait3A_104 = tpu.memref_squeeze %dma_wait3A_103 : memref<1x128xi32, #tpu.memory_space<vmem>> -> memref<128xi32, #tpu.memory_space<vmem>>
    %dma_wait3A_105 = arith.constant 0 : i32
    %dma_wait3A_106 = arith.constant 0 : i32
    %dma_wait3A_107 = tpu.memref_slice %arg11[%dma_wait3A_105, %dma_wait3A_106] : memref<10240x64xf32, #tpu.memory_space<vmem_shared>> -> memref<10240x64xf32, #tpu.memory_space<vmem_shared>>
    tpu.wait_indirect_dma semaphore(%arg15 : memref<!tpu.dma_semaphore, #tpu.memory_space<semaphore_mem>>) src(%dma_wait3A_107 : memref<10240x64xf32, #tpu.memory_space<vmem_shared>>) dst(%arg9 : memref<128x64xf32, #tpu.memory_space<vmem>>)
    %dma_start3A_108 = arith.constant 38 : i32
    %dma_start3A_109 = arith.constant 0 : i32
    %dma_start3A_110 = tpu.memref_slice %arg6[%dma_start3A_108, %dma_start3A_109] : memref<40x128xi32, #tpu.memory_space<vmem>> -> memref<1x128xi32, #tpu.memory_space<vmem>>
    %dma_start3A_111 = tpu.memref_squeeze %dma_start3A_110 : memref<1x128xi32, #tpu.memory_space<vmem>> -> memref<128xi32, #tpu.memory_space<vmem>>
    %dma_start3A_112 = arith.constant 0 : i32
    %dma_start3A_113 = arith.constant 0 : i32
    %dma_start3A_114 = tpu.memref_slice %arg12[%dma_start3A_112, %dma_start3A_113] : memref<10240x64xf32, #tpu.memory_space<vmem_shared>> -> memref<10240x64xf32, #tpu.memory_space<vmem_shared>>
    tpu.enqueue_indirect_dma source(%arg9 : memref<128x64xf32, #tpu.memory_space<vmem>>) target(%dma_start3A_114 : memref<10240x64xf32, #tpu.memory_space<vmem_shared>>) offsets(%dma_start3A_111 : memref<128xi32, #tpu.memory_space<vmem>>) semaphore(%arg19 : memref<!tpu.dma_semaphore, #tpu.memory_space<semaphore_mem>>) {add = true}
    %dma_wait3A_115 = arith.constant 0 : i32
    %dma_wait3A_116 = arith.constant 0 : i32
    %dma_wait3A_117 = tpu.memref_slice %arg6[%dma_wait3A_115, %dma_wait3A_116] : memref<40x128xi32, #tpu.memory_space<vmem>> -> memref<1x128xi32, #tpu.memory_space<vmem>>
    %dma_wait3A_118 = tpu.memref_squeeze %dma_wait3A_117 : memref<1x128xi32, #tpu.memory_space<vmem>> -> memref<128xi32, #tpu.memory_space<vmem>>
    %dma_wait3A_119 = arith.constant 0 : i32
    %dma_wait3A_120 = arith.constant 0 : i32
    %dma_wait3A_121 = tpu.memref_slice %arg12[%dma_wait3A_119, %dma_wait3A_120] : memref<10240x64xf32, #tpu.memory_space<vmem_shared>> -> memref<10240x64xf32, #tpu.memory_space<vmem_shared>>
    tpu.wait_indirect_dma semaphore(%arg18 : memref<!tpu.dma_semaphore, #tpu.memory_space<semaphore_mem>>) src(%arg8 : memref<128x64xf32, #tpu.memory_space<vmem>>) dst(%dma_wait3A_121 : memref<10240x64xf32, #tpu.memory_space<vmem_shared>>)
    %dma_wait3A_122 = arith.constant 0 : i32
    %dma_wait3A_123 = arith.constant 0 : i32
    %dma_wait3A_124 = tpu.memref_slice %arg5[%dma_wait3A_122, %dma_wait3A_123] : memref<40x128xi32, #tpu.memory_space<vmem>> -> memref<1x128xi32, #tpu.memory_space<vmem>>
    %dma_wait3A_125 = tpu.memref_squeeze %dma_wait3A_124 : memref<1x128xi32, #tpu.memory_space<vmem>> -> memref<128xi32, #tpu.memory_space<vmem>>
    %dma_wait3A_126 = arith.constant 0 : i32
    %dma_wait3A_127 = arith.constant 0 : i32
    %dma_wait3A_128 = tpu.memref_slice %arg11[%dma_wait3A_126, %dma_wait3A_127] : memref<10240x64xf32, #tpu.memory_space<vmem_shared>> -> memref<10240x64xf32, #tpu.memory_space<vmem_shared>>
    tpu.wait_indirect_dma semaphore(%arg16 : memref<!tpu.dma_semaphore, #tpu.memory_space<semaphore_mem>>) src(%dma_wait3A_128 : memref<10240x64xf32, #tpu.memory_space<vmem_shared>>) dst(%arg10 : memref<128x64xf32, #tpu.memory_space<vmem>>)
    %dma_start3A_129 = arith.constant 39 : i32
    %dma_start3A_130 = arith.constant 0 : i32
    %dma_start3A_131 = tpu.memref_slice %arg6[%dma_start3A_129, %dma_start3A_130] : memref<40x128xi32, #tpu.memory_space<vmem>> -> memref<1x128xi32, #tpu.memory_space<vmem>>
    %dma_start3A_132 = tpu.memref_squeeze %dma_start3A_131 : memref<1x128xi32, #tpu.memory_space<vmem>> -> memref<128xi32, #tpu.memory_space<vmem>>
    %dma_start3A_133 = arith.constant 0 : i32
    %dma_start3A_134 = arith.constant 0 : i32
    %dma_start3A_135 = tpu.memref_slice %arg12[%dma_start3A_133, %dma_start3A_134] : memref<10240x64xf32, #tpu.memory_space<vmem_shared>> -> memref<10240x64xf32, #tpu.memory_space<vmem_shared>>
    tpu.enqueue_indirect_dma source(%arg10 : memref<128x64xf32, #tpu.memory_space<vmem>>) target(%dma_start3A_135 : memref<10240x64xf32, #tpu.memory_space<vmem_shared>>) offsets(%dma_start3A_132 : memref<128xi32, #tpu.memory_space<vmem>>) semaphore(%arg20 : memref<!tpu.dma_semaphore, #tpu.memory_space<semaphore_mem>>) {add = true}
    %dma_wait3A_136 = arith.constant 0 : i32
    %dma_wait3A_137 = arith.constant 0 : i32
    %dma_wait3A_138 = tpu.memref_slice %arg6[%dma_wait3A_136, %dma_wait3A_137] : memref<40x128xi32, #tpu.memory_space<vmem>> -> memref<1x128xi32, #tpu.memory_space<vmem>>
    %dma_wait3A_139 = tpu.memref_squeeze %dma_wait3A_138 : memref<1x128xi32, #tpu.memory_space<vmem>> -> memref<128xi32, #tpu.memory_space<vmem>>
    %dma_wait3A_140 = arith.constant 0 : i32
    %dma_wait3A_141 = arith.constant 0 : i32
    %dma_wait3A_142 = tpu.memref_slice %arg12[%dma_wait3A_140, %dma_wait3A_141] : memref<10240x64xf32, #tpu.memory_space<vmem_shared>> -> memref<10240x64xf32, #tpu.memory_space<vmem_shared>>
    tpu.wait_indirect_dma semaphore(%arg19 : memref<!tpu.dma_semaphore, #tpu.memory_space<semaphore_mem>>) src(%arg9 : memref<128x64xf32, #tpu.memory_space<vmem>>) dst(%dma_wait3A_142 : memref<10240x64xf32, #tpu.memory_space<vmem_shared>>)
    %dma_wait3A_143 = arith.constant 0 : i32
    %dma_wait3A_144 = arith.constant 0 : i32
    %dma_wait3A_145 = tpu.memref_slice %arg6[%dma_wait3A_143, %dma_wait3A_144] : memref<40x128xi32, #tpu.memory_space<vmem>> -> memref<1x128xi32, #tpu.memory_space<vmem>>
    %dma_wait3A_146 = tpu.memref_squeeze %dma_wait3A_145 : memref<1x128xi32, #tpu.memory_space<vmem>> -> memref<128xi32, #tpu.memory_space<vmem>>
    %dma_wait3A_147 = arith.constant 0 : i32
    %dma_wait3A_148 = arith.constant 0 : i32
    %dma_wait3A_149 = tpu.memref_slice %arg12[%dma_wait3A_147, %dma_wait3A_148] : memref<10240x64xf32, #tpu.memory_space<vmem_shared>> -> memref<10240x64xf32, #tpu.memory_space<vmem_shared>>
    tpu.wait_indirect_dma semaphore(%arg20 : memref<!tpu.dma_semaphore, #tpu.memory_space<semaphore_mem>>) src(%arg10 : memref<128x64xf32, #tpu.memory_space<vmem>>) dst(%dma_wait3A_149 : memref<10240x64xf32, #tpu.memory_space<vmem_shared>>)
    %mul3A_150 = arith.constant 80 : i32
    %mul3A_151 = arith.muli %arg1, %mul3A_150 : i32
    %add3A_152 = arith.constant 40 : i32
    %add3A_153 = arith.addi %mul3A_151, %add3A_152 : i32
    %run_scoped3A_154 = arith.constant 0 : i32
    "tpu.region"() ({
      %run_scoped3A_556 = tpu.sem_alloc : memref<!tpu.dma_semaphore, #tpu.memory_space<semaphore_mem>>
      %dma_start3A_557 = arith.constant 0 : i32
      %dma_start3A_558 = arith.constant 0 : i32
      %dma_start3A_559 = tpu.memref_slice %arg2[%run_scoped3A_154, %dma_start3A_557, %dma_start3A_558] : memref<2x1280x128xi32, #tpu.memory_space<hbm>> -> memref<1x1280x128xi32, #tpu.memory_space<hbm>>
      %dma_start3A_560 = tpu.memref_squeeze %dma_start3A_559 : memref<1x1280x128xi32, #tpu.memory_space<hbm>> -> memref<1280x128xi32, #tpu.memory_space<hbm>>
      %dma_start3A_561 = arith.constant 0 : i32
      %dma_start3A_562 = tpu.memref_slice %dma_start3A_560[%add3A_153, %dma_start3A_561] : memref<1280x128xi32, #tpu.memory_space<hbm>> -> memref<40x128xi32, #tpu.memory_space<hbm>>
      %dma_start3A_563 = arith.constant 0 : i32
      %dma_start3A_564 = arith.constant 0 : i32
      %dma_start3A_565 = tpu.memref_slice %arg2[%run_scoped3A_154, %dma_start3A_563, %dma_start3A_564] : memref<2x1280x128xi32, #tpu.memory_space<hbm>> -> memref<1x1280x128xi32, #tpu.memory_space<hbm>>
      %dma_start3A_566 = tpu.memref_squeeze %dma_start3A_565 : memref<1x1280x128xi32, #tpu.memory_space<hbm>> -> memref<1280x128xi32, #tpu.memory_space<hbm>>
      %dma_start3A_567 = arith.constant 0 : i32
      %dma_start3A_568 = tpu.memref_slice %dma_start3A_566[%add3A_153, %dma_start3A_567] : memref<1280x128xi32, #tpu.memory_space<hbm>> -> memref<40x128xi32, #tpu.memory_space<hbm>>
      tpu.enqueue_dma source(%dma_start3A_568 : memref<40x128xi32, #tpu.memory_space<hbm>>) target(%arg5 : memref<40x128xi32, #tpu.memory_space<vmem>>) target_semaphore(%run_scoped3A_556 : memref<!tpu.dma_semaphore, #tpu.memory_space<semaphore_mem>>)
      %dma_wait3A_569 = arith.constant 0 : i32
      %dma_wait3A_570 = arith.constant 0 : i32
      %dma_wait3A_571 = tpu.memref_slice %arg2[%run_scoped3A_154, %dma_wait3A_569, %dma_wait3A_570] : memref<2x1280x128xi32, #tpu.memory_space<hbm>> -> memref<1x1280x128xi32, #tpu.memory_space<hbm>>
      %dma_wait3A_572 = tpu.memref_squeeze %dma_wait3A_571 : memref<1x1280x128xi32, #tpu.memory_space<hbm>> -> memref<1280x128xi32, #tpu.memory_space<hbm>>
      %dma_wait3A_573 = arith.constant 0 : i32
      %dma_wait3A_574 = tpu.memref_slice %dma_wait3A_572[%add3A_153, %dma_wait3A_573] : memref<1280x128xi32, #tpu.memory_space<hbm>> -> memref<40x128xi32, #tpu.memory_space<hbm>>
      %dma_wait3A_575 = arith.constant 0 : i32
      %dma_wait3A_576 = arith.constant 0 : i32
      %dma_wait3A_577 = tpu.memref_slice %arg2[%run_scoped3A_154, %dma_wait3A_575, %dma_wait3A_576] : memref<2x1280x128xi32, #tpu.memory_space<hbm>> -> memref<1x1280x128xi32, #tpu.memory_space<hbm>>
      %dma_wait3A_578 = tpu.memref_squeeze %dma_wait3A_577 : memref<1x1280x128xi32, #tpu.memory_space<hbm>> -> memref<1280x128xi32, #tpu.memory_space<hbm>>
      %dma_wait3A_579 = arith.constant 0 : i32
      %dma_wait3A_580 = tpu.memref_slice %dma_wait3A_578[%add3A_153, %dma_wait3A_579] : memref<1280x128xi32, #tpu.memory_space<hbm>> -> memref<40x128xi32, #tpu.memory_space<hbm>>
      tpu.wait_dma2 semaphore(%run_scoped3A_556 : memref<!tpu.dma_semaphore, #tpu.memory_space<semaphore_mem>>) src(%dma_wait3A_580 : memref<40x128xi32, #tpu.memory_space<hbm>>) dst(%arg5 : memref<40x128xi32, #tpu.memory_space<vmem>>)
      tpu.yield
    }) : () -> ()
    %run_scoped3A_155 = arith.constant 1 : i32
    "tpu.region"() ({
      %run_scoped3A_556 = tpu.sem_alloc : memref<!tpu.dma_semaphore, #tpu.memory_space<semaphore_mem>>
      %dma_start3A_557 = arith.constant 0 : i32
      %dma_start3A_558 = arith.constant 0 : i32
      %dma_start3A_559 = tpu.memref_slice %arg2[%run_scoped3A_155, %dma_start3A_557, %dma_start3A_558] : memref<2x1280x128xi32, #tpu.memory_space<hbm>> -> memref<1x1280x128xi32, #tpu.memory_space<hbm>>
      %dma_start3A_560 = tpu.memref_squeeze %dma_start3A_559 : memref<1x1280x128xi32, #tpu.memory_space<hbm>> -> memref<1280x128xi32, #tpu.memory_space<hbm>>
      %dma_start3A_561 = arith.constant 0 : i32
      %dma_start3A_562 = tpu.memref_slice %dma_start3A_560[%add3A_153, %dma_start3A_561] : memref<1280x128xi32, #tpu.memory_space<hbm>> -> memref<40x128xi32, #tpu.memory_space<hbm>>
      %dma_start3A_563 = arith.constant 0 : i32
      %dma_start3A_564 = arith.constant 0 : i32
      %dma_start3A_565 = tpu.memref_slice %arg2[%run_scoped3A_155, %dma_start3A_563, %dma_start3A_564] : memref<2x1280x128xi32, #tpu.memory_space<hbm>> -> memref<1x1280x128xi32, #tpu.memory_space<hbm>>
      %dma_start3A_566 = tpu.memref_squeeze %dma_start3A_565 : memref<1x1280x128xi32, #tpu.memory_space<hbm>> -> memref<1280x128xi32, #tpu.memory_space<hbm>>
      %dma_start3A_567 = arith.constant 0 : i32
      %dma_start3A_568 = tpu.memref_slice %dma_start3A_566[%add3A_153, %dma_start3A_567] : memref<1280x128xi32, #tpu.memory_space<hbm>> -> memref<40x128xi32, #tpu.memory_space<hbm>>
      tpu.enqueue_dma source(%dma_start3A_568 : memref<40x128xi32, #tpu.memory_space<hbm>>) target(%arg6 : memref<40x128xi32, #tpu.memory_space<vmem>>) target_semaphore(%run_scoped3A_556 : memref<!tpu.dma_semaphore, #tpu.memory_space<semaphore_mem>>)
      %dma_wait3A_569 = arith.constant 0 : i32
      %dma_wait3A_570 = arith.constant 0 : i32
      %dma_wait3A_571 = tpu.memref_slice %arg2[%run_scoped3A_155, %dma_wait3A_569, %dma_wait3A_570] : memref<2x1280x128xi32, #tpu.memory_space<hbm>> -> memref<1x1280x128xi32, #tpu.memory_space<hbm>>
      %dma_wait3A_572 = tpu.memref_squeeze %dma_wait3A_571 : memref<1x1280x128xi32, #tpu.memory_space<hbm>> -> memref<1280x128xi32, #tpu.memory_space<hbm>>
      %dma_wait3A_573 = arith.constant 0 : i32
      %dma_wait3A_574 = tpu.memref_slice %dma_wait3A_572[%add3A_153, %dma_wait3A_573] : memref<1280x128xi32, #tpu.memory_space<hbm>> -> memref<40x128xi32, #tpu.memory_space<hbm>>
      %dma_wait3A_575 = arith.constant 0 : i32
      %dma_wait3A_576 = arith.constant 0 : i32
      %dma_wait3A_577 = tpu.memref_slice %arg2[%run_scoped3A_155, %dma_wait3A_575, %dma_wait3A_576] : memref<2x1280x128xi32, #tpu.memory_space<hbm>> -> memref<1x1280x128xi32, #tpu.memory_space<hbm>>
      %dma_wait3A_578 = tpu.memref_squeeze %dma_wait3A_577 : memref<1x1280x128xi32, #tpu.memory_space<hbm>> -> memref<1280x128xi32, #tpu.memory_space<hbm>>
      %dma_wait3A_579 = arith.constant 0 : i32
      %dma_wait3A_580 = tpu.memref_slice %dma_wait3A_578[%add3A_153, %dma_wait3A_579] : memref<1280x128xi32, #tpu.memory_space<hbm>> -> memref<40x128xi32, #tpu.memory_space<hbm>>
      tpu.wait_dma2 semaphore(%run_scoped3A_556 : memref<!tpu.dma_semaphore, #tpu.memory_space<semaphore_mem>>) src(%dma_wait3A_580 : memref<40x128xi32, #tpu.memory_space<hbm>>) dst(%arg6 : memref<40x128xi32, #tpu.memory_space<vmem>>)
      tpu.yield
    }) : () -> ()
    %dma_start3A_156 = arith.constant 0 : i32
    %dma_start3A_157 = arith.constant 0 : i32
    %dma_start3A_158 = tpu.memref_slice %arg5[%dma_start3A_156, %dma_start3A_157] : memref<40x128xi32, #tpu.memory_space<vmem>> -> memref<1x128xi32, #tpu.memory_space<vmem>>
    %dma_start3A_159 = tpu.memref_squeeze %dma_start3A_158 : memref<1x128xi32, #tpu.memory_space<vmem>> -> memref<128xi32, #tpu.memory_space<vmem>>
    %dma_start3A_160 = arith.constant 0 : i32
    %dma_start3A_161 = arith.constant 0 : i32
    %dma_start3A_162 = tpu.memref_slice %arg11[%dma_start3A_160, %dma_start3A_161] : memref<10240x64xf32, #tpu.memory_space<vmem_shared>> -> memref<10240x64xf32, #tpu.memory_space<vmem_shared>>
    tpu.enqueue_indirect_dma source(%dma_start3A_162 : memref<10240x64xf32, #tpu.memory_space<vmem_shared>>) target(%arg7 : memref<128x64xf32, #tpu.memory_space<vmem>>) offsets(%dma_start3A_159 : memref<128xi32, #tpu.memory_space<vmem>>) semaphore(%arg13 : memref<!tpu.dma_semaphore, #tpu.memory_space<semaphore_mem>>)
    %dma_start3A_163 = arith.constant 1 : i32
    %dma_start3A_164 = arith.constant 0 : i32
    %dma_start3A_165 = tpu.memref_slice %arg5[%dma_start3A_163, %dma_start3A_164] : memref<40x128xi32, #tpu.memory_space<vmem>> -> memref<1x128xi32, #tpu.memory_space<vmem>>
    %dma_start3A_166 = tpu.memref_squeeze %dma_start3A_165 : memref<1x128xi32, #tpu.memory_space<vmem>> -> memref<128xi32, #tpu.memory_space<vmem>>
    %dma_start3A_167 = arith.constant 0 : i32
    %dma_start3A_168 = arith.constant 0 : i32
    %dma_start3A_169 = tpu.memref_slice %arg11[%dma_start3A_167, %dma_start3A_168] : memref<10240x64xf32, #tpu.memory_space<vmem_shared>> -> memref<10240x64xf32, #tpu.memory_space<vmem_shared>>
    tpu.enqueue_indirect_dma source(%dma_start3A_169 : memref<10240x64xf32, #tpu.memory_space<vmem_shared>>) target(%arg8 : memref<128x64xf32, #tpu.memory_space<vmem>>) offsets(%dma_start3A_166 : memref<128xi32, #tpu.memory_space<vmem>>) semaphore(%arg14 : memref<!tpu.dma_semaphore, #tpu.memory_space<semaphore_mem>>)
    %dma_start3A_170 = arith.constant 2 : i32
    %dma_start3A_171 = arith.constant 0 : i32
    %dma_start3A_172 = tpu.memref_slice %arg5[%dma_start3A_170, %dma_start3A_171] : memref<40x128xi32, #tpu.memory_space<vmem>> -> memref<1x128xi32, #tpu.memory_space<vmem>>
    %dma_start3A_173 = tpu.memref_squeeze %dma_start3A_172 : memref<1x128xi32, #tpu.memory_space<vmem>> -> memref<128xi32, #tpu.memory_space<vmem>>
    %dma_start3A_174 = arith.constant 0 : i32
    %dma_start3A_175 = arith.constant 0 : i32
    %dma_start3A_176 = tpu.memref_slice %arg11[%dma_start3A_174, %dma_start3A_175] : memref<10240x64xf32, #tpu.memory_space<vmem_shared>> -> memref<10240x64xf32, #tpu.memory_space<vmem_shared>>
    tpu.enqueue_indirect_dma source(%dma_start3A_176 : memref<10240x64xf32, #tpu.memory_space<vmem_shared>>) target(%arg9 : memref<128x64xf32, #tpu.memory_space<vmem>>) offsets(%dma_start3A_173 : memref<128xi32, #tpu.memory_space<vmem>>) semaphore(%arg15 : memref<!tpu.dma_semaphore, #tpu.memory_space<semaphore_mem>>)
    %dma_wait3A_177 = arith.constant 0 : i32
    %dma_wait3A_178 = arith.constant 0 : i32
    %dma_wait3A_179 = tpu.memref_slice %arg5[%dma_wait3A_177, %dma_wait3A_178] : memref<40x128xi32, #tpu.memory_space<vmem>> -> memref<1x128xi32, #tpu.memory_space<vmem>>
    %dma_wait3A_180 = tpu.memref_squeeze %dma_wait3A_179 : memref<1x128xi32, #tpu.memory_space<vmem>> -> memref<128xi32, #tpu.memory_space<vmem>>
    %dma_wait3A_181 = arith.constant 0 : i32
    %dma_wait3A_182 = arith.constant 0 : i32
    %dma_wait3A_183 = tpu.memref_slice %arg11[%dma_wait3A_181, %dma_wait3A_182] : memref<10240x64xf32, #tpu.memory_space<vmem_shared>> -> memref<10240x64xf32, #tpu.memory_space<vmem_shared>>
    tpu.wait_indirect_dma semaphore(%arg13 : memref<!tpu.dma_semaphore, #tpu.memory_space<semaphore_mem>>) src(%dma_wait3A_183 : memref<10240x64xf32, #tpu.memory_space<vmem_shared>>) dst(%arg7 : memref<128x64xf32, #tpu.memory_space<vmem>>)
    %dma_start3A_184 = arith.constant 0 : i32
    %dma_start3A_185 = arith.constant 0 : i32
    %dma_start3A_186 = tpu.memref_slice %arg6[%dma_start3A_184, %dma_start3A_185] : memref<40x128xi32, #tpu.memory_space<vmem>> -> memref<1x128xi32, #tpu.memory_space<vmem>>
    %dma_start3A_187 = tpu.memref_squeeze %dma_start3A_186 : memref<1x128xi32, #tpu.memory_space<vmem>> -> memref<128xi32, #tpu.memory_space<vmem>>
    %dma_start3A_188 = arith.constant 0 : i32
    %dma_start3A_189 = arith.constant 0 : i32
    %dma_start3A_190 = tpu.memref_slice %arg12[%dma_start3A_188, %dma_start3A_189] : memref<10240x64xf32, #tpu.memory_space<vmem_shared>> -> memref<10240x64xf32, #tpu.memory_space<vmem_shared>>
    tpu.enqueue_indirect_dma source(%arg7 : memref<128x64xf32, #tpu.memory_space<vmem>>) target(%dma_start3A_190 : memref<10240x64xf32, #tpu.memory_space<vmem_shared>>) offsets(%dma_start3A_187 : memref<128xi32, #tpu.memory_space<vmem>>) semaphore(%arg17 : memref<!tpu.dma_semaphore, #tpu.memory_space<semaphore_mem>>) {add = true}
    %dma_start3A_191 = arith.constant 3 : i32
    %dma_start3A_192 = arith.constant 0 : i32
    %dma_start3A_193 = tpu.memref_slice %arg5[%dma_start3A_191, %dma_start3A_192] : memref<40x128xi32, #tpu.memory_space<vmem>> -> memref<1x128xi32, #tpu.memory_space<vmem>>
    %dma_start3A_194 = tpu.memref_squeeze %dma_start3A_193 : memref<1x128xi32, #tpu.memory_space<vmem>> -> memref<128xi32, #tpu.memory_space<vmem>>
    %dma_start3A_195 = arith.constant 0 : i32
    %dma_start3A_196 = arith.constant 0 : i32
    %dma_start3A_197 = tpu.memref_slice %arg11[%dma_start3A_195, %dma_start3A_196] : memref<10240x64xf32, #tpu.memory_space<vmem_shared>> -> memref<10240x64xf32, #tpu.memory_space<vmem_shared>>
    tpu.enqueue_indirect_dma source(%dma_start3A_197 : memref<10240x64xf32, #tpu.memory_space<vmem_shared>>) target(%arg10 : memref<128x64xf32, #tpu.memory_space<vmem>>) offsets(%dma_start3A_194 : memref<128xi32, #tpu.memory_space<vmem>>) semaphore(%arg16 : memref<!tpu.dma_semaphore, #tpu.memory_space<semaphore_mem>>)
    %dma_wait3A_198 = arith.constant 0 : i32
    %dma_wait3A_199 = arith.constant 0 : i32
    %dma_wait3A_200 = tpu.memref_slice %arg5[%dma_wait3A_198, %dma_wait3A_199] : memref<40x128xi32, #tpu.memory_space<vmem>> -> memref<1x128xi32, #tpu.memory_space<vmem>>
    %dma_wait3A_201 = tpu.memref_squeeze %dma_wait3A_200 : memref<1x128xi32, #tpu.memory_space<vmem>> -> memref<128xi32, #tpu.memory_space<vmem>>
    %dma_wait3A_202 = arith.constant 0 : i32
    %dma_wait3A_203 = arith.constant 0 : i32
    %dma_wait3A_204 = tpu.memref_slice %arg11[%dma_wait3A_202, %dma_wait3A_203] : memref<10240x64xf32, #tpu.memory_space<vmem_shared>> -> memref<10240x64xf32, #tpu.memory_space<vmem_shared>>
    tpu.wait_indirect_dma semaphore(%arg14 : memref<!tpu.dma_semaphore, #tpu.memory_space<semaphore_mem>>) src(%dma_wait3A_204 : memref<10240x64xf32, #tpu.memory_space<vmem_shared>>) dst(%arg8 : memref<128x64xf32, #tpu.memory_space<vmem>>)
    %dma_start3A_205 = arith.constant 1 : i32
    %dma_start3A_206 = arith.constant 0 : i32
    %dma_start3A_207 = tpu.memref_slice %arg6[%dma_start3A_205, %dma_start3A_206] : memref<40x128xi32, #tpu.memory_space<vmem>> -> memref<1x128xi32, #tpu.memory_space<vmem>>
    %dma_start3A_208 = tpu.memref_squeeze %dma_start3A_207 : memref<1x128xi32, #tpu.memory_space<vmem>> -> memref<128xi32, #tpu.memory_space<vmem>>
    %dma_start3A_209 = arith.constant 0 : i32
    %dma_start3A_210 = arith.constant 0 : i32
    %dma_start3A_211 = tpu.memref_slice %arg12[%dma_start3A_209, %dma_start3A_210] : memref<10240x64xf32, #tpu.memory_space<vmem_shared>> -> memref<10240x64xf32, #tpu.memory_space<vmem_shared>>
    tpu.enqueue_indirect_dma source(%arg8 : memref<128x64xf32, #tpu.memory_space<vmem>>) target(%dma_start3A_211 : memref<10240x64xf32, #tpu.memory_space<vmem_shared>>) offsets(%dma_start3A_208 : memref<128xi32, #tpu.memory_space<vmem>>) semaphore(%arg18 : memref<!tpu.dma_semaphore, #tpu.memory_space<semaphore_mem>>) {add = true}
    %scan3A_212 = arith.constant 0 : i32
    %scan3A_213 = arith.constant 0 : i32
    %scan3A_214 = arith.constant 9 : i32
    %scan3A_215 = arith.addi %scan3A_213, %scan3A_214 : i32
    %scan3A_216 = arith.constant 1 : i32
    scf.for %scan3A_556 = %scan3A_213 to %scan3A_215 step %scan3A_216  : i32 {
      %mul3A_557 = arith.constant 4 : i32
      %mul3A_558 = arith.muli %mul3A_557, %scan3A_556 : i32
      %add3A_559 = arith.constant 2 : i32
      %add3A_560 = arith.addi %mul3A_558, %add3A_559 : i32
      %dma_wait3A_561 = arith.constant 0 : i32
      %dma_wait3A_562 = arith.constant 0 : i32
      %dma_wait3A_563 = tpu.memref_slice %arg6[%dma_wait3A_561, %dma_wait3A_562] : memref<40x128xi32, #tpu.memory_space<vmem>> -> memref<1x128xi32, #tpu.memory_space<vmem>>
      %dma_wait3A_564 = tpu.memref_squeeze %dma_wait3A_563 : memref<1x128xi32, #tpu.memory_space<vmem>> -> memref<128xi32, #tpu.memory_space<vmem>>
      %dma_wait3A_565 = arith.constant 0 : i32
      %dma_wait3A_566 = arith.constant 0 : i32
      %dma_wait3A_567 = tpu.memref_slice %arg12[%dma_wait3A_565, %dma_wait3A_566] : memref<10240x64xf32, #tpu.memory_space<vmem_shared>> -> memref<10240x64xf32, #tpu.memory_space<vmem_shared>>
      tpu.wait_indirect_dma semaphore(%arg17 : memref<!tpu.dma_semaphore, #tpu.memory_space<semaphore_mem>>) src(%arg7 : memref<128x64xf32, #tpu.memory_space<vmem>>) dst(%dma_wait3A_567 : memref<10240x64xf32, #tpu.memory_space<vmem_shared>>)
      %add3A_568 = arith.constant 0 : i32
      %add3A_569 = arith.addi %add3A_560, %add3A_568 : i32
      %add3A_570 = arith.constant 2 : i32
      %add3A_571 = arith.addi %add3A_569, %add3A_570 : i32
      %dma_start3A_572 = arith.constant 0 : i32
      %dma_start3A_573 = tpu.memref_slice %arg5[%add3A_571, %dma_start3A_572] : memref<40x128xi32, #tpu.memory_space<vmem>> -> memref<1x128xi32, #tpu.memory_space<vmem>>
      %dma_start3A_574 = tpu.memref_squeeze %dma_start3A_573 : memref<1x128xi32, #tpu.memory_space<vmem>> -> memref<128xi32, #tpu.memory_space<vmem>>
      %dma_start3A_575 = arith.constant 0 : i32
      %dma_start3A_576 = arith.constant 0 : i32
      %dma_start3A_577 = tpu.memref_slice %arg11[%dma_start3A_575, %dma_start3A_576] : memref<10240x64xf32, #tpu.memory_space<vmem_shared>> -> memref<10240x64xf32, #tpu.memory_space<vmem_shared>>
      tpu.enqueue_indirect_dma source(%dma_start3A_577 : memref<10240x64xf32, #tpu.memory_space<vmem_shared>>) target(%arg7 : memref<128x64xf32, #tpu.memory_space<vmem>>) offsets(%dma_start3A_574 : memref<128xi32, #tpu.memory_space<vmem>>) semaphore(%arg13 : memref<!tpu.dma_semaphore, #tpu.memory_space<semaphore_mem>>)
      %dma_wait3A_578 = arith.constant 0 : i32
      %dma_wait3A_579 = arith.constant 0 : i32
      %dma_wait3A_580 = tpu.memref_slice %arg5[%dma_wait3A_578, %dma_wait3A_579] : memref<40x128xi32, #tpu.memory_space<vmem>> -> memref<1x128xi32, #tpu.memory_space<vmem>>
      %dma_wait3A_581 = tpu.memref_squeeze %dma_wait3A_580 : memref<1x128xi32, #tpu.memory_space<vmem>> -> memref<128xi32, #tpu.memory_space<vmem>>
      %dma_wait3A_582 = arith.constant 0 : i32
      %dma_wait3A_583 = arith.constant 0 : i32
      %dma_wait3A_584 = tpu.memref_slice %arg11[%dma_wait3A_582, %dma_wait3A_583] : memref<10240x64xf32, #tpu.memory_space<vmem_shared>> -> memref<10240x64xf32, #tpu.memory_space<vmem_shared>>
      tpu.wait_indirect_dma semaphore(%arg15 : memref<!tpu.dma_semaphore, #tpu.memory_space<semaphore_mem>>) src(%dma_wait3A_584 : memref<10240x64xf32, #tpu.memory_space<vmem_shared>>) dst(%arg9 : memref<128x64xf32, #tpu.memory_space<vmem>>)
      %add3A_585 = arith.constant 0 : i32
      %add3A_586 = arith.addi %add3A_560, %add3A_585 : i32
      %dma_start3A_587 = arith.constant 0 : i32
      %dma_start3A_588 = tpu.memref_slice %arg6[%add3A_586, %dma_start3A_587] : memref<40x128xi32, #tpu.memory_space<vmem>> -> memref<1x128xi32, #tpu.memory_space<vmem>>
      %dma_start3A_589 = tpu.memref_squeeze %dma_start3A_588 : memref<1x128xi32, #tpu.memory_space<vmem>> -> memref<128xi32, #tpu.memory_space<vmem>>
      %dma_start3A_590 = arith.constant 0 : i32
      %dma_start3A_591 = arith.constant 0 : i32
      %dma_start3A_592 = tpu.memref_slice %arg12[%dma_start3A_590, %dma_start3A_591] : memref<10240x64xf32, #tpu.memory_space<vmem_shared>> -> memref<10240x64xf32, #tpu.memory_space<vmem_shared>>
      tpu.enqueue_indirect_dma source(%arg9 : memref<128x64xf32, #tpu.memory_space<vmem>>) target(%dma_start3A_592 : memref<10240x64xf32, #tpu.memory_space<vmem_shared>>) offsets(%dma_start3A_589 : memref<128xi32, #tpu.memory_space<vmem>>) semaphore(%arg19 : memref<!tpu.dma_semaphore, #tpu.memory_space<semaphore_mem>>) {add = true}
      %dma_wait3A_593 = arith.constant 0 : i32
      %dma_wait3A_594 = arith.constant 0 : i32
      %dma_wait3A_595 = tpu.memref_slice %arg6[%dma_wait3A_593, %dma_wait3A_594] : memref<40x128xi32, #tpu.memory_space<vmem>> -> memref<1x128xi32, #tpu.memory_space<vmem>>
      %dma_wait3A_596 = tpu.memref_squeeze %dma_wait3A_595 : memref<1x128xi32, #tpu.memory_space<vmem>> -> memref<128xi32, #tpu.memory_space<vmem>>
      %dma_wait3A_597 = arith.constant 0 : i32
      %dma_wait3A_598 = arith.constant 0 : i32
      %dma_wait3A_599 = tpu.memref_slice %arg12[%dma_wait3A_597, %dma_wait3A_598] : memref<10240x64xf32, #tpu.memory_space<vmem_shared>> -> memref<10240x64xf32, #tpu.memory_space<vmem_shared>>
      tpu.wait_indirect_dma semaphore(%arg18 : memref<!tpu.dma_semaphore, #tpu.memory_space<semaphore_mem>>) src(%arg8 : memref<128x64xf32, #tpu.memory_space<vmem>>) dst(%dma_wait3A_599 : memref<10240x64xf32, #tpu.memory_space<vmem_shared>>)
      %add3A_600 = arith.constant 1 : i32
      %add3A_601 = arith.addi %add3A_560, %add3A_600 : i32
      %add3A_602 = arith.constant 2 : i32
      %add3A_603 = arith.addi %add3A_601, %add3A_602 : i32
      %dma_start3A_604 = arith.constant 0 : i32
      %dma_start3A_605 = tpu.memref_slice %arg5[%add3A_603, %dma_start3A_604] : memref<40x128xi32, #tpu.memory_space<vmem>> -> memref<1x128xi32, #tpu.memory_space<vmem>>
      %dma_start3A_606 = tpu.memref_squeeze %dma_start3A_605 : memref<1x128xi32, #tpu.memory_space<vmem>> -> memref<128xi32, #tpu.memory_space<vmem>>
      %dma_start3A_607 = arith.constant 0 : i32
      %dma_start3A_608 = arith.constant 0 : i32
      %dma_start3A_609 = tpu.memref_slice %arg11[%dma_start3A_607, %dma_start3A_608] : memref<10240x64xf32, #tpu.memory_space<vmem_shared>> -> memref<10240x64xf32, #tpu.memory_space<vmem_shared>>
      tpu.enqueue_indirect_dma source(%dma_start3A_609 : memref<10240x64xf32, #tpu.memory_space<vmem_shared>>) target(%arg8 : memref<128x64xf32, #tpu.memory_space<vmem>>) offsets(%dma_start3A_606 : memref<128xi32, #tpu.memory_space<vmem>>) semaphore(%arg14 : memref<!tpu.dma_semaphore, #tpu.memory_space<semaphore_mem>>)
      %dma_wait3A_610 = arith.constant 0 : i32
      %dma_wait3A_611 = arith.constant 0 : i32
      %dma_wait3A_612 = tpu.memref_slice %arg5[%dma_wait3A_610, %dma_wait3A_611] : memref<40x128xi32, #tpu.memory_space<vmem>> -> memref<1x128xi32, #tpu.memory_space<vmem>>
      %dma_wait3A_613 = tpu.memref_squeeze %dma_wait3A_612 : memref<1x128xi32, #tpu.memory_space<vmem>> -> memref<128xi32, #tpu.memory_space<vmem>>
      %dma_wait3A_614 = arith.constant 0 : i32
      %dma_wait3A_615 = arith.constant 0 : i32
      %dma_wait3A_616 = tpu.memref_slice %arg11[%dma_wait3A_614, %dma_wait3A_615] : memref<10240x64xf32, #tpu.memory_space<vmem_shared>> -> memref<10240x64xf32, #tpu.memory_space<vmem_shared>>
      tpu.wait_indirect_dma semaphore(%arg16 : memref<!tpu.dma_semaphore, #tpu.memory_space<semaphore_mem>>) src(%dma_wait3A_616 : memref<10240x64xf32, #tpu.memory_space<vmem_shared>>) dst(%arg10 : memref<128x64xf32, #tpu.memory_space<vmem>>)
      %add3A_617 = arith.constant 1 : i32
      %add3A_618 = arith.addi %add3A_560, %add3A_617 : i32
      %dma_start3A_619 = arith.constant 0 : i32
      %dma_start3A_620 = tpu.memref_slice %arg6[%add3A_618, %dma_start3A_619] : memref<40x128xi32, #tpu.memory_space<vmem>> -> memref<1x128xi32, #tpu.memory_space<vmem>>
      %dma_start3A_621 = tpu.memref_squeeze %dma_start3A_620 : memref<1x128xi32, #tpu.memory_space<vmem>> -> memref<128xi32, #tpu.memory_space<vmem>>
      %dma_start3A_622 = arith.constant 0 : i32
      %dma_start3A_623 = arith.constant 0 : i32
      %dma_start3A_624 = tpu.memref_slice %arg12[%dma_start3A_622, %dma_start3A_623] : memref<10240x64xf32, #tpu.memory_space<vmem_shared>> -> memref<10240x64xf32, #tpu.memory_space<vmem_shared>>
      tpu.enqueue_indirect_dma source(%arg10 : memref<128x64xf32, #tpu.memory_space<vmem>>) target(%dma_start3A_624 : memref<10240x64xf32, #tpu.memory_space<vmem_shared>>) offsets(%dma_start3A_621 : memref<128xi32, #tpu.memory_space<vmem>>) semaphore(%arg20 : memref<!tpu.dma_semaphore, #tpu.memory_space<semaphore_mem>>) {add = true}
      %dma_wait3A_625 = arith.constant 0 : i32
      %dma_wait3A_626 = arith.constant 0 : i32
      %dma_wait3A_627 = tpu.memref_slice %arg6[%dma_wait3A_625, %dma_wait3A_626] : memref<40x128xi32, #tpu.memory_space<vmem>> -> memref<1x128xi32, #tpu.memory_space<vmem>>
      %dma_wait3A_628 = tpu.memref_squeeze %dma_wait3A_627 : memref<1x128xi32, #tpu.memory_space<vmem>> -> memref<128xi32, #tpu.memory_space<vmem>>
      %dma_wait3A_629 = arith.constant 0 : i32
      %dma_wait3A_630 = arith.constant 0 : i32
      %dma_wait3A_631 = tpu.memref_slice %arg12[%dma_wait3A_629, %dma_wait3A_630] : memref<10240x64xf32, #tpu.memory_space<vmem_shared>> -> memref<10240x64xf32, #tpu.memory_space<vmem_shared>>
      tpu.wait_indirect_dma semaphore(%arg19 : memref<!tpu.dma_semaphore, #tpu.memory_space<semaphore_mem>>) src(%arg9 : memref<128x64xf32, #tpu.memory_space<vmem>>) dst(%dma_wait3A_631 : memref<10240x64xf32, #tpu.memory_space<vmem_shared>>)
      %add3A_632 = arith.constant 2 : i32
      %add3A_633 = arith.addi %add3A_560, %add3A_632 : i32
      %add3A_634 = arith.constant 2 : i32
      %add3A_635 = arith.addi %add3A_633, %add3A_634 : i32
      %dma_start3A_636 = arith.constant 0 : i32
      %dma_start3A_637 = tpu.memref_slice %arg5[%add3A_635, %dma_start3A_636] : memref<40x128xi32, #tpu.memory_space<vmem>> -> memref<1x128xi32, #tpu.memory_space<vmem>>
      %dma_start3A_638 = tpu.memref_squeeze %dma_start3A_637 : memref<1x128xi32, #tpu.memory_space<vmem>> -> memref<128xi32, #tpu.memory_space<vmem>>
      %dma_start3A_639 = arith.constant 0 : i32
      %dma_start3A_640 = arith.constant 0 : i32
      %dma_start3A_641 = tpu.memref_slice %arg11[%dma_start3A_639, %dma_start3A_640] : memref<10240x64xf32, #tpu.memory_space<vmem_shared>> -> memref<10240x64xf32, #tpu.memory_space<vmem_shared>>
      tpu.enqueue_indirect_dma source(%dma_start3A_641 : memref<10240x64xf32, #tpu.memory_space<vmem_shared>>) target(%arg9 : memref<128x64xf32, #tpu.memory_space<vmem>>) offsets(%dma_start3A_638 : memref<128xi32, #tpu.memory_space<vmem>>) semaphore(%arg15 : memref<!tpu.dma_semaphore, #tpu.memory_space<semaphore_mem>>)
      %dma_wait3A_642 = arith.constant 0 : i32
      %dma_wait3A_643 = arith.constant 0 : i32
      %dma_wait3A_644 = tpu.memref_slice %arg5[%dma_wait3A_642, %dma_wait3A_643] : memref<40x128xi32, #tpu.memory_space<vmem>> -> memref<1x128xi32, #tpu.memory_space<vmem>>
      %dma_wait3A_645 = tpu.memref_squeeze %dma_wait3A_644 : memref<1x128xi32, #tpu.memory_space<vmem>> -> memref<128xi32, #tpu.memory_space<vmem>>
      %dma_wait3A_646 = arith.constant 0 : i32
      %dma_wait3A_647 = arith.constant 0 : i32
      %dma_wait3A_648 = tpu.memref_slice %arg11[%dma_wait3A_646, %dma_wait3A_647] : memref<10240x64xf32, #tpu.memory_space<vmem_shared>> -> memref<10240x64xf32, #tpu.memory_space<vmem_shared>>
      tpu.wait_indirect_dma semaphore(%arg13 : memref<!tpu.dma_semaphore, #tpu.memory_space<semaphore_mem>>) src(%dma_wait3A_648 : memref<10240x64xf32, #tpu.memory_space<vmem_shared>>) dst(%arg7 : memref<128x64xf32, #tpu.memory_space<vmem>>)
      %add3A_649 = arith.constant 2 : i32
      %add3A_650 = arith.addi %add3A_560, %add3A_649 : i32
      %dma_start3A_651 = arith.constant 0 : i32
      %dma_start3A_652 = tpu.memref_slice %arg6[%add3A_650, %dma_start3A_651] : memref<40x128xi32, #tpu.memory_space<vmem>> -> memref<1x128xi32, #tpu.memory_space<vmem>>
      %dma_start3A_653 = tpu.memref_squeeze %dma_start3A_652 : memref<1x128xi32, #tpu.memory_space<vmem>> -> memref<128xi32, #tpu.memory_space<vmem>>
      %dma_start3A_654 = arith.constant 0 : i32
      %dma_start3A_655 = arith.constant 0 : i32
      %dma_start3A_656 = tpu.memref_slice %arg12[%dma_start3A_654, %dma_start3A_655] : memref<10240x64xf32, #tpu.memory_space<vmem_shared>> -> memref<10240x64xf32, #tpu.memory_space<vmem_shared>>
      tpu.enqueue_indirect_dma source(%arg7 : memref<128x64xf32, #tpu.memory_space<vmem>>) target(%dma_start3A_656 : memref<10240x64xf32, #tpu.memory_space<vmem_shared>>) offsets(%dma_start3A_653 : memref<128xi32, #tpu.memory_space<vmem>>) semaphore(%arg17 : memref<!tpu.dma_semaphore, #tpu.memory_space<semaphore_mem>>) {add = true}
      %dma_wait3A_657 = arith.constant 0 : i32
      %dma_wait3A_658 = arith.constant 0 : i32
      %dma_wait3A_659 = tpu.memref_slice %arg6[%dma_wait3A_657, %dma_wait3A_658] : memref<40x128xi32, #tpu.memory_space<vmem>> -> memref<1x128xi32, #tpu.memory_space<vmem>>
      %dma_wait3A_660 = tpu.memref_squeeze %dma_wait3A_659 : memref<1x128xi32, #tpu.memory_space<vmem>> -> memref<128xi32, #tpu.memory_space<vmem>>
      %dma_wait3A_661 = arith.constant 0 : i32
      %dma_wait3A_662 = arith.constant 0 : i32
      %dma_wait3A_663 = tpu.memref_slice %arg12[%dma_wait3A_661, %dma_wait3A_662] : memref<10240x64xf32, #tpu.memory_space<vmem_shared>> -> memref<10240x64xf32, #tpu.memory_space<vmem_shared>>
      tpu.wait_indirect_dma semaphore(%arg20 : memref<!tpu.dma_semaphore, #tpu.memory_space<semaphore_mem>>) src(%arg10 : memref<128x64xf32, #tpu.memory_space<vmem>>) dst(%dma_wait3A_663 : memref<10240x64xf32, #tpu.memory_space<vmem_shared>>)
      %add3A_664 = arith.constant 3 : i32
      %add3A_665 = arith.addi %add3A_560, %add3A_664 : i32
      %add3A_666 = arith.constant 2 : i32
      %add3A_667 = arith.addi %add3A_665, %add3A_666 : i32
      %dma_start3A_668 = arith.constant 0 : i32
      %dma_start3A_669 = tpu.memref_slice %arg5[%add3A_667, %dma_start3A_668] : memref<40x128xi32, #tpu.memory_space<vmem>> -> memref<1x128xi32, #tpu.memory_space<vmem>>
      %dma_start3A_670 = tpu.memref_squeeze %dma_start3A_669 : memref<1x128xi32, #tpu.memory_space<vmem>> -> memref<128xi32, #tpu.memory_space<vmem>>
      %dma_start3A_671 = arith.constant 0 : i32
      %dma_start3A_672 = arith.constant 0 : i32
      %dma_start3A_673 = tpu.memref_slice %arg11[%dma_start3A_671, %dma_start3A_672] : memref<10240x64xf32, #tpu.memory_space<vmem_shared>> -> memref<10240x64xf32, #tpu.memory_space<vmem_shared>>
      tpu.enqueue_indirect_dma source(%dma_start3A_673 : memref<10240x64xf32, #tpu.memory_space<vmem_shared>>) target(%arg10 : memref<128x64xf32, #tpu.memory_space<vmem>>) offsets(%dma_start3A_670 : memref<128xi32, #tpu.memory_space<vmem>>) semaphore(%arg16 : memref<!tpu.dma_semaphore, #tpu.memory_space<semaphore_mem>>)
      %dma_wait3A_674 = arith.constant 0 : i32
      %dma_wait3A_675 = arith.constant 0 : i32
      %dma_wait3A_676 = tpu.memref_slice %arg5[%dma_wait3A_674, %dma_wait3A_675] : memref<40x128xi32, #tpu.memory_space<vmem>> -> memref<1x128xi32, #tpu.memory_space<vmem>>
      %dma_wait3A_677 = tpu.memref_squeeze %dma_wait3A_676 : memref<1x128xi32, #tpu.memory_space<vmem>> -> memref<128xi32, #tpu.memory_space<vmem>>
      %dma_wait3A_678 = arith.constant 0 : i32
      %dma_wait3A_679 = arith.constant 0 : i32
      %dma_wait3A_680 = tpu.memref_slice %arg11[%dma_wait3A_678, %dma_wait3A_679] : memref<10240x64xf32, #tpu.memory_space<vmem_shared>> -> memref<10240x64xf32, #tpu.memory_space<vmem_shared>>
      tpu.wait_indirect_dma semaphore(%arg14 : memref<!tpu.dma_semaphore, #tpu.memory_space<semaphore_mem>>) src(%dma_wait3A_680 : memref<10240x64xf32, #tpu.memory_space<vmem_shared>>) dst(%arg8 : memref<128x64xf32, #tpu.memory_space<vmem>>)
      %add3A_681 = arith.constant 3 : i32
      %add3A_682 = arith.addi %add3A_560, %add3A_681 : i32
      %dma_start3A_683 = arith.constant 0 : i32
      %dma_start3A_684 = tpu.memref_slice %arg6[%add3A_682, %dma_start3A_683] : memref<40x128xi32, #tpu.memory_space<vmem>> -> memref<1x128xi32, #tpu.memory_space<vmem>>
      %dma_start3A_685 = tpu.memref_squeeze %dma_start3A_684 : memref<1x128xi32, #tpu.memory_space<vmem>> -> memref<128xi32, #tpu.memory_space<vmem>>
      %dma_start3A_686 = arith.constant 0 : i32
      %dma_start3A_687 = arith.constant 0 : i32
      %dma_start3A_688 = tpu.memref_slice %arg12[%dma_start3A_686, %dma_start3A_687] : memref<10240x64xf32, #tpu.memory_space<vmem_shared>> -> memref<10240x64xf32, #tpu.memory_space<vmem_shared>>
      tpu.enqueue_indirect_dma source(%arg8 : memref<128x64xf32, #tpu.memory_space<vmem>>) target(%dma_start3A_688 : memref<10240x64xf32, #tpu.memory_space<vmem_shared>>) offsets(%dma_start3A_685 : memref<128xi32, #tpu.memory_space<vmem>>) semaphore(%arg18 : memref<!tpu.dma_semaphore, #tpu.memory_space<semaphore_mem>>) {add = true}
    }
    %scan3A_217 = arith.constant 9 : i32
    %dma_wait3A_218 = arith.constant 0 : i32
    %dma_wait3A_219 = arith.constant 0 : i32
    %dma_wait3A_220 = tpu.memref_slice %arg6[%dma_wait3A_218, %dma_wait3A_219] : memref<40x128xi32, #tpu.memory_space<vmem>> -> memref<1x128xi32, #tpu.memory_space<vmem>>
    %dma_wait3A_221 = tpu.memref_squeeze %dma_wait3A_220 : memref<1x128xi32, #tpu.memory_space<vmem>> -> memref<128xi32, #tpu.memory_space<vmem>>
    %dma_wait3A_222 = arith.constant 0 : i32
    %dma_wait3A_223 = arith.constant 0 : i32
    %dma_wait3A_224 = tpu.memref_slice %arg12[%dma_wait3A_222, %dma_wait3A_223] : memref<10240x64xf32, #tpu.memory_space<vmem_shared>> -> memref<10240x64xf32, #tpu.memory_space<vmem_shared>>
    tpu.wait_indirect_dma semaphore(%arg17 : memref<!tpu.dma_semaphore, #tpu.memory_space<semaphore_mem>>) src(%arg7 : memref<128x64xf32, #tpu.memory_space<vmem>>) dst(%dma_wait3A_224 : memref<10240x64xf32, #tpu.memory_space<vmem_shared>>)
    %dma_wait3A_225 = arith.constant 0 : i32
    %dma_wait3A_226 = arith.constant 0 : i32
    %dma_wait3A_227 = tpu.memref_slice %arg5[%dma_wait3A_225, %dma_wait3A_226] : memref<40x128xi32, #tpu.memory_space<vmem>> -> memref<1x128xi32, #tpu.memory_space<vmem>>
    %dma_wait3A_228 = tpu.memref_squeeze %dma_wait3A_227 : memref<1x128xi32, #tpu.memory_space<vmem>> -> memref<128xi32, #tpu.memory_space<vmem>>
    %dma_wait3A_229 = arith.constant 0 : i32
    %dma_wait3A_230 = arith.constant 0 : i32
    %dma_wait3A_231 = tpu.memref_slice %arg11[%dma_wait3A_229, %dma_wait3A_230] : memref<10240x64xf32, #tpu.memory_space<vmem_shared>> -> memref<10240x64xf32, #tpu.memory_space<vmem_shared>>
    tpu.wait_indirect_dma semaphore(%arg15 : memref<!tpu.dma_semaphore, #tpu.memory_space<semaphore_mem>>) src(%dma_wait3A_231 : memref<10240x64xf32, #tpu.memory_space<vmem_shared>>) dst(%arg9 : memref<128x64xf32, #tpu.memory_space<vmem>>)
    %dma_start3A_232 = arith.constant 38 : i32
    %dma_start3A_233 = arith.constant 0 : i32
    %dma_start3A_234 = tpu.memref_slice %arg6[%dma_start3A_232, %dma_start3A_233] : memref<40x128xi32, #tpu.memory_space<vmem>> -> memref<1x128xi32, #tpu.memory_space<vmem>>
    %dma_start3A_235 = tpu.memref_squeeze %dma_start3A_234 : memref<1x128xi32, #tpu.memory_space<vmem>> -> memref<128xi32, #tpu.memory_space<vmem>>
    %dma_start3A_236 = arith.constant 0 : i32
    %dma_start3A_237 = arith.constant 0 : i32
    %dma_start3A_238 = tpu.memref_slice %arg12[%dma_start3A_236, %dma_start3A_237] : memref<10240x64xf32, #tpu.memory_space<vmem_shared>> -> memref<10240x64xf32, #tpu.memory_space<vmem_shared>>
    tpu.enqueue_indirect_dma source(%arg9 : memref<128x64xf32, #tpu.memory_space<vmem>>) target(%dma_start3A_238 : memref<10240x64xf32, #tpu.memory_space<vmem_shared>>) offsets(%dma_start3A_235 : memref<128xi32, #tpu.memory_space<vmem>>) semaphore(%arg19 : memref<!tpu.dma_semaphore, #tpu.memory_space<semaphore_mem>>) {add = true}
    %dma_wait3A_239 = arith.constant 0 : i32
    %dma_wait3A_240 = arith.constant 0 : i32
    %dma_wait3A_241 = tpu.memref_slice %arg6[%dma_wait3A_239, %dma_wait3A_240] : memref<40x128xi32, #tpu.memory_space<vmem>> -> memref<1x128xi32, #tpu.memory_space<vmem>>
    %dma_wait3A_242 = tpu.memref_squeeze %dma_wait3A_241 : memref<1x128xi32, #tpu.memory_space<vmem>> -> memref<128xi32, #tpu.memory_space<vmem>>
    %dma_wait3A_243 = arith.constant 0 : i32
    %dma_wait3A_244 = arith.constant 0 : i32
    %dma_wait3A_245 = tpu.memref_slice %arg12[%dma_wait3A_243, %dma_wait3A_244] : memref<10240x64xf32, #tpu.memory_space<vmem_shared>> -> memref<10240x64xf32, #tpu.memory_space<vmem_shared>>
    tpu.wait_indirect_dma semaphore(%arg18 : memref<!tpu.dma_semaphore, #tpu.memory_space<semaphore_mem>>) src(%arg8 : memref<128x64xf32, #tpu.memory_space<vmem>>) dst(%dma_wait3A_245 : memref<10240x64xf32, #tpu.memory_space<vmem_shared>>)
    %dma_wait3A_246 = arith.constant 0 : i32
    %dma_wait3A_247 = arith.constant 0 : i32
    %dma_wait3A_248 = tpu.memref_slice %arg5[%dma_wait3A_246, %dma_wait3A_247] : memref<40x128xi32, #tpu.memory_space<vmem>> -> memref<1x128xi32, #tpu.memory_space<vmem>>
    %dma_wait3A_249 = tpu.memref_squeeze %dma_wait3A_248 : memref<1x128xi32, #tpu.memory_space<vmem>> -> memref<128xi32, #tpu.memory_space<vmem>>
    %dma_wait3A_250 = arith.constant 0 : i32
    %dma_wait3A_251 = arith.constant 0 : i32
    %dma_wait3A_252 = tpu.memref_slice %arg11[%dma_wait3A_250, %dma_wait3A_251] : memref<10240x64xf32, #tpu.memory_space<vmem_shared>> -> memref<10240x64xf32, #tpu.memory_space<vmem_shared>>
    tpu.wait_indirect_dma semaphore(%arg16 : memref<!tpu.dma_semaphore, #tpu.memory_space<semaphore_mem>>) src(%dma_wait3A_252 : memref<10240x64xf32, #tpu.memory_space<vmem_shared>>) dst(%arg10 : memref<128x64xf32, #tpu.memory_space<vmem>>)
    %dma_start3A_253 = arith.constant 39 : i32
    %dma_start3A_254 = arith.constant 0 : i32
    %dma_start3A_255 = tpu.memref_slice %arg6[%dma_start3A_253, %dma_start3A_254] : memref<40x128xi32, #tpu.memory_space<vmem>> -> memref<1x128xi32, #tpu.memory_space<vmem>>
    %dma_start3A_256 = tpu.memref_squeeze %dma_start3A_255 : memref<1x128xi32, #tpu.memory_space<vmem>> -> memref<128xi32, #tpu.memory_space<vmem>>
    %dma_start3A_257 = arith.constant 0 : i32
    %dma_start3A_258 = arith.constant 0 : i32
    %dma_start3A_259 = tpu.memref_slice %arg12[%dma_start3A_257, %dma_start3A_258] : memref<10240x64xf32, #tpu.memory_space<vmem_shared>> -> memref<10240x64xf32, #tpu.memory_space<vmem_shared>>
    tpu.enqueue_indirect_dma source(%arg10 : memref<128x64xf32, #tpu.memory_space<vmem>>) target(%dma_start3A_259 : memref<10240x64xf32, #tpu.memory_space<vmem_shared>>) offsets(%dma_start3A_256 : memref<128xi32, #tpu.memory_space<vmem>>) semaphore(%arg20 : memref<!tpu.dma_semaphore, #tpu.memory_space<semaphore_mem>>) {add = true}
    %dma_wait3A_260 = arith.constant 0 : i32
    %dma_wait3A_261 = arith.constant 0 : i32
    %dma_wait3A_262 = tpu.memref_slice %arg6[%dma_wait3A_260, %dma_wait3A_261] : memref<40x128xi32, #tpu.memory_space<vmem>> -> memref<1x128xi32, #tpu.memory_space<vmem>>
    %dma_wait3A_263 = tpu.memref_squeeze %dma_wait3A_262 : memref<1x128xi32, #tpu.memory_space<vmem>> -> memref<128xi32, #tpu.memory_space<vmem>>
    %dma_wait3A_264 = arith.constant 0 : i32
    %dma_wait3A_265 = arith.constant 0 : i32
    %dma_wait3A_266 = tpu.memref_slice %arg12[%dma_wait3A_264, %dma_wait3A_265] : memref<10240x64xf32, #tpu.memory_space<vmem_shared>> -> memref<10240x64xf32, #tpu.memory_space<vmem_shared>>
    tpu.wait_indirect_dma semaphore(%arg19 : memref<!tpu.dma_semaphore, #tpu.memory_space<semaphore_mem>>) src(%arg9 : memref<128x64xf32, #tpu.memory_space<vmem>>) dst(%dma_wait3A_266 : memref<10240x64xf32, #tpu.memory_space<vmem_shared>>)
    %dma_wait3A_267 = arith.constant 0 : i32
    %dma_wait3A_268 = arith.constant 0 : i32
    %dma_wait3A_269 = tpu.memref_slice %arg6[%dma_wait3A_267, %dma_wait3A_268] : memref<40x128xi32, #tpu.memory_space<vmem>> -> memref<1x128xi32, #tpu.memory_space<vmem>>
    %dma_wait3A_270 = tpu.memref_squeeze %dma_wait3A_269 : memref<1x128xi32, #tpu.memory_space<vmem>> -> memref<128xi32, #tpu.memory_space<vmem>>
    %dma_wait3A_271 = arith.constant 0 : i32
    %dma_wait3A_272 = arith.constant 0 : i32
    %dma_wait3A_273 = tpu.memref_slice %arg12[%dma_wait3A_271, %dma_wait3A_272] : memref<10240x64xf32, #tpu.memory_space<vmem_shared>> -> memref<10240x64xf32, #tpu.memory_space<vmem_shared>>
    tpu.wait_indirect_dma semaphore(%arg20 : memref<!tpu.dma_semaphore, #tpu.memory_space<semaphore_mem>>) src(%arg10 : memref<128x64xf32, #tpu.memory_space<vmem>>) dst(%dma_wait3A_273 : memref<10240x64xf32, #tpu.memory_space<vmem_shared>>)
    %barrier3A_274 = arith.constant 0 : index
    tpu.barrier barrier_id(%barrier3A_274)
    "tpu.region"() ({
      %run_scoped3A_556 = tpu.sem_alloc : memref<!tpu.dma_semaphore, #tpu.memory_space<semaphore_mem>>
      %dma_start3A_557 = arith.constant 0 : i32
      %dma_start3A_558 = arith.constant 0 : i32
      %dma_start3A_559 = tpu.memref_slice %arg4[%add3A_3, %dma_start3A_557, %dma_start3A_558] : memref<4x10240x64xf32, #tpu.memory_space<hbm>> -> memref<1x10240x64xf32, #tpu.memory_space<hbm>>
      %dma_start3A_560 = tpu.memref_squeeze %dma_start3A_559 : memref<1x10240x64xf32, #tpu.memory_space<hbm>> -> memref<10240x64xf32, #tpu.memory_space<hbm>>
      %dma_start3A_561 = arith.constant 0 : i32
      %dma_start3A_562 = tpu.memref_slice %dma_start3A_560[%mul3A_0, %dma_start3A_561] : memref<10240x64xf32, #tpu.memory_space<hbm>> -> memref<640x64xf32, #tpu.memory_space<hbm>>
      %dma_start3A_563 = arith.constant 0 : i32
      %dma_start3A_564 = tpu.memref_slice %arg12[%mul3A_0, %dma_start3A_563] : memref<10240x64xf32, #tpu.memory_space<vmem_shared>> -> memref<640x64xf32, #tpu.memory_space<vmem_shared>>
      tpu.enqueue_dma source(%dma_start3A_564 : memref<640x64xf32, #tpu.memory_space<vmem_shared>>) target(%dma_start3A_562 : memref<640x64xf32, #tpu.memory_space<hbm>>) target_semaphore(%run_scoped3A_556 : memref<!tpu.dma_semaphore, #tpu.memory_space<semaphore_mem>>)
      %dma_wait3A_565 = arith.constant 0 : i32
      %dma_wait3A_566 = arith.constant 0 : i32
      %dma_wait3A_567 = tpu.memref_slice %arg4[%add3A_3, %dma_wait3A_565, %dma_wait3A_566] : memref<4x10240x64xf32, #tpu.memory_space<hbm>> -> memref<1x10240x64xf32, #tpu.memory_space<hbm>>
      %dma_wait3A_568 = tpu.memref_squeeze %dma_wait3A_567 : memref<1x10240x64xf32, #tpu.memory_space<hbm>> -> memref<10240x64xf32, #tpu.memory_space<hbm>>
      %dma_wait3A_569 = arith.constant 0 : i32
      %dma_wait3A_570 = tpu.memref_slice %dma_wait3A_568[%mul3A_0, %dma_wait3A_569] : memref<10240x64xf32, #tpu.memory_space<hbm>> -> memref<640x64xf32, #tpu.memory_space<hbm>>
      %dma_wait3A_571 = arith.constant 0 : i32
      %dma_wait3A_572 = tpu.memref_slice %arg12[%mul3A_0, %dma_wait3A_571] : memref<10240x64xf32, #tpu.memory_space<vmem_shared>> -> memref<640x64xf32, #tpu.memory_space<vmem_shared>>
      tpu.wait_dma2 semaphore(%run_scoped3A_556 : memref<!tpu.dma_semaphore, #tpu.memory_space<semaphore_mem>>) src(%dma_wait3A_572 : memref<640x64xf32, #tpu.memory_space<vmem_shared>>) dst(%dma_wait3A_570 : memref<640x64xf32, #tpu.memory_space<hbm>>)
      tpu.yield
    }) : () -> ()
    %barrier3A_275 = arith.constant 0 : index
    tpu.barrier barrier_id(%barrier3A_275)
    %mul3A_276 = arith.constant 2 : i32
    %mul3A_277 = arith.muli %mul3A_276, %arg0 : i32
    %add3A_278 = arith.constant 1 : i32
    %add3A_279 = arith.addi %mul3A_277, %add3A_278 : i32
    %scan3A_280 = arith.constant 0 : i32
    %scan3A_281 = arith.constant 0 : i32
    %scan3A_282 = arith.constant 128 : i32
    %scan3A_283 = arith.addi %scan3A_281, %scan3A_282 : i32
    %scan3A_284 = arith.constant 1 : i32
    scf.for %scan3A_556 = %scan3A_281 to %scan3A_283 step %scan3A_284  : i32 {
      %broadcast_in_dim3A = arith.constant 0.000000e+00 : f32
      %broadcast_in_dim3A_557 = vector.broadcast %broadcast_in_dim3A : f32 to vector<16xf32>
      %swap3A = arith.index_cast %scan3A_556 : i32 to index
      %swap3A_558 = arith.constant 0 : index
      %swap3A_559 = tpu.vector_load %arg7[%swap3A, %swap3A_558] {strides = array<i32>} : memref<128x64xf32, #tpu.memory_space<vmem>>, vector<1x16xf32>,
      %swap3A_560 = vector.shape_cast %swap3A_559 : vector<1x16xf32> to vector<16xf32>
      %swap3A_561 = vector.shape_cast %broadcast_in_dim3A_557 : vector<16xf32> to vector<1x16xf32>
      tpu.vector_store %arg7[%swap3A, %swap3A_558], %swap3A_561 {strides = array<i32>} : memref<128x64xf32, #tpu.memory_space<vmem>>, vector<1x16xf32>,
      %broadcast_in_dim3A_562 = arith.constant 0.000000e+00 : f32
      %broadcast_in_dim3A_563 = vector.broadcast %broadcast_in_dim3A_562 : f32 to vector<16xf32>
      %swap3A_564 = arith.index_cast %scan3A_556 : i32 to index
      %swap3A_565 = arith.constant 16 : index
      %swap3A_566 = tpu.vector_load %arg7[%swap3A_564, %swap3A_565] {strides = array<i32>} : memref<128x64xf32, #tpu.memory_space<vmem>>, vector<1x16xf32>,
      %swap3A_567 = vector.shape_cast %swap3A_566 : vector<1x16xf32> to vector<16xf32>
      %swap3A_568 = vector.shape_cast %broadcast_in_dim3A_563 : vector<16xf32> to vector<1x16xf32>
      tpu.vector_store %arg7[%swap3A_564, %swap3A_565], %swap3A_568 {strides = array<i32>} : memref<128x64xf32, #tpu.memory_space<vmem>>, vector<1x16xf32>,
      %broadcast_in_dim3A_569 = arith.constant 0.000000e+00 : f32
      %broadcast_in_dim3A_570 = vector.broadcast %broadcast_in_dim3A_569 : f32 to vector<16xf32>
      %swap3A_571 = arith.index_cast %scan3A_556 : i32 to index
      %swap3A_572 = arith.constant 32 : index
      %swap3A_573 = tpu.vector_load %arg7[%swap3A_571, %swap3A_572] {strides = array<i32>} : memref<128x64xf32, #tpu.memory_space<vmem>>, vector<1x16xf32>,
      %swap3A_574 = vector.shape_cast %swap3A_573 : vector<1x16xf32> to vector<16xf32>
      %swap3A_575 = vector.shape_cast %broadcast_in_dim3A_570 : vector<16xf32> to vector<1x16xf32>
      tpu.vector_store %arg7[%swap3A_571, %swap3A_572], %swap3A_575 {strides = array<i32>} : memref<128x64xf32, #tpu.memory_space<vmem>>, vector<1x16xf32>,
      %broadcast_in_dim3A_576 = arith.constant 0.000000e+00 : f32
      %broadcast_in_dim3A_577 = vector.broadcast %broadcast_in_dim3A_576 : f32 to vector<16xf32>
      %swap3A_578 = arith.index_cast %scan3A_556 : i32 to index
      %swap3A_579 = arith.constant 48 : index
      %swap3A_580 = tpu.vector_load %arg7[%swap3A_578, %swap3A_579] {strides = array<i32>} : memref<128x64xf32, #tpu.memory_space<vmem>>, vector<1x16xf32>,
      %swap3A_581 = vector.shape_cast %swap3A_580 : vector<1x16xf32> to vector<16xf32>
      %swap3A_582 = vector.shape_cast %broadcast_in_dim3A_577 : vector<16xf32> to vector<1x16xf32>
      tpu.vector_store %arg7[%swap3A_578, %swap3A_579], %swap3A_582 {strides = array<i32>} : memref<128x64xf32, #tpu.memory_space<vmem>>, vector<1x16xf32>,
    }
    %scan3A_285 = arith.constant 128 : i32
    %mul3A_286 = arith.constant 640 : i32
    %mul3A_287 = arith.muli %arg1, %mul3A_286 : i32
    %add3A_288 = arith.constant 0 : i32
    %add3A_289 = arith.addi %mul3A_287, %add3A_288 : i32
    "tpu.region"() ({
      %run_scoped3A_556 = tpu.sem_alloc : memref<!tpu.dma_semaphore, #tpu.memory_space<semaphore_mem>>
      %dma_start3A_557 = arith.constant 0 : i32
      %dma_start3A_558 = tpu.memref_slice %arg12[%add3A_289, %dma_start3A_557] : memref<10240x64xf32, #tpu.memory_space<vmem_shared>> -> memref<128x64xf32, #tpu.memory_space<vmem_shared>>
      %dma_start3A_559 = arith.constant 0 : i32
      %dma_start3A_560 = tpu.memref_slice %arg12[%add3A_289, %dma_start3A_559] : memref<10240x64xf32, #tpu.memory_space<vmem_shared>> -> memref<128x64xf32, #tpu.memory_space<vmem_shared>>
      tpu.enqueue_dma source(%arg7 : memref<128x64xf32, #tpu.memory_space<vmem>>) target(%dma_start3A_560 : memref<128x64xf32, #tpu.memory_space<vmem_shared>>) target_semaphore(%run_scoped3A_556 : memref<!tpu.dma_semaphore, #tpu.memory_space<semaphore_mem>>)
      %dma_wait3A_561 = arith.constant 0 : i32
      %dma_wait3A_562 = tpu.memref_slice %arg12[%add3A_289, %dma_wait3A_561] : memref<10240x64xf32, #tpu.memory_space<vmem_shared>> -> memref<128x64xf32, #tpu.memory_space<vmem_shared>>
      %dma_wait3A_563 = arith.constant 0 : i32
      %dma_wait3A_564 = tpu.memref_slice %arg12[%add3A_289, %dma_wait3A_563] : memref<10240x64xf32, #tpu.memory_space<vmem_shared>> -> memref<128x64xf32, #tpu.memory_space<vmem_shared>>
      tpu.wait_dma2 semaphore(%run_scoped3A_556 : memref<!tpu.dma_semaphore, #tpu.memory_space<semaphore_mem>>) src(%arg7 : memref<128x64xf32, #tpu.memory_space<vmem>>) dst(%dma_wait3A_564 : memref<128x64xf32, #tpu.memory_space<vmem_shared>>)
      tpu.yield
    }) : () -> ()
    %mul3A_290 = arith.constant 640 : i32
    %mul3A_291 = arith.muli %arg1, %mul3A_290 : i32
    %add3A_292 = arith.constant 128 : i32
    %add3A_293 = arith.addi %mul3A_291, %add3A_292 : i32
    "tpu.region"() ({
      %run_scoped3A_556 = tpu.sem_alloc : memref<!tpu.dma_semaphore, #tpu.memory_space<semaphore_mem>>
      %dma_start3A_557 = arith.constant 0 : i32
      %dma_start3A_558 = tpu.memref_slice %arg12[%add3A_293, %dma_start3A_557] : memref<10240x64xf32, #tpu.memory_space<vmem_shared>> -> memref<128x64xf32, #tpu.memory_space<vmem_shared>>
      %dma_start3A_559 = arith.constant 0 : i32
      %dma_start3A_560 = tpu.memref_slice %arg12[%add3A_293, %dma_start3A_559] : memref<10240x64xf32, #tpu.memory_space<vmem_shared>> -> memref<128x64xf32, #tpu.memory_space<vmem_shared>>
      tpu.enqueue_dma source(%arg7 : memref<128x64xf32, #tpu.memory_space<vmem>>) target(%dma_start3A_560 : memref<128x64xf32, #tpu.memory_space<vmem_shared>>) target_semaphore(%run_scoped3A_556 : memref<!tpu.dma_semaphore, #tpu.memory_space<semaphore_mem>>)
      %dma_wait3A_561 = arith.constant 0 : i32
      %dma_wait3A_562 = tpu.memref_slice %arg12[%add3A_293, %dma_wait3A_561] : memref<10240x64xf32, #tpu.memory_space<vmem_shared>> -> memref<128x64xf32, #tpu.memory_space<vmem_shared>>
      %dma_wait3A_563 = arith.constant 0 : i32
      %dma_wait3A_564 = tpu.memref_slice %arg12[%add3A_293, %dma_wait3A_563] : memref<10240x64xf32, #tpu.memory_space<vmem_shared>> -> memref<128x64xf32, #tpu.memory_space<vmem_shared>>
      tpu.wait_dma2 semaphore(%run_scoped3A_556 : memref<!tpu.dma_semaphore, #tpu.memory_space<semaphore_mem>>) src(%arg7 : memref<128x64xf32, #tpu.memory_space<vmem>>) dst(%dma_wait3A_564 : memref<128x64xf32, #tpu.memory_space<vmem_shared>>)
      tpu.yield
    }) : () -> ()
    %mul3A_294 = arith.constant 640 : i32
    %mul3A_295 = arith.muli %arg1, %mul3A_294 : i32
    %add3A_296 = arith.constant 256 : i32
    %add3A_297 = arith.addi %mul3A_295, %add3A_296 : i32
    "tpu.region"() ({
      %run_scoped3A_556 = tpu.sem_alloc : memref<!tpu.dma_semaphore, #tpu.memory_space<semaphore_mem>>
      %dma_start3A_557 = arith.constant 0 : i32
      %dma_start3A_558 = tpu.memref_slice %arg12[%add3A_297, %dma_start3A_557] : memref<10240x64xf32, #tpu.memory_space<vmem_shared>> -> memref<128x64xf32, #tpu.memory_space<vmem_shared>>
      %dma_start3A_559 = arith.constant 0 : i32
      %dma_start3A_560 = tpu.memref_slice %arg12[%add3A_297, %dma_start3A_559] : memref<10240x64xf32, #tpu.memory_space<vmem_shared>> -> memref<128x64xf32, #tpu.memory_space<vmem_shared>>
      tpu.enqueue_dma source(%arg7 : memref<128x64xf32, #tpu.memory_space<vmem>>) target(%dma_start3A_560 : memref<128x64xf32, #tpu.memory_space<vmem_shared>>) target_semaphore(%run_scoped3A_556 : memref<!tpu.dma_semaphore, #tpu.memory_space<semaphore_mem>>)
      %dma_wait3A_561 = arith.constant 0 : i32
      %dma_wait3A_562 = tpu.memref_slice %arg12[%add3A_297, %dma_wait3A_561] : memref<10240x64xf32, #tpu.memory_space<vmem_shared>> -> memref<128x64xf32, #tpu.memory_space<vmem_shared>>
      %dma_wait3A_563 = arith.constant 0 : i32
      %dma_wait3A_564 = tpu.memref_slice %arg12[%add3A_297, %dma_wait3A_563] : memref<10240x64xf32, #tpu.memory_space<vmem_shared>> -> memref<128x64xf32, #tpu.memory_space<vmem_shared>>
      tpu.wait_dma2 semaphore(%run_scoped3A_556 : memref<!tpu.dma_semaphore, #tpu.memory_space<semaphore_mem>>) src(%arg7 : memref<128x64xf32, #tpu.memory_space<vmem>>) dst(%dma_wait3A_564 : memref<128x64xf32, #tpu.memory_space<vmem_shared>>)
      tpu.yield
    }) : () -> ()
    %mul3A_298 = arith.constant 640 : i32
    %mul3A_299 = arith.muli %arg1, %mul3A_298 : i32
    %add3A_300 = arith.constant 384 : i32
    %add3A_301 = arith.addi %mul3A_299, %add3A_300 : i32
    "tpu.region"() ({
      %run_scoped3A_556 = tpu.sem_alloc : memref<!tpu.dma_semaphore, #tpu.memory_space<semaphore_mem>>
      %dma_start3A_557 = arith.constant 0 : i32
      %dma_start3A_558 = tpu.memref_slice %arg12[%add3A_301, %dma_start3A_557] : memref<10240x64xf32, #tpu.memory_space<vmem_shared>> -> memref<128x64xf32, #tpu.memory_space<vmem_shared>>
      %dma_start3A_559 = arith.constant 0 : i32
      %dma_start3A_560 = tpu.memref_slice %arg12[%add3A_301, %dma_start3A_559] : memref<10240x64xf32, #tpu.memory_space<vmem_shared>> -> memref<128x64xf32, #tpu.memory_space<vmem_shared>>
      tpu.enqueue_dma source(%arg7 : memref<128x64xf32, #tpu.memory_space<vmem>>) target(%dma_start3A_560 : memref<128x64xf32, #tpu.memory_space<vmem_shared>>) target_semaphore(%run_scoped3A_556 : memref<!tpu.dma_semaphore, #tpu.memory_space<semaphore_mem>>)
      %dma_wait3A_561 = arith.constant 0 : i32
      %dma_wait3A_562 = tpu.memref_slice %arg12[%add3A_301, %dma_wait3A_561] : memref<10240x64xf32, #tpu.memory_space<vmem_shared>> -> memref<128x64xf32, #tpu.memory_space<vmem_shared>>
      %dma_wait3A_563 = arith.constant 0 : i32
      %dma_wait3A_564 = tpu.memref_slice %arg12[%add3A_301, %dma_wait3A_563] : memref<10240x64xf32, #tpu.memory_space<vmem_shared>> -> memref<128x64xf32, #tpu.memory_space<vmem_shared>>
      tpu.wait_dma2 semaphore(%run_scoped3A_556 : memref<!tpu.dma_semaphore, #tpu.memory_space<semaphore_mem>>) src(%arg7 : memref<128x64xf32, #tpu.memory_space<vmem>>) dst(%dma_wait3A_564 : memref<128x64xf32, #tpu.memory_space<vmem_shared>>)
      tpu.yield
    }) : () -> ()
    %mul3A_302 = arith.constant 640 : i32
    %mul3A_303 = arith.muli %arg1, %mul3A_302 : i32
    %add3A_304 = arith.constant 512 : i32
    %add3A_305 = arith.addi %mul3A_303, %add3A_304 : i32
    "tpu.region"() ({
      %run_scoped3A_556 = tpu.sem_alloc : memref<!tpu.dma_semaphore, #tpu.memory_space<semaphore_mem>>
      %dma_start3A_557 = arith.constant 0 : i32
      %dma_start3A_558 = tpu.memref_slice %arg12[%add3A_305, %dma_start3A_557] : memref<10240x64xf32, #tpu.memory_space<vmem_shared>> -> memref<128x64xf32, #tpu.memory_space<vmem_shared>>
      %dma_start3A_559 = arith.constant 0 : i32
      %dma_start3A_560 = tpu.memref_slice %arg12[%add3A_305, %dma_start3A_559] : memref<10240x64xf32, #tpu.memory_space<vmem_shared>> -> memref<128x64xf32, #tpu.memory_space<vmem_shared>>
      tpu.enqueue_dma source(%arg7 : memref<128x64xf32, #tpu.memory_space<vmem>>) target(%dma_start3A_560 : memref<128x64xf32, #tpu.memory_space<vmem_shared>>) target_semaphore(%run_scoped3A_556 : memref<!tpu.dma_semaphore, #tpu.memory_space<semaphore_mem>>)
      %dma_wait3A_561 = arith.constant 0 : i32
      %dma_wait3A_562 = tpu.memref_slice %arg12[%add3A_305, %dma_wait3A_561] : memref<10240x64xf32, #tpu.memory_space<vmem_shared>> -> memref<128x64xf32, #tpu.memory_space<vmem_shared>>
      %dma_wait3A_563 = arith.constant 0 : i32
      %dma_wait3A_564 = tpu.memref_slice %arg12[%add3A_305, %dma_wait3A_563] : memref<10240x64xf32, #tpu.memory_space<vmem_shared>> -> memref<128x64xf32, #tpu.memory_space<vmem_shared>>
      tpu.wait_dma2 semaphore(%run_scoped3A_556 : memref<!tpu.dma_semaphore, #tpu.memory_space<semaphore_mem>>) src(%arg7 : memref<128x64xf32, #tpu.memory_space<vmem>>) dst(%dma_wait3A_564 : memref<128x64xf32, #tpu.memory_space<vmem_shared>>)
      tpu.yield
    }) : () -> ()
    "tpu.region"() ({
      %run_scoped3A_556 = tpu.sem_alloc : memref<!tpu.dma_semaphore, #tpu.memory_space<semaphore_mem>>
      %dma_start3A_557 = arith.constant 0 : i32
      %dma_start3A_558 = tpu.memref_slice %arg11[%mul3A_0, %dma_start3A_557] : memref<10240x64xf32, #tpu.memory_space<vmem_shared>> -> memref<640x64xf32, #tpu.memory_space<vmem_shared>>
      %dma_start3A_559 = arith.constant 0 : i32
      %dma_start3A_560 = arith.constant 0 : i32
      %dma_start3A_561 = tpu.memref_slice %arg3[%add3A_279, %dma_start3A_559, %dma_start3A_560] : memref<4x10240x64xf32, #tpu.memory_space<hbm>> -> memref<1x10240x64xf32, #tpu.memory_space<hbm>>
      %dma_start3A_562 = tpu.memref_squeeze %dma_start3A_561 : memref<1x10240x64xf32, #tpu.memory_space<hbm>> -> memref<10240x64xf32, #tpu.memory_space<hbm>>
      %dma_start3A_563 = arith.constant 0 : i32
      %dma_start3A_564 = tpu.memref_slice %dma_start3A_562[%mul3A_0, %dma_start3A_563] : memref<10240x64xf32, #tpu.memory_space<hbm>> -> memref<640x64xf32, #tpu.memory_space<hbm>>
      tpu.enqueue_dma source(%dma_start3A_564 : memref<640x64xf32, #tpu.memory_space<hbm>>) target(%dma_start3A_558 : memref<640x64xf32, #tpu.memory_space<vmem_shared>>) target_semaphore(%run_scoped3A_556 : memref<!tpu.dma_semaphore, #tpu.memory_space<semaphore_mem>>)
      %dma_wait3A_565 = arith.constant 0 : i32
      %dma_wait3A_566 = tpu.memref_slice %arg11[%mul3A_0, %dma_wait3A_565] : memref<10240x64xf32, #tpu.memory_space<vmem_shared>> -> memref<640x64xf32, #tpu.memory_space<vmem_shared>>
      %dma_wait3A_567 = arith.constant 0 : i32
      %dma_wait3A_568 = arith.constant 0 : i32
      %dma_wait3A_569 = tpu.memref_slice %arg3[%add3A_279, %dma_wait3A_567, %dma_wait3A_568] : memref<4x10240x64xf32, #tpu.memory_space<hbm>> -> memref<1x10240x64xf32, #tpu.memory_space<hbm>>
      %dma_wait3A_570 = tpu.memref_squeeze %dma_wait3A_569 : memref<1x10240x64xf32, #tpu.memory_space<hbm>> -> memref<10240x64xf32, #tpu.memory_space<hbm>>
      %dma_wait3A_571 = arith.constant 0 : i32
      %dma_wait3A_572 = tpu.memref_slice %dma_wait3A_570[%mul3A_0, %dma_wait3A_571] : memref<10240x64xf32, #tpu.memory_space<hbm>> -> memref<640x64xf32, #tpu.memory_space<hbm>>
      tpu.wait_dma2 semaphore(%run_scoped3A_556 : memref<!tpu.dma_semaphore, #tpu.memory_space<semaphore_mem>>) src(%dma_wait3A_572 : memref<640x64xf32, #tpu.memory_space<hbm>>) dst(%dma_wait3A_566 : memref<640x64xf32, #tpu.memory_space<vmem_shared>>)
      tpu.yield
    }) : () -> ()
    %barrier3A_306 = arith.constant 0 : index
    tpu.barrier barrier_id(%barrier3A_306)
    %mul3A_307 = arith.constant 80 : i32
    %mul3A_308 = arith.muli %arg1, %mul3A_307 : i32
    %add3A_309 = arith.constant 0 : i32
    %add3A_310 = arith.addi %mul3A_308, %add3A_309 : i32
    %run_scoped3A_311 = arith.constant 0 : i32
    "tpu.region"() ({
      %run_scoped3A_556 = tpu.sem_alloc : memref<!tpu.dma_semaphore, #tpu.memory_space<semaphore_mem>>
      %dma_start3A_557 = arith.constant 0 : i32
      %dma_start3A_558 = arith.constant 0 : i32
      %dma_start3A_559 = tpu.memref_slice %arg2[%run_scoped3A_311, %dma_start3A_557, %dma_start3A_558] : memref<2x1280x128xi32, #tpu.memory_space<hbm>> -> memref<1x1280x128xi32, #tpu.memory_space<hbm>>
      %dma_start3A_560 = tpu.memref_squeeze %dma_start3A_559 : memref<1x1280x128xi32, #tpu.memory_space<hbm>> -> memref<1280x128xi32, #tpu.memory_space<hbm>>
      %dma_start3A_561 = arith.constant 0 : i32
      %dma_start3A_562 = tpu.memref_slice %dma_start3A_560[%add3A_310, %dma_start3A_561] : memref<1280x128xi32, #tpu.memory_space<hbm>> -> memref<40x128xi32, #tpu.memory_space<hbm>>
      %dma_start3A_563 = arith.constant 0 : i32
      %dma_start3A_564 = arith.constant 0 : i32
      %dma_start3A_565 = tpu.memref_slice %arg2[%run_scoped3A_311, %dma_start3A_563, %dma_start3A_564] : memref<2x1280x128xi32, #tpu.memory_space<hbm>> -> memref<1x1280x128xi32, #tpu.memory_space<hbm>>
      %dma_start3A_566 = tpu.memref_squeeze %dma_start3A_565 : memref<1x1280x128xi32, #tpu.memory_space<hbm>> -> memref<1280x128xi32, #tpu.memory_space<hbm>>
      %dma_start3A_567 = arith.constant 0 : i32
      %dma_start3A_568 = tpu.memref_slice %dma_start3A_566[%add3A_310, %dma_start3A_567] : memref<1280x128xi32, #tpu.memory_space<hbm>> -> memref<40x128xi32, #tpu.memory_space<hbm>>
      tpu.enqueue_dma source(%dma_start3A_568 : memref<40x128xi32, #tpu.memory_space<hbm>>) target(%arg5 : memref<40x128xi32, #tpu.memory_space<vmem>>) target_semaphore(%run_scoped3A_556 : memref<!tpu.dma_semaphore, #tpu.memory_space<semaphore_mem>>)
      %dma_wait3A_569 = arith.constant 0 : i32
      %dma_wait3A_570 = arith.constant 0 : i32
      %dma_wait3A_571 = tpu.memref_slice %arg2[%run_scoped3A_311, %dma_wait3A_569, %dma_wait3A_570] : memref<2x1280x128xi32, #tpu.memory_space<hbm>> -> memref<1x1280x128xi32, #tpu.memory_space<hbm>>
      %dma_wait3A_572 = tpu.memref_squeeze %dma_wait3A_571 : memref<1x1280x128xi32, #tpu.memory_space<hbm>> -> memref<1280x128xi32, #tpu.memory_space<hbm>>
      %dma_wait3A_573 = arith.constant 0 : i32
      %dma_wait3A_574 = tpu.memref_slice %dma_wait3A_572[%add3A_310, %dma_wait3A_573] : memref<1280x128xi32, #tpu.memory_space<hbm>> -> memref<40x128xi32, #tpu.memory_space<hbm>>
      %dma_wait3A_575 = arith.constant 0 : i32
      %dma_wait3A_576 = arith.constant 0 : i32
      %dma_wait3A_577 = tpu.memref_slice %arg2[%run_scoped3A_311, %dma_wait3A_575, %dma_wait3A_576] : memref<2x1280x128xi32, #tpu.memory_space<hbm>> -> memref<1x1280x128xi32, #tpu.memory_space<hbm>>
      %dma_wait3A_578 = tpu.memref_squeeze %dma_wait3A_577 : memref<1x1280x128xi32, #tpu.memory_space<hbm>> -> memref<1280x128xi32, #tpu.memory_space<hbm>>
      %dma_wait3A_579 = arith.constant 0 : i32
      %dma_wait3A_580 = tpu.memref_slice %dma_wait3A_578[%add3A_310, %dma_wait3A_579] : memref<1280x128xi32, #tpu.memory_space<hbm>> -> memref<40x128xi32, #tpu.memory_space<hbm>>
      tpu.wait_dma2 semaphore(%run_scoped3A_556 : memref<!tpu.dma_semaphore, #tpu.memory_space<semaphore_mem>>) src(%dma_wait3A_580 : memref<40x128xi32, #tpu.memory_space<hbm>>) dst(%arg5 : memref<40x128xi32, #tpu.memory_space<vmem>>)
      tpu.yield
    }) : () -> ()
    %run_scoped3A_312 = arith.constant 1 : i32
    "tpu.region"() ({
      %run_scoped3A_556 = tpu.sem_alloc : memref<!tpu.dma_semaphore, #tpu.memory_space<semaphore_mem>>
      %dma_start3A_557 = arith.constant 0 : i32
      %dma_start3A_558 = arith.constant 0 : i32
      %dma_start3A_559 = tpu.memref_slice %arg2[%run_scoped3A_312, %dma_start3A_557, %dma_start3A_558] : memref<2x1280x128xi32, #tpu.memory_space<hbm>> -> memref<1x1280x128xi32, #tpu.memory_space<hbm>>
      %dma_start3A_560 = tpu.memref_squeeze %dma_start3A_559 : memref<1x1280x128xi32, #tpu.memory_space<hbm>> -> memref<1280x128xi32, #tpu.memory_space<hbm>>
      %dma_start3A_561 = arith.constant 0 : i32
      %dma_start3A_562 = tpu.memref_slice %dma_start3A_560[%add3A_310, %dma_start3A_561] : memref<1280x128xi32, #tpu.memory_space<hbm>> -> memref<40x128xi32, #tpu.memory_space<hbm>>
      %dma_start3A_563 = arith.constant 0 : i32
      %dma_start3A_564 = arith.constant 0 : i32
      %dma_start3A_565 = tpu.memref_slice %arg2[%run_scoped3A_312, %dma_start3A_563, %dma_start3A_564] : memref<2x1280x128xi32, #tpu.memory_space<hbm>> -> memref<1x1280x128xi32, #tpu.memory_space<hbm>>
      %dma_start3A_566 = tpu.memref_squeeze %dma_start3A_565 : memref<1x1280x128xi32, #tpu.memory_space<hbm>> -> memref<1280x128xi32, #tpu.memory_space<hbm>>
      %dma_start3A_567 = arith.constant 0 : i32
      %dma_start3A_568 = tpu.memref_slice %dma_start3A_566[%add3A_310, %dma_start3A_567] : memref<1280x128xi32, #tpu.memory_space<hbm>> -> memref<40x128xi32, #tpu.memory_space<hbm>>
      tpu.enqueue_dma source(%dma_start3A_568 : memref<40x128xi32, #tpu.memory_space<hbm>>) target(%arg6 : memref<40x128xi32, #tpu.memory_space<vmem>>) target_semaphore(%run_scoped3A_556 : memref<!tpu.dma_semaphore, #tpu.memory_space<semaphore_mem>>)
      %dma_wait3A_569 = arith.constant 0 : i32
      %dma_wait3A_570 = arith.constant 0 : i32
      %dma_wait3A_571 = tpu.memref_slice %arg2[%run_scoped3A_312, %dma_wait3A_569, %dma_wait3A_570] : memref<2x1280x128xi32, #tpu.memory_space<hbm>> -> memref<1x1280x128xi32, #tpu.memory_space<hbm>>
      %dma_wait3A_572 = tpu.memref_squeeze %dma_wait3A_571 : memref<1x1280x128xi32, #tpu.memory_space<hbm>> -> memref<1280x128xi32, #tpu.memory_space<hbm>>
      %dma_wait3A_573 = arith.constant 0 : i32
      %dma_wait3A_574 = tpu.memref_slice %dma_wait3A_572[%add3A_310, %dma_wait3A_573] : memref<1280x128xi32, #tpu.memory_space<hbm>> -> memref<40x128xi32, #tpu.memory_space<hbm>>
      %dma_wait3A_575 = arith.constant 0 : i32
      %dma_wait3A_576 = arith.constant 0 : i32
      %dma_wait3A_577 = tpu.memref_slice %arg2[%run_scoped3A_312, %dma_wait3A_575, %dma_wait3A_576] : memref<2x1280x128xi32, #tpu.memory_space<hbm>> -> memref<1x1280x128xi32, #tpu.memory_space<hbm>>
      %dma_wait3A_578 = tpu.memref_squeeze %dma_wait3A_577 : memref<1x1280x128xi32, #tpu.memory_space<hbm>> -> memref<1280x128xi32, #tpu.memory_space<hbm>>
      %dma_wait3A_579 = arith.constant 0 : i32
      %dma_wait3A_580 = tpu.memref_slice %dma_wait3A_578[%add3A_310, %dma_wait3A_579] : memref<1280x128xi32, #tpu.memory_space<hbm>> -> memref<40x128xi32, #tpu.memory_space<hbm>>
      tpu.wait_dma2 semaphore(%run_scoped3A_556 : memref<!tpu.dma_semaphore, #tpu.memory_space<semaphore_mem>>) src(%dma_wait3A_580 : memref<40x128xi32, #tpu.memory_space<hbm>>) dst(%arg6 : memref<40x128xi32, #tpu.memory_space<vmem>>)
      tpu.yield
    }) : () -> ()
    %dma_start3A_313 = arith.constant 0 : i32
    %dma_start3A_314 = arith.constant 0 : i32
    %dma_start3A_315 = tpu.memref_slice %arg5[%dma_start3A_313, %dma_start3A_314] : memref<40x128xi32, #tpu.memory_space<vmem>> -> memref<1x128xi32, #tpu.memory_space<vmem>>
    %dma_start3A_316 = tpu.memref_squeeze %dma_start3A_315 : memref<1x128xi32, #tpu.memory_space<vmem>> -> memref<128xi32, #tpu.memory_space<vmem>>
    %dma_start3A_317 = arith.constant 0 : i32
    %dma_start3A_318 = arith.constant 0 : i32
    %dma_start3A_319 = tpu.memref_slice %arg11[%dma_start3A_317, %dma_start3A_318] : memref<10240x64xf32, #tpu.memory_space<vmem_shared>> -> memref<10240x64xf32, #tpu.memory_space<vmem_shared>>
    tpu.enqueue_indirect_dma source(%dma_start3A_319 : memref<10240x64xf32, #tpu.memory_space<vmem_shared>>) target(%arg7 : memref<128x64xf32, #tpu.memory_space<vmem>>) offsets(%dma_start3A_316 : memref<128xi32, #tpu.memory_space<vmem>>) semaphore(%arg13 : memref<!tpu.dma_semaphore, #tpu.memory_space<semaphore_mem>>)
    %dma_start3A_320 = arith.constant 1 : i32
    %dma_start3A_321 = arith.constant 0 : i32
    %dma_start3A_322 = tpu.memref_slice %arg5[%dma_start3A_320, %dma_start3A_321] : memref<40x128xi32, #tpu.memory_space<vmem>> -> memref<1x128xi32, #tpu.memory_space<vmem>>
    %dma_start3A_323 = tpu.memref_squeeze %dma_start3A_322 : memref<1x128xi32, #tpu.memory_space<vmem>> -> memref<128xi32, #tpu.memory_space<vmem>>
    %dma_start3A_324 = arith.constant 0 : i32
    %dma_start3A_325 = arith.constant 0 : i32
    %dma_start3A_326 = tpu.memref_slice %arg11[%dma_start3A_324, %dma_start3A_325] : memref<10240x64xf32, #tpu.memory_space<vmem_shared>> -> memref<10240x64xf32, #tpu.memory_space<vmem_shared>>
    tpu.enqueue_indirect_dma source(%dma_start3A_326 : memref<10240x64xf32, #tpu.memory_space<vmem_shared>>) target(%arg8 : memref<128x64xf32, #tpu.memory_space<vmem>>) offsets(%dma_start3A_323 : memref<128xi32, #tpu.memory_space<vmem>>) semaphore(%arg14 : memref<!tpu.dma_semaphore, #tpu.memory_space<semaphore_mem>>)
    %dma_start3A_327 = arith.constant 2 : i32
    %dma_start3A_328 = arith.constant 0 : i32
    %dma_start3A_329 = tpu.memref_slice %arg5[%dma_start3A_327, %dma_start3A_328] : memref<40x128xi32, #tpu.memory_space<vmem>> -> memref<1x128xi32, #tpu.memory_space<vmem>>
    %dma_start3A_330 = tpu.memref_squeeze %dma_start3A_329 : memref<1x128xi32, #tpu.memory_space<vmem>> -> memref<128xi32, #tpu.memory_space<vmem>>
    %dma_start3A_331 = arith.constant 0 : i32
    %dma_start3A_332 = arith.constant 0 : i32
    %dma_start3A_333 = tpu.memref_slice %arg11[%dma_start3A_331, %dma_start3A_332] : memref<10240x64xf32, #tpu.memory_space<vmem_shared>> -> memref<10240x64xf32, #tpu.memory_space<vmem_shared>>
    tpu.enqueue_indirect_dma source(%dma_start3A_333 : memref<10240x64xf32, #tpu.memory_space<vmem_shared>>) target(%arg9 : memref<128x64xf32, #tpu.memory_space<vmem>>) offsets(%dma_start3A_330 : memref<128xi32, #tpu.memory_space<vmem>>) semaphore(%arg15 : memref<!tpu.dma_semaphore, #tpu.memory_space<semaphore_mem>>)
    %dma_wait3A_334 = arith.constant 0 : i32
    %dma_wait3A_335 = arith.constant 0 : i32
    %dma_wait3A_336 = tpu.memref_slice %arg5[%dma_wait3A_334, %dma_wait3A_335] : memref<40x128xi32, #tpu.memory_space<vmem>> -> memref<1x128xi32, #tpu.memory_space<vmem>>
    %dma_wait3A_337 = tpu.memref_squeeze %dma_wait3A_336 : memref<1x128xi32, #tpu.memory_space<vmem>> -> memref<128xi32, #tpu.memory_space<vmem>>
    %dma_wait3A_338 = arith.constant 0 : i32
    %dma_wait3A_339 = arith.constant 0 : i32
    %dma_wait3A_340 = tpu.memref_slice %arg11[%dma_wait3A_338, %dma_wait3A_339] : memref<10240x64xf32, #tpu.memory_space<vmem_shared>> -> memref<10240x64xf32, #tpu.memory_space<vmem_shared>>
    tpu.wait_indirect_dma semaphore(%arg13 : memref<!tpu.dma_semaphore, #tpu.memory_space<semaphore_mem>>) src(%dma_wait3A_340 : memref<10240x64xf32, #tpu.memory_space<vmem_shared>>) dst(%arg7 : memref<128x64xf32, #tpu.memory_space<vmem>>)
    %dma_start3A_341 = arith.constant 0 : i32
    %dma_start3A_342 = arith.constant 0 : i32
    %dma_start3A_343 = tpu.memref_slice %arg6[%dma_start3A_341, %dma_start3A_342] : memref<40x128xi32, #tpu.memory_space<vmem>> -> memref<1x128xi32, #tpu.memory_space<vmem>>
    %dma_start3A_344 = tpu.memref_squeeze %dma_start3A_343 : memref<1x128xi32, #tpu.memory_space<vmem>> -> memref<128xi32, #tpu.memory_space<vmem>>
    %dma_start3A_345 = arith.constant 0 : i32
    %dma_start3A_346 = arith.constant 0 : i32
    %dma_start3A_347 = tpu.memref_slice %arg12[%dma_start3A_345, %dma_start3A_346] : memref<10240x64xf32, #tpu.memory_space<vmem_shared>> -> memref<10240x64xf32, #tpu.memory_space<vmem_shared>>
    tpu.enqueue_indirect_dma source(%arg7 : memref<128x64xf32, #tpu.memory_space<vmem>>) target(%dma_start3A_347 : memref<10240x64xf32, #tpu.memory_space<vmem_shared>>) offsets(%dma_start3A_344 : memref<128xi32, #tpu.memory_space<vmem>>) semaphore(%arg17 : memref<!tpu.dma_semaphore, #tpu.memory_space<semaphore_mem>>) {add = true}
    %dma_start3A_348 = arith.constant 3 : i32
    %dma_start3A_349 = arith.constant 0 : i32
    %dma_start3A_350 = tpu.memref_slice %arg5[%dma_start3A_348, %dma_start3A_349] : memref<40x128xi32, #tpu.memory_space<vmem>> -> memref<1x128xi32, #tpu.memory_space<vmem>>
    %dma_start3A_351 = tpu.memref_squeeze %dma_start3A_350 : memref<1x128xi32, #tpu.memory_space<vmem>> -> memref<128xi32, #tpu.memory_space<vmem>>
    %dma_start3A_352 = arith.constant 0 : i32
    %dma_start3A_353 = arith.constant 0 : i32
    %dma_start3A_354 = tpu.memref_slice %arg11[%dma_start3A_352, %dma_start3A_353] : memref<10240x64xf32, #tpu.memory_space<vmem_shared>> -> memref<10240x64xf32, #tpu.memory_space<vmem_shared>>
    tpu.enqueue_indirect_dma source(%dma_start3A_354 : memref<10240x64xf32, #tpu.memory_space<vmem_shared>>) target(%arg10 : memref<128x64xf32, #tpu.memory_space<vmem>>) offsets(%dma_start3A_351 : memref<128xi32, #tpu.memory_space<vmem>>) semaphore(%arg16 : memref<!tpu.dma_semaphore, #tpu.memory_space<semaphore_mem>>)
    %dma_wait3A_355 = arith.constant 0 : i32
    %dma_wait3A_356 = arith.constant 0 : i32
    %dma_wait3A_357 = tpu.memref_slice %arg5[%dma_wait3A_355, %dma_wait3A_356] : memref<40x128xi32, #tpu.memory_space<vmem>> -> memref<1x128xi32, #tpu.memory_space<vmem>>
    %dma_wait3A_358 = tpu.memref_squeeze %dma_wait3A_357 : memref<1x128xi32, #tpu.memory_space<vmem>> -> memref<128xi32, #tpu.memory_space<vmem>>
    %dma_wait3A_359 = arith.constant 0 : i32
    %dma_wait3A_360 = arith.constant 0 : i32
    %dma_wait3A_361 = tpu.memref_slice %arg11[%dma_wait3A_359, %dma_wait3A_360] : memref<10240x64xf32, #tpu.memory_space<vmem_shared>> -> memref<10240x64xf32, #tpu.memory_space<vmem_shared>>
    tpu.wait_indirect_dma semaphore(%arg14 : memref<!tpu.dma_semaphore, #tpu.memory_space<semaphore_mem>>) src(%dma_wait3A_361 : memref<10240x64xf32, #tpu.memory_space<vmem_shared>>) dst(%arg8 : memref<128x64xf32, #tpu.memory_space<vmem>>)
    %dma_start3A_362 = arith.constant 1 : i32
    %dma_start3A_363 = arith.constant 0 : i32
    %dma_start3A_364 = tpu.memref_slice %arg6[%dma_start3A_362, %dma_start3A_363] : memref<40x128xi32, #tpu.memory_space<vmem>> -> memref<1x128xi32, #tpu.memory_space<vmem>>
    %dma_start3A_365 = tpu.memref_squeeze %dma_start3A_364 : memref<1x128xi32, #tpu.memory_space<vmem>> -> memref<128xi32, #tpu.memory_space<vmem>>
    %dma_start3A_366 = arith.constant 0 : i32
    %dma_start3A_367 = arith.constant 0 : i32
    %dma_start3A_368 = tpu.memref_slice %arg12[%dma_start3A_366, %dma_start3A_367] : memref<10240x64xf32, #tpu.memory_space<vmem_shared>> -> memref<10240x64xf32, #tpu.memory_space<vmem_shared>>
    tpu.enqueue_indirect_dma source(%arg8 : memref<128x64xf32, #tpu.memory_space<vmem>>) target(%dma_start3A_368 : memref<10240x64xf32, #tpu.memory_space<vmem_shared>>) offsets(%dma_start3A_365 : memref<128xi32, #tpu.memory_space<vmem>>) semaphore(%arg18 : memref<!tpu.dma_semaphore, #tpu.memory_space<semaphore_mem>>) {add = true}
    %scan3A_369 = arith.constant 0 : i32
    %scan3A_370 = arith.constant 0 : i32
    %scan3A_371 = arith.constant 9 : i32
    %scan3A_372 = arith.addi %scan3A_370, %scan3A_371 : i32
    %scan3A_373 = arith.constant 1 : i32
    scf.for %scan3A_556 = %scan3A_370 to %scan3A_372 step %scan3A_373  : i32 {
      %mul3A_557 = arith.constant 4 : i32
      %mul3A_558 = arith.muli %mul3A_557, %scan3A_556 : i32
      %add3A_559 = arith.constant 2 : i32
      %add3A_560 = arith.addi %mul3A_558, %add3A_559 : i32
      %dma_wait3A_561 = arith.constant 0 : i32
      %dma_wait3A_562 = arith.constant 0 : i32
      %dma_wait3A_563 = tpu.memref_slice %arg6[%dma_wait3A_561, %dma_wait3A_562] : memref<40x128xi32, #tpu.memory_space<vmem>> -> memref<1x128xi32, #tpu.memory_space<vmem>>
      %dma_wait3A_564 = tpu.memref_squeeze %dma_wait3A_563 : memref<1x128xi32, #tpu.memory_space<vmem>> -> memref<128xi32, #tpu.memory_space<vmem>>
      %dma_wait3A_565 = arith.constant 0 : i32
      %dma_wait3A_566 = arith.constant 0 : i32
      %dma_wait3A_567 = tpu.memref_slice %arg12[%dma_wait3A_565, %dma_wait3A_566] : memref<10240x64xf32, #tpu.memory_space<vmem_shared>> -> memref<10240x64xf32, #tpu.memory_space<vmem_shared>>
      tpu.wait_indirect_dma semaphore(%arg17 : memref<!tpu.dma_semaphore, #tpu.memory_space<semaphore_mem>>) src(%arg7 : memref<128x64xf32, #tpu.memory_space<vmem>>) dst(%dma_wait3A_567 : memref<10240x64xf32, #tpu.memory_space<vmem_shared>>)
      %add3A_568 = arith.constant 0 : i32
      %add3A_569 = arith.addi %add3A_560, %add3A_568 : i32
      %add3A_570 = arith.constant 2 : i32
      %add3A_571 = arith.addi %add3A_569, %add3A_570 : i32
      %dma_start3A_572 = arith.constant 0 : i32
      %dma_start3A_573 = tpu.memref_slice %arg5[%add3A_571, %dma_start3A_572] : memref<40x128xi32, #tpu.memory_space<vmem>> -> memref<1x128xi32, #tpu.memory_space<vmem>>
      %dma_start3A_574 = tpu.memref_squeeze %dma_start3A_573 : memref<1x128xi32, #tpu.memory_space<vmem>> -> memref<128xi32, #tpu.memory_space<vmem>>
      %dma_start3A_575 = arith.constant 0 : i32
      %dma_start3A_576 = arith.constant 0 : i32
      %dma_start3A_577 = tpu.memref_slice %arg11[%dma_start3A_575, %dma_start3A_576] : memref<10240x64xf32, #tpu.memory_space<vmem_shared>> -> memref<10240x64xf32, #tpu.memory_space<vmem_shared>>
      tpu.enqueue_indirect_dma source(%dma_start3A_577 : memref<10240x64xf32, #tpu.memory_space<vmem_shared>>) target(%arg7 : memref<128x64xf32, #tpu.memory_space<vmem>>) offsets(%dma_start3A_574 : memref<128xi32, #tpu.memory_space<vmem>>) semaphore(%arg13 : memref<!tpu.dma_semaphore, #tpu.memory_space<semaphore_mem>>)
      %dma_wait3A_578 = arith.constant 0 : i32
      %dma_wait3A_579 = arith.constant 0 : i32
      %dma_wait3A_580 = tpu.memref_slice %arg5[%dma_wait3A_578, %dma_wait3A_579] : memref<40x128xi32, #tpu.memory_space<vmem>> -> memref<1x128xi32, #tpu.memory_space<vmem>>
      %dma_wait3A_581 = tpu.memref_squeeze %dma_wait3A_580 : memref<1x128xi32, #tpu.memory_space<vmem>> -> memref<128xi32, #tpu.memory_space<vmem>>
      %dma_wait3A_582 = arith.constant 0 : i32
      %dma_wait3A_583 = arith.constant 0 : i32
      %dma_wait3A_584 = tpu.memref_slice %arg11[%dma_wait3A_582, %dma_wait3A_583] : memref<10240x64xf32, #tpu.memory_space<vmem_shared>> -> memref<10240x64xf32, #tpu.memory_space<vmem_shared>>
      tpu.wait_indirect_dma semaphore(%arg15 : memref<!tpu.dma_semaphore, #tpu.memory_space<semaphore_mem>>) src(%dma_wait3A_584 : memref<10240x64xf32, #tpu.memory_space<vmem_shared>>) dst(%arg9 : memref<128x64xf32, #tpu.memory_space<vmem>>)
      %add3A_585 = arith.constant 0 : i32
      %add3A_586 = arith.addi %add3A_560, %add3A_585 : i32
      %dma_start3A_587 = arith.constant 0 : i32
      %dma_start3A_588 = tpu.memref_slice %arg6[%add3A_586, %dma_start3A_587] : memref<40x128xi32, #tpu.memory_space<vmem>> -> memref<1x128xi32, #tpu.memory_space<vmem>>
      %dma_start3A_589 = tpu.memref_squeeze %dma_start3A_588 : memref<1x128xi32, #tpu.memory_space<vmem>> -> memref<128xi32, #tpu.memory_space<vmem>>
      %dma_start3A_590 = arith.constant 0 : i32
      %dma_start3A_591 = arith.constant 0 : i32
      %dma_start3A_592 = tpu.memref_slice %arg12[%dma_start3A_590, %dma_start3A_591] : memref<10240x64xf32, #tpu.memory_space<vmem_shared>> -> memref<10240x64xf32, #tpu.memory_space<vmem_shared>>
      tpu.enqueue_indirect_dma source(%arg9 : memref<128x64xf32, #tpu.memory_space<vmem>>) target(%dma_start3A_592 : memref<10240x64xf32, #tpu.memory_space<vmem_shared>>) offsets(%dma_start3A_589 : memref<128xi32, #tpu.memory_space<vmem>>) semaphore(%arg19 : memref<!tpu.dma_semaphore, #tpu.memory_space<semaphore_mem>>) {add = true}
      %dma_wait3A_593 = arith.constant 0 : i32
      %dma_wait3A_594 = arith.constant 0 : i32
      %dma_wait3A_595 = tpu.memref_slice %arg6[%dma_wait3A_593, %dma_wait3A_594] : memref<40x128xi32, #tpu.memory_space<vmem>> -> memref<1x128xi32, #tpu.memory_space<vmem>>
      %dma_wait3A_596 = tpu.memref_squeeze %dma_wait3A_595 : memref<1x128xi32, #tpu.memory_space<vmem>> -> memref<128xi32, #tpu.memory_space<vmem>>
      %dma_wait3A_597 = arith.constant 0 : i32
      %dma_wait3A_598 = arith.constant 0 : i32
      %dma_wait3A_599 = tpu.memref_slice %arg12[%dma_wait3A_597, %dma_wait3A_598] : memref<10240x64xf32, #tpu.memory_space<vmem_shared>> -> memref<10240x64xf32, #tpu.memory_space<vmem_shared>>
      tpu.wait_indirect_dma semaphore(%arg18 : memref<!tpu.dma_semaphore, #tpu.memory_space<semaphore_mem>>) src(%arg8 : memref<128x64xf32, #tpu.memory_space<vmem>>) dst(%dma_wait3A_599 : memref<10240x64xf32, #tpu.memory_space<vmem_shared>>)
      %add3A_600 = arith.constant 1 : i32
      %add3A_601 = arith.addi %add3A_560, %add3A_600 : i32
      %add3A_602 = arith.constant 2 : i32
      %add3A_603 = arith.addi %add3A_601, %add3A_602 : i32
      %dma_start3A_604 = arith.constant 0 : i32
      %dma_start3A_605 = tpu.memref_slice %arg5[%add3A_603, %dma_start3A_604] : memref<40x128xi32, #tpu.memory_space<vmem>> -> memref<1x128xi32, #tpu.memory_space<vmem>>
      %dma_start3A_606 = tpu.memref_squeeze %dma_start3A_605 : memref<1x128xi32, #tpu.memory_space<vmem>> -> memref<128xi32, #tpu.memory_space<vmem>>
      %dma_start3A_607 = arith.constant 0 : i32
      %dma_start3A_608 = arith.constant 0 : i32
      %dma_start3A_609 = tpu.memref_slice %arg11[%dma_start3A_607, %dma_start3A_608] : memref<10240x64xf32, #tpu.memory_space<vmem_shared>> -> memref<10240x64xf32, #tpu.memory_space<vmem_shared>>
      tpu.enqueue_indirect_dma source(%dma_start3A_609 : memref<10240x64xf32, #tpu.memory_space<vmem_shared>>) target(%arg8 : memref<128x64xf32, #tpu.memory_space<vmem>>) offsets(%dma_start3A_606 : memref<128xi32, #tpu.memory_space<vmem>>) semaphore(%arg14 : memref<!tpu.dma_semaphore, #tpu.memory_space<semaphore_mem>>)
      %dma_wait3A_610 = arith.constant 0 : i32
      %dma_wait3A_611 = arith.constant 0 : i32
      %dma_wait3A_612 = tpu.memref_slice %arg5[%dma_wait3A_610, %dma_wait3A_611] : memref<40x128xi32, #tpu.memory_space<vmem>> -> memref<1x128xi32, #tpu.memory_space<vmem>>
      %dma_wait3A_613 = tpu.memref_squeeze %dma_wait3A_612 : memref<1x128xi32, #tpu.memory_space<vmem>> -> memref<128xi32, #tpu.memory_space<vmem>>
      %dma_wait3A_614 = arith.constant 0 : i32
      %dma_wait3A_615 = arith.constant 0 : i32
      %dma_wait3A_616 = tpu.memref_slice %arg11[%dma_wait3A_614, %dma_wait3A_615] : memref<10240x64xf32, #tpu.memory_space<vmem_shared>> -> memref<10240x64xf32, #tpu.memory_space<vmem_shared>>
      tpu.wait_indirect_dma semaphore(%arg16 : memref<!tpu.dma_semaphore, #tpu.memory_space<semaphore_mem>>) src(%dma_wait3A_616 : memref<10240x64xf32, #tpu.memory_space<vmem_shared>>) dst(%arg10 : memref<128x64xf32, #tpu.memory_space<vmem>>)
      %add3A_617 = arith.constant 1 : i32
      %add3A_618 = arith.addi %add3A_560, %add3A_617 : i32
      %dma_start3A_619 = arith.constant 0 : i32
      %dma_start3A_620 = tpu.memref_slice %arg6[%add3A_618, %dma_start3A_619] : memref<40x128xi32, #tpu.memory_space<vmem>> -> memref<1x128xi32, #tpu.memory_space<vmem>>
      %dma_start3A_621 = tpu.memref_squeeze %dma_start3A_620 : memref<1x128xi32, #tpu.memory_space<vmem>> -> memref<128xi32, #tpu.memory_space<vmem>>
      %dma_start3A_622 = arith.constant 0 : i32
      %dma_start3A_623 = arith.constant 0 : i32
      %dma_start3A_624 = tpu.memref_slice %arg12[%dma_start3A_622, %dma_start3A_623] : memref<10240x64xf32, #tpu.memory_space<vmem_shared>> -> memref<10240x64xf32, #tpu.memory_space<vmem_shared>>
      tpu.enqueue_indirect_dma source(%arg10 : memref<128x64xf32, #tpu.memory_space<vmem>>) target(%dma_start3A_624 : memref<10240x64xf32, #tpu.memory_space<vmem_shared>>) offsets(%dma_start3A_621 : memref<128xi32, #tpu.memory_space<vmem>>) semaphore(%arg20 : memref<!tpu.dma_semaphore, #tpu.memory_space<semaphore_mem>>) {add = true}
      %dma_wait3A_625 = arith.constant 0 : i32
      %dma_wait3A_626 = arith.constant 0 : i32
      %dma_wait3A_627 = tpu.memref_slice %arg6[%dma_wait3A_625, %dma_wait3A_626] : memref<40x128xi32, #tpu.memory_space<vmem>> -> memref<1x128xi32, #tpu.memory_space<vmem>>
      %dma_wait3A_628 = tpu.memref_squeeze %dma_wait3A_627 : memref<1x128xi32, #tpu.memory_space<vmem>> -> memref<128xi32, #tpu.memory_space<vmem>>
      %dma_wait3A_629 = arith.constant 0 : i32
      %dma_wait3A_630 = arith.constant 0 : i32
      %dma_wait3A_631 = tpu.memref_slice %arg12[%dma_wait3A_629, %dma_wait3A_630] : memref<10240x64xf32, #tpu.memory_space<vmem_shared>> -> memref<10240x64xf32, #tpu.memory_space<vmem_shared>>
      tpu.wait_indirect_dma semaphore(%arg19 : memref<!tpu.dma_semaphore, #tpu.memory_space<semaphore_mem>>) src(%arg9 : memref<128x64xf32, #tpu.memory_space<vmem>>) dst(%dma_wait3A_631 : memref<10240x64xf32, #tpu.memory_space<vmem_shared>>)
      %add3A_632 = arith.constant 2 : i32
      %add3A_633 = arith.addi %add3A_560, %add3A_632 : i32
      %add3A_634 = arith.constant 2 : i32
      %add3A_635 = arith.addi %add3A_633, %add3A_634 : i32
      %dma_start3A_636 = arith.constant 0 : i32
      %dma_start3A_637 = tpu.memref_slice %arg5[%add3A_635, %dma_start3A_636] : memref<40x128xi32, #tpu.memory_space<vmem>> -> memref<1x128xi32, #tpu.memory_space<vmem>>
      %dma_start3A_638 = tpu.memref_squeeze %dma_start3A_637 : memref<1x128xi32, #tpu.memory_space<vmem>> -> memref<128xi32, #tpu.memory_space<vmem>>
      %dma_start3A_639 = arith.constant 0 : i32
      %dma_start3A_640 = arith.constant 0 : i32
      %dma_start3A_641 = tpu.memref_slice %arg11[%dma_start3A_639, %dma_start3A_640] : memref<10240x64xf32, #tpu.memory_space<vmem_shared>> -> memref<10240x64xf32, #tpu.memory_space<vmem_shared>>
      tpu.enqueue_indirect_dma source(%dma_start3A_641 : memref<10240x64xf32, #tpu.memory_space<vmem_shared>>) target(%arg9 : memref<128x64xf32, #tpu.memory_space<vmem>>) offsets(%dma_start3A_638 : memref<128xi32, #tpu.memory_space<vmem>>) semaphore(%arg15 : memref<!tpu.dma_semaphore, #tpu.memory_space<semaphore_mem>>)
      %dma_wait3A_642 = arith.constant 0 : i32
      %dma_wait3A_643 = arith.constant 0 : i32
      %dma_wait3A_644 = tpu.memref_slice %arg5[%dma_wait3A_642, %dma_wait3A_643] : memref<40x128xi32, #tpu.memory_space<vmem>> -> memref<1x128xi32, #tpu.memory_space<vmem>>
      %dma_wait3A_645 = tpu.memref_squeeze %dma_wait3A_644 : memref<1x128xi32, #tpu.memory_space<vmem>> -> memref<128xi32, #tpu.memory_space<vmem>>
      %dma_wait3A_646 = arith.constant 0 : i32
      %dma_wait3A_647 = arith.constant 0 : i32
      %dma_wait3A_648 = tpu.memref_slice %arg11[%dma_wait3A_646, %dma_wait3A_647] : memref<10240x64xf32, #tpu.memory_space<vmem_shared>> -> memref<10240x64xf32, #tpu.memory_space<vmem_shared>>
      tpu.wait_indirect_dma semaphore(%arg13 : memref<!tpu.dma_semaphore, #tpu.memory_space<semaphore_mem>>) src(%dma_wait3A_648 : memref<10240x64xf32, #tpu.memory_space<vmem_shared>>) dst(%arg7 : memref<128x64xf32, #tpu.memory_space<vmem>>)
      %add3A_649 = arith.constant 2 : i32
      %add3A_650 = arith.addi %add3A_560, %add3A_649 : i32
      %dma_start3A_651 = arith.constant 0 : i32
      %dma_start3A_652 = tpu.memref_slice %arg6[%add3A_650, %dma_start3A_651] : memref<40x128xi32, #tpu.memory_space<vmem>> -> memref<1x128xi32, #tpu.memory_space<vmem>>
      %dma_start3A_653 = tpu.memref_squeeze %dma_start3A_652 : memref<1x128xi32, #tpu.memory_space<vmem>> -> memref<128xi32, #tpu.memory_space<vmem>>
      %dma_start3A_654 = arith.constant 0 : i32
      %dma_start3A_655 = arith.constant 0 : i32
      %dma_start3A_656 = tpu.memref_slice %arg12[%dma_start3A_654, %dma_start3A_655] : memref<10240x64xf32, #tpu.memory_space<vmem_shared>> -> memref<10240x64xf32, #tpu.memory_space<vmem_shared>>
      tpu.enqueue_indirect_dma source(%arg7 : memref<128x64xf32, #tpu.memory_space<vmem>>) target(%dma_start3A_656 : memref<10240x64xf32, #tpu.memory_space<vmem_shared>>) offsets(%dma_start3A_653 : memref<128xi32, #tpu.memory_space<vmem>>) semaphore(%arg17 : memref<!tpu.dma_semaphore, #tpu.memory_space<semaphore_mem>>) {add = true}
      %dma_wait3A_657 = arith.constant 0 : i32
      %dma_wait3A_658 = arith.constant 0 : i32
      %dma_wait3A_659 = tpu.memref_slice %arg6[%dma_wait3A_657, %dma_wait3A_658] : memref<40x128xi32, #tpu.memory_space<vmem>> -> memref<1x128xi32, #tpu.memory_space<vmem>>
      %dma_wait3A_660 = tpu.memref_squeeze %dma_wait3A_659 : memref<1x128xi32, #tpu.memory_space<vmem>> -> memref<128xi32, #tpu.memory_space<vmem>>
      %dma_wait3A_661 = arith.constant 0 : i32
      %dma_wait3A_662 = arith.constant 0 : i32
      %dma_wait3A_663 = tpu.memref_slice %arg12[%dma_wait3A_661, %dma_wait3A_662] : memref<10240x64xf32, #tpu.memory_space<vmem_shared>> -> memref<10240x64xf32, #tpu.memory_space<vmem_shared>>
      tpu.wait_indirect_dma semaphore(%arg20 : memref<!tpu.dma_semaphore, #tpu.memory_space<semaphore_mem>>) src(%arg10 : memref<128x64xf32, #tpu.memory_space<vmem>>) dst(%dma_wait3A_663 : memref<10240x64xf32, #tpu.memory_space<vmem_shared>>)
      %add3A_664 = arith.constant 3 : i32
      %add3A_665 = arith.addi %add3A_560, %add3A_664 : i32
      %add3A_666 = arith.constant 2 : i32
      %add3A_667 = arith.addi %add3A_665, %add3A_666 : i32
      %dma_start3A_668 = arith.constant 0 : i32
      %dma_start3A_669 = tpu.memref_slice %arg5[%add3A_667, %dma_start3A_668] : memref<40x128xi32, #tpu.memory_space<vmem>> -> memref<1x128xi32, #tpu.memory_space<vmem>>
      %dma_start3A_670 = tpu.memref_squeeze %dma_start3A_669 : memref<1x128xi32, #tpu.memory_space<vmem>> -> memref<128xi32, #tpu.memory_space<vmem>>
      %dma_start3A_671 = arith.constant 0 : i32
      %dma_start3A_672 = arith.constant 0 : i32
      %dma_start3A_673 = tpu.memref_slice %arg11[%dma_start3A_671, %dma_start3A_672] : memref<10240x64xf32, #tpu.memory_space<vmem_shared>> -> memref<10240x64xf32, #tpu.memory_space<vmem_shared>>
      tpu.enqueue_indirect_dma source(%dma_start3A_673 : memref<10240x64xf32, #tpu.memory_space<vmem_shared>>) target(%arg10 : memref<128x64xf32, #tpu.memory_space<vmem>>) offsets(%dma_start3A_670 : memref<128xi32, #tpu.memory_space<vmem>>) semaphore(%arg16 : memref<!tpu.dma_semaphore, #tpu.memory_space<semaphore_mem>>)
      %dma_wait3A_674 = arith.constant 0 : i32
      %dma_wait3A_675 = arith.constant 0 : i32
      %dma_wait3A_676 = tpu.memref_slice %arg5[%dma_wait3A_674, %dma_wait3A_675] : memref<40x128xi32, #tpu.memory_space<vmem>> -> memref<1x128xi32, #tpu.memory_space<vmem>>
      %dma_wait3A_677 = tpu.memref_squeeze %dma_wait3A_676 : memref<1x128xi32, #tpu.memory_space<vmem>> -> memref<128xi32, #tpu.memory_space<vmem>>
      %dma_wait3A_678 = arith.constant 0 : i32
      %dma_wait3A_679 = arith.constant 0 : i32
      %dma_wait3A_680 = tpu.memref_slice %arg11[%dma_wait3A_678, %dma_wait3A_679] : memref<10240x64xf32, #tpu.memory_space<vmem_shared>> -> memref<10240x64xf32, #tpu.memory_space<vmem_shared>>
      tpu.wait_indirect_dma semaphore(%arg14 : memref<!tpu.dma_semaphore, #tpu.memory_space<semaphore_mem>>) src(%dma_wait3A_680 : memref<10240x64xf32, #tpu.memory_space<vmem_shared>>) dst(%arg8 : memref<128x64xf32, #tpu.memory_space<vmem>>)
      %add3A_681 = arith.constant 3 : i32
      %add3A_682 = arith.addi %add3A_560, %add3A_681 : i32
      %dma_start3A_683 = arith.constant 0 : i32
      %dma_start3A_684 = tpu.memref_slice %arg6[%add3A_682, %dma_start3A_683] : memref<40x128xi32, #tpu.memory_space<vmem>> -> memref<1x128xi32, #tpu.memory_space<vmem>>
      %dma_start3A_685 = tpu.memref_squeeze %dma_start3A_684 : memref<1x128xi32, #tpu.memory_space<vmem>> -> memref<128xi32, #tpu.memory_space<vmem>>
      %dma_start3A_686 = arith.constant 0 : i32
      %dma_start3A_687 = arith.constant 0 : i32
      %dma_start3A_688 = tpu.memref_slice %arg12[%dma_start3A_686, %dma_start3A_687] : memref<10240x64xf32, #tpu.memory_space<vmem_shared>> -> memref<10240x64xf32, #tpu.memory_space<vmem_shared>>
      tpu.enqueue_indirect_dma source(%arg8 : memref<128x64xf32, #tpu.memory_space<vmem>>) target(%dma_start3A_688 : memref<10240x64xf32, #tpu.memory_space<vmem_shared>>) offsets(%dma_start3A_685 : memref<128xi32, #tpu.memory_space<vmem>>) semaphore(%arg18 : memref<!tpu.dma_semaphore, #tpu.memory_space<semaphore_mem>>) {add = true}
    }
    %scan3A_374 = arith.constant 9 : i32
    %dma_wait3A_375 = arith.constant 0 : i32
    %dma_wait3A_376 = arith.constant 0 : i32
    %dma_wait3A_377 = tpu.memref_slice %arg6[%dma_wait3A_375, %dma_wait3A_376] : memref<40x128xi32, #tpu.memory_space<vmem>> -> memref<1x128xi32, #tpu.memory_space<vmem>>
    %dma_wait3A_378 = tpu.memref_squeeze %dma_wait3A_377 : memref<1x128xi32, #tpu.memory_space<vmem>> -> memref<128xi32, #tpu.memory_space<vmem>>
    %dma_wait3A_379 = arith.constant 0 : i32
    %dma_wait3A_380 = arith.constant 0 : i32
    %dma_wait3A_381 = tpu.memref_slice %arg12[%dma_wait3A_379, %dma_wait3A_380] : memref<10240x64xf32, #tpu.memory_space<vmem_shared>> -> memref<10240x64xf32, #tpu.memory_space<vmem_shared>>
    tpu.wait_indirect_dma semaphore(%arg17 : memref<!tpu.dma_semaphore, #tpu.memory_space<semaphore_mem>>) src(%arg7 : memref<128x64xf32, #tpu.memory_space<vmem>>) dst(%dma_wait3A_381 : memref<10240x64xf32, #tpu.memory_space<vmem_shared>>)
    %dma_wait3A_382 = arith.constant 0 : i32
    %dma_wait3A_383 = arith.constant 0 : i32
    %dma_wait3A_384 = tpu.memref_slice %arg5[%dma_wait3A_382, %dma_wait3A_383] : memref<40x128xi32, #tpu.memory_space<vmem>> -> memref<1x128xi32, #tpu.memory_space<vmem>>
    %dma_wait3A_385 = tpu.memref_squeeze %dma_wait3A_384 : memref<1x128xi32, #tpu.memory_space<vmem>> -> memref<128xi32, #tpu.memory_space<vmem>>
    %dma_wait3A_386 = arith.constant 0 : i32
    %dma_wait3A_387 = arith.constant 0 : i32
    %dma_wait3A_388 = tpu.memref_slice %arg11[%dma_wait3A_386, %dma_wait3A_387] : memref<10240x64xf32, #tpu.memory_space<vmem_shared>> -> memref<10240x64xf32, #tpu.memory_space<vmem_shared>>
    tpu.wait_indirect_dma semaphore(%arg15 : memref<!tpu.dma_semaphore, #tpu.memory_space<semaphore_mem>>) src(%dma_wait3A_388 : memref<10240x64xf32, #tpu.memory_space<vmem_shared>>) dst(%arg9 : memref<128x64xf32, #tpu.memory_space<vmem>>)
    %dma_start3A_389 = arith.constant 38 : i32
    %dma_start3A_390 = arith.constant 0 : i32
    %dma_start3A_391 = tpu.memref_slice %arg6[%dma_start3A_389, %dma_start3A_390] : memref<40x128xi32, #tpu.memory_space<vmem>> -> memref<1x128xi32, #tpu.memory_space<vmem>>
    %dma_start3A_392 = tpu.memref_squeeze %dma_start3A_391 : memref<1x128xi32, #tpu.memory_space<vmem>> -> memref<128xi32, #tpu.memory_space<vmem>>
    %dma_start3A_393 = arith.constant 0 : i32
    %dma_start3A_394 = arith.constant 0 : i32
    %dma_start3A_395 = tpu.memref_slice %arg12[%dma_start3A_393, %dma_start3A_394] : memref<10240x64xf32, #tpu.memory_space<vmem_shared>> -> memref<10240x64xf32, #tpu.memory_space<vmem_shared>>
    tpu.enqueue_indirect_dma source(%arg9 : memref<128x64xf32, #tpu.memory_space<vmem>>) target(%dma_start3A_395 : memref<10240x64xf32, #tpu.memory_space<vmem_shared>>) offsets(%dma_start3A_392 : memref<128xi32, #tpu.memory_space<vmem>>) semaphore(%arg19 : memref<!tpu.dma_semaphore, #tpu.memory_space<semaphore_mem>>) {add = true}
    %dma_wait3A_396 = arith.constant 0 : i32
    %dma_wait3A_397 = arith.constant 0 : i32
    %dma_wait3A_398 = tpu.memref_slice %arg6[%dma_wait3A_396, %dma_wait3A_397] : memref<40x128xi32, #tpu.memory_space<vmem>> -> memref<1x128xi32, #tpu.memory_space<vmem>>
    %dma_wait3A_399 = tpu.memref_squeeze %dma_wait3A_398 : memref<1x128xi32, #tpu.memory_space<vmem>> -> memref<128xi32, #tpu.memory_space<vmem>>
    %dma_wait3A_400 = arith.constant 0 : i32
    %dma_wait3A_401 = arith.constant 0 : i32
    %dma_wait3A_402 = tpu.memref_slice %arg12[%dma_wait3A_400, %dma_wait3A_401] : memref<10240x64xf32, #tpu.memory_space<vmem_shared>> -> memref<10240x64xf32, #tpu.memory_space<vmem_shared>>
    tpu.wait_indirect_dma semaphore(%arg18 : memref<!tpu.dma_semaphore, #tpu.memory_space<semaphore_mem>>) src(%arg8 : memref<128x64xf32, #tpu.memory_space<vmem>>) dst(%dma_wait3A_402 : memref<10240x64xf32, #tpu.memory_space<vmem_shared>>)
    %dma_wait3A_403 = arith.constant 0 : i32
    %dma_wait3A_404 = arith.constant 0 : i32
    %dma_wait3A_405 = tpu.memref_slice %arg5[%dma_wait3A_403, %dma_wait3A_404] : memref<40x128xi32, #tpu.memory_space<vmem>> -> memref<1x128xi32, #tpu.memory_space<vmem>>
    %dma_wait3A_406 = tpu.memref_squeeze %dma_wait3A_405 : memref<1x128xi32, #tpu.memory_space<vmem>> -> memref<128xi32, #tpu.memory_space<vmem>>
    %dma_wait3A_407 = arith.constant 0 : i32
    %dma_wait3A_408 = arith.constant 0 : i32
    %dma_wait3A_409 = tpu.memref_slice %arg11[%dma_wait3A_407, %dma_wait3A_408] : memref<10240x64xf32, #tpu.memory_space<vmem_shared>> -> memref<10240x64xf32, #tpu.memory_space<vmem_shared>>
    tpu.wait_indirect_dma semaphore(%arg16 : memref<!tpu.dma_semaphore, #tpu.memory_space<semaphore_mem>>) src(%dma_wait3A_409 : memref<10240x64xf32, #tpu.memory_space<vmem_shared>>) dst(%arg10 : memref<128x64xf32, #tpu.memory_space<vmem>>)
    %dma_start3A_410 = arith.constant 39 : i32
    %dma_start3A_411 = arith.constant 0 : i32
    %dma_start3A_412 = tpu.memref_slice %arg6[%dma_start3A_410, %dma_start3A_411] : memref<40x128xi32, #tpu.memory_space<vmem>> -> memref<1x128xi32, #tpu.memory_space<vmem>>
    %dma_start3A_413 = tpu.memref_squeeze %dma_start3A_412 : memref<1x128xi32, #tpu.memory_space<vmem>> -> memref<128xi32, #tpu.memory_space<vmem>>
    %dma_start3A_414 = arith.constant 0 : i32
    %dma_start3A_415 = arith.constant 0 : i32
    %dma_start3A_416 = tpu.memref_slice %arg12[%dma_start3A_414, %dma_start3A_415] : memref<10240x64xf32, #tpu.memory_space<vmem_shared>> -> memref<10240x64xf32, #tpu.memory_space<vmem_shared>>
    tpu.enqueue_indirect_dma source(%arg10 : memref<128x64xf32, #tpu.memory_space<vmem>>) target(%dma_start3A_416 : memref<10240x64xf32, #tpu.memory_space<vmem_shared>>) offsets(%dma_start3A_413 : memref<128xi32, #tpu.memory_space<vmem>>) semaphore(%arg20 : memref<!tpu.dma_semaphore, #tpu.memory_space<semaphore_mem>>) {add = true}
    %dma_wait3A_417 = arith.constant 0 : i32
    %dma_wait3A_418 = arith.constant 0 : i32
    %dma_wait3A_419 = tpu.memref_slice %arg6[%dma_wait3A_417, %dma_wait3A_418] : memref<40x128xi32, #tpu.memory_space<vmem>> -> memref<1x128xi32, #tpu.memory_space<vmem>>
    %dma_wait3A_420 = tpu.memref_squeeze %dma_wait3A_419 : memref<1x128xi32, #tpu.memory_space<vmem>> -> memref<128xi32, #tpu.memory_space<vmem>>
    %dma_wait3A_421 = arith.constant 0 : i32
    %dma_wait3A_422 = arith.constant 0 : i32
    %dma_wait3A_423 = tpu.memref_slice %arg12[%dma_wait3A_421, %dma_wait3A_422] : memref<10240x64xf32, #tpu.memory_space<vmem_shared>> -> memref<10240x64xf32, #tpu.memory_space<vmem_shared>>
    tpu.wait_indirect_dma semaphore(%arg19 : memref<!tpu.dma_semaphore, #tpu.memory_space<semaphore_mem>>) src(%arg9 : memref<128x64xf32, #tpu.memory_space<vmem>>) dst(%dma_wait3A_423 : memref<10240x64xf32, #tpu.memory_space<vmem_shared>>)
    %dma_wait3A_424 = arith.constant 0 : i32
    %dma_wait3A_425 = arith.constant 0 : i32
    %dma_wait3A_426 = tpu.memref_slice %arg6[%dma_wait3A_424, %dma_wait3A_425] : memref<40x128xi32, #tpu.memory_space<vmem>> -> memref<1x128xi32, #tpu.memory_space<vmem>>
    %dma_wait3A_427 = tpu.memref_squeeze %dma_wait3A_426 : memref<1x128xi32, #tpu.memory_space<vmem>> -> memref<128xi32, #tpu.memory_space<vmem>>
    %dma_wait3A_428 = arith.constant 0 : i32
    %dma_wait3A_429 = arith.constant 0 : i32
    %dma_wait3A_430 = tpu.memref_slice %arg12[%dma_wait3A_428, %dma_wait3A_429] : memref<10240x64xf32, #tpu.memory_space<vmem_shared>> -> memref<10240x64xf32, #tpu.memory_space<vmem_shared>>
    tpu.wait_indirect_dma semaphore(%arg20 : memref<!tpu.dma_semaphore, #tpu.memory_space<semaphore_mem>>) src(%arg10 : memref<128x64xf32, #tpu.memory_space<vmem>>) dst(%dma_wait3A_430 : memref<10240x64xf32, #tpu.memory_space<vmem_shared>>)
    %mul3A_431 = arith.constant 80 : i32
    %mul3A_432 = arith.muli %arg1, %mul3A_431 : i32
    %add3A_433 = arith.constant 40 : i32
    %add3A_434 = arith.addi %mul3A_432, %add3A_433 : i32
    %run_scoped3A_435 = arith.constant 0 : i32
    "tpu.region"() ({
      %run_scoped3A_556 = tpu.sem_alloc : memref<!tpu.dma_semaphore, #tpu.memory_space<semaphore_mem>>
      %dma_start3A_557 = arith.constant 0 : i32
      %dma_start3A_558 = arith.constant 0 : i32
      %dma_start3A_559 = tpu.memref_slice %arg2[%run_scoped3A_435, %dma_start3A_557, %dma_start3A_558] : memref<2x1280x128xi32, #tpu.memory_space<hbm>> -> memref<1x1280x128xi32, #tpu.memory_space<hbm>>
      %dma_start3A_560 = tpu.memref_squeeze %dma_start3A_559 : memref<1x1280x128xi32, #tpu.memory_space<hbm>> -> memref<1280x128xi32, #tpu.memory_space<hbm>>
      %dma_start3A_561 = arith.constant 0 : i32
      %dma_start3A_562 = tpu.memref_slice %dma_start3A_560[%add3A_434, %dma_start3A_561] : memref<1280x128xi32, #tpu.memory_space<hbm>> -> memref<40x128xi32, #tpu.memory_space<hbm>>
      %dma_start3A_563 = arith.constant 0 : i32
      %dma_start3A_564 = arith.constant 0 : i32
      %dma_start3A_565 = tpu.memref_slice %arg2[%run_scoped3A_435, %dma_start3A_563, %dma_start3A_564] : memref<2x1280x128xi32, #tpu.memory_space<hbm>> -> memref<1x1280x128xi32, #tpu.memory_space<hbm>>
      %dma_start3A_566 = tpu.memref_squeeze %dma_start3A_565 : memref<1x1280x128xi32, #tpu.memory_space<hbm>> -> memref<1280x128xi32, #tpu.memory_space<hbm>>
      %dma_start3A_567 = arith.constant 0 : i32
      %dma_start3A_568 = tpu.memref_slice %dma_start3A_566[%add3A_434, %dma_start3A_567] : memref<1280x128xi32, #tpu.memory_space<hbm>> -> memref<40x128xi32, #tpu.memory_space<hbm>>
      tpu.enqueue_dma source(%dma_start3A_568 : memref<40x128xi32, #tpu.memory_space<hbm>>) target(%arg5 : memref<40x128xi32, #tpu.memory_space<vmem>>) target_semaphore(%run_scoped3A_556 : memref<!tpu.dma_semaphore, #tpu.memory_space<semaphore_mem>>)
      %dma_wait3A_569 = arith.constant 0 : i32
      %dma_wait3A_570 = arith.constant 0 : i32
      %dma_wait3A_571 = tpu.memref_slice %arg2[%run_scoped3A_435, %dma_wait3A_569, %dma_wait3A_570] : memref<2x1280x128xi32, #tpu.memory_space<hbm>> -> memref<1x1280x128xi32, #tpu.memory_space<hbm>>
      %dma_wait3A_572 = tpu.memref_squeeze %dma_wait3A_571 : memref<1x1280x128xi32, #tpu.memory_space<hbm>> -> memref<1280x128xi32, #tpu.memory_space<hbm>>
      %dma_wait3A_573 = arith.constant 0 : i32
      %dma_wait3A_574 = tpu.memref_slice %dma_wait3A_572[%add3A_434, %dma_wait3A_573] : memref<1280x128xi32, #tpu.memory_space<hbm>> -> memref<40x128xi32, #tpu.memory_space<hbm>>
      %dma_wait3A_575 = arith.constant 0 : i32
      %dma_wait3A_576 = arith.constant 0 : i32
      %dma_wait3A_577 = tpu.memref_slice %arg2[%run_scoped3A_435, %dma_wait3A_575, %dma_wait3A_576] : memref<2x1280x128xi32, #tpu.memory_space<hbm>> -> memref<1x1280x128xi32, #tpu.memory_space<hbm>>
      %dma_wait3A_578 = tpu.memref_squeeze %dma_wait3A_577 : memref<1x1280x128xi32, #tpu.memory_space<hbm>> -> memref<1280x128xi32, #tpu.memory_space<hbm>>
      %dma_wait3A_579 = arith.constant 0 : i32
      %dma_wait3A_580 = tpu.memref_slice %dma_wait3A_578[%add3A_434, %dma_wait3A_579] : memref<1280x128xi32, #tpu.memory_space<hbm>> -> memref<40x128xi32, #tpu.memory_space<hbm>>
      tpu.wait_dma2 semaphore(%run_scoped3A_556 : memref<!tpu.dma_semaphore, #tpu.memory_space<semaphore_mem>>) src(%dma_wait3A_580 : memref<40x128xi32, #tpu.memory_space<hbm>>) dst(%arg5 : memref<40x128xi32, #tpu.memory_space<vmem>>)
      tpu.yield
    }) : () -> ()
    %run_scoped3A_436 = arith.constant 1 : i32
    "tpu.region"() ({
      %run_scoped3A_556 = tpu.sem_alloc : memref<!tpu.dma_semaphore, #tpu.memory_space<semaphore_mem>>
      %dma_start3A_557 = arith.constant 0 : i32
      %dma_start3A_558 = arith.constant 0 : i32
      %dma_start3A_559 = tpu.memref_slice %arg2[%run_scoped3A_436, %dma_start3A_557, %dma_start3A_558] : memref<2x1280x128xi32, #tpu.memory_space<hbm>> -> memref<1x1280x128xi32, #tpu.memory_space<hbm>>
      %dma_start3A_560 = tpu.memref_squeeze %dma_start3A_559 : memref<1x1280x128xi32, #tpu.memory_space<hbm>> -> memref<1280x128xi32, #tpu.memory_space<hbm>>
      %dma_start3A_561 = arith.constant 0 : i32
      %dma_start3A_562 = tpu.memref_slice %dma_start3A_560[%add3A_434, %dma_start3A_561] : memref<1280x128xi32, #tpu.memory_space<hbm>> -> memref<40x128xi32, #tpu.memory_space<hbm>>
      %dma_start3A_563 = arith.constant 0 : i32
      %dma_start3A_564 = arith.constant 0 : i32
      %dma_start3A_565 = tpu.memref_slice %arg2[%run_scoped3A_436, %dma_start3A_563, %dma_start3A_564] : memref<2x1280x128xi32, #tpu.memory_space<hbm>> -> memref<1x1280x128xi32, #tpu.memory_space<hbm>>
      %dma_start3A_566 = tpu.memref_squeeze %dma_start3A_565 : memref<1x1280x128xi32, #tpu.memory_space<hbm>> -> memref<1280x128xi32, #tpu.memory_space<hbm>>
      %dma_start3A_567 = arith.constant 0 : i32
      %dma_start3A_568 = tpu.memref_slice %dma_start3A_566[%add3A_434, %dma_start3A_567] : memref<1280x128xi32, #tpu.memory_space<hbm>> -> memref<40x128xi32, #tpu.memory_space<hbm>>
      tpu.enqueue_dma source(%dma_start3A_568 : memref<40x128xi32, #tpu.memory_space<hbm>>) target(%arg6 : memref<40x128xi32, #tpu.memory_space<vmem>>) target_semaphore(%run_scoped3A_556 : memref<!tpu.dma_semaphore, #tpu.memory_space<semaphore_mem>>)
      %dma_wait3A_569 = arith.constant 0 : i32
      %dma_wait3A_570 = arith.constant 0 : i32
      %dma_wait3A_571 = tpu.memref_slice %arg2[%run_scoped3A_436, %dma_wait3A_569, %dma_wait3A_570] : memref<2x1280x128xi32, #tpu.memory_space<hbm>> -> memref<1x1280x128xi32, #tpu.memory_space<hbm>>
      %dma_wait3A_572 = tpu.memref_squeeze %dma_wait3A_571 : memref<1x1280x128xi32, #tpu.memory_space<hbm>> -> memref<1280x128xi32, #tpu.memory_space<hbm>>
      %dma_wait3A_573 = arith.constant 0 : i32
      %dma_wait3A_574 = tpu.memref_slice %dma_wait3A_572[%add3A_434, %dma_wait3A_573] : memref<1280x128xi32, #tpu.memory_space<hbm>> -> memref<40x128xi32, #tpu.memory_space<hbm>>
      %dma_wait3A_575 = arith.constant 0 : i32
      %dma_wait3A_576 = arith.constant 0 : i32
      %dma_wait3A_577 = tpu.memref_slice %arg2[%run_scoped3A_436, %dma_wait3A_575, %dma_wait3A_576] : memref<2x1280x128xi32, #tpu.memory_space<hbm>> -> memref<1x1280x128xi32, #tpu.memory_space<hbm>>
      %dma_wait3A_578 = tpu.memref_squeeze %dma_wait3A_577 : memref<1x1280x128xi32, #tpu.memory_space<hbm>> -> memref<1280x128xi32, #tpu.memory_space<hbm>>
      %dma_wait3A_579 = arith.constant 0 : i32
      %dma_wait3A_580 = tpu.memref_slice %dma_wait3A_578[%add3A_434, %dma_wait3A_579] : memref<1280x128xi32, #tpu.memory_space<hbm>> -> memref<40x128xi32, #tpu.memory_space<hbm>>
      tpu.wait_dma2 semaphore(%run_scoped3A_556 : memref<!tpu.dma_semaphore, #tpu.memory_space<semaphore_mem>>) src(%dma_wait3A_580 : memref<40x128xi32, #tpu.memory_space<hbm>>) dst(%arg6 : memref<40x128xi32, #tpu.memory_space<vmem>>)
      tpu.yield
    }) : () -> ()
    %dma_start3A_437 = arith.constant 0 : i32
    %dma_start3A_438 = arith.constant 0 : i32
    %dma_start3A_439 = tpu.memref_slice %arg5[%dma_start3A_437, %dma_start3A_438] : memref<40x128xi32, #tpu.memory_space<vmem>> -> memref<1x128xi32, #tpu.memory_space<vmem>>
    %dma_start3A_440 = tpu.memref_squeeze %dma_start3A_439 : memref<1x128xi32, #tpu.memory_space<vmem>> -> memref<128xi32, #tpu.memory_space<vmem>>
    %dma_start3A_441 = arith.constant 0 : i32
    %dma_start3A_442 = arith.constant 0 : i32
    %dma_start3A_443 = tpu.memref_slice %arg11[%dma_start3A_441, %dma_start3A_442] : memref<10240x64xf32, #tpu.memory_space<vmem_shared>> -> memref<10240x64xf32, #tpu.memory_space<vmem_shared>>
    tpu.enqueue_indirect_dma source(%dma_start3A_443 : memref<10240x64xf32, #tpu.memory_space<vmem_shared>>) target(%arg7 : memref<128x64xf32, #tpu.memory_space<vmem>>) offsets(%dma_start3A_440 : memref<128xi32, #tpu.memory_space<vmem>>) semaphore(%arg13 : memref<!tpu.dma_semaphore, #tpu.memory_space<semaphore_mem>>)
    %dma_start3A_444 = arith.constant 1 : i32
    %dma_start3A_445 = arith.constant 0 : i32
    %dma_start3A_446 = tpu.memref_slice %arg5[%dma_start3A_444, %dma_start3A_445] : memref<40x128xi32, #tpu.memory_space<vmem>> -> memref<1x128xi32, #tpu.memory_space<vmem>>
    %dma_start3A_447 = tpu.memref_squeeze %dma_start3A_446 : memref<1x128xi32, #tpu.memory_space<vmem>> -> memref<128xi32, #tpu.memory_space<vmem>>
    %dma_start3A_448 = arith.constant 0 : i32
    %dma_start3A_449 = arith.constant 0 : i32
    %dma_start3A_450 = tpu.memref_slice %arg11[%dma_start3A_448, %dma_start3A_449] : memref<10240x64xf32, #tpu.memory_space<vmem_shared>> -> memref<10240x64xf32, #tpu.memory_space<vmem_shared>>
    tpu.enqueue_indirect_dma source(%dma_start3A_450 : memref<10240x64xf32, #tpu.memory_space<vmem_shared>>) target(%arg8 : memref<128x64xf32, #tpu.memory_space<vmem>>) offsets(%dma_start3A_447 : memref<128xi32, #tpu.memory_space<vmem>>) semaphore(%arg14 : memref<!tpu.dma_semaphore, #tpu.memory_space<semaphore_mem>>)
    %dma_start3A_451 = arith.constant 2 : i32
    %dma_start3A_452 = arith.constant 0 : i32
    %dma_start3A_453 = tpu.memref_slice %arg5[%dma_start3A_451, %dma_start3A_452] : memref<40x128xi32, #tpu.memory_space<vmem>> -> memref<1x128xi32, #tpu.memory_space<vmem>>
    %dma_start3A_454 = tpu.memref_squeeze %dma_start3A_453 : memref<1x128xi32, #tpu.memory_space<vmem>> -> memref<128xi32, #tpu.memory_space<vmem>>
    %dma_start3A_455 = arith.constant 0 : i32
    %dma_start3A_456 = arith.constant 0 : i32
    %dma_start3A_457 = tpu.memref_slice %arg11[%dma_start3A_455, %dma_start3A_456] : memref<10240x64xf32, #tpu.memory_space<vmem_shared>> -> memref<10240x64xf32, #tpu.memory_space<vmem_shared>>
    tpu.enqueue_indirect_dma source(%dma_start3A_457 : memref<10240x64xf32, #tpu.memory_space<vmem_shared>>) target(%arg9 : memref<128x64xf32, #tpu.memory_space<vmem>>) offsets(%dma_start3A_454 : memref<128xi32, #tpu.memory_space<vmem>>) semaphore(%arg15 : memref<!tpu.dma_semaphore, #tpu.memory_space<semaphore_mem>>)
    %dma_wait3A_458 = arith.constant 0 : i32
    %dma_wait3A_459 = arith.constant 0 : i32
    %dma_wait3A_460 = tpu.memref_slice %arg5[%dma_wait3A_458, %dma_wait3A_459] : memref<40x128xi32, #tpu.memory_space<vmem>> -> memref<1x128xi32, #tpu.memory_space<vmem>>
    %dma_wait3A_461 = tpu.memref_squeeze %dma_wait3A_460 : memref<1x128xi32, #tpu.memory_space<vmem>> -> memref<128xi32, #tpu.memory_space<vmem>>
    %dma_wait3A_462 = arith.constant 0 : i32
    %dma_wait3A_463 = arith.constant 0 : i32
    %dma_wait3A_464 = tpu.memref_slice %arg11[%dma_wait3A_462, %dma_wait3A_463] : memref<10240x64xf32, #tpu.memory_space<vmem_shared>> -> memref<10240x64xf32, #tpu.memory_space<vmem_shared>>
    tpu.wait_indirect_dma semaphore(%arg13 : memref<!tpu.dma_semaphore, #tpu.memory_space<semaphore_mem>>) src(%dma_wait3A_464 : memref<10240x64xf32, #tpu.memory_space<vmem_shared>>) dst(%arg7 : memref<128x64xf32, #tpu.memory_space<vmem>>)
    %dma_start3A_465 = arith.constant 0 : i32
    %dma_start3A_466 = arith.constant 0 : i32
    %dma_start3A_467 = tpu.memref_slice %arg6[%dma_start3A_465, %dma_start3A_466] : memref<40x128xi32, #tpu.memory_space<vmem>> -> memref<1x128xi32, #tpu.memory_space<vmem>>
    %dma_start3A_468 = tpu.memref_squeeze %dma_start3A_467 : memref<1x128xi32, #tpu.memory_space<vmem>> -> memref<128xi32, #tpu.memory_space<vmem>>
    %dma_start3A_469 = arith.constant 0 : i32
    %dma_start3A_470 = arith.constant 0 : i32
    %dma_start3A_471 = tpu.memref_slice %arg12[%dma_start3A_469, %dma_start3A_470] : memref<10240x64xf32, #tpu.memory_space<vmem_shared>> -> memref<10240x64xf32, #tpu.memory_space<vmem_shared>>
    tpu.enqueue_indirect_dma source(%arg7 : memref<128x64xf32, #tpu.memory_space<vmem>>) target(%dma_start3A_471 : memref<10240x64xf32, #tpu.memory_space<vmem_shared>>) offsets(%dma_start3A_468 : memref<128xi32, #tpu.memory_space<vmem>>) semaphore(%arg17 : memref<!tpu.dma_semaphore, #tpu.memory_space<semaphore_mem>>) {add = true}
    %dma_start3A_472 = arith.constant 3 : i32
    %dma_start3A_473 = arith.constant 0 : i32
    %dma_start3A_474 = tpu.memref_slice %arg5[%dma_start3A_472, %dma_start3A_473] : memref<40x128xi32, #tpu.memory_space<vmem>> -> memref<1x128xi32, #tpu.memory_space<vmem>>
    %dma_start3A_475 = tpu.memref_squeeze %dma_start3A_474 : memref<1x128xi32, #tpu.memory_space<vmem>> -> memref<128xi32, #tpu.memory_space<vmem>>
    %dma_start3A_476 = arith.constant 0 : i32
    %dma_start3A_477 = arith.constant 0 : i32
    %dma_start3A_478 = tpu.memref_slice %arg11[%dma_start3A_476, %dma_start3A_477] : memref<10240x64xf32, #tpu.memory_space<vmem_shared>> -> memref<10240x64xf32, #tpu.memory_space<vmem_shared>>
    tpu.enqueue_indirect_dma source(%dma_start3A_478 : memref<10240x64xf32, #tpu.memory_space<vmem_shared>>) target(%arg10 : memref<128x64xf32, #tpu.memory_space<vmem>>) offsets(%dma_start3A_475 : memref<128xi32, #tpu.memory_space<vmem>>) semaphore(%arg16 : memref<!tpu.dma_semaphore, #tpu.memory_space<semaphore_mem>>)
    %dma_wait3A_479 = arith.constant 0 : i32
    %dma_wait3A_480 = arith.constant 0 : i32
    %dma_wait3A_481 = tpu.memref_slice %arg5[%dma_wait3A_479, %dma_wait3A_480] : memref<40x128xi32, #tpu.memory_space<vmem>> -> memref<1x128xi32, #tpu.memory_space<vmem>>
    %dma_wait3A_482 = tpu.memref_squeeze %dma_wait3A_481 : memref<1x128xi32, #tpu.memory_space<vmem>> -> memref<128xi32, #tpu.memory_space<vmem>>
    %dma_wait3A_483 = arith.constant 0 : i32
    %dma_wait3A_484 = arith.constant 0 : i32
    %dma_wait3A_485 = tpu.memref_slice %arg11[%dma_wait3A_483, %dma_wait3A_484] : memref<10240x64xf32, #tpu.memory_space<vmem_shared>> -> memref<10240x64xf32, #tpu.memory_space<vmem_shared>>
    tpu.wait_indirect_dma semaphore(%arg14 : memref<!tpu.dma_semaphore, #tpu.memory_space<semaphore_mem>>) src(%dma_wait3A_485 : memref<10240x64xf32, #tpu.memory_space<vmem_shared>>) dst(%arg8 : memref<128x64xf32, #tpu.memory_space<vmem>>)
    %dma_start3A_486 = arith.constant 1 : i32
    %dma_start3A_487 = arith.constant 0 : i32
    %dma_start3A_488 = tpu.memref_slice %arg6[%dma_start3A_486, %dma_start3A_487] : memref<40x128xi32, #tpu.memory_space<vmem>> -> memref<1x128xi32, #tpu.memory_space<vmem>>
    %dma_start3A_489 = tpu.memref_squeeze %dma_start3A_488 : memref<1x128xi32, #tpu.memory_space<vmem>> -> memref<128xi32, #tpu.memory_space<vmem>>
    %dma_start3A_490 = arith.constant 0 : i32
    %dma_start3A_491 = arith.constant 0 : i32
    %dma_start3A_492 = tpu.memref_slice %arg12[%dma_start3A_490, %dma_start3A_491] : memref<10240x64xf32, #tpu.memory_space<vmem_shared>> -> memref<10240x64xf32, #tpu.memory_space<vmem_shared>>
    tpu.enqueue_indirect_dma source(%arg8 : memref<128x64xf32, #tpu.memory_space<vmem>>) target(%dma_start3A_492 : memref<10240x64xf32, #tpu.memory_space<vmem_shared>>) offsets(%dma_start3A_489 : memref<128xi32, #tpu.memory_space<vmem>>) semaphore(%arg18 : memref<!tpu.dma_semaphore, #tpu.memory_space<semaphore_mem>>) {add = true}
    %scan3A_493 = arith.constant 0 : i32
    %scan3A_494 = arith.constant 0 : i32
    %scan3A_495 = arith.constant 9 : i32
    %scan3A_496 = arith.addi %scan3A_494, %scan3A_495 : i32
    %scan3A_497 = arith.constant 1 : i32
    scf.for %scan3A_556 = %scan3A_494 to %scan3A_496 step %scan3A_497  : i32 {
      %mul3A_557 = arith.constant 4 : i32
      %mul3A_558 = arith.muli %mul3A_557, %scan3A_556 : i32
      %add3A_559 = arith.constant 2 : i32
      %add3A_560 = arith.addi %mul3A_558, %add3A_559 : i32
      %dma_wait3A_561 = arith.constant 0 : i32
      %dma_wait3A_562 = arith.constant 0 : i32
      %dma_wait3A_563 = tpu.memref_slice %arg6[%dma_wait3A_561, %dma_wait3A_562] : memref<40x128xi32, #tpu.memory_space<vmem>> -> memref<1x128xi32, #tpu.memory_space<vmem>>
      %dma_wait3A_564 = tpu.memref_squeeze %dma_wait3A_563 : memref<1x128xi32, #tpu.memory_space<vmem>> -> memref<128xi32, #tpu.memory_space<vmem>>
      %dma_wait3A_565 = arith.constant 0 : i32
      %dma_wait3A_566 = arith.constant 0 : i32
      %dma_wait3A_567 = tpu.memref_slice %arg12[%dma_wait3A_565, %dma_wait3A_566] : memref<10240x64xf32, #tpu.memory_space<vmem_shared>> -> memref<10240x64xf32, #tpu.memory_space<vmem_shared>>
      tpu.wait_indirect_dma semaphore(%arg17 : memref<!tpu.dma_semaphore, #tpu.memory_space<semaphore_mem>>) src(%arg7 : memref<128x64xf32, #tpu.memory_space<vmem>>) dst(%dma_wait3A_567 : memref<10240x64xf32, #tpu.memory_space<vmem_shared>>)
      %add3A_568 = arith.constant 0 : i32
      %add3A_569 = arith.addi %add3A_560, %add3A_568 : i32
      %add3A_570 = arith.constant 2 : i32
      %add3A_571 = arith.addi %add3A_569, %add3A_570 : i32
      %dma_start3A_572 = arith.constant 0 : i32
      %dma_start3A_573 = tpu.memref_slice %arg5[%add3A_571, %dma_start3A_572] : memref<40x128xi32, #tpu.memory_space<vmem>> -> memref<1x128xi32, #tpu.memory_space<vmem>>
      %dma_start3A_574 = tpu.memref_squeeze %dma_start3A_573 : memref<1x128xi32, #tpu.memory_space<vmem>> -> memref<128xi32, #tpu.memory_space<vmem>>
      %dma_start3A_575 = arith.constant 0 : i32
      %dma_start3A_576 = arith.constant 0 : i32
      %dma_start3A_577 = tpu.memref_slice %arg11[%dma_start3A_575, %dma_start3A_576] : memref<10240x64xf32, #tpu.memory_space<vmem_shared>> -> memref<10240x64xf32, #tpu.memory_space<vmem_shared>>
      tpu.enqueue_indirect_dma source(%dma_start3A_577 : memref<10240x64xf32, #tpu.memory_space<vmem_shared>>) target(%arg7 : memref<128x64xf32, #tpu.memory_space<vmem>>) offsets(%dma_start3A_574 : memref<128xi32, #tpu.memory_space<vmem>>) semaphore(%arg13 : memref<!tpu.dma_semaphore, #tpu.memory_space<semaphore_mem>>)
      %dma_wait3A_578 = arith.constant 0 : i32
      %dma_wait3A_579 = arith.constant 0 : i32
      %dma_wait3A_580 = tpu.memref_slice %arg5[%dma_wait3A_578, %dma_wait3A_579] : memref<40x128xi32, #tpu.memory_space<vmem>> -> memref<1x128xi32, #tpu.memory_space<vmem>>
      %dma_wait3A_581 = tpu.memref_squeeze %dma_wait3A_580 : memref<1x128xi32, #tpu.memory_space<vmem>> -> memref<128xi32, #tpu.memory_space<vmem>>
      %dma_wait3A_582 = arith.constant 0 : i32
      %dma_wait3A_583 = arith.constant 0 : i32
      %dma_wait3A_584 = tpu.memref_slice %arg11[%dma_wait3A_582, %dma_wait3A_583] : memref<10240x64xf32, #tpu.memory_space<vmem_shared>> -> memref<10240x64xf32, #tpu.memory_space<vmem_shared>>
      tpu.wait_indirect_dma semaphore(%arg15 : memref<!tpu.dma_semaphore, #tpu.memory_space<semaphore_mem>>) src(%dma_wait3A_584 : memref<10240x64xf32, #tpu.memory_space<vmem_shared>>) dst(%arg9 : memref<128x64xf32, #tpu.memory_space<vmem>>)
      %add3A_585 = arith.constant 0 : i32
      %add3A_586 = arith.addi %add3A_560, %add3A_585 : i32
      %dma_start3A_587 = arith.constant 0 : i32
      %dma_start3A_588 = tpu.memref_slice %arg6[%add3A_586, %dma_start3A_587] : memref<40x128xi32, #tpu.memory_space<vmem>> -> memref<1x128xi32, #tpu.memory_space<vmem>>
      %dma_start3A_589 = tpu.memref_squeeze %dma_start3A_588 : memref<1x128xi32, #tpu.memory_space<vmem>> -> memref<128xi32, #tpu.memory_space<vmem>>
      %dma_start3A_590 = arith.constant 0 : i32
      %dma_start3A_591 = arith.constant 0 : i32
      %dma_start3A_592 = tpu.memref_slice %arg12[%dma_start3A_590, %dma_start3A_591] : memref<10240x64xf32, #tpu.memory_space<vmem_shared>> -> memref<10240x64xf32, #tpu.memory_space<vmem_shared>>
      tpu.enqueue_indirect_dma source(%arg9 : memref<128x64xf32, #tpu.memory_space<vmem>>) target(%dma_start3A_592 : memref<10240x64xf32, #tpu.memory_space<vmem_shared>>) offsets(%dma_start3A_589 : memref<128xi32, #tpu.memory_space<vmem>>) semaphore(%arg19 : memref<!tpu.dma_semaphore, #tpu.memory_space<semaphore_mem>>) {add = true}
      %dma_wait3A_593 = arith.constant 0 : i32
      %dma_wait3A_594 = arith.constant 0 : i32
      %dma_wait3A_595 = tpu.memref_slice %arg6[%dma_wait3A_593, %dma_wait3A_594] : memref<40x128xi32, #tpu.memory_space<vmem>> -> memref<1x128xi32, #tpu.memory_space<vmem>>
      %dma_wait3A_596 = tpu.memref_squeeze %dma_wait3A_595 : memref<1x128xi32, #tpu.memory_space<vmem>> -> memref<128xi32, #tpu.memory_space<vmem>>
      %dma_wait3A_597 = arith.constant 0 : i32
      %dma_wait3A_598 = arith.constant 0 : i32
      %dma_wait3A_599 = tpu.memref_slice %arg12[%dma_wait3A_597, %dma_wait3A_598] : memref<10240x64xf32, #tpu.memory_space<vmem_shared>> -> memref<10240x64xf32, #tpu.memory_space<vmem_shared>>
      tpu.wait_indirect_dma semaphore(%arg18 : memref<!tpu.dma_semaphore, #tpu.memory_space<semaphore_mem>>) src(%arg8 : memref<128x64xf32, #tpu.memory_space<vmem>>) dst(%dma_wait3A_599 : memref<10240x64xf32, #tpu.memory_space<vmem_shared>>)
      %add3A_600 = arith.constant 1 : i32
      %add3A_601 = arith.addi %add3A_560, %add3A_600 : i32
      %add3A_602 = arith.constant 2 : i32
      %add3A_603 = arith.addi %add3A_601, %add3A_602 : i32
      %dma_start3A_604 = arith.constant 0 : i32
      %dma_start3A_605 = tpu.memref_slice %arg5[%add3A_603, %dma_start3A_604] : memref<40x128xi32, #tpu.memory_space<vmem>> -> memref<1x128xi32, #tpu.memory_space<vmem>>
      %dma_start3A_606 = tpu.memref_squeeze %dma_start3A_605 : memref<1x128xi32, #tpu.memory_space<vmem>> -> memref<128xi32, #tpu.memory_space<vmem>>
      %dma_start3A_607 = arith.constant 0 : i32
      %dma_start3A_608 = arith.constant 0 : i32
      %dma_start3A_609 = tpu.memref_slice %arg11[%dma_start3A_607, %dma_start3A_608] : memref<10240x64xf32, #tpu.memory_space<vmem_shared>> -> memref<10240x64xf32, #tpu.memory_space<vmem_shared>>
      tpu.enqueue_indirect_dma source(%dma_start3A_609 : memref<10240x64xf32, #tpu.memory_space<vmem_shared>>) target(%arg8 : memref<128x64xf32, #tpu.memory_space<vmem>>) offsets(%dma_start3A_606 : memref<128xi32, #tpu.memory_space<vmem>>) semaphore(%arg14 : memref<!tpu.dma_semaphore, #tpu.memory_space<semaphore_mem>>)
      %dma_wait3A_610 = arith.constant 0 : i32
      %dma_wait3A_611 = arith.constant 0 : i32
      %dma_wait3A_612 = tpu.memref_slice %arg5[%dma_wait3A_610, %dma_wait3A_611] : memref<40x128xi32, #tpu.memory_space<vmem>> -> memref<1x128xi32, #tpu.memory_space<vmem>>
      %dma_wait3A_613 = tpu.memref_squeeze %dma_wait3A_612 : memref<1x128xi32, #tpu.memory_space<vmem>> -> memref<128xi32, #tpu.memory_space<vmem>>
      %dma_wait3A_614 = arith.constant 0 : i32
      %dma_wait3A_615 = arith.constant 0 : i32
      %dma_wait3A_616 = tpu.memref_slice %arg11[%dma_wait3A_614, %dma_wait3A_615] : memref<10240x64xf32, #tpu.memory_space<vmem_shared>> -> memref<10240x64xf32, #tpu.memory_space<vmem_shared>>
      tpu.wait_indirect_dma semaphore(%arg16 : memref<!tpu.dma_semaphore, #tpu.memory_space<semaphore_mem>>) src(%dma_wait3A_616 : memref<10240x64xf32, #tpu.memory_space<vmem_shared>>) dst(%arg10 : memref<128x64xf32, #tpu.memory_space<vmem>>)
      %add3A_617 = arith.constant 1 : i32
      %add3A_618 = arith.addi %add3A_560, %add3A_617 : i32
      %dma_start3A_619 = arith.constant 0 : i32
      %dma_start3A_620 = tpu.memref_slice %arg6[%add3A_618, %dma_start3A_619] : memref<40x128xi32, #tpu.memory_space<vmem>> -> memref<1x128xi32, #tpu.memory_space<vmem>>
      %dma_start3A_621 = tpu.memref_squeeze %dma_start3A_620 : memref<1x128xi32, #tpu.memory_space<vmem>> -> memref<128xi32, #tpu.memory_space<vmem>>
      %dma_start3A_622 = arith.constant 0 : i32
      %dma_start3A_623 = arith.constant 0 : i32
      %dma_start3A_624 = tpu.memref_slice %arg12[%dma_start3A_622, %dma_start3A_623] : memref<10240x64xf32, #tpu.memory_space<vmem_shared>> -> memref<10240x64xf32, #tpu.memory_space<vmem_shared>>
      tpu.enqueue_indirect_dma source(%arg10 : memref<128x64xf32, #tpu.memory_space<vmem>>) target(%dma_start3A_624 : memref<10240x64xf32, #tpu.memory_space<vmem_shared>>) offsets(%dma_start3A_621 : memref<128xi32, #tpu.memory_space<vmem>>) semaphore(%arg20 : memref<!tpu.dma_semaphore, #tpu.memory_space<semaphore_mem>>) {add = true}
      %dma_wait3A_625 = arith.constant 0 : i32
      %dma_wait3A_626 = arith.constant 0 : i32
      %dma_wait3A_627 = tpu.memref_slice %arg6[%dma_wait3A_625, %dma_wait3A_626] : memref<40x128xi32, #tpu.memory_space<vmem>> -> memref<1x128xi32, #tpu.memory_space<vmem>>
      %dma_wait3A_628 = tpu.memref_squeeze %dma_wait3A_627 : memref<1x128xi32, #tpu.memory_space<vmem>> -> memref<128xi32, #tpu.memory_space<vmem>>
      %dma_wait3A_629 = arith.constant 0 : i32
      %dma_wait3A_630 = arith.constant 0 : i32
      %dma_wait3A_631 = tpu.memref_slice %arg12[%dma_wait3A_629, %dma_wait3A_630] : memref<10240x64xf32, #tpu.memory_space<vmem_shared>> -> memref<10240x64xf32, #tpu.memory_space<vmem_shared>>
      tpu.wait_indirect_dma semaphore(%arg19 : memref<!tpu.dma_semaphore, #tpu.memory_space<semaphore_mem>>) src(%arg9 : memref<128x64xf32, #tpu.memory_space<vmem>>) dst(%dma_wait3A_631 : memref<10240x64xf32, #tpu.memory_space<vmem_shared>>)
      %add3A_632 = arith.constant 2 : i32
      %add3A_633 = arith.addi %add3A_560, %add3A_632 : i32
      %add3A_634 = arith.constant 2 : i32
      %add3A_635 = arith.addi %add3A_633, %add3A_634 : i32
      %dma_start3A_636 = arith.constant 0 : i32
      %dma_start3A_637 = tpu.memref_slice %arg5[%add3A_635, %dma_start3A_636] : memref<40x128xi32, #tpu.memory_space<vmem>> -> memref<1x128xi32, #tpu.memory_space<vmem>>
      %dma_start3A_638 = tpu.memref_squeeze %dma_start3A_637 : memref<1x128xi32, #tpu.memory_space<vmem>> -> memref<128xi32, #tpu.memory_space<vmem>>
      %dma_start3A_639 = arith.constant 0 : i32
      %dma_start3A_640 = arith.constant 0 : i32
      %dma_start3A_641 = tpu.memref_slice %arg11[%dma_start3A_639, %dma_start3A_640] : memref<10240x64xf32, #tpu.memory_space<vmem_shared>> -> memref<10240x64xf32, #tpu.memory_space<vmem_shared>>
      tpu.enqueue_indirect_dma source(%dma_start3A_641 : memref<10240x64xf32, #tpu.memory_space<vmem_shared>>) target(%arg9 : memref<128x64xf32, #tpu.memory_space<vmem>>) offsets(%dma_start3A_638 : memref<128xi32, #tpu.memory_space<vmem>>) semaphore(%arg15 : memref<!tpu.dma_semaphore, #tpu.memory_space<semaphore_mem>>)
      %dma_wait3A_642 = arith.constant 0 : i32
      %dma_wait3A_643 = arith.constant 0 : i32
      %dma_wait3A_644 = tpu.memref_slice %arg5[%dma_wait3A_642, %dma_wait3A_643] : memref<40x128xi32, #tpu.memory_space<vmem>> -> memref<1x128xi32, #tpu.memory_space<vmem>>
      %dma_wait3A_645 = tpu.memref_squeeze %dma_wait3A_644 : memref<1x128xi32, #tpu.memory_space<vmem>> -> memref<128xi32, #tpu.memory_space<vmem>>
      %dma_wait3A_646 = arith.constant 0 : i32
      %dma_wait3A_647 = arith.constant 0 : i32
      %dma_wait3A_648 = tpu.memref_slice %arg11[%dma_wait3A_646, %dma_wait3A_647] : memref<10240x64xf32, #tpu.memory_space<vmem_shared>> -> memref<10240x64xf32, #tpu.memory_space<vmem_shared>>
      tpu.wait_indirect_dma semaphore(%arg13 : memref<!tpu.dma_semaphore, #tpu.memory_space<semaphore_mem>>) src(%dma_wait3A_648 : memref<10240x64xf32, #tpu.memory_space<vmem_shared>>) dst(%arg7 : memref<128x64xf32, #tpu.memory_space<vmem>>)
      %add3A_649 = arith.constant 2 : i32
      %add3A_650 = arith.addi %add3A_560, %add3A_649 : i32
      %dma_start3A_651 = arith.constant 0 : i32
      %dma_start3A_652 = tpu.memref_slice %arg6[%add3A_650, %dma_start3A_651] : memref<40x128xi32, #tpu.memory_space<vmem>> -> memref<1x128xi32, #tpu.memory_space<vmem>>
      %dma_start3A_653 = tpu.memref_squeeze %dma_start3A_652 : memref<1x128xi32, #tpu.memory_space<vmem>> -> memref<128xi32, #tpu.memory_space<vmem>>
      %dma_start3A_654 = arith.constant 0 : i32
      %dma_start3A_655 = arith.constant 0 : i32
      %dma_start3A_656 = tpu.memref_slice %arg12[%dma_start3A_654, %dma_start3A_655] : memref<10240x64xf32, #tpu.memory_space<vmem_shared>> -> memref<10240x64xf32, #tpu.memory_space<vmem_shared>>
      tpu.enqueue_indirect_dma source(%arg7 : memref<128x64xf32, #tpu.memory_space<vmem>>) target(%dma_start3A_656 : memref<10240x64xf32, #tpu.memory_space<vmem_shared>>) offsets(%dma_start3A_653 : memref<128xi32, #tpu.memory_space<vmem>>) semaphore(%arg17 : memref<!tpu.dma_semaphore, #tpu.memory_space<semaphore_mem>>) {add = true}
      %dma_wait3A_657 = arith.constant 0 : i32
      %dma_wait3A_658 = arith.constant 0 : i32
      %dma_wait3A_659 = tpu.memref_slice %arg6[%dma_wait3A_657, %dma_wait3A_658] : memref<40x128xi32, #tpu.memory_space<vmem>> -> memref<1x128xi32, #tpu.memory_space<vmem>>
      %dma_wait3A_660 = tpu.memref_squeeze %dma_wait3A_659 : memref<1x128xi32, #tpu.memory_space<vmem>> -> memref<128xi32, #tpu.memory_space<vmem>>
      %dma_wait3A_661 = arith.constant 0 : i32
      %dma_wait3A_662 = arith.constant 0 : i32
      %dma_wait3A_663 = tpu.memref_slice %arg12[%dma_wait3A_661, %dma_wait3A_662] : memref<10240x64xf32, #tpu.memory_space<vmem_shared>> -> memref<10240x64xf32, #tpu.memory_space<vmem_shared>>
      tpu.wait_indirect_dma semaphore(%arg20 : memref<!tpu.dma_semaphore, #tpu.memory_space<semaphore_mem>>) src(%arg10 : memref<128x64xf32, #tpu.memory_space<vmem>>) dst(%dma_wait3A_663 : memref<10240x64xf32, #tpu.memory_space<vmem_shared>>)
      %add3A_664 = arith.constant 3 : i32
      %add3A_665 = arith.addi %add3A_560, %add3A_664 : i32
      %add3A_666 = arith.constant 2 : i32
      %add3A_667 = arith.addi %add3A_665, %add3A_666 : i32
      %dma_start3A_668 = arith.constant 0 : i32
      %dma_start3A_669 = tpu.memref_slice %arg5[%add3A_667, %dma_start3A_668] : memref<40x128xi32, #tpu.memory_space<vmem>> -> memref<1x128xi32, #tpu.memory_space<vmem>>
      %dma_start3A_670 = tpu.memref_squeeze %dma_start3A_669 : memref<1x128xi32, #tpu.memory_space<vmem>> -> memref<128xi32, #tpu.memory_space<vmem>>
      %dma_start3A_671 = arith.constant 0 : i32
      %dma_start3A_672 = arith.constant 0 : i32
      %dma_start3A_673 = tpu.memref_slice %arg11[%dma_start3A_671, %dma_start3A_672] : memref<10240x64xf32, #tpu.memory_space<vmem_shared>> -> memref<10240x64xf32, #tpu.memory_space<vmem_shared>>
      tpu.enqueue_indirect_dma source(%dma_start3A_673 : memref<10240x64xf32, #tpu.memory_space<vmem_shared>>) target(%arg10 : memref<128x64xf32, #tpu.memory_space<vmem>>) offsets(%dma_start3A_670 : memref<128xi32, #tpu.memory_space<vmem>>) semaphore(%arg16 : memref<!tpu.dma_semaphore, #tpu.memory_space<semaphore_mem>>)
      %dma_wait3A_674 = arith.constant 0 : i32
      %dma_wait3A_675 = arith.constant 0 : i32
      %dma_wait3A_676 = tpu.memref_slice %arg5[%dma_wait3A_674, %dma_wait3A_675] : memref<40x128xi32, #tpu.memory_space<vmem>> -> memref<1x128xi32, #tpu.memory_space<vmem>>
      %dma_wait3A_677 = tpu.memref_squeeze %dma_wait3A_676 : memref<1x128xi32, #tpu.memory_space<vmem>> -> memref<128xi32, #tpu.memory_space<vmem>>
      %dma_wait3A_678 = arith.constant 0 : i32
      %dma_wait3A_679 = arith.constant 0 : i32
      %dma_wait3A_680 = tpu.memref_slice %arg11[%dma_wait3A_678, %dma_wait3A_679] : memref<10240x64xf32, #tpu.memory_space<vmem_shared>> -> memref<10240x64xf32, #tpu.memory_space<vmem_shared>>
      tpu.wait_indirect_dma semaphore(%arg14 : memref<!tpu.dma_semaphore, #tpu.memory_space<semaphore_mem>>) src(%dma_wait3A_680 : memref<10240x64xf32, #tpu.memory_space<vmem_shared>>) dst(%arg8 : memref<128x64xf32, #tpu.memory_space<vmem>>)
      %add3A_681 = arith.constant 3 : i32
      %add3A_682 = arith.addi %add3A_560, %add3A_681 : i32
      %dma_start3A_683 = arith.constant 0 : i32
      %dma_start3A_684 = tpu.memref_slice %arg6[%add3A_682, %dma_start3A_683] : memref<40x128xi32, #tpu.memory_space<vmem>> -> memref<1x128xi32, #tpu.memory_space<vmem>>
      %dma_start3A_685 = tpu.memref_squeeze %dma_start3A_684 : memref<1x128xi32, #tpu.memory_space<vmem>> -> memref<128xi32, #tpu.memory_space<vmem>>
      %dma_start3A_686 = arith.constant 0 : i32
      %dma_start3A_687 = arith.constant 0 : i32
      %dma_start3A_688 = tpu.memref_slice %arg12[%dma_start3A_686, %dma_start3A_687] : memref<10240x64xf32, #tpu.memory_space<vmem_shared>> -> memref<10240x64xf32, #tpu.memory_space<vmem_shared>>
      tpu.enqueue_indirect_dma source(%arg8 : memref<128x64xf32, #tpu.memory_space<vmem>>) target(%dma_start3A_688 : memref<10240x64xf32, #tpu.memory_space<vmem_shared>>) offsets(%dma_start3A_685 : memref<128xi32, #tpu.memory_space<vmem>>) semaphore(%arg18 : memref<!tpu.dma_semaphore, #tpu.memory_space<semaphore_mem>>) {add = true}
    }
    %scan3A_498 = arith.constant 9 : i32
    %dma_wait3A_499 = arith.constant 0 : i32
    %dma_wait3A_500 = arith.constant 0 : i32
    %dma_wait3A_501 = tpu.memref_slice %arg6[%dma_wait3A_499, %dma_wait3A_500] : memref<40x128xi32, #tpu.memory_space<vmem>> -> memref<1x128xi32, #tpu.memory_space<vmem>>
    %dma_wait3A_502 = tpu.memref_squeeze %dma_wait3A_501 : memref<1x128xi32, #tpu.memory_space<vmem>> -> memref<128xi32, #tpu.memory_space<vmem>>
    %dma_wait3A_503 = arith.constant 0 : i32
    %dma_wait3A_504 = arith.constant 0 : i32
    %dma_wait3A_505 = tpu.memref_slice %arg12[%dma_wait3A_503, %dma_wait3A_504] : memref<10240x64xf32, #tpu.memory_space<vmem_shared>> -> memref<10240x64xf32, #tpu.memory_space<vmem_shared>>
    tpu.wait_indirect_dma semaphore(%arg17 : memref<!tpu.dma_semaphore, #tpu.memory_space<semaphore_mem>>) src(%arg7 : memref<128x64xf32, #tpu.memory_space<vmem>>) dst(%dma_wait3A_505 : memref<10240x64xf32, #tpu.memory_space<vmem_shared>>)
    %dma_wait3A_506 = arith.constant 0 : i32
    %dma_wait3A_507 = arith.constant 0 : i32
    %dma_wait3A_508 = tpu.memref_slice %arg5[%dma_wait3A_506, %dma_wait3A_507] : memref<40x128xi32, #tpu.memory_space<vmem>> -> memref<1x128xi32, #tpu.memory_space<vmem>>
    %dma_wait3A_509 = tpu.memref_squeeze %dma_wait3A_508 : memref<1x128xi32, #tpu.memory_space<vmem>> -> memref<128xi32, #tpu.memory_space<vmem>>
    %dma_wait3A_510 = arith.constant 0 : i32
    %dma_wait3A_511 = arith.constant 0 : i32
    %dma_wait3A_512 = tpu.memref_slice %arg11[%dma_wait3A_510, %dma_wait3A_511] : memref<10240x64xf32, #tpu.memory_space<vmem_shared>> -> memref<10240x64xf32, #tpu.memory_space<vmem_shared>>
    tpu.wait_indirect_dma semaphore(%arg15 : memref<!tpu.dma_semaphore, #tpu.memory_space<semaphore_mem>>) src(%dma_wait3A_512 : memref<10240x64xf32, #tpu.memory_space<vmem_shared>>) dst(%arg9 : memref<128x64xf32, #tpu.memory_space<vmem>>)
    %dma_start3A_513 = arith.constant 38 : i32
    %dma_start3A_514 = arith.constant 0 : i32
    %dma_start3A_515 = tpu.memref_slice %arg6[%dma_start3A_513, %dma_start3A_514] : memref<40x128xi32, #tpu.memory_space<vmem>> -> memref<1x128xi32, #tpu.memory_space<vmem>>
    %dma_start3A_516 = tpu.memref_squeeze %dma_start3A_515 : memref<1x128xi32, #tpu.memory_space<vmem>> -> memref<128xi32, #tpu.memory_space<vmem>>
    %dma_start3A_517 = arith.constant 0 : i32
    %dma_start3A_518 = arith.constant 0 : i32
    %dma_start3A_519 = tpu.memref_slice %arg12[%dma_start3A_517, %dma_start3A_518] : memref<10240x64xf32, #tpu.memory_space<vmem_shared>> -> memref<10240x64xf32, #tpu.memory_space<vmem_shared>>
    tpu.enqueue_indirect_dma source(%arg9 : memref<128x64xf32, #tpu.memory_space<vmem>>) target(%dma_start3A_519 : memref<10240x64xf32, #tpu.memory_space<vmem_shared>>) offsets(%dma_start3A_516 : memref<128xi32, #tpu.memory_space<vmem>>) semaphore(%arg19 : memref<!tpu.dma_semaphore, #tpu.memory_space<semaphore_mem>>) {add = true}
    %dma_wait3A_520 = arith.constant 0 : i32
    %dma_wait3A_521 = arith.constant 0 : i32
    %dma_wait3A_522 = tpu.memref_slice %arg6[%dma_wait3A_520, %dma_wait3A_521] : memref<40x128xi32, #tpu.memory_space<vmem>> -> memref<1x128xi32, #tpu.memory_space<vmem>>
    %dma_wait3A_523 = tpu.memref_squeeze %dma_wait3A_522 : memref<1x128xi32, #tpu.memory_space<vmem>> -> memref<128xi32, #tpu.memory_space<vmem>>
    %dma_wait3A_524 = arith.constant 0 : i32
    %dma_wait3A_525 = arith.constant 0 : i32
    %dma_wait3A_526 = tpu.memref_slice %arg12[%dma_wait3A_524, %dma_wait3A_525] : memref<10240x64xf32, #tpu.memory_space<vmem_shared>> -> memref<10240x64xf32, #tpu.memory_space<vmem_shared>>
    tpu.wait_indirect_dma semaphore(%arg18 : memref<!tpu.dma_semaphore, #tpu.memory_space<semaphore_mem>>) src(%arg8 : memref<128x64xf32, #tpu.memory_space<vmem>>) dst(%dma_wait3A_526 : memref<10240x64xf32, #tpu.memory_space<vmem_shared>>)
    %dma_wait3A_527 = arith.constant 0 : i32
    %dma_wait3A_528 = arith.constant 0 : i32
    %dma_wait3A_529 = tpu.memref_slice %arg5[%dma_wait3A_527, %dma_wait3A_528] : memref<40x128xi32, #tpu.memory_space<vmem>> -> memref<1x128xi32, #tpu.memory_space<vmem>>
    %dma_wait3A_530 = tpu.memref_squeeze %dma_wait3A_529 : memref<1x128xi32, #tpu.memory_space<vmem>> -> memref<128xi32, #tpu.memory_space<vmem>>
    %dma_wait3A_531 = arith.constant 0 : i32
    %dma_wait3A_532 = arith.constant 0 : i32
    %dma_wait3A_533 = tpu.memref_slice %arg11[%dma_wait3A_531, %dma_wait3A_532] : memref<10240x64xf32, #tpu.memory_space<vmem_shared>> -> memref<10240x64xf32, #tpu.memory_space<vmem_shared>>
    tpu.wait_indirect_dma semaphore(%arg16 : memref<!tpu.dma_semaphore, #tpu.memory_space<semaphore_mem>>) src(%dma_wait3A_533 : memref<10240x64xf32, #tpu.memory_space<vmem_shared>>) dst(%arg10 : memref<128x64xf32, #tpu.memory_space<vmem>>)
    %dma_start3A_534 = arith.constant 39 : i32
    %dma_start3A_535 = arith.constant 0 : i32
    %dma_start3A_536 = tpu.memref_slice %arg6[%dma_start3A_534, %dma_start3A_535] : memref<40x128xi32, #tpu.memory_space<vmem>> -> memref<1x128xi32, #tpu.memory_space<vmem>>
    %dma_start3A_537 = tpu.memref_squeeze %dma_start3A_536 : memref<1x128xi32, #tpu.memory_space<vmem>> -> memref<128xi32, #tpu.memory_space<vmem>>
    %dma_start3A_538 = arith.constant 0 : i32
    %dma_start3A_539 = arith.constant 0 : i32
    %dma_start3A_540 = tpu.memref_slice %arg12[%dma_start3A_538, %dma_start3A_539] : memref<10240x64xf32, #tpu.memory_space<vmem_shared>> -> memref<10240x64xf32, #tpu.memory_space<vmem_shared>>
    tpu.enqueue_indirect_dma source(%arg10 : memref<128x64xf32, #tpu.memory_space<vmem>>) target(%dma_start3A_540 : memref<10240x64xf32, #tpu.memory_space<vmem_shared>>) offsets(%dma_start3A_537 : memref<128xi32, #tpu.memory_space<vmem>>) semaphore(%arg20 : memref<!tpu.dma_semaphore, #tpu.memory_space<semaphore_mem>>) {add = true}
    %dma_wait3A_541 = arith.constant 0 : i32
    %dma_wait3A_542 = arith.constant 0 : i32
    %dma_wait3A_543 = tpu.memref_slice %arg6[%dma_wait3A_541, %dma_wait3A_542] : memref<40x128xi32, #tpu.memory_space<vmem>> -> memref<1x128xi32, #tpu.memory_space<vmem>>
    %dma_wait3A_544 = tpu.memref_squeeze %dma_wait3A_543 : memref<1x128xi32, #tpu.memory_space<vmem>> -> memref<128xi32, #tpu.memory_space<vmem>>
    %dma_wait3A_545 = arith.constant 0 : i32
    %dma_wait3A_546 = arith.constant 0 : i32
    %dma_wait3A_547 = tpu.memref_slice %arg12[%dma_wait3A_545, %dma_wait3A_546] : memref<10240x64xf32, #tpu.memory_space<vmem_shared>> -> memref<10240x64xf32, #tpu.memory_space<vmem_shared>>
    tpu.wait_indirect_dma semaphore(%arg19 : memref<!tpu.dma_semaphore, #tpu.memory_space<semaphore_mem>>) src(%arg9 : memref<128x64xf32, #tpu.memory_space<vmem>>) dst(%dma_wait3A_547 : memref<10240x64xf32, #tpu.memory_space<vmem_shared>>)
    %dma_wait3A_548 = arith.constant 0 : i32
    %dma_wait3A_549 = arith.constant 0 : i32
    %dma_wait3A_550 = tpu.memref_slice %arg6[%dma_wait3A_548, %dma_wait3A_549] : memref<40x128xi32, #tpu.memory_space<vmem>> -> memref<1x128xi32, #tpu.memory_space<vmem>>
    %dma_wait3A_551 = tpu.memref_squeeze %dma_wait3A_550 : memref<1x128xi32, #tpu.memory_space<vmem>> -> memref<128xi32, #tpu.memory_space<vmem>>
    %dma_wait3A_552 = arith.constant 0 : i32
    %dma_wait3A_553 = arith.constant 0 : i32
    %dma_wait3A_554 = tpu.memref_slice %arg12[%dma_wait3A_552, %dma_wait3A_553] : memref<10240x64xf32, #tpu.memory_space<vmem_shared>> -> memref<10240x64xf32, #tpu.memory_space<vmem_shared>>
    tpu.wait_indirect_dma semaphore(%arg20 : memref<!tpu.dma_semaphore, #tpu.memory_space<semaphore_mem>>) src(%arg10 : memref<128x64xf32, #tpu.memory_space<vmem>>) dst(%dma_wait3A_554 : memref<10240x64xf32, #tpu.memory_space<vmem_shared>>)
    %barrier3A_555 = arith.constant 0 : index
    tpu.barrier barrier_id(%barrier3A_555)
    "tpu.region"() ({
      %run_scoped3A_556 = tpu.sem_alloc : memref<!tpu.dma_semaphore, #tpu.memory_space<semaphore_mem>>
      %dma_start3A_557 = arith.constant 0 : i32
      %dma_start3A_558 = arith.constant 0 : i32
      %dma_start3A_559 = tpu.memref_slice %arg4[%add3A_279, %dma_start3A_557, %dma_start3A_558] : memref<4x10240x64xf32, #tpu.memory_space<hbm>> -> memref<1x10240x64xf32, #tpu.memory_space<hbm>>
      %dma_start3A_560 = tpu.memref_squeeze %dma_start3A_559 : memref<1x10240x64xf32, #tpu.memory_space<hbm>> -> memref<10240x64xf32, #tpu.memory_space<hbm>>
      %dma_start3A_561 = arith.constant 0 : i32
      %dma_start3A_562 = tpu.memref_slice %dma_start3A_560[%mul3A_0, %dma_start3A_561] : memref<10240x64xf32, #tpu.memory_space<hbm>> -> memref<640x64xf32, #tpu.memory_space<hbm>>
      %dma_start3A_563 = arith.constant 0 : i32
      %dma_start3A_564 = tpu.memref_slice %arg12[%mul3A_0, %dma_start3A_563] : memref<10240x64xf32, #tpu.memory_space<vmem_shared>> -> memref<640x64xf32, #tpu.memory_space<vmem_shared>>
      tpu.enqueue_dma source(%dma_start3A_564 : memref<640x64xf32, #tpu.memory_space<vmem_shared>>) target(%dma_start3A_562 : memref<640x64xf32, #tpu.memory_space<hbm>>) target_semaphore(%run_scoped3A_556 : memref<!tpu.dma_semaphore, #tpu.memory_space<semaphore_mem>>)
      %dma_wait3A_565 = arith.constant 0 : i32
      %dma_wait3A_566 = arith.constant 0 : i32
      %dma_wait3A_567 = tpu.memref_slice %arg4[%add3A_279, %dma_wait3A_565, %dma_wait3A_566] : memref<4x10240x64xf32, #tpu.memory_space<hbm>> -> memref<1x10240x64xf32, #tpu.memory_space<hbm>>
      %dma_wait3A_568 = tpu.memref_squeeze %dma_wait3A_567 : memref<1x10240x64xf32, #tpu.memory_space<hbm>> -> memref<10240x64xf32, #tpu.memory_space<hbm>>
      %dma_wait3A_569 = arith.constant 0 : i32
      %dma_wait3A_570 = tpu.memref_slice %dma_wait3A_568[%mul3A_0, %dma_wait3A_569] : memref<10240x64xf32, #tpu.memory_space<hbm>> -> memref<640x64xf32, #tpu.memory_space<hbm>>
      %dma_wait3A_571 = arith.constant 0 : i32
      %dma_wait3A_572 = tpu.memref_slice %arg12[%mul3A_0, %dma_wait3A_571] : memref<10240x64xf32, #tpu.memory_space<vmem_shared>> -> memref<640x64xf32, #tpu.memory_space<vmem_shared>>
      tpu.wait_dma2 semaphore(%run_scoped3A_556 : memref<!tpu.dma_semaphore, #tpu.memory_space<semaphore_mem>>) src(%dma_wait3A_572 : memref<640x64xf32, #tpu.memory_space<vmem_shared>>) dst(%dma_wait3A_570 : memref<640x64xf32, #tpu.memory_space<hbm>>)
      tpu.yield
    }) : () -> ()
    return
  }
}

#map = affine_map<(d0, d1) -> (0, 0, 0)>
#map1 = affine_map<(d0, d1) -> (0, 0)>
module attributes {stable_mosaic.version = 14 : i64} {
  func.func @_sc_agg16(%arg0: i32, %arg1: i32, %arg2: memref<2x1280x128xi32, #tpu.memory_space<hbm>>, %arg3: memref<10240x16xf32, #tpu.memory_space<hbm>>, %arg4: memref<2x10240x16xf32, #tpu.memory_space<hbm>>, %arg5: memref<40x128xi32, #tpu.memory_space<vmem>>, %arg6: memref<40x128xi32, #tpu.memory_space<vmem>>, %arg7: memref<128x16xf32, #tpu.memory_space<vmem>>, %arg8: memref<128x16xf32, #tpu.memory_space<vmem>>, %arg9: memref<128x16xf32, #tpu.memory_space<vmem>>, %arg10: memref<128x16xf32, #tpu.memory_space<vmem>>, %arg11: memref<640x16xf32, #tpu.memory_space<vmem>>, %arg12: memref<10240x16xf32, #tpu.memory_space<vmem_shared>>, %arg13: memref<10240x16xf32, #tpu.memory_space<vmem_shared>>, %arg14: memref<!tpu.dma_semaphore, #tpu.memory_space<semaphore_mem>>, %arg15: memref<!tpu.dma_semaphore, #tpu.memory_space<semaphore_mem>>, %arg16: memref<!tpu.dma_semaphore, #tpu.memory_space<semaphore_mem>>, %arg17: memref<!tpu.dma_semaphore, #tpu.memory_space<semaphore_mem>>, %arg18: memref<!tpu.dma_semaphore, #tpu.memory_space<semaphore_mem>>, %arg19: memref<!tpu.dma_semaphore, #tpu.memory_space<semaphore_mem>>, %arg20: memref<!tpu.dma_semaphore, #tpu.memory_space<semaphore_mem>>, %arg21: memref<!tpu.dma_semaphore, #tpu.memory_space<semaphore_mem>>) attributes {dimension_semantics = [#tpu.dimension_semantics<core_parallel>, #tpu.dimension_semantics<subcore_parallel>], iteration_bounds = array<i64: 2, 16>, scalar_prefetch = 0 : i64, scratch_operands = 17 : i64, tpu.core_type = #tpu.core_type<sc_vector_subcore>, window_params = [{transform_indices = #map}, {transform_indices = #map1}, {transform_indices = #map}]} {
    %mul3A = arith.constant 640 : i32
    %mul3A_0 = arith.muli %arg1, %mul3A : i32
    %scan3A = arith.constant 0 : i32
    %scan3A_1 = arith.constant 0 : i32
    %scan3A_2 = arith.constant 640 : i32
    %scan3A_3 = arith.addi %scan3A_1, %scan3A_2 : i32
    %scan3A_4 = arith.constant 1 : i32
    scf.for %scan3A_128 = %scan3A_1 to %scan3A_3 step %scan3A_4  : i32 {
      %broadcast_in_dim3A = arith.constant 0.000000e+00 : f32
      %broadcast_in_dim3A_129 = vector.broadcast %broadcast_in_dim3A : f32 to vector<16xf32>
      %swap3A = arith.index_cast %scan3A_128 : i32 to index
      %swap3A_130 = arith.constant 0 : index
      %swap3A_131 = tpu.vector_load %arg11[%swap3A, %swap3A_130] {strides = array<i32>} : memref<640x16xf32, #tpu.memory_space<vmem>>, vector<1x16xf32>,
      %swap3A_132 = vector.shape_cast %swap3A_131 : vector<1x16xf32> to vector<16xf32>
      %swap3A_133 = vector.shape_cast %broadcast_in_dim3A_129 : vector<16xf32> to vector<1x16xf32>
      tpu.vector_store %arg11[%swap3A, %swap3A_130], %swap3A_133 {strides = array<i32>} : memref<640x16xf32, #tpu.memory_space<vmem>>, vector<1x16xf32>,
    }
    %scan3A_5 = arith.constant 640 : i32
    "tpu.region"() ({
      %run_scoped3A_128 = tpu.sem_alloc : memref<!tpu.dma_semaphore, #tpu.memory_space<semaphore_mem>>
      %dma_start3A_129 = arith.constant 0 : i32
      %dma_start3A_130 = tpu.memref_slice %arg13[%mul3A_0, %dma_start3A_129] : memref<10240x16xf32, #tpu.memory_space<vmem_shared>> -> memref<640x16xf32, #tpu.memory_space<vmem_shared>>
      %dma_start3A_131 = arith.constant 0 : i32
      %dma_start3A_132 = tpu.memref_slice %arg13[%mul3A_0, %dma_start3A_131] : memref<10240x16xf32, #tpu.memory_space<vmem_shared>> -> memref<640x16xf32, #tpu.memory_space<vmem_shared>>
      tpu.enqueue_dma source(%arg11 : memref<640x16xf32, #tpu.memory_space<vmem>>) target(%dma_start3A_132 : memref<640x16xf32, #tpu.memory_space<vmem_shared>>) target_semaphore(%run_scoped3A_128 : memref<!tpu.dma_semaphore, #tpu.memory_space<semaphore_mem>>)
      %dma_wait3A_133 = arith.constant 0 : i32
      %dma_wait3A_134 = tpu.memref_slice %arg13[%mul3A_0, %dma_wait3A_133] : memref<10240x16xf32, #tpu.memory_space<vmem_shared>> -> memref<640x16xf32, #tpu.memory_space<vmem_shared>>
      %dma_wait3A_135 = arith.constant 0 : i32
      %dma_wait3A_136 = tpu.memref_slice %arg13[%mul3A_0, %dma_wait3A_135] : memref<10240x16xf32, #tpu.memory_space<vmem_shared>> -> memref<640x16xf32, #tpu.memory_space<vmem_shared>>
      tpu.wait_dma2 semaphore(%run_scoped3A_128 : memref<!tpu.dma_semaphore, #tpu.memory_space<semaphore_mem>>) src(%arg11 : memref<640x16xf32, #tpu.memory_space<vmem>>) dst(%dma_wait3A_136 : memref<640x16xf32, #tpu.memory_space<vmem_shared>>)
      tpu.yield
    }) : () -> ()
    "tpu.region"() ({
      %run_scoped3A_128 = tpu.sem_alloc : memref<!tpu.dma_semaphore, #tpu.memory_space<semaphore_mem>>
      %dma_start3A_129 = arith.constant 0 : i32
      %dma_start3A_130 = tpu.memref_slice %arg12[%mul3A_0, %dma_start3A_129] : memref<10240x16xf32, #tpu.memory_space<vmem_shared>> -> memref<640x16xf32, #tpu.memory_space<vmem_shared>>
      %dma_start3A_131 = arith.constant 0 : i32
      %dma_start3A_132 = tpu.memref_slice %arg3[%mul3A_0, %dma_start3A_131] : memref<10240x16xf32, #tpu.memory_space<hbm>> -> memref<640x16xf32, #tpu.memory_space<hbm>>
      tpu.enqueue_dma source(%dma_start3A_132 : memref<640x16xf32, #tpu.memory_space<hbm>>) target(%dma_start3A_130 : memref<640x16xf32, #tpu.memory_space<vmem_shared>>) target_semaphore(%run_scoped3A_128 : memref<!tpu.dma_semaphore, #tpu.memory_space<semaphore_mem>>)
      %dma_wait3A_133 = arith.constant 0 : i32
      %dma_wait3A_134 = tpu.memref_slice %arg12[%mul3A_0, %dma_wait3A_133] : memref<10240x16xf32, #tpu.memory_space<vmem_shared>> -> memref<640x16xf32, #tpu.memory_space<vmem_shared>>
      %dma_wait3A_135 = arith.constant 0 : i32
      %dma_wait3A_136 = tpu.memref_slice %arg3[%mul3A_0, %dma_wait3A_135] : memref<10240x16xf32, #tpu.memory_space<hbm>> -> memref<640x16xf32, #tpu.memory_space<hbm>>
      tpu.wait_dma2 semaphore(%run_scoped3A_128 : memref<!tpu.dma_semaphore, #tpu.memory_space<semaphore_mem>>) src(%dma_wait3A_136 : memref<640x16xf32, #tpu.memory_space<hbm>>) dst(%dma_wait3A_134 : memref<640x16xf32, #tpu.memory_space<vmem_shared>>)
      tpu.yield
    }) : () -> ()
    %mul3A_6 = arith.constant 640 : i32
    %mul3A_7 = arith.muli %arg0, %mul3A_6 : i32
    %mul3A_8 = arith.constant 40 : i32
    %mul3A_9 = arith.muli %arg1, %mul3A_8 : i32
    %add3A = arith.addi %mul3A_7, %mul3A_9 : i32
    %run_scoped3A = arith.constant 0 : i32
    "tpu.region"() ({
      %run_scoped3A_128 = tpu.sem_alloc : memref<!tpu.dma_semaphore, #tpu.memory_space<semaphore_mem>>
      %dma_start3A_129 = arith.constant 0 : i32
      %dma_start3A_130 = arith.constant 0 : i32
      %dma_start3A_131 = tpu.memref_slice %arg2[%run_scoped3A, %dma_start3A_129, %dma_start3A_130] : memref<2x1280x128xi32, #tpu.memory_space<hbm>> -> memref<1x1280x128xi32, #tpu.memory_space<hbm>>
      %dma_start3A_132 = tpu.memref_squeeze %dma_start3A_131 : memref<1x1280x128xi32, #tpu.memory_space<hbm>> -> memref<1280x128xi32, #tpu.memory_space<hbm>>
      %dma_start3A_133 = arith.constant 0 : i32
      %dma_start3A_134 = tpu.memref_slice %dma_start3A_132[%add3A, %dma_start3A_133] : memref<1280x128xi32, #tpu.memory_space<hbm>> -> memref<40x128xi32, #tpu.memory_space<hbm>>
      %dma_start3A_135 = arith.constant 0 : i32
      %dma_start3A_136 = arith.constant 0 : i32
      %dma_start3A_137 = tpu.memref_slice %arg2[%run_scoped3A, %dma_start3A_135, %dma_start3A_136] : memref<2x1280x128xi32, #tpu.memory_space<hbm>> -> memref<1x1280x128xi32, #tpu.memory_space<hbm>>
      %dma_start3A_138 = tpu.memref_squeeze %dma_start3A_137 : memref<1x1280x128xi32, #tpu.memory_space<hbm>> -> memref<1280x128xi32, #tpu.memory_space<hbm>>
      %dma_start3A_139 = arith.constant 0 : i32
      %dma_start3A_140 = tpu.memref_slice %dma_start3A_138[%add3A, %dma_start3A_139] : memref<1280x128xi32, #tpu.memory_space<hbm>> -> memref<40x128xi32, #tpu.memory_space<hbm>>
      tpu.enqueue_dma source(%dma_start3A_140 : memref<40x128xi32, #tpu.memory_space<hbm>>) target(%arg5 : memref<40x128xi32, #tpu.memory_space<vmem>>) target_semaphore(%run_scoped3A_128 : memref<!tpu.dma_semaphore, #tpu.memory_space<semaphore_mem>>)
      %dma_wait3A_141 = arith.constant 0 : i32
      %dma_wait3A_142 = arith.constant 0 : i32
      %dma_wait3A_143 = tpu.memref_slice %arg2[%run_scoped3A, %dma_wait3A_141, %dma_wait3A_142] : memref<2x1280x128xi32, #tpu.memory_space<hbm>> -> memref<1x1280x128xi32, #tpu.memory_space<hbm>>
      %dma_wait3A_144 = tpu.memref_squeeze %dma_wait3A_143 : memref<1x1280x128xi32, #tpu.memory_space<hbm>> -> memref<1280x128xi32, #tpu.memory_space<hbm>>
      %dma_wait3A_145 = arith.constant 0 : i32
      %dma_wait3A_146 = tpu.memref_slice %dma_wait3A_144[%add3A, %dma_wait3A_145] : memref<1280x128xi32, #tpu.memory_space<hbm>> -> memref<40x128xi32, #tpu.memory_space<hbm>>
      %dma_wait3A_147 = arith.constant 0 : i32
      %dma_wait3A_148 = arith.constant 0 : i32
      %dma_wait3A_149 = tpu.memref_slice %arg2[%run_scoped3A, %dma_wait3A_147, %dma_wait3A_148] : memref<2x1280x128xi32, #tpu.memory_space<hbm>> -> memref<1x1280x128xi32, #tpu.memory_space<hbm>>
      %dma_wait3A_150 = tpu.memref_squeeze %dma_wait3A_149 : memref<1x1280x128xi32, #tpu.memory_space<hbm>> -> memref<1280x128xi32, #tpu.memory_space<hbm>>
      %dma_wait3A_151 = arith.constant 0 : i32
      %dma_wait3A_152 = tpu.memref_slice %dma_wait3A_150[%add3A, %dma_wait3A_151] : memref<1280x128xi32, #tpu.memory_space<hbm>> -> memref<40x128xi32, #tpu.memory_space<hbm>>
      tpu.wait_dma2 semaphore(%run_scoped3A_128 : memref<!tpu.dma_semaphore, #tpu.memory_space<semaphore_mem>>) src(%dma_wait3A_152 : memref<40x128xi32, #tpu.memory_space<hbm>>) dst(%arg5 : memref<40x128xi32, #tpu.memory_space<vmem>>)
      tpu.yield
    }) : () -> ()
    %run_scoped3A_10 = arith.constant 1 : i32
    "tpu.region"() ({
      %run_scoped3A_128 = tpu.sem_alloc : memref<!tpu.dma_semaphore, #tpu.memory_space<semaphore_mem>>
      %dma_start3A_129 = arith.constant 0 : i32
      %dma_start3A_130 = arith.constant 0 : i32
      %dma_start3A_131 = tpu.memref_slice %arg2[%run_scoped3A_10, %dma_start3A_129, %dma_start3A_130] : memref<2x1280x128xi32, #tpu.memory_space<hbm>> -> memref<1x1280x128xi32, #tpu.memory_space<hbm>>
      %dma_start3A_132 = tpu.memref_squeeze %dma_start3A_131 : memref<1x1280x128xi32, #tpu.memory_space<hbm>> -> memref<1280x128xi32, #tpu.memory_space<hbm>>
      %dma_start3A_133 = arith.constant 0 : i32
      %dma_start3A_134 = tpu.memref_slice %dma_start3A_132[%add3A, %dma_start3A_133] : memref<1280x128xi32, #tpu.memory_space<hbm>> -> memref<40x128xi32, #tpu.memory_space<hbm>>
      %dma_start3A_135 = arith.constant 0 : i32
      %dma_start3A_136 = arith.constant 0 : i32
      %dma_start3A_137 = tpu.memref_slice %arg2[%run_scoped3A_10, %dma_start3A_135, %dma_start3A_136] : memref<2x1280x128xi32, #tpu.memory_space<hbm>> -> memref<1x1280x128xi32, #tpu.memory_space<hbm>>
      %dma_start3A_138 = tpu.memref_squeeze %dma_start3A_137 : memref<1x1280x128xi32, #tpu.memory_space<hbm>> -> memref<1280x128xi32, #tpu.memory_space<hbm>>
      %dma_start3A_139 = arith.constant 0 : i32
      %dma_start3A_140 = tpu.memref_slice %dma_start3A_138[%add3A, %dma_start3A_139] : memref<1280x128xi32, #tpu.memory_space<hbm>> -> memref<40x128xi32, #tpu.memory_space<hbm>>
      tpu.enqueue_dma source(%dma_start3A_140 : memref<40x128xi32, #tpu.memory_space<hbm>>) target(%arg6 : memref<40x128xi32, #tpu.memory_space<vmem>>) target_semaphore(%run_scoped3A_128 : memref<!tpu.dma_semaphore, #tpu.memory_space<semaphore_mem>>)
      %dma_wait3A_141 = arith.constant 0 : i32
      %dma_wait3A_142 = arith.constant 0 : i32
      %dma_wait3A_143 = tpu.memref_slice %arg2[%run_scoped3A_10, %dma_wait3A_141, %dma_wait3A_142] : memref<2x1280x128xi32, #tpu.memory_space<hbm>> -> memref<1x1280x128xi32, #tpu.memory_space<hbm>>
      %dma_wait3A_144 = tpu.memref_squeeze %dma_wait3A_143 : memref<1x1280x128xi32, #tpu.memory_space<hbm>> -> memref<1280x128xi32, #tpu.memory_space<hbm>>
      %dma_wait3A_145 = arith.constant 0 : i32
      %dma_wait3A_146 = tpu.memref_slice %dma_wait3A_144[%add3A, %dma_wait3A_145] : memref<1280x128xi32, #tpu.memory_space<hbm>> -> memref<40x128xi32, #tpu.memory_space<hbm>>
      %dma_wait3A_147 = arith.constant 0 : i32
      %dma_wait3A_148 = arith.constant 0 : i32
      %dma_wait3A_149 = tpu.memref_slice %arg2[%run_scoped3A_10, %dma_wait3A_147, %dma_wait3A_148] : memref<2x1280x128xi32, #tpu.memory_space<hbm>> -> memref<1x1280x128xi32, #tpu.memory_space<hbm>>
      %dma_wait3A_150 = tpu.memref_squeeze %dma_wait3A_149 : memref<1x1280x128xi32, #tpu.memory_space<hbm>> -> memref<1280x128xi32, #tpu.memory_space<hbm>>
      %dma_wait3A_151 = arith.constant 0 : i32
      %dma_wait3A_152 = tpu.memref_slice %dma_wait3A_150[%add3A, %dma_wait3A_151] : memref<1280x128xi32, #tpu.memory_space<hbm>> -> memref<40x128xi32, #tpu.memory_space<hbm>>
      tpu.wait_dma2 semaphore(%run_scoped3A_128 : memref<!tpu.dma_semaphore, #tpu.memory_space<semaphore_mem>>) src(%dma_wait3A_152 : memref<40x128xi32, #tpu.memory_space<hbm>>) dst(%arg6 : memref<40x128xi32, #tpu.memory_space<vmem>>)
      tpu.yield
    }) : () -> ()
    %barrier3A = arith.constant 0 : index
    tpu.barrier barrier_id(%barrier3A)
    %dma_start3A = arith.constant 0 : i32
    %dma_start3A_11 = arith.constant 0 : i32
    %dma_start3A_12 = tpu.memref_slice %arg5[%dma_start3A, %dma_start3A_11] : memref<40x128xi32, #tpu.memory_space<vmem>> -> memref<1x128xi32, #tpu.memory_space<vmem>>
    %dma_start3A_13 = tpu.memref_squeeze %dma_start3A_12 : memref<1x128xi32, #tpu.memory_space<vmem>> -> memref<128xi32, #tpu.memory_space<vmem>>
    %dma_start3A_14 = arith.constant 0 : i32
    %dma_start3A_15 = arith.constant 0 : i32
    %dma_start3A_16 = tpu.memref_slice %arg12[%dma_start3A_14, %dma_start3A_15] : memref<10240x16xf32, #tpu.memory_space<vmem_shared>> -> memref<10240x16xf32, #tpu.memory_space<vmem_shared>>
    tpu.enqueue_indirect_dma source(%dma_start3A_16 : memref<10240x16xf32, #tpu.memory_space<vmem_shared>>) target(%arg7 : memref<128x16xf32, #tpu.memory_space<vmem>>) offsets(%dma_start3A_13 : memref<128xi32, #tpu.memory_space<vmem>>) semaphore(%arg14 : memref<!tpu.dma_semaphore, #tpu.memory_space<semaphore_mem>>)
    %dma_start3A_17 = arith.constant 1 : i32
    %dma_start3A_18 = arith.constant 0 : i32
    %dma_start3A_19 = tpu.memref_slice %arg5[%dma_start3A_17, %dma_start3A_18] : memref<40x128xi32, #tpu.memory_space<vmem>> -> memref<1x128xi32, #tpu.memory_space<vmem>>
    %dma_start3A_20 = tpu.memref_squeeze %dma_start3A_19 : memref<1x128xi32, #tpu.memory_space<vmem>> -> memref<128xi32, #tpu.memory_space<vmem>>
    %dma_start3A_21 = arith.constant 0 : i32
    %dma_start3A_22 = arith.constant 0 : i32
    %dma_start3A_23 = tpu.memref_slice %arg12[%dma_start3A_21, %dma_start3A_22] : memref<10240x16xf32, #tpu.memory_space<vmem_shared>> -> memref<10240x16xf32, #tpu.memory_space<vmem_shared>>
    tpu.enqueue_indirect_dma source(%dma_start3A_23 : memref<10240x16xf32, #tpu.memory_space<vmem_shared>>) target(%arg8 : memref<128x16xf32, #tpu.memory_space<vmem>>) offsets(%dma_start3A_20 : memref<128xi32, #tpu.memory_space<vmem>>) semaphore(%arg15 : memref<!tpu.dma_semaphore, #tpu.memory_space<semaphore_mem>>)
    %dma_start3A_24 = arith.constant 2 : i32
    %dma_start3A_25 = arith.constant 0 : i32
    %dma_start3A_26 = tpu.memref_slice %arg5[%dma_start3A_24, %dma_start3A_25] : memref<40x128xi32, #tpu.memory_space<vmem>> -> memref<1x128xi32, #tpu.memory_space<vmem>>
    %dma_start3A_27 = tpu.memref_squeeze %dma_start3A_26 : memref<1x128xi32, #tpu.memory_space<vmem>> -> memref<128xi32, #tpu.memory_space<vmem>>
    %dma_start3A_28 = arith.constant 0 : i32
    %dma_start3A_29 = arith.constant 0 : i32
    %dma_start3A_30 = tpu.memref_slice %arg12[%dma_start3A_28, %dma_start3A_29] : memref<10240x16xf32, #tpu.memory_space<vmem_shared>> -> memref<10240x16xf32, #tpu.memory_space<vmem_shared>>
    tpu.enqueue_indirect_dma source(%dma_start3A_30 : memref<10240x16xf32, #tpu.memory_space<vmem_shared>>) target(%arg9 : memref<128x16xf32, #tpu.memory_space<vmem>>) offsets(%dma_start3A_27 : memref<128xi32, #tpu.memory_space<vmem>>) semaphore(%arg16 : memref<!tpu.dma_semaphore, #tpu.memory_space<semaphore_mem>>)
    %dma_wait3A = arith.constant 0 : i32
    %dma_wait3A_31 = arith.constant 0 : i32
    %dma_wait3A_32 = tpu.memref_slice %arg5[%dma_wait3A, %dma_wait3A_31] : memref<40x128xi32, #tpu.memory_space<vmem>> -> memref<1x128xi32, #tpu.memory_space<vmem>>
    %dma_wait3A_33 = tpu.memref_squeeze %dma_wait3A_32 : memref<1x128xi32, #tpu.memory_space<vmem>> -> memref<128xi32, #tpu.memory_space<vmem>>
    %dma_wait3A_34 = arith.constant 0 : i32
    %dma_wait3A_35 = arith.constant 0 : i32
    %dma_wait3A_36 = tpu.memref_slice %arg12[%dma_wait3A_34, %dma_wait3A_35] : memref<10240x16xf32, #tpu.memory_space<vmem_shared>> -> memref<10240x16xf32, #tpu.memory_space<vmem_shared>>
    tpu.wait_indirect_dma semaphore(%arg14 : memref<!tpu.dma_semaphore, #tpu.memory_space<semaphore_mem>>) src(%dma_wait3A_36 : memref<10240x16xf32, #tpu.memory_space<vmem_shared>>) dst(%arg7 : memref<128x16xf32, #tpu.memory_space<vmem>>)
    %dma_start3A_37 = arith.constant 0 : i32
    %dma_start3A_38 = arith.constant 0 : i32
    %dma_start3A_39 = tpu.memref_slice %arg6[%dma_start3A_37, %dma_start3A_38] : memref<40x128xi32, #tpu.memory_space<vmem>> -> memref<1x128xi32, #tpu.memory_space<vmem>>
    %dma_start3A_40 = tpu.memref_squeeze %dma_start3A_39 : memref<1x128xi32, #tpu.memory_space<vmem>> -> memref<128xi32, #tpu.memory_space<vmem>>
    %dma_start3A_41 = arith.constant 0 : i32
    %dma_start3A_42 = arith.constant 0 : i32
    %dma_start3A_43 = tpu.memref_slice %arg13[%dma_start3A_41, %dma_start3A_42] : memref<10240x16xf32, #tpu.memory_space<vmem_shared>> -> memref<10240x16xf32, #tpu.memory_space<vmem_shared>>
    tpu.enqueue_indirect_dma source(%arg7 : memref<128x16xf32, #tpu.memory_space<vmem>>) target(%dma_start3A_43 : memref<10240x16xf32, #tpu.memory_space<vmem_shared>>) offsets(%dma_start3A_40 : memref<128xi32, #tpu.memory_space<vmem>>) semaphore(%arg18 : memref<!tpu.dma_semaphore, #tpu.memory_space<semaphore_mem>>) {add = true}
    %dma_start3A_44 = arith.constant 3 : i32
    %dma_start3A_45 = arith.constant 0 : i32
    %dma_start3A_46 = tpu.memref_slice %arg5[%dma_start3A_44, %dma_start3A_45] : memref<40x128xi32, #tpu.memory_space<vmem>> -> memref<1x128xi32, #tpu.memory_space<vmem>>
    %dma_start3A_47 = tpu.memref_squeeze %dma_start3A_46 : memref<1x128xi32, #tpu.memory_space<vmem>> -> memref<128xi32, #tpu.memory_space<vmem>>
    %dma_start3A_48 = arith.constant 0 : i32
    %dma_start3A_49 = arith.constant 0 : i32
    %dma_start3A_50 = tpu.memref_slice %arg12[%dma_start3A_48, %dma_start3A_49] : memref<10240x16xf32, #tpu.memory_space<vmem_shared>> -> memref<10240x16xf32, #tpu.memory_space<vmem_shared>>
    tpu.enqueue_indirect_dma source(%dma_start3A_50 : memref<10240x16xf32, #tpu.memory_space<vmem_shared>>) target(%arg10 : memref<128x16xf32, #tpu.memory_space<vmem>>) offsets(%dma_start3A_47 : memref<128xi32, #tpu.memory_space<vmem>>) semaphore(%arg17 : memref<!tpu.dma_semaphore, #tpu.memory_space<semaphore_mem>>)
    %dma_wait3A_51 = arith.constant 0 : i32
    %dma_wait3A_52 = arith.constant 0 : i32
    %dma_wait3A_53 = tpu.memref_slice %arg5[%dma_wait3A_51, %dma_wait3A_52] : memref<40x128xi32, #tpu.memory_space<vmem>> -> memref<1x128xi32, #tpu.memory_space<vmem>>
    %dma_wait3A_54 = tpu.memref_squeeze %dma_wait3A_53 : memref<1x128xi32, #tpu.memory_space<vmem>> -> memref<128xi32, #tpu.memory_space<vmem>>
    %dma_wait3A_55 = arith.constant 0 : i32
    %dma_wait3A_56 = arith.constant 0 : i32
    %dma_wait3A_57 = tpu.memref_slice %arg12[%dma_wait3A_55, %dma_wait3A_56] : memref<10240x16xf32, #tpu.memory_space<vmem_shared>> -> memref<10240x16xf32, #tpu.memory_space<vmem_shared>>
    tpu.wait_indirect_dma semaphore(%arg15 : memref<!tpu.dma_semaphore, #tpu.memory_space<semaphore_mem>>) src(%dma_wait3A_57 : memref<10240x16xf32, #tpu.memory_space<vmem_shared>>) dst(%arg8 : memref<128x16xf32, #tpu.memory_space<vmem>>)
    %dma_start3A_58 = arith.constant 1 : i32
    %dma_start3A_59 = arith.constant 0 : i32
    %dma_start3A_60 = tpu.memref_slice %arg6[%dma_start3A_58, %dma_start3A_59] : memref<40x128xi32, #tpu.memory_space<vmem>> -> memref<1x128xi32, #tpu.memory_space<vmem>>
    %dma_start3A_61 = tpu.memref_squeeze %dma_start3A_60 : memref<1x128xi32, #tpu.memory_space<vmem>> -> memref<128xi32, #tpu.memory_space<vmem>>
    %dma_start3A_62 = arith.constant 0 : i32
    %dma_start3A_63 = arith.constant 0 : i32
    %dma_start3A_64 = tpu.memref_slice %arg13[%dma_start3A_62, %dma_start3A_63] : memref<10240x16xf32, #tpu.memory_space<vmem_shared>> -> memref<10240x16xf32, #tpu.memory_space<vmem_shared>>
    tpu.enqueue_indirect_dma source(%arg8 : memref<128x16xf32, #tpu.memory_space<vmem>>) target(%dma_start3A_64 : memref<10240x16xf32, #tpu.memory_space<vmem_shared>>) offsets(%dma_start3A_61 : memref<128xi32, #tpu.memory_space<vmem>>) semaphore(%arg19 : memref<!tpu.dma_semaphore, #tpu.memory_space<semaphore_mem>>) {add = true}
    %scan3A_65 = arith.constant 0 : i32
    %scan3A_66 = arith.constant 0 : i32
    %scan3A_67 = arith.constant 9 : i32
    %scan3A_68 = arith.addi %scan3A_66, %scan3A_67 : i32
    %scan3A_69 = arith.constant 1 : i32
    scf.for %scan3A_128 = %scan3A_66 to %scan3A_68 step %scan3A_69  : i32 {
      %mul3A_129 = arith.constant 4 : i32
      %mul3A_130 = arith.muli %mul3A_129, %scan3A_128 : i32
      %add3A_131 = arith.constant 2 : i32
      %add3A_132 = arith.addi %mul3A_130, %add3A_131 : i32
      %dma_wait3A_133 = arith.constant 0 : i32
      %dma_wait3A_134 = arith.constant 0 : i32
      %dma_wait3A_135 = tpu.memref_slice %arg6[%dma_wait3A_133, %dma_wait3A_134] : memref<40x128xi32, #tpu.memory_space<vmem>> -> memref<1x128xi32, #tpu.memory_space<vmem>>
      %dma_wait3A_136 = tpu.memref_squeeze %dma_wait3A_135 : memref<1x128xi32, #tpu.memory_space<vmem>> -> memref<128xi32, #tpu.memory_space<vmem>>
      %dma_wait3A_137 = arith.constant 0 : i32
      %dma_wait3A_138 = arith.constant 0 : i32
      %dma_wait3A_139 = tpu.memref_slice %arg13[%dma_wait3A_137, %dma_wait3A_138] : memref<10240x16xf32, #tpu.memory_space<vmem_shared>> -> memref<10240x16xf32, #tpu.memory_space<vmem_shared>>
      tpu.wait_indirect_dma semaphore(%arg18 : memref<!tpu.dma_semaphore, #tpu.memory_space<semaphore_mem>>) src(%arg7 : memref<128x16xf32, #tpu.memory_space<vmem>>) dst(%dma_wait3A_139 : memref<10240x16xf32, #tpu.memory_space<vmem_shared>>)
      %add3A_140 = arith.constant 0 : i32
      %add3A_141 = arith.addi %add3A_132, %add3A_140 : i32
      %add3A_142 = arith.constant 2 : i32
      %add3A_143 = arith.addi %add3A_141, %add3A_142 : i32
      %dma_start3A_144 = arith.constant 0 : i32
      %dma_start3A_145 = tpu.memref_slice %arg5[%add3A_143, %dma_start3A_144] : memref<40x128xi32, #tpu.memory_space<vmem>> -> memref<1x128xi32, #tpu.memory_space<vmem>>
      %dma_start3A_146 = tpu.memref_squeeze %dma_start3A_145 : memref<1x128xi32, #tpu.memory_space<vmem>> -> memref<128xi32, #tpu.memory_space<vmem>>
      %dma_start3A_147 = arith.constant 0 : i32
      %dma_start3A_148 = arith.constant 0 : i32
      %dma_start3A_149 = tpu.memref_slice %arg12[%dma_start3A_147, %dma_start3A_148] : memref<10240x16xf32, #tpu.memory_space<vmem_shared>> -> memref<10240x16xf32, #tpu.memory_space<vmem_shared>>
      tpu.enqueue_indirect_dma source(%dma_start3A_149 : memref<10240x16xf32, #tpu.memory_space<vmem_shared>>) target(%arg7 : memref<128x16xf32, #tpu.memory_space<vmem>>) offsets(%dma_start3A_146 : memref<128xi32, #tpu.memory_space<vmem>>) semaphore(%arg14 : memref<!tpu.dma_semaphore, #tpu.memory_space<semaphore_mem>>)
      %dma_wait3A_150 = arith.constant 0 : i32
      %dma_wait3A_151 = arith.constant 0 : i32
      %dma_wait3A_152 = tpu.memref_slice %arg5[%dma_wait3A_150, %dma_wait3A_151] : memref<40x128xi32, #tpu.memory_space<vmem>> -> memref<1x128xi32, #tpu.memory_space<vmem>>
      %dma_wait3A_153 = tpu.memref_squeeze %dma_wait3A_152 : memref<1x128xi32, #tpu.memory_space<vmem>> -> memref<128xi32, #tpu.memory_space<vmem>>
      %dma_wait3A_154 = arith.constant 0 : i32
      %dma_wait3A_155 = arith.constant 0 : i32
      %dma_wait3A_156 = tpu.memref_slice %arg12[%dma_wait3A_154, %dma_wait3A_155] : memref<10240x16xf32, #tpu.memory_space<vmem_shared>> -> memref<10240x16xf32, #tpu.memory_space<vmem_shared>>
      tpu.wait_indirect_dma semaphore(%arg16 : memref<!tpu.dma_semaphore, #tpu.memory_space<semaphore_mem>>) src(%dma_wait3A_156 : memref<10240x16xf32, #tpu.memory_space<vmem_shared>>) dst(%arg9 : memref<128x16xf32, #tpu.memory_space<vmem>>)
      %add3A_157 = arith.constant 0 : i32
      %add3A_158 = arith.addi %add3A_132, %add3A_157 : i32
      %dma_start3A_159 = arith.constant 0 : i32
      %dma_start3A_160 = tpu.memref_slice %arg6[%add3A_158, %dma_start3A_159] : memref<40x128xi32, #tpu.memory_space<vmem>> -> memref<1x128xi32, #tpu.memory_space<vmem>>
      %dma_start3A_161 = tpu.memref_squeeze %dma_start3A_160 : memref<1x128xi32, #tpu.memory_space<vmem>> -> memref<128xi32, #tpu.memory_space<vmem>>
      %dma_start3A_162 = arith.constant 0 : i32
      %dma_start3A_163 = arith.constant 0 : i32
      %dma_start3A_164 = tpu.memref_slice %arg13[%dma_start3A_162, %dma_start3A_163] : memref<10240x16xf32, #tpu.memory_space<vmem_shared>> -> memref<10240x16xf32, #tpu.memory_space<vmem_shared>>
      tpu.enqueue_indirect_dma source(%arg9 : memref<128x16xf32, #tpu.memory_space<vmem>>) target(%dma_start3A_164 : memref<10240x16xf32, #tpu.memory_space<vmem_shared>>) offsets(%dma_start3A_161 : memref<128xi32, #tpu.memory_space<vmem>>) semaphore(%arg20 : memref<!tpu.dma_semaphore, #tpu.memory_space<semaphore_mem>>) {add = true}
      %dma_wait3A_165 = arith.constant 0 : i32
      %dma_wait3A_166 = arith.constant 0 : i32
      %dma_wait3A_167 = tpu.memref_slice %arg6[%dma_wait3A_165, %dma_wait3A_166] : memref<40x128xi32, #tpu.memory_space<vmem>> -> memref<1x128xi32, #tpu.memory_space<vmem>>
      %dma_wait3A_168 = tpu.memref_squeeze %dma_wait3A_167 : memref<1x128xi32, #tpu.memory_space<vmem>> -> memref<128xi32, #tpu.memory_space<vmem>>
      %dma_wait3A_169 = arith.constant 0 : i32
      %dma_wait3A_170 = arith.constant 0 : i32
      %dma_wait3A_171 = tpu.memref_slice %arg13[%dma_wait3A_169, %dma_wait3A_170] : memref<10240x16xf32, #tpu.memory_space<vmem_shared>> -> memref<10240x16xf32, #tpu.memory_space<vmem_shared>>
      tpu.wait_indirect_dma semaphore(%arg19 : memref<!tpu.dma_semaphore, #tpu.memory_space<semaphore_mem>>) src(%arg8 : memref<128x16xf32, #tpu.memory_space<vmem>>) dst(%dma_wait3A_171 : memref<10240x16xf32, #tpu.memory_space<vmem_shared>>)
      %add3A_172 = arith.constant 1 : i32
      %add3A_173 = arith.addi %add3A_132, %add3A_172 : i32
      %add3A_174 = arith.constant 2 : i32
      %add3A_175 = arith.addi %add3A_173, %add3A_174 : i32
      %dma_start3A_176 = arith.constant 0 : i32
      %dma_start3A_177 = tpu.memref_slice %arg5[%add3A_175, %dma_start3A_176] : memref<40x128xi32, #tpu.memory_space<vmem>> -> memref<1x128xi32, #tpu.memory_space<vmem>>
      %dma_start3A_178 = tpu.memref_squeeze %dma_start3A_177 : memref<1x128xi32, #tpu.memory_space<vmem>> -> memref<128xi32, #tpu.memory_space<vmem>>
      %dma_start3A_179 = arith.constant 0 : i32
      %dma_start3A_180 = arith.constant 0 : i32
      %dma_start3A_181 = tpu.memref_slice %arg12[%dma_start3A_179, %dma_start3A_180] : memref<10240x16xf32, #tpu.memory_space<vmem_shared>> -> memref<10240x16xf32, #tpu.memory_space<vmem_shared>>
      tpu.enqueue_indirect_dma source(%dma_start3A_181 : memref<10240x16xf32, #tpu.memory_space<vmem_shared>>) target(%arg8 : memref<128x16xf32, #tpu.memory_space<vmem>>) offsets(%dma_start3A_178 : memref<128xi32, #tpu.memory_space<vmem>>) semaphore(%arg15 : memref<!tpu.dma_semaphore, #tpu.memory_space<semaphore_mem>>)
      %dma_wait3A_182 = arith.constant 0 : i32
      %dma_wait3A_183 = arith.constant 0 : i32
      %dma_wait3A_184 = tpu.memref_slice %arg5[%dma_wait3A_182, %dma_wait3A_183] : memref<40x128xi32, #tpu.memory_space<vmem>> -> memref<1x128xi32, #tpu.memory_space<vmem>>
      %dma_wait3A_185 = tpu.memref_squeeze %dma_wait3A_184 : memref<1x128xi32, #tpu.memory_space<vmem>> -> memref<128xi32, #tpu.memory_space<vmem>>
      %dma_wait3A_186 = arith.constant 0 : i32
      %dma_wait3A_187 = arith.constant 0 : i32
      %dma_wait3A_188 = tpu.memref_slice %arg12[%dma_wait3A_186, %dma_wait3A_187] : memref<10240x16xf32, #tpu.memory_space<vmem_shared>> -> memref<10240x16xf32, #tpu.memory_space<vmem_shared>>
      tpu.wait_indirect_dma semaphore(%arg17 : memref<!tpu.dma_semaphore, #tpu.memory_space<semaphore_mem>>) src(%dma_wait3A_188 : memref<10240x16xf32, #tpu.memory_space<vmem_shared>>) dst(%arg10 : memref<128x16xf32, #tpu.memory_space<vmem>>)
      %add3A_189 = arith.constant 1 : i32
      %add3A_190 = arith.addi %add3A_132, %add3A_189 : i32
      %dma_start3A_191 = arith.constant 0 : i32
      %dma_start3A_192 = tpu.memref_slice %arg6[%add3A_190, %dma_start3A_191] : memref<40x128xi32, #tpu.memory_space<vmem>> -> memref<1x128xi32, #tpu.memory_space<vmem>>
      %dma_start3A_193 = tpu.memref_squeeze %dma_start3A_192 : memref<1x128xi32, #tpu.memory_space<vmem>> -> memref<128xi32, #tpu.memory_space<vmem>>
      %dma_start3A_194 = arith.constant 0 : i32
      %dma_start3A_195 = arith.constant 0 : i32
      %dma_start3A_196 = tpu.memref_slice %arg13[%dma_start3A_194, %dma_start3A_195] : memref<10240x16xf32, #tpu.memory_space<vmem_shared>> -> memref<10240x16xf32, #tpu.memory_space<vmem_shared>>
      tpu.enqueue_indirect_dma source(%arg10 : memref<128x16xf32, #tpu.memory_space<vmem>>) target(%dma_start3A_196 : memref<10240x16xf32, #tpu.memory_space<vmem_shared>>) offsets(%dma_start3A_193 : memref<128xi32, #tpu.memory_space<vmem>>) semaphore(%arg21 : memref<!tpu.dma_semaphore, #tpu.memory_space<semaphore_mem>>) {add = true}
      %dma_wait3A_197 = arith.constant 0 : i32
      %dma_wait3A_198 = arith.constant 0 : i32
      %dma_wait3A_199 = tpu.memref_slice %arg6[%dma_wait3A_197, %dma_wait3A_198] : memref<40x128xi32, #tpu.memory_space<vmem>> -> memref<1x128xi32, #tpu.memory_space<vmem>>
      %dma_wait3A_200 = tpu.memref_squeeze %dma_wait3A_199 : memref<1x128xi32, #tpu.memory_space<vmem>> -> memref<128xi32, #tpu.memory_space<vmem>>
      %dma_wait3A_201 = arith.constant 0 : i32
      %dma_wait3A_202 = arith.constant 0 : i32
      %dma_wait3A_203 = tpu.memref_slice %arg13[%dma_wait3A_201, %dma_wait3A_202] : memref<10240x16xf32, #tpu.memory_space<vmem_shared>> -> memref<10240x16xf32, #tpu.memory_space<vmem_shared>>
      tpu.wait_indirect_dma semaphore(%arg20 : memref<!tpu.dma_semaphore, #tpu.memory_space<semaphore_mem>>) src(%arg9 : memref<128x16xf32, #tpu.memory_space<vmem>>) dst(%dma_wait3A_203 : memref<10240x16xf32, #tpu.memory_space<vmem_shared>>)
      %add3A_204 = arith.constant 2 : i32
      %add3A_205 = arith.addi %add3A_132, %add3A_204 : i32
      %add3A_206 = arith.constant 2 : i32
      %add3A_207 = arith.addi %add3A_205, %add3A_206 : i32
      %dma_start3A_208 = arith.constant 0 : i32
      %dma_start3A_209 = tpu.memref_slice %arg5[%add3A_207, %dma_start3A_208] : memref<40x128xi32, #tpu.memory_space<vmem>> -> memref<1x128xi32, #tpu.memory_space<vmem>>
      %dma_start3A_210 = tpu.memref_squeeze %dma_start3A_209 : memref<1x128xi32, #tpu.memory_space<vmem>> -> memref<128xi32, #tpu.memory_space<vmem>>
      %dma_start3A_211 = arith.constant 0 : i32
      %dma_start3A_212 = arith.constant 0 : i32
      %dma_start3A_213 = tpu.memref_slice %arg12[%dma_start3A_211, %dma_start3A_212] : memref<10240x16xf32, #tpu.memory_space<vmem_shared>> -> memref<10240x16xf32, #tpu.memory_space<vmem_shared>>
      tpu.enqueue_indirect_dma source(%dma_start3A_213 : memref<10240x16xf32, #tpu.memory_space<vmem_shared>>) target(%arg9 : memref<128x16xf32, #tpu.memory_space<vmem>>) offsets(%dma_start3A_210 : memref<128xi32, #tpu.memory_space<vmem>>) semaphore(%arg16 : memref<!tpu.dma_semaphore, #tpu.memory_space<semaphore_mem>>)
      %dma_wait3A_214 = arith.constant 0 : i32
      %dma_wait3A_215 = arith.constant 0 : i32
      %dma_wait3A_216 = tpu.memref_slice %arg5[%dma_wait3A_214, %dma_wait3A_215] : memref<40x128xi32, #tpu.memory_space<vmem>> -> memref<1x128xi32, #tpu.memory_space<vmem>>
      %dma_wait3A_217 = tpu.memref_squeeze %dma_wait3A_216 : memref<1x128xi32, #tpu.memory_space<vmem>> -> memref<128xi32, #tpu.memory_space<vmem>>
      %dma_wait3A_218 = arith.constant 0 : i32
      %dma_wait3A_219 = arith.constant 0 : i32
      %dma_wait3A_220 = tpu.memref_slice %arg12[%dma_wait3A_218, %dma_wait3A_219] : memref<10240x16xf32, #tpu.memory_space<vmem_shared>> -> memref<10240x16xf32, #tpu.memory_space<vmem_shared>>
      tpu.wait_indirect_dma semaphore(%arg14 : memref<!tpu.dma_semaphore, #tpu.memory_space<semaphore_mem>>) src(%dma_wait3A_220 : memref<10240x16xf32, #tpu.memory_space<vmem_shared>>) dst(%arg7 : memref<128x16xf32, #tpu.memory_space<vmem>>)
      %add3A_221 = arith.constant 2 : i32
      %add3A_222 = arith.addi %add3A_132, %add3A_221 : i32
      %dma_start3A_223 = arith.constant 0 : i32
      %dma_start3A_224 = tpu.memref_slice %arg6[%add3A_222, %dma_start3A_223] : memref<40x128xi32, #tpu.memory_space<vmem>> -> memref<1x128xi32, #tpu.memory_space<vmem>>
      %dma_start3A_225 = tpu.memref_squeeze %dma_start3A_224 : memref<1x128xi32, #tpu.memory_space<vmem>> -> memref<128xi32, #tpu.memory_space<vmem>>
      %dma_start3A_226 = arith.constant 0 : i32
      %dma_start3A_227 = arith.constant 0 : i32
      %dma_start3A_228 = tpu.memref_slice %arg13[%dma_start3A_226, %dma_start3A_227] : memref<10240x16xf32, #tpu.memory_space<vmem_shared>> -> memref<10240x16xf32, #tpu.memory_space<vmem_shared>>
      tpu.enqueue_indirect_dma source(%arg7 : memref<128x16xf32, #tpu.memory_space<vmem>>) target(%dma_start3A_228 : memref<10240x16xf32, #tpu.memory_space<vmem_shared>>) offsets(%dma_start3A_225 : memref<128xi32, #tpu.memory_space<vmem>>) semaphore(%arg18 : memref<!tpu.dma_semaphore, #tpu.memory_space<semaphore_mem>>) {add = true}
      %dma_wait3A_229 = arith.constant 0 : i32
      %dma_wait3A_230 = arith.constant 0 : i32
      %dma_wait3A_231 = tpu.memref_slice %arg6[%dma_wait3A_229, %dma_wait3A_230] : memref<40x128xi32, #tpu.memory_space<vmem>> -> memref<1x128xi32, #tpu.memory_space<vmem>>
      %dma_wait3A_232 = tpu.memref_squeeze %dma_wait3A_231 : memref<1x128xi32, #tpu.memory_space<vmem>> -> memref<128xi32, #tpu.memory_space<vmem>>
      %dma_wait3A_233 = arith.constant 0 : i32
      %dma_wait3A_234 = arith.constant 0 : i32
      %dma_wait3A_235 = tpu.memref_slice %arg13[%dma_wait3A_233, %dma_wait3A_234] : memref<10240x16xf32, #tpu.memory_space<vmem_shared>> -> memref<10240x16xf32, #tpu.memory_space<vmem_shared>>
      tpu.wait_indirect_dma semaphore(%arg21 : memref<!tpu.dma_semaphore, #tpu.memory_space<semaphore_mem>>) src(%arg10 : memref<128x16xf32, #tpu.memory_space<vmem>>) dst(%dma_wait3A_235 : memref<10240x16xf32, #tpu.memory_space<vmem_shared>>)
      %add3A_236 = arith.constant 3 : i32
      %add3A_237 = arith.addi %add3A_132, %add3A_236 : i32
      %add3A_238 = arith.constant 2 : i32
      %add3A_239 = arith.addi %add3A_237, %add3A_238 : i32
      %dma_start3A_240 = arith.constant 0 : i32
      %dma_start3A_241 = tpu.memref_slice %arg5[%add3A_239, %dma_start3A_240] : memref<40x128xi32, #tpu.memory_space<vmem>> -> memref<1x128xi32, #tpu.memory_space<vmem>>
      %dma_start3A_242 = tpu.memref_squeeze %dma_start3A_241 : memref<1x128xi32, #tpu.memory_space<vmem>> -> memref<128xi32, #tpu.memory_space<vmem>>
      %dma_start3A_243 = arith.constant 0 : i32
      %dma_start3A_244 = arith.constant 0 : i32
      %dma_start3A_245 = tpu.memref_slice %arg12[%dma_start3A_243, %dma_start3A_244] : memref<10240x16xf32, #tpu.memory_space<vmem_shared>> -> memref<10240x16xf32, #tpu.memory_space<vmem_shared>>
      tpu.enqueue_indirect_dma source(%dma_start3A_245 : memref<10240x16xf32, #tpu.memory_space<vmem_shared>>) target(%arg10 : memref<128x16xf32, #tpu.memory_space<vmem>>) offsets(%dma_start3A_242 : memref<128xi32, #tpu.memory_space<vmem>>) semaphore(%arg17 : memref<!tpu.dma_semaphore, #tpu.memory_space<semaphore_mem>>)
      %dma_wait3A_246 = arith.constant 0 : i32
      %dma_wait3A_247 = arith.constant 0 : i32
      %dma_wait3A_248 = tpu.memref_slice %arg5[%dma_wait3A_246, %dma_wait3A_247] : memref<40x128xi32, #tpu.memory_space<vmem>> -> memref<1x128xi32, #tpu.memory_space<vmem>>
      %dma_wait3A_249 = tpu.memref_squeeze %dma_wait3A_248 : memref<1x128xi32, #tpu.memory_space<vmem>> -> memref<128xi32, #tpu.memory_space<vmem>>
      %dma_wait3A_250 = arith.constant 0 : i32
      %dma_wait3A_251 = arith.constant 0 : i32
      %dma_wait3A_252 = tpu.memref_slice %arg12[%dma_wait3A_250, %dma_wait3A_251] : memref<10240x16xf32, #tpu.memory_space<vmem_shared>> -> memref<10240x16xf32, #tpu.memory_space<vmem_shared>>
      tpu.wait_indirect_dma semaphore(%arg15 : memref<!tpu.dma_semaphore, #tpu.memory_space<semaphore_mem>>) src(%dma_wait3A_252 : memref<10240x16xf32, #tpu.memory_space<vmem_shared>>) dst(%arg8 : memref<128x16xf32, #tpu.memory_space<vmem>>)
      %add3A_253 = arith.constant 3 : i32
      %add3A_254 = arith.addi %add3A_132, %add3A_253 : i32
      %dma_start3A_255 = arith.constant 0 : i32
      %dma_start3A_256 = tpu.memref_slice %arg6[%add3A_254, %dma_start3A_255] : memref<40x128xi32, #tpu.memory_space<vmem>> -> memref<1x128xi32, #tpu.memory_space<vmem>>
      %dma_start3A_257 = tpu.memref_squeeze %dma_start3A_256 : memref<1x128xi32, #tpu.memory_space<vmem>> -> memref<128xi32, #tpu.memory_space<vmem>>
      %dma_start3A_258 = arith.constant 0 : i32
      %dma_start3A_259 = arith.constant 0 : i32
      %dma_start3A_260 = tpu.memref_slice %arg13[%dma_start3A_258, %dma_start3A_259] : memref<10240x16xf32, #tpu.memory_space<vmem_shared>> -> memref<10240x16xf32, #tpu.memory_space<vmem_shared>>
      tpu.enqueue_indirect_dma source(%arg8 : memref<128x16xf32, #tpu.memory_space<vmem>>) target(%dma_start3A_260 : memref<10240x16xf32, #tpu.memory_space<vmem_shared>>) offsets(%dma_start3A_257 : memref<128xi32, #tpu.memory_space<vmem>>) semaphore(%arg19 : memref<!tpu.dma_semaphore, #tpu.memory_space<semaphore_mem>>) {add = true}
    }
    %scan3A_70 = arith.constant 9 : i32
    %dma_wait3A_71 = arith.constant 0 : i32
    %dma_wait3A_72 = arith.constant 0 : i32
    %dma_wait3A_73 = tpu.memref_slice %arg6[%dma_wait3A_71, %dma_wait3A_72] : memref<40x128xi32, #tpu.memory_space<vmem>> -> memref<1x128xi32, #tpu.memory_space<vmem>>
    %dma_wait3A_74 = tpu.memref_squeeze %dma_wait3A_73 : memref<1x128xi32, #tpu.memory_space<vmem>> -> memref<128xi32, #tpu.memory_space<vmem>>
    %dma_wait3A_75 = arith.constant 0 : i32
    %dma_wait3A_76 = arith.constant 0 : i32
    %dma_wait3A_77 = tpu.memref_slice %arg13[%dma_wait3A_75, %dma_wait3A_76] : memref<10240x16xf32, #tpu.memory_space<vmem_shared>> -> memref<10240x16xf32, #tpu.memory_space<vmem_shared>>
    tpu.wait_indirect_dma semaphore(%arg18 : memref<!tpu.dma_semaphore, #tpu.memory_space<semaphore_mem>>) src(%arg7 : memref<128x16xf32, #tpu.memory_space<vmem>>) dst(%dma_wait3A_77 : memref<10240x16xf32, #tpu.memory_space<vmem_shared>>)
    %dma_wait3A_78 = arith.constant 0 : i32
    %dma_wait3A_79 = arith.constant 0 : i32
    %dma_wait3A_80 = tpu.memref_slice %arg5[%dma_wait3A_78, %dma_wait3A_79] : memref<40x128xi32, #tpu.memory_space<vmem>> -> memref<1x128xi32, #tpu.memory_space<vmem>>
    %dma_wait3A_81 = tpu.memref_squeeze %dma_wait3A_80 : memref<1x128xi32, #tpu.memory_space<vmem>> -> memref<128xi32, #tpu.memory_space<vmem>>
    %dma_wait3A_82 = arith.constant 0 : i32
    %dma_wait3A_83 = arith.constant 0 : i32
    %dma_wait3A_84 = tpu.memref_slice %arg12[%dma_wait3A_82, %dma_wait3A_83] : memref<10240x16xf32, #tpu.memory_space<vmem_shared>> -> memref<10240x16xf32, #tpu.memory_space<vmem_shared>>
    tpu.wait_indirect_dma semaphore(%arg16 : memref<!tpu.dma_semaphore, #tpu.memory_space<semaphore_mem>>) src(%dma_wait3A_84 : memref<10240x16xf32, #tpu.memory_space<vmem_shared>>) dst(%arg9 : memref<128x16xf32, #tpu.memory_space<vmem>>)
    %dma_start3A_85 = arith.constant 38 : i32
    %dma_start3A_86 = arith.constant 0 : i32
    %dma_start3A_87 = tpu.memref_slice %arg6[%dma_start3A_85, %dma_start3A_86] : memref<40x128xi32, #tpu.memory_space<vmem>> -> memref<1x128xi32, #tpu.memory_space<vmem>>
    %dma_start3A_88 = tpu.memref_squeeze %dma_start3A_87 : memref<1x128xi32, #tpu.memory_space<vmem>> -> memref<128xi32, #tpu.memory_space<vmem>>
    %dma_start3A_89 = arith.constant 0 : i32
    %dma_start3A_90 = arith.constant 0 : i32
    %dma_start3A_91 = tpu.memref_slice %arg13[%dma_start3A_89, %dma_start3A_90] : memref<10240x16xf32, #tpu.memory_space<vmem_shared>> -> memref<10240x16xf32, #tpu.memory_space<vmem_shared>>
    tpu.enqueue_indirect_dma source(%arg9 : memref<128x16xf32, #tpu.memory_space<vmem>>) target(%dma_start3A_91 : memref<10240x16xf32, #tpu.memory_space<vmem_shared>>) offsets(%dma_start3A_88 : memref<128xi32, #tpu.memory_space<vmem>>) semaphore(%arg20 : memref<!tpu.dma_semaphore, #tpu.memory_space<semaphore_mem>>) {add = true}
    %dma_wait3A_92 = arith.constant 0 : i32
    %dma_wait3A_93 = arith.constant 0 : i32
    %dma_wait3A_94 = tpu.memref_slice %arg6[%dma_wait3A_92, %dma_wait3A_93] : memref<40x128xi32, #tpu.memory_space<vmem>> -> memref<1x128xi32, #tpu.memory_space<vmem>>
    %dma_wait3A_95 = tpu.memref_squeeze %dma_wait3A_94 : memref<1x128xi32, #tpu.memory_space<vmem>> -> memref<128xi32, #tpu.memory_space<vmem>>
    %dma_wait3A_96 = arith.constant 0 : i32
    %dma_wait3A_97 = arith.constant 0 : i32
    %dma_wait3A_98 = tpu.memref_slice %arg13[%dma_wait3A_96, %dma_wait3A_97] : memref<10240x16xf32, #tpu.memory_space<vmem_shared>> -> memref<10240x16xf32, #tpu.memory_space<vmem_shared>>
    tpu.wait_indirect_dma semaphore(%arg19 : memref<!tpu.dma_semaphore, #tpu.memory_space<semaphore_mem>>) src(%arg8 : memref<128x16xf32, #tpu.memory_space<vmem>>) dst(%dma_wait3A_98 : memref<10240x16xf32, #tpu.memory_space<vmem_shared>>)
    %dma_wait3A_99 = arith.constant 0 : i32
    %dma_wait3A_100 = arith.constant 0 : i32
    %dma_wait3A_101 = tpu.memref_slice %arg5[%dma_wait3A_99, %dma_wait3A_100] : memref<40x128xi32, #tpu.memory_space<vmem>> -> memref<1x128xi32, #tpu.memory_space<vmem>>
    %dma_wait3A_102 = tpu.memref_squeeze %dma_wait3A_101 : memref<1x128xi32, #tpu.memory_space<vmem>> -> memref<128xi32, #tpu.memory_space<vmem>>
    %dma_wait3A_103 = arith.constant 0 : i32
    %dma_wait3A_104 = arith.constant 0 : i32
    %dma_wait3A_105 = tpu.memref_slice %arg12[%dma_wait3A_103, %dma_wait3A_104] : memref<10240x16xf32, #tpu.memory_space<vmem_shared>> -> memref<10240x16xf32, #tpu.memory_space<vmem_shared>>
    tpu.wait_indirect_dma semaphore(%arg17 : memref<!tpu.dma_semaphore, #tpu.memory_space<semaphore_mem>>) src(%dma_wait3A_105 : memref<10240x16xf32, #tpu.memory_space<vmem_shared>>) dst(%arg10 : memref<128x16xf32, #tpu.memory_space<vmem>>)
    %dma_start3A_106 = arith.constant 39 : i32
    %dma_start3A_107 = arith.constant 0 : i32
    %dma_start3A_108 = tpu.memref_slice %arg6[%dma_start3A_106, %dma_start3A_107] : memref<40x128xi32, #tpu.memory_space<vmem>> -> memref<1x128xi32, #tpu.memory_space<vmem>>
    %dma_start3A_109 = tpu.memref_squeeze %dma_start3A_108 : memref<1x128xi32, #tpu.memory_space<vmem>> -> memref<128xi32, #tpu.memory_space<vmem>>
    %dma_start3A_110 = arith.constant 0 : i32
    %dma_start3A_111 = arith.constant 0 : i32
    %dma_start3A_112 = tpu.memref_slice %arg13[%dma_start3A_110, %dma_start3A_111] : memref<10240x16xf32, #tpu.memory_space<vmem_shared>> -> memref<10240x16xf32, #tpu.memory_space<vmem_shared>>
    tpu.enqueue_indirect_dma source(%arg10 : memref<128x16xf32, #tpu.memory_space<vmem>>) target(%dma_start3A_112 : memref<10240x16xf32, #tpu.memory_space<vmem_shared>>) offsets(%dma_start3A_109 : memref<128xi32, #tpu.memory_space<vmem>>) semaphore(%arg21 : memref<!tpu.dma_semaphore, #tpu.memory_space<semaphore_mem>>) {add = true}
    %dma_wait3A_113 = arith.constant 0 : i32
    %dma_wait3A_114 = arith.constant 0 : i32
    %dma_wait3A_115 = tpu.memref_slice %arg6[%dma_wait3A_113, %dma_wait3A_114] : memref<40x128xi32, #tpu.memory_space<vmem>> -> memref<1x128xi32, #tpu.memory_space<vmem>>
    %dma_wait3A_116 = tpu.memref_squeeze %dma_wait3A_115 : memref<1x128xi32, #tpu.memory_space<vmem>> -> memref<128xi32, #tpu.memory_space<vmem>>
    %dma_wait3A_117 = arith.constant 0 : i32
    %dma_wait3A_118 = arith.constant 0 : i32
    %dma_wait3A_119 = tpu.memref_slice %arg13[%dma_wait3A_117, %dma_wait3A_118] : memref<10240x16xf32, #tpu.memory_space<vmem_shared>> -> memref<10240x16xf32, #tpu.memory_space<vmem_shared>>
    tpu.wait_indirect_dma semaphore(%arg20 : memref<!tpu.dma_semaphore, #tpu.memory_space<semaphore_mem>>) src(%arg9 : memref<128x16xf32, #tpu.memory_space<vmem>>) dst(%dma_wait3A_119 : memref<10240x16xf32, #tpu.memory_space<vmem_shared>>)
    %dma_wait3A_120 = arith.constant 0 : i32
    %dma_wait3A_121 = arith.constant 0 : i32
    %dma_wait3A_122 = tpu.memref_slice %arg6[%dma_wait3A_120, %dma_wait3A_121] : memref<40x128xi32, #tpu.memory_space<vmem>> -> memref<1x128xi32, #tpu.memory_space<vmem>>
    %dma_wait3A_123 = tpu.memref_squeeze %dma_wait3A_122 : memref<1x128xi32, #tpu.memory_space<vmem>> -> memref<128xi32, #tpu.memory_space<vmem>>
    %dma_wait3A_124 = arith.constant 0 : i32
    %dma_wait3A_125 = arith.constant 0 : i32
    %dma_wait3A_126 = tpu.memref_slice %arg13[%dma_wait3A_124, %dma_wait3A_125] : memref<10240x16xf32, #tpu.memory_space<vmem_shared>> -> memref<10240x16xf32, #tpu.memory_space<vmem_shared>>
    tpu.wait_indirect_dma semaphore(%arg21 : memref<!tpu.dma_semaphore, #tpu.memory_space<semaphore_mem>>) src(%arg10 : memref<128x16xf32, #tpu.memory_space<vmem>>) dst(%dma_wait3A_126 : memref<10240x16xf32, #tpu.memory_space<vmem_shared>>)
    %barrier3A_127 = arith.constant 0 : index
    tpu.barrier barrier_id(%barrier3A_127)
    "tpu.region"() ({
      %run_scoped3A_128 = tpu.sem_alloc : memref<!tpu.dma_semaphore, #tpu.memory_space<semaphore_mem>>
      %dma_start3A_129 = arith.constant 0 : i32
      %dma_start3A_130 = arith.constant 0 : i32
      %dma_start3A_131 = tpu.memref_slice %arg4[%arg0, %dma_start3A_129, %dma_start3A_130] : memref<2x10240x16xf32, #tpu.memory_space<hbm>> -> memref<1x10240x16xf32, #tpu.memory_space<hbm>>
      %dma_start3A_132 = tpu.memref_squeeze %dma_start3A_131 : memref<1x10240x16xf32, #tpu.memory_space<hbm>> -> memref<10240x16xf32, #tpu.memory_space<hbm>>
      %dma_start3A_133 = arith.constant 0 : i32
      %dma_start3A_134 = tpu.memref_slice %dma_start3A_132[%mul3A_0, %dma_start3A_133] : memref<10240x16xf32, #tpu.memory_space<hbm>> -> memref<640x16xf32, #tpu.memory_space<hbm>>
      %dma_start3A_135 = arith.constant 0 : i32
      %dma_start3A_136 = tpu.memref_slice %arg13[%mul3A_0, %dma_start3A_135] : memref<10240x16xf32, #tpu.memory_space<vmem_shared>> -> memref<640x16xf32, #tpu.memory_space<vmem_shared>>
      tpu.enqueue_dma source(%dma_start3A_136 : memref<640x16xf32, #tpu.memory_space<vmem_shared>>) target(%dma_start3A_134 : memref<640x16xf32, #tpu.memory_space<hbm>>) target_semaphore(%run_scoped3A_128 : memref<!tpu.dma_semaphore, #tpu.memory_space<semaphore_mem>>)
      %dma_wait3A_137 = arith.constant 0 : i32
      %dma_wait3A_138 = arith.constant 0 : i32
      %dma_wait3A_139 = tpu.memref_slice %arg4[%arg0, %dma_wait3A_137, %dma_wait3A_138] : memref<2x10240x16xf32, #tpu.memory_space<hbm>> -> memref<1x10240x16xf32, #tpu.memory_space<hbm>>
      %dma_wait3A_140 = tpu.memref_squeeze %dma_wait3A_139 : memref<1x10240x16xf32, #tpu.memory_space<hbm>> -> memref<10240x16xf32, #tpu.memory_space<hbm>>
      %dma_wait3A_141 = arith.constant 0 : i32
      %dma_wait3A_142 = tpu.memref_slice %dma_wait3A_140[%mul3A_0, %dma_wait3A_141] : memref<10240x16xf32, #tpu.memory_space<hbm>> -> memref<640x16xf32, #tpu.memory_space<hbm>>
      %dma_wait3A_143 = arith.constant 0 : i32
      %dma_wait3A_144 = tpu.memref_slice %arg13[%mul3A_0, %dma_wait3A_143] : memref<10240x16xf32, #tpu.memory_space<vmem_shared>> -> memref<640x16xf32, #tpu.memory_space<vmem_shared>>
      tpu.wait_dma2 semaphore(%run_scoped3A_128 : memref<!tpu.dma_semaphore, #tpu.memory_space<semaphore_mem>>) src(%dma_wait3A_144 : memref<640x16xf32, #tpu.memory_space<vmem_shared>>) dst(%dma_wait3A_142 : memref<640x16xf32, #tpu.memory_space<hbm>>)
      tpu.yield
    }) : () -> ()
    return
  }
}

module attributes {stable_mosaic.version = 14 : i64} {
  func.func @_tcb_body(%arg0: memref<10240x16xf32, #tpu.memory_space<vmem>>, %arg1: memref<10240x16xf32, #tpu.memory_space<vmem>>, %arg2: memref<10240x1xf32, #tpu.memory_space<vmem>>, %arg3: memref<10240x1xf32, #tpu.memory_space<vmem>>, %arg4: memref<10240x16xf32, #tpu.memory_space<vmem>>, %arg5: memref<10240x1xf32, #tpu.memory_space<vmem>>, %arg6: memref<10240x1xf32, #tpu.memory_space<vmem>>) attributes {dimension_semantics = [], scalar_prefetch = 0 : i64, scratch_operands = 0 : i64, tpu.core_type = #tpu.core_type<tc>} {
    %get3A = arith.constant 0 : index
    %get3A_0 = arith.constant 0 : index
    %get3A_1 = vector.load %arg0[%get3A, %get3A_0] : memref<10240x16xf32, #tpu.memory_space<vmem>>, vector<10240x1xf32>
    %get3A_2 = arith.constant 0 : index
    %get3A_3 = arith.constant 0 : index
    %get3A_4 = vector.load %arg1[%get3A_2, %get3A_3] : memref<10240x16xf32, #tpu.memory_space<vmem>>, vector<10240x1xf32>
    %max3A = arith.constant 1.000000e+00 : f32
    %max3A_5 = vector.broadcast %max3A : f32 to vector<10240x1xf32>
    %max3A_6 = arith.maximumf %get3A_1, %max3A_5 : vector<10240x1xf32>
    %rsqrt3A = math.rsqrt %max3A_6 : vector<10240x1xf32>
    %max3A_7 = arith.constant 1.000000e+00 : f32
    %max3A_8 = vector.broadcast %max3A_7 : f32 to vector<10240x1xf32>
    %max3A_9 = arith.maximumf %get3A_4, %max3A_8 : vector<10240x1xf32>
    %rsqrt3A_10 = math.rsqrt %max3A_9 : vector<10240x1xf32>
    %iota3A = tpu.iota {dimensions = array<i32: 1>} : vector<10240x16xi32>
    %get3A_11 = arith.constant 0 : index
    %get3A_12 = arith.constant 0 : index
    %get3A_13 = vector.load %arg2[%get3A_11, %get3A_12] : memref<10240x1xf32, #tpu.memory_space<vmem>>, vector<10240x1xf32>
    %mul3A = arith.mulf %get3A_13, %rsqrt3A : vector<10240x1xf32>
    %get3A_14 = arith.constant 0 : index
    %get3A_15 = arith.constant 0 : index
    %get3A_16 = vector.load %arg3[%get3A_14, %get3A_15] : memref<10240x1xf32, #tpu.memory_space<vmem>>, vector<10240x1xf32>
    %mul3A_17 = arith.mulf %get3A_16, %rsqrt3A : vector<10240x1xf32>
    %eq3A = arith.constant 0 : i32
    %eq3A_18 = vector.broadcast %eq3A : i32 to vector<10240x16xi32>
    %eq3A_19 = arith.cmpi eq, %iota3A, %eq3A_18 : vector<10240x16xi32>
    %eq3A_20 = arith.constant 1 : i32
    %eq3A_21 = vector.broadcast %eq3A_20 : i32 to vector<10240x16xi32>
    %eq3A_22 = arith.cmpi eq, %iota3A, %eq3A_21 : vector<10240x16xi32>
    %jit3A = arith.constant 0.000000e+00 : f32
    %broadcast_in_dim3A = vector.shape_cast %mul3A_17 : vector<10240x1xf32> to vector<10240x1xf32>
    %broadcast_in_dim3A_23 = vector.broadcast %broadcast_in_dim3A : vector<10240x1xf32> to vector<10240x16xf32>
    %broadcast_in_dim3A_24 = vector.broadcast %jit3A : f32 to vector<10240x16xf32>
    %select_n3A = arith.select %eq3A_22, %broadcast_in_dim3A_23, %broadcast_in_dim3A_24 : vector<10240x16xi1>, vector<10240x16xf32>
    %broadcast_in_dim3A_25 = vector.shape_cast %mul3A : vector<10240x1xf32> to vector<10240x1xf32>
    %broadcast_in_dim3A_26 = vector.broadcast %broadcast_in_dim3A_25 : vector<10240x1xf32> to vector<10240x16xf32>
    %select_n3A_27 = arith.select %eq3A_19, %broadcast_in_dim3A_26, %select_n3A : vector<10240x16xi1>, vector<10240x16xf32>
    %swap3A = arith.constant 0 : index
    %swap3A_28 = arith.constant 0 : index
    %swap3A_29 = vector.load %arg4[%swap3A, %swap3A_28] : memref<10240x16xf32, #tpu.memory_space<vmem>>, vector<10240x16xf32>
    tpu.vector_store %arg4[%swap3A, %swap3A_28], %select_n3A_27 {strides = array<i32>} : memref<10240x16xf32, #tpu.memory_space<vmem>>, vector<10240x16xf32>,
    %swap3A_30 = arith.constant 0 : index
    %swap3A_31 = arith.constant 0 : index
    %swap3A_32 = vector.load %arg5[%swap3A_30, %swap3A_31] : memref<10240x1xf32, #tpu.memory_space<vmem>>, vector<10240x1xf32>
    tpu.vector_store %arg5[%swap3A_30, %swap3A_31], %rsqrt3A {strides = array<i32>} : memref<10240x1xf32, #tpu.memory_space<vmem>>, vector<10240x1xf32>,
    %swap3A_33 = arith.constant 0 : index
    %swap3A_34 = arith.constant 0 : index
    %swap3A_35 = vector.load %arg6[%swap3A_33, %swap3A_34] : memref<10240x1xf32, #tpu.memory_space<vmem>>, vector<10240x1xf32>
    tpu.vector_store %arg6[%swap3A_33, %swap3A_34], %rsqrt3A_10 {strides = array<i32>} : memref<10240x1xf32, #tpu.memory_space<vmem>>, vector<10240x1xf32>,
    return
  }
}

module attributes {stable_mosaic.version = 14 : i64} {
  func.func @_tcd_body(%arg0: i32, %arg1: memref<2x1280x16xf32, #tpu.memory_space<vmem>>, %arg2: memref<1280x1xf32, #tpu.memory_space<vmem>>, %arg3: memref<1280x1xf32, #tpu.memory_space<vmem>>, %arg4: memref<2x256xf32, #tpu.memory_space<vmem>>, %arg5: memref<1x256xf32, #tpu.memory_space<vmem>>, %arg6: memref<4x1280x64xf32, #tpu.memory_space<vmem>>) attributes {dimension_semantics = [#tpu.dimension_semantics<arbitrary>], iteration_bounds = array<i64: 8>, scalar_prefetch = 0 : i64, scratch_operands = 0 : i64, tpu.core_type = #tpu.core_type<tc>, window_params = [{transform_indices = @transform_0, window_bounds = array<i64: 2, 1280, 16>}, {transform_indices = @transform_1, window_bounds = array<i64: 1280, 1>}, {transform_indices = @transform_2, window_bounds = array<i64: 1280, 1>}, {pipeline_mode = #tpu.pipeline_mode<synchronous>, transform_indices = @transform_3, window_bounds = array<i64: 2, 256>}, {pipeline_mode = #tpu.pipeline_mode<synchronous>, transform_indices = @transform_4, window_bounds = array<i64: 1, 256>}, {transform_indices = @transform_5, window_bounds = array<i64: 4, 1280, 64>}]} {
    %get3A = arith.constant 0 : index
    %get3A_0 = arith.constant 0 : index
    %get3A_1 = arith.constant 0 : index
    %get3A_2 = vector.load %arg1[%get3A, %get3A_0, %get3A_1] : memref<2x1280x16xf32, #tpu.memory_space<vmem>>, vector<1x1280x16xf32>
    %get3A_3 = vector.shape_cast %get3A_2 : vector<1x1280x16xf32> to vector<1280x16xf32>
    %get3A_4 = arith.constant 1 : index
    %get3A_5 = arith.constant 0 : index
    %get3A_6 = arith.constant 0 : index
    %get3A_7 = vector.load %arg1[%get3A_4, %get3A_5, %get3A_6] : memref<2x1280x16xf32, #tpu.memory_space<vmem>>, vector<1x1280x16xf32>
    %get3A_8 = vector.shape_cast %get3A_7 : vector<1x1280x16xf32> to vector<1280x16xf32>
    %add3A = arith.addf %get3A_3, %get3A_8 : vector<1280x16xf32>
    %slice3A = vector.extract_strided_slice %add3A {offsets = [0, 0], sizes = [1280, 1], strides = [1, 1]} : vector<1280x16xf32> to vector<1280x1xf32>
    %get3A_9 = arith.constant 0 : index
    %get3A_10 = arith.constant 0 : index
    %get3A_11 = vector.load %arg4[%get3A_9, %get3A_10] : memref<2x256xf32, #tpu.memory_space<vmem>>, vector<1x256xf32>
    %mul3A = vector.broadcast %slice3A : vector<1280x1xf32> to vector<1280x256xf32>
    %mul3A_12 = vector.broadcast %get3A_11 : vector<1x256xf32> to vector<1280x256xf32>
    %mul3A_13 = arith.mulf %mul3A, %mul3A_12 : vector<1280x256xf32>
    %slice3A_14 = vector.extract_strided_slice %add3A {offsets = [0, 1], sizes = [1280, 1], strides = [1, 1]} : vector<1280x16xf32> to vector<1280x1xf32>
    %get3A_15 = arith.constant 1 : index
    %get3A_16 = arith.constant 0 : index
    %get3A_17 = vector.load %arg4[%get3A_15, %get3A_16] : memref<2x256xf32, #tpu.memory_space<vmem>>, vector<1x256xf32>
    %mul3A_18 = vector.broadcast %slice3A_14 : vector<1280x1xf32> to vector<1280x256xf32>
    %mul3A_19 = vector.broadcast %get3A_17 : vector<1x256xf32> to vector<1280x256xf32>
    %mul3A_20 = arith.mulf %mul3A_18, %mul3A_19 : vector<1280x256xf32>
    %add3A_21 = arith.addf %mul3A_13, %mul3A_20 : vector<1280x256xf32>
    %get3A_22 = arith.constant 0 : index
    %get3A_23 = arith.constant 0 : index
    %get3A_24 = vector.load %arg3[%get3A_22, %get3A_23] : memref<1280x1xf32, #tpu.memory_space<vmem>>, vector<1280x1xf32>
    %mul3A_25 = vector.broadcast %get3A_24 : vector<1280x1xf32> to vector<1280x256xf32>
    %mul3A_26 = arith.mulf %add3A_21, %mul3A_25 : vector<1280x256xf32>
    %get3A_27 = arith.constant 0 : index
    %get3A_28 = arith.constant 0 : index
    %get3A_29 = vector.load %arg5[%get3A_27, %get3A_28] : memref<1x256xf32, #tpu.memory_space<vmem>>, vector<1x256xf32>
    %add3A_30 = vector.broadcast %get3A_29 : vector<1x256xf32> to vector<1280x256xf32>
    %add3A_31 = arith.addf %mul3A_26, %add3A_30 : vector<1280x256xf32>
    %max3A = arith.constant 0.000000e+00 : f32
    %max3A_32 = vector.broadcast %max3A : f32 to vector<1280x256xf32>
    %max3A_33 = arith.maximumf %add3A_31, %max3A_32 : vector<1280x256xf32>
    %get3A_34 = arith.constant 0 : index
    %get3A_35 = arith.constant 0 : index
    %get3A_36 = vector.load %arg2[%get3A_34, %get3A_35] : memref<1280x1xf32, #tpu.memory_space<vmem>>, vector<1280x1xf32>
    %mul3A_37 = vector.broadcast %get3A_36 : vector<1280x1xf32> to vector<1280x256xf32>
    %mul3A_38 = arith.mulf %max3A_33, %mul3A_37 : vector<1280x256xf32>
    %slice3A_39 = vector.extract_strided_slice %mul3A_38 {offsets = [0, 0], sizes = [1280, 64], strides = [1, 1]} : vector<1280x256xf32> to vector<1280x64xf32>
    %swap3A = arith.constant 0 : index
    %swap3A_40 = arith.constant 0 : index
    %swap3A_41 = arith.constant 0 : index
    %swap3A_42 = vector.load %arg6[%swap3A, %swap3A_40, %swap3A_41] : memref<4x1280x64xf32, #tpu.memory_space<vmem>>, vector<1x1280x64xf32>
    %swap3A_43 = vector.shape_cast %swap3A_42 : vector<1x1280x64xf32> to vector<1280x64xf32>
    %swap3A_44 = vector.shape_cast %slice3A_39 : vector<1280x64xf32> to vector<1x1280x64xf32>
    tpu.vector_store %arg6[%swap3A, %swap3A_40, %swap3A_41], %swap3A_44 {strides = array<i32>} : memref<4x1280x64xf32, #tpu.memory_space<vmem>>, vector<1x1280x64xf32>,
    %slice3A_45 = vector.extract_strided_slice %mul3A_38 {offsets = [0, 64], sizes = [1280, 64], strides = [1, 1]} : vector<1280x256xf32> to vector<1280x64xf32>
    %swap3A_46 = arith.constant 1 : index
    %swap3A_47 = arith.constant 0 : index
    %swap3A_48 = arith.constant 0 : index
    %swap3A_49 = vector.load %arg6[%swap3A_46, %swap3A_47, %swap3A_48] : memref<4x1280x64xf32, #tpu.memory_space<vmem>>, vector<1x1280x64xf32>
    %swap3A_50 = vector.shape_cast %swap3A_49 : vector<1x1280x64xf32> to vector<1280x64xf32>
    %swap3A_51 = vector.shape_cast %slice3A_45 : vector<1280x64xf32> to vector<1x1280x64xf32>
    tpu.vector_store %arg6[%swap3A_46, %swap3A_47, %swap3A_48], %swap3A_51 {strides = array<i32>} : memref<4x1280x64xf32, #tpu.memory_space<vmem>>, vector<1x1280x64xf32>,
    %slice3A_52 = vector.extract_strided_slice %mul3A_38 {offsets = [0, 128], sizes = [1280, 64], strides = [1, 1]} : vector<1280x256xf32> to vector<1280x64xf32>
    %swap3A_53 = arith.constant 2 : index
    %swap3A_54 = arith.constant 0 : index
    %swap3A_55 = arith.constant 0 : index
    %swap3A_56 = vector.load %arg6[%swap3A_53, %swap3A_54, %swap3A_55] : memref<4x1280x64xf32, #tpu.memory_space<vmem>>, vector<1x1280x64xf32>
    %swap3A_57 = vector.shape_cast %swap3A_56 : vector<1x1280x64xf32> to vector<1280x64xf32>
    %swap3A_58 = vector.shape_cast %slice3A_52 : vector<1280x64xf32> to vector<1x1280x64xf32>
    tpu.vector_store %arg6[%swap3A_53, %swap3A_54, %swap3A_55], %swap3A_58 {strides = array<i32>} : memref<4x1280x64xf32, #tpu.memory_space<vmem>>, vector<1x1280x64xf32>,
    %slice3A_59 = vector.extract_strided_slice %mul3A_38 {offsets = [0, 192], sizes = [1280, 64], strides = [1, 1]} : vector<1280x256xf32> to vector<1280x64xf32>
    %swap3A_60 = arith.constant 3 : index
    %swap3A_61 = arith.constant 0 : index
    %swap3A_62 = arith.constant 0 : index
    %swap3A_63 = vector.load %arg6[%swap3A_60, %swap3A_61, %swap3A_62] : memref<4x1280x64xf32, #tpu.memory_space<vmem>>, vector<1x1280x64xf32>
    %swap3A_64 = vector.shape_cast %swap3A_63 : vector<1x1280x64xf32> to vector<1280x64xf32>
    %swap3A_65 = vector.shape_cast %slice3A_59 : vector<1280x64xf32> to vector<1x1280x64xf32>
    tpu.vector_store %arg6[%swap3A_60, %swap3A_61, %swap3A_62], %swap3A_65 {strides = array<i32>} : memref<4x1280x64xf32, #tpu.memory_space<vmem>>, vector<1x1280x64xf32>,
    return
  }
  func.func @transform_0(%arg0: i32) -> (i32, i32, i32) {
    %c0_i32 = arith.constant 0 : i32
    %c0_i32_0 = arith.constant 0 : i32
    %c0_i32_1 = arith.constant 0 : i32
    return %c0_i32, %arg0, %c0_i32_0 : i32, i32, i32
  }
  func.func @transform_1(%arg0: i32) -> (i32, i32) {
    %c0_i32 = arith.constant 0 : i32
    %c0_i32_0 = arith.constant 0 : i32
    return %arg0, %c0_i32 : i32, i32
  }
  func.func @transform_2(%arg0: i32) -> (i32, i32) {
    %c0_i32 = arith.constant 0 : i32
    %c0_i32_0 = arith.constant 0 : i32
    return %arg0, %c0_i32 : i32, i32
  }
  func.func @transform_3(%arg0: i32) -> (i32, i32) {
    %c0_i32 = arith.constant 0 : i32
    %c0_i32_0 = arith.constant 0 : i32
    %c0_i32_1 = arith.constant 0 : i32
    return %c0_i32, %c0_i32_0 : i32, i32
  }
  func.func @transform_4(%arg0: i32) -> (i32, i32) {
    %c0_i32 = arith.constant 0 : i32
    %c0_i32_0 = arith.constant 0 : i32
    %c0_i32_1 = arith.constant 0 : i32
    return %c0_i32, %c0_i32_0 : i32, i32
  }
  func.func @transform_5(%arg0: i32) -> (i32, i32, i32) {
    %c0_i32 = arith.constant 0 : i32
    %c0_i32_0 = arith.constant 0 : i32
    %c0_i32_1 = arith.constant 0 : i32
    return %c0_i32, %arg0, %c0_i32_0 : i32, i32, i32
  }
}

module attributes {stable_mosaic.version = 14 : i64} {
  func.func @_tcf_body(%arg0: i32, %arg1: memref<4x1280x64xf32, #tpu.memory_space<vmem>>, %arg2: memref<1280x1xf32, #tpu.memory_space<vmem>>, %arg3: memref<4x64x256xf32, #tpu.memory_space<vmem>>, %arg4: memref<1x256xf32, #tpu.memory_space<vmem>>, %arg5: memref<256x2xf32, #tpu.memory_space<vmem>>, %arg6: memref<1x2xf32, #tpu.memory_space<vmem>>, %arg7: memref<1x2xf32, #tpu.memory_space<vmem>>, %arg8: memref<1x256xf32, #tpu.memory_space<vmem>>) attributes {dimension_semantics = [#tpu.dimension_semantics<arbitrary>], iteration_bounds = array<i64: 8>, scalar_prefetch = 0 : i64, scratch_operands = 1 : i64, tpu.core_type = #tpu.core_type<tc>, window_params = [{transform_indices = @transform_0, window_bounds = array<i64: 4, 1280, 64>}, {transform_indices = @transform_1, window_bounds = array<i64: 1280, 1>}, {pipeline_mode = #tpu.pipeline_mode<synchronous>, transform_indices = @transform_2, window_bounds = array<i64: 4, 64, 256>}, {pipeline_mode = #tpu.pipeline_mode<synchronous>, transform_indices = @transform_3, window_bounds = array<i64: 1, 256>}, {pipeline_mode = #tpu.pipeline_mode<synchronous>, transform_indices = @transform_4, window_bounds = array<i64: 256, 2>}, {pipeline_mode = #tpu.pipeline_mode<synchronous>, transform_indices = @transform_5, window_bounds = array<i64: 1, 2>}, {pipeline_mode = #tpu.pipeline_mode<synchronous>, transform_indices = @transform_6, window_bounds = array<i64: 1, 2>}]} {
    %get3A = arith.constant 0 : index
    %get3A_0 = arith.constant 0 : index
    %get3A_1 = arith.constant 0 : index
    %get3A_2 = vector.load %arg1[%get3A, %get3A_0, %get3A_1] : memref<4x1280x64xf32, #tpu.memory_space<vmem>>, vector<1x1280x64xf32>
    %get3A_3 = vector.shape_cast %get3A_2 : vector<1x1280x64xf32> to vector<1280x64xf32>
    %get3A_4 = arith.constant 0 : index
    %get3A_5 = arith.constant 0 : index
    %get3A_6 = arith.constant 0 : index
    %get3A_7 = vector.load %arg3[%get3A_4, %get3A_5, %get3A_6] : memref<4x64x256xf32, #tpu.memory_space<vmem>>, vector<1x64x256xf32>
    %get3A_8 = vector.shape_cast %get3A_7 : vector<1x64x256xf32> to vector<64x256xf32>
    %dot_general3A = arith.constant dense<0.000000e+00> : vector<1280x256xf32>
    %dot_general3A_9 = tpu.matmul %get3A_3, %get3A_8, %dot_general3A {dimension_numbers = #tpu.dot_dimension_numbers<[1], [0], [0], [1], [0, 0, 1, 1], [], []>, transpose_lhs_hint = false} : vector<1280x64xf32>, vector<64x256xf32>, vector<1280x256xf32> -> vector<1280x256xf32>
    %add3A = arith.constant 0.000000e+00 : f32
    %add3A_10 = vector.broadcast %add3A : f32 to vector<1280x256xf32>
    %add3A_11 = arith.addf %add3A_10, %dot_general3A_9 : vector<1280x256xf32>
    %get3A_12 = arith.constant 1 : index
    %get3A_13 = arith.constant 0 : index
    %get3A_14 = arith.constant 0 : index
    %get3A_15 = vector.load %arg1[%get3A_12, %get3A_13, %get3A_14] : memref<4x1280x64xf32, #tpu.memory_space<vmem>>, vector<1x1280x64xf32>
    %get3A_16 = vector.shape_cast %get3A_15 : vector<1x1280x64xf32> to vector<1280x64xf32>
    %get3A_17 = arith.constant 1 : index
    %get3A_18 = arith.constant 0 : index
    %get3A_19 = arith.constant 0 : index
    %get3A_20 = vector.load %arg3[%get3A_17, %get3A_18, %get3A_19] : memref<4x64x256xf32, #tpu.memory_space<vmem>>, vector<1x64x256xf32>
    %get3A_21 = vector.shape_cast %get3A_20 : vector<1x64x256xf32> to vector<64x256xf32>
    %dot_general3A_22 = arith.constant dense<0.000000e+00> : vector<1280x256xf32>
    %dot_general3A_23 = tpu.matmul %get3A_16, %get3A_21, %dot_general3A_22 {dimension_numbers = #tpu.dot_dimension_numbers<[1], [0], [0], [1], [0, 0, 1, 1], [], []>, transpose_lhs_hint = false} : vector<1280x64xf32>, vector<64x256xf32>, vector<1280x256xf32> -> vector<1280x256xf32>
    %add3A_24 = arith.addf %add3A_11, %dot_general3A_23 : vector<1280x256xf32>
    %get3A_25 = arith.constant 2 : index
    %get3A_26 = arith.constant 0 : index
    %get3A_27 = arith.constant 0 : index
    %get3A_28 = vector.load %arg1[%get3A_25, %get3A_26, %get3A_27] : memref<4x1280x64xf32, #tpu.memory_space<vmem>>, vector<1x1280x64xf32>
    %get3A_29 = vector.shape_cast %get3A_28 : vector<1x1280x64xf32> to vector<1280x64xf32>
    %get3A_30 = arith.constant 2 : index
    %get3A_31 = arith.constant 0 : index
    %get3A_32 = arith.constant 0 : index
    %get3A_33 = vector.load %arg3[%get3A_30, %get3A_31, %get3A_32] : memref<4x64x256xf32, #tpu.memory_space<vmem>>, vector<1x64x256xf32>
    %get3A_34 = vector.shape_cast %get3A_33 : vector<1x64x256xf32> to vector<64x256xf32>
    %dot_general3A_35 = arith.constant dense<0.000000e+00> : vector<1280x256xf32>
    %dot_general3A_36 = tpu.matmul %get3A_29, %get3A_34, %dot_general3A_35 {dimension_numbers = #tpu.dot_dimension_numbers<[1], [0], [0], [1], [0, 0, 1, 1], [], []>, transpose_lhs_hint = false} : vector<1280x64xf32>, vector<64x256xf32>, vector<1280x256xf32> -> vector<1280x256xf32>
    %add3A_37 = arith.addf %add3A_24, %dot_general3A_36 : vector<1280x256xf32>
    %get3A_38 = arith.constant 3 : index
    %get3A_39 = arith.constant 0 : index
    %get3A_40 = arith.constant 0 : index
    %get3A_41 = vector.load %arg1[%get3A_38, %get3A_39, %get3A_40] : memref<4x1280x64xf32, #tpu.memory_space<vmem>>, vector<1x1280x64xf32>
    %get3A_42 = vector.shape_cast %get3A_41 : vector<1x1280x64xf32> to vector<1280x64xf32>
    %get3A_43 = arith.constant 3 : index
    %get3A_44 = arith.constant 0 : index
    %get3A_45 = arith.constant 0 : index
    %get3A_46 = vector.load %arg3[%get3A_43, %get3A_44, %get3A_45] : memref<4x64x256xf32, #tpu.memory_space<vmem>>, vector<1x64x256xf32>
    %get3A_47 = vector.shape_cast %get3A_46 : vector<1x64x256xf32> to vector<64x256xf32>
    %dot_general3A_48 = arith.constant dense<0.000000e+00> : vector<1280x256xf32>
    %dot_general3A_49 = tpu.matmul %get3A_42, %get3A_47, %dot_general3A_48 {dimension_numbers = #tpu.dot_dimension_numbers<[1], [0], [0], [1], [0, 0, 1, 1], [], []>, transpose_lhs_hint = false} : vector<1280x64xf32>, vector<64x256xf32>, vector<1280x256xf32> -> vector<1280x256xf32>
    %add3A_50 = arith.addf %add3A_37, %dot_general3A_49 : vector<1280x256xf32>
    %get3A_51 = arith.constant 0 : index
    %get3A_52 = arith.constant 0 : index
    %get3A_53 = vector.load %arg2[%get3A_51, %get3A_52] : memref<1280x1xf32, #tpu.memory_space<vmem>>, vector<1280x1xf32>
    %mul3A = vector.broadcast %get3A_53 : vector<1280x1xf32> to vector<1280x256xf32>
    %mul3A_54 = arith.mulf %add3A_50, %mul3A : vector<1280x256xf32>
    %get3A_55 = arith.constant 0 : index
    %get3A_56 = arith.constant 0 : index
    %get3A_57 = vector.load %arg4[%get3A_55, %get3A_56] : memref<1x256xf32, #tpu.memory_space<vmem>>, vector<1x256xf32>
    %add3A_58 = vector.broadcast %get3A_57 : vector<1x256xf32> to vector<1280x256xf32>
    %add3A_59 = arith.addf %mul3A_54, %add3A_58 : vector<1280x256xf32>
    %max3A = arith.constant 0.000000e+00 : f32
    %max3A_60 = vector.broadcast %max3A : f32 to vector<1280x256xf32>
    %max3A_61 = arith.maximumf %add3A_59, %max3A_60 : vector<1280x256xf32>
    %mul3A_62 = arith.constant 1280 : i32
    %mul3A_63 = arith.muli %arg0, %mul3A_62 : i32
    %iota3A = tpu.iota {dimensions = array<i32: 0>} : vector<1280x256xi32>
    %add3A_64 = vector.broadcast %mul3A_63 : i32 to vector<1280x256xi32>
    %add3A_65 = arith.addi %add3A_64, %iota3A : vector<1280x256xi32>
    %lt3A = arith.constant 10000 : i32
    %lt3A_66 = vector.broadcast %lt3A : i32 to vector<1280x256xi32>
    %lt3A_67 = arith.cmpi slt, %add3A_65, %lt3A_66 : vector<1280x256xi32>
    %jit3A = arith.constant 0.000000e+00 : f32
    %broadcast_in_dim3A = vector.broadcast %jit3A : f32 to vector<1280x256xf32>
    %select_n3A = arith.select %lt3A_67, %max3A_61, %broadcast_in_dim3A : vector<1280x256xi1>, vector<1280x256xf32>
    %reduce_sum3A = arith.constant dense<0.000000e+00> : vector<256xf32>
    %reduce_sum3A_68 = vector.multi_reduction <add>, %select_n3A, %reduce_sum3A [0] : vector<1280x256xf32> to vector<256xf32>
    %broadcast_in_dim3A_69 = vector.shape_cast %reduce_sum3A_68 : vector<256xf32> to vector<1x256xf32>
    %eq3A = arith.constant 0 : i32
    %eq3A_70 = arith.cmpi eq, %arg0, %eq3A : i32
    %convert_element_type3A = arith.extui %eq3A_70 : i1 to i32
    %cond3A = arith.constant 0 : i32
    %cond3A_71 = arith.cmpi ne, %convert_element_type3A, %cond3A : i32
    scf.if %cond3A_71 {
      %swap3A_93 = arith.constant 0 : index
      %swap3A_94 = arith.constant 0 : index
      %swap3A_95 = vector.load %arg8[%swap3A_93, %swap3A_94] : memref<1x256xf32, #tpu.memory_space<vmem>>, vector<1x256xf32>
      tpu.vector_store %arg8[%swap3A_93, %swap3A_94], %broadcast_in_dim3A_69 {strides = array<i32>} : memref<1x256xf32, #tpu.memory_space<vmem>>, vector<1x256xf32>,
    } else {
    }
    %gt3A = arith.constant 0 : i32
    %gt3A_72 = arith.cmpi sgt, %arg0, %gt3A : i32
    %convert_element_type3A_73 = arith.extui %gt3A_72 : i1 to i32
    %cond3A_74 = arith.constant 0 : i32
    %cond3A_75 = arith.cmpi ne, %convert_element_type3A_73, %cond3A_74 : i32
    scf.if %cond3A_75 {
      %get3A_93 = arith.constant 0 : index
      %get3A_94 = arith.constant 0 : index
      %get3A_95 = vector.load %arg8[%get3A_93, %get3A_94] : memref<1x256xf32, #tpu.memory_space<vmem>>, vector<1x256xf32>
      %add3A_96 = arith.addf %get3A_95, %broadcast_in_dim3A_69 : vector<1x256xf32>
      %swap3A_97 = arith.constant 0 : index
      %swap3A_98 = arith.constant 0 : index
      %swap3A_99 = vector.load %arg8[%swap3A_97, %swap3A_98] : memref<1x256xf32, #tpu.memory_space<vmem>>, vector<1x256xf32>
      tpu.vector_store %arg8[%swap3A_97, %swap3A_98], %add3A_96 {strides = array<i32>} : memref<1x256xf32, #tpu.memory_space<vmem>>, vector<1x256xf32>,
    } else {
    }
    %get3A_76 = arith.constant 0 : index
    %get3A_77 = arith.constant 0 : index
    %get3A_78 = vector.load %arg8[%get3A_76, %get3A_77] : memref<1x256xf32, #tpu.memory_space<vmem>>, vector<1x256xf32>
    %mul3A_79 = arith.constant 9.99999974E-5 : f32
    %mul3A_80 = vector.broadcast %mul3A_79 : f32 to vector<1x256xf32>
    %mul3A_81 = arith.mulf %get3A_78, %mul3A_80 : vector<1x256xf32>
    %get3A_82 = arith.constant 0 : index
    %get3A_83 = arith.constant 0 : index
    %get3A_84 = vector.load %arg5[%get3A_82, %get3A_83] : memref<256x2xf32, #tpu.memory_space<vmem>>, vector<256x2xf32>
    %dot_general3A_85 = arith.constant dense<0.000000e+00> : vector<1x2xf32>
    %dot_general3A_86 = tpu.matmul %mul3A_81, %get3A_84, %dot_general3A_85 {dimension_numbers = #tpu.dot_dimension_numbers<[1], [0], [0], [1], [0, 0, 1, 1], [], []>, transpose_lhs_hint = false} : vector<1x256xf32>, vector<256x2xf32>, vector<1x2xf32> -> vector<1x2xf32>
    %get3A_87 = arith.constant 0 : index
    %get3A_88 = arith.constant 0 : index
    %get3A_89 = vector.load %arg6[%get3A_87, %get3A_88] : memref<1x2xf32, #tpu.memory_space<vmem>>, vector<1x2xf32>
    %add3A_90 = arith.addf %dot_general3A_86, %get3A_89 : vector<1x2xf32>
    %swap3A = arith.constant 0 : index
    %swap3A_91 = arith.constant 0 : index
    %swap3A_92 = vector.load %arg7[%swap3A, %swap3A_91] : memref<1x2xf32, #tpu.memory_space<vmem>>, vector<1x2xf32>
    tpu.vector_store %arg7[%swap3A, %swap3A_91], %add3A_90 {strides = array<i32>} : memref<1x2xf32, #tpu.memory_space<vmem>>, vector<1x2xf32>,
    return
  }
  func.func @transform_0(%arg0: i32) -> (i32, i32, i32) {
    %c0_i32 = arith.constant 0 : i32
    %c0_i32_0 = arith.constant 0 : i32
    %c0_i32_1 = arith.constant 0 : i32
    return %c0_i32, %arg0, %c0_i32_0 : i32, i32, i32
  }
  func.func @transform_1(%arg0: i32) -> (i32, i32) {
    %c0_i32 = arith.constant 0 : i32
    %c0_i32_0 = arith.constant 0 : i32
    return %arg0, %c0_i32 : i32, i32
  }
  func.func @transform_2(%arg0: i32) -> (i32, i32, i32) {
    %c0_i32 = arith.constant 0 : i32
    %c0_i32_0 = arith.constant 0 : i32
    %c0_i32_1 = arith.constant 0 : i32
    %c0_i32_2 = arith.constant 0 : i32
    return %c0_i32, %c0_i32_0, %c0_i32_1 : i32, i32, i32
  }
  func.func @transform_3(%arg0: i32) -> (i32, i32) {
    %c0_i32 = arith.constant 0 : i32
    %c0_i32_0 = arith.constant 0 : i32
    %c0_i32_1 = arith.constant 0 : i32
    return %c0_i32, %c0_i32_0 : i32, i32
  }
  func.func @transform_4(%arg0: i32) -> (i32, i32) {
    %c0_i32 = arith.constant 0 : i32
    %c0_i32_0 = arith.constant 0 : i32
    %c0_i32_1 = arith.constant 0 : i32
    return %c0_i32, %c0_i32_0 : i32, i32
  }
  func.func @transform_5(%arg0: i32) -> (i32, i32) {
    %c0_i32 = arith.constant 0 : i32
    %c0_i32_0 = arith.constant 0 : i32
    %c0_i32_1 = arith.constant 0 : i32
    return %c0_i32, %c0_i32_0 : i32, i32
  }
  func.func @transform_6(%arg0: i32) -> (i32, i32) {
    %c0_i32 = arith.constant 0 : i32
    %c0_i32_0 = arith.constant 0 : i32
    %c0_i32_1 = arith.constant 0 : i32
    return %c0_i32, %c0_i32_0 : i32, i32
  }
}

</mosaic_0001>

<sc_bundles>
// kernel: kernel.11.cloned.1.call-start
scs
__scs_entry_jumppad:
0x0: {  	(pc) =	sbr.rel $0x88, $3  }
0x1: {  	(tag) =	ssettag $0x0;
	lr =	simm.s32 $0x1  }
0x2: {  	[smem:$0x3F98] =	sst lr;
	_ =	strace $0xD0000000  }
0x3: {  	_ = 	snop  }
0x4: {  	_ = 	snop  }
0x5: {  	_ = 	snop  }
0x6: {  	_ = 	snop  }
0x7: {  	_ = 	snop  }
__scs_overlays_trampoline_lowered:
0x8: {  	[smem:$0x3FA7] =	sst s0  }
0x9: {  	[smem:$0x3FA8] =	sst s1  }
0xa: {  	[smem:$0x3FA9] =	sst s2  }
0xb: {  	[smem:$0x3FAA] =	sst s3  }
0xc: {  	[smem:$0x3FAB] =	sst s4  }
0xd: {  	[smem:$0x3FAC] =	sst s5  }
0xe: {  	[smem:$0x3FAD] =	sst s6  }
0xf: {  	[smem:$0x3FAE] =	sst s7  }
0x10: {  	[smem:$0x3FAF] =	sst s8  }
0x11: {  	[smem:$0x3FB0] =	sst s9;
	s0 =	simm.s32 @!p0 $0x0  }
0x12: {  	s1 =	sld [smem:$0x3F96];
	s0 =	simm.s32 @p0 $0x1  }
0x13: {  	[smem:$0x3FB1] =	sst s0;
	s0 =	simm.s32 @!p1 $0x0  }
0x14: {  	s2 =	sld [smem:$0x3F95];
	s0 =	simm.s32 @p1 $0x1  }
0x15: {  	[smem:$0x3FB2] =	sst s0;
	s0 =	simm.s32 @!p2 $0x0  }
0x16: {  	s3 =	sld [smem:$0x3FDB];
	s0 =	simm.s32 @p2 $0x1  }
0x17: {  	s4 =	simm.s32 $0x1BF5;
	[smem:$0x3FB4] =	sst s0  }
0x18: {  	s0 =	sld [smem:$0x3F97];
	_ =	swait.ge [sflag:s4], $0x0  }
0x19: {  	s7 =	sld [smem:$0x3F98]  }
0x1a: {  	s8 =	sadd.s32 $0xFFFFE003, lr  }
0x1b: {  	s9 =	sadd.s32 $0xFFFFFEF7, lr;
	s5 =	simm.s32 $0xFFFFFFFF;
	p2 =	slt.u32 s8, $0xFFFFF086  }
0x1c: {  	p1 =	slt.u32 s9, $0xF7A;
	s5 =	simm.s32 @!p2 $0x0  }
0x1d: {  	s5 =	simm.s32 @p1 $0x1;
	p0 =	seq.s32 s7, s2  }
0x1e: {  	s7 =	smul.u32 @!p0 $0xF7A, s2;
	p2 =	seq.s32 @!p0 s5, $0x0  }
0x1f: {  	s9 =	smul.u32 $0xF7A, s1;
	s8 =	simm.s32 @!p0 $0x1BF5;
	p2 =	por !p2, p0  }
0x20: {  	[sflag:s8] =	ssyncset.s32 @!p0 $0xFFFFF086;
	s6 =	sadd.s32 @!p0 s3, s7;
	s7 =	simm.s32 @!p0 $0x108  }
0x21: {  	s3 =	sadd.s32 s3, s9;
	s6 =	sadd.s32 @!p0 $0x88, s6;
	s7 =	simm.s32 @p2 $0x1082  }
0x22: {  	[simem:s7], [sflag:s8] =	dma.local @!p0 [hbm:s6], $0xF7A  }
0x23: {  	s9 =	sor.u32 $0xD0000000, s2;
	s6 =	simm.s32 $0x108;
	_ =	swait.ge @!p0 [sflag:s8], $0x0  }
0x24: {  	s3 =	sadd.s32 $0x88, s3;
	s6 =	simm.s32 @!p1 $0x1082;
	[sflag:s4] =	ssyncset.s32 $0xFFFFF086  }
0x25: {  	[simem:s6], [sflag:s4] =	dma.local [hbm:s3], $0xF7A  }
0x26: {  	[smem:$0x3F98] =	sst s1;
	(tag) =	ssettag s2;
	_ =	strace s9  }
0x27: {  	s1 =	sld [smem:$0x3FA8]  }
0x28: {  	s2 =	sld [smem:$0x3FA9]  }
0x29: {  	s4 =	sld [smem:$0x3FAB]  }
0x2a: {  	p0 =	seq.s32 s5, $0x0;
	s5 =	sld [smem:$0x3FAC]  }
0x2b: {  	s6 =	sld [smem:$0x3FAD]  }
0x2c: {  	s7 =	sld [smem:$0x3FAE]  }
0x2d: {  	s3 =	simm.s32 $0x108;
	s8 =	sld [smem:$0x3FAF]  }
0x2e: {  	s3 =	simm.s32 @!p0 $0x1082;
	s9 =	sld [smem:$0x3FB0]  }
0x2f: {  	lr =	sadd.s32 s0, s3;
	s0 =	sld [smem:$0x3FA7]  }
0x30: {  	s3 =	sld [smem:$0x3FAA]  }
0x31: {  	[smem:$0x3FB3] =	sst s10  }
0x32: {  	s10 =	sld [smem:$0x3FB1];
	_ =	sdelay $0x3  }
0x33: {  	p0 =	seq.s32 s10, $0x1;
	s10 =	sld [smem:$0x3FB3];
	_ =	sdelay $0x3  }
0x34: {  	[smem:$0x3FB3] =	sst s10  }
0x35: {  	s10 =	sld [smem:$0x3FB2];
	_ =	sdelay $0x3  }
0x36: {  	p1 =	seq.s32 s10, $0x1;
	s10 =	sld [smem:$0x3FB3];
	_ =	sdelay $0x3  }
0x37: {  	[smem:$0x3FB3] =	sst s10  }
0x38: {  	s10 =	sld [smem:$0x3FB4]  }
0x39: {  	_ = 	snop;
	(pc) =	sbr.ind lr, $3  }
0x3a: {  	_ = 	snop  }
0x3b: {  	_ = 	snop  }
0x3c: {  	p2 =	seq.s32 s10, $0x1;
	s10 =	sld [smem:$0x3FB3]  }
0x3d: {  	_ =	shalt  }
0x3e: {  	_ =	shalt  }
0x3f: {  	_ =	shalt  }
0x40: {  	_ =	shalt  }
0x41: {  	_ =	shalt  }
0x42: {  	_ =	shalt  }
0x43: {  	_ =	shalt  }
0x44: {  	_ =	shalt  }
0x45: {  	_ =	shalt  }
0x46: {  	_ =	shalt  }
0x47: {  	_ =	shalt  }
0x48: {  	_ =	shalt  }
0x49: {  	_ =	shalt  }
0x4a: {  	_ =	shalt  }
0x4b: {  	_ =	shalt  }
0x4c: {  	_ =	shalt  }
0x4d: {  	_ =	shalt  }
0x4e: {  	_ =	shalt  }
0x4f: {  	_ =	shalt  }
0x50: {  	_ =	shalt  }
0x51: {  	_ =	shalt  }
0x52: {  	_ =	shalt  }
0x53: {  	_ =	shalt  }
0x54: {  	_ =	shalt  }
0x55: {  	_ =	shalt  }
0x56: {  	_ =	shalt  }
0x57: {  	_ =	shalt  }
0x58: {  	_ =	shalt  }
0x59: {  	_ =	shalt  }
0x5a: {  	_ =	shalt  }
0x5b: {  	_ =	shalt  }
0x5c: {  	_ =	shalt  }
0x5d: {  	_ =	shalt  }
0x5e: {  	_ =	shalt  }
0x5f: {  	_ =	shalt  }
0x60: {  	_ =	shalt  }
0x61: {  	_ =	shalt  }
0x62: {  	_ =	shalt  }
0x63: {  	_ =	shalt  }
0x64: {  	_ =	shalt  }
0x65: {  	_ =	shalt  }
0x66: {  	_ =	shalt  }
0x67: {  	_ =	shalt  }
0x68: {  	_ =	shalt  }
0x69: {  	_ =	shalt  }
0x6a: {  	_ =	shalt  }
0x6b: {  	_ =	shalt  }
0x6c: {  	_ =	shalt  }
0x6d: {  	_ =	shalt  }
0x6e: {  	_ =	shalt  }
0x6f: {  	_ =	shalt  }
0x70: {  	_ =	shalt  }
0x71: {  	_ =	shalt  }
0x72: {  	_ =	shalt  }
0x73: {  	_ =	shalt  }
0x74: {  	_ =	shalt  }
0x75: {  	_ =	shalt  }
0x76: {  	_ =	shalt  }
0x77: {  	_ =	shalt  }
0x78: {  	_ =	shalt  }
0x79: {  	_ =	shalt  }
0x7a: {  	_ =	shalt  }
0x7b: {  	_ =	shalt  }
0x7c: {  	_ =	shalt  }
0x7d: {  	_ =	shalt  }
0x7e: {  	_ =	shalt  }
0x7f: {  	_ =	shalt  }
0x80: {  	_ =	shalt  }
0x81: {  	_ =	shalt  }
0x82: {  	_ =	shalt  }
0x83: {  	_ =	shalt  }
0x84: {  	_ =	shalt  }
0x85: {  	_ =	shalt  }
0x86: {  	_ =	shalt  }
0x87: {  	_ =	shalt  }
.Lfunc_end0:
.L_simem_size_0:
called_computation.1_lowered:
.L_overlay_start_0:
0x88: {  	s2 =	sld [smem:$0x3FD9]  }
0x89: {  	s3 =	sld [smem:$0x3FFE];
	_ =	sdelay $0x1  }
0x8a: {  	s1 =	srdreg.scid  }
0x8b: {  	s0 =	sand.u32 $0x1, s1  }
0x8c: {  	s16 =	sshll.u32 s0, $0xA;
	s2 =	sadd.s32 s3, s2  }
0x8d: {  	s2 =	sadd.s32 s2, s16  }
0x8e: {  	[smem:$0x3FBF] =	sst s2  }
0x8f: {  	_ = 	snop  }
0x90: {  	(tm) =	ssettm $0x1  }
0x91: {  	s17 =	sld [smem:$0x3FFB];
	_ =	sdelay $0x3  }
0x92: {  	_ =	strace s17  }
0x93: {  	s2 =	sld [smem:$0x3FFC];
	_ =	sdelay $0x3  }
0x94: {  	_ =	strace s2  }
0x95: {  	s2 =	sld [smem:$0x3FFD];
	_ =	sdelay $0x3  }
0x96: {  	_ =	strace s2  }
0x97: {  	_ =	strace $0x8FFFFFFF  }
0x98: {  	s18 =	sld [smem:$0x3FDB];
	_ =	sdelay $0x1  }
0x99: {  	s19 =	simm.s32 $_scs_section_size  }
0x9a: {  	s4 =	simm.s32 $_size__tile_overlayer_lowered;
	s5 =	simm.s32 $_tile_overlayer_lowered  }
0x9b: {  	s22 =	simm.s32 $0x1BFF;
	s21 =	sshll.u32 s5, $0x1;
	s2 =	sadd.s32 s19, s18  }
0x9c: {  	s6 =	simm.s32 $0x0;
	s20 =	sshll.u32 s4, $0x1;
	s4 =	sadd.s32 s21, s2  }
0x9d: {  	[timem:s6], [sflag:s22] =	dma.local [hbm:s4], s20  }
0x9e: {  	_ =	swait.ge [sflag:s22], s20  }
0x9f: {  	s3 =	ssub.s32 $0x0, s20;
	[sflag:s22] =	ssyncset.done $0x0  }
0xa0: {  	[sflag:s22] =	ssyncadd.s32 s3;
	_ =	sdelay $0x1  }
0xa1: {  	s23 =	simm.s32 $0x1B8B  }
0xa2: {  	_ =	swait.ge [sflag:s23], $0x1  }
0xa3: {  	[sflag:s23] =	ssyncset.done $0x0  }
0xa4: {  	s25 =	simm.s32 $0x1B8E;
	s24 =	sld [smem:$0x3FFE];
	[sflag:s23] =	ssyncadd.s32 $0xFFFFFFFF  }
0xa5: {  	s26 =	simm.s32 $execute0_lowered;
	[smem:$0x3FD2] =	sst s25  }
0xa6: {  	s4 =	sshll.u32 s26, $0x1;
	_ =	strace $0x80000049;
	[dreg:$0x1] =	wrdreg $0xFFFFFFFF  }
0xa7: {  	s28 =	simm.s32 $_size_execute0_lowered;
	s2 =	sadd.s32 s2, s4;
	[dreg:$0x0] =	wrdreg $0x0  }
0xa8: {  	s4 =	sshll.u32 s28, $0x1;
	[dreg:$0x2] =	wrdreg s2  }
0xa9: {  	[dreg:$0x3] =	wrdreg s4  }
0xaa: {  	[dreg:$0x4] =	wrdreg $0xC0  }
0xab: {  	_ =	task [dreg:s6], $0x5FFFF  }
0xac: {  	[dreg:$0x1] =	wrdreg $0xFFFFFFFF  }
0xad: {  	[dreg:$0x0] =	wrdreg $0x60  }
0xae: {  	[dreg:$0x2] =	wrdreg s24  }
0xaf: {  	[dreg:$0x3] =	wrdreg $0x98000  }
0xb0: {  	[dreg:$0x4] =	wrdreg $0x70000  }
0xb1: {  	[dreg:$0x5] =	wrdreg $0x9  }
0xb2: {  	_ =	task.clear_ibuf [dreg:s6], $0x6FFFF;
	_ =	strace $0x90000049  }
0xb3: {  	s29 =	simm.s32 $0x9;
	_ =	strace $0x8000004B  }
0xb4: {  	_ =	swait.ge [sflag:s29], $0x1  }
0xb5: {  	[sflag:s29] =	ssyncadd.s32 $0xFFFFFFFF  }
0xb6: {  	_ =	strace $0x9000004B  }
0xb7: {  	_ =	sfence  }
0xb8: {  	s30 =	sld [smem:$0x0];
	_ =	sdelay $0x2  }
0xb9: {  	s31 =	sshll.u32 s1, $0xD;
	s1 =	sshrl.u32 s1, $0x2  }
0xba: {  	s3 =	sand.u32 $0x4000, s31;
	s1 =	sadd.s32 s1, s30  }
0xbb: {  	s0 =	sor.u32 s3, s0;
	s1 =	sshll.u32 s1, $0x11  }
0xbc: {  	s0 =	sor.u32 s1, s0  }
0xbd: {  	s0 =	sadd.s32 $0x8F2B, s0  }
0xbe: {  	[sflag:s0] =	ssyncadd.remote.s32 $0x1  }
0xbf: {  	_ =	sfence.sel $0xFFFF  }
0xc0: {  	[dreg:$0x0] =	wrdreg $0xFFFFFFFF;
	(pc) =	sbr.abs _section_cstart, $3  }
0xc1: {  	[dreg:$0x1] =	wrdreg $0xFFFFFFFF  }
0xc2: {  	_ =	task.clear_ibuf [dreg:s6], $0x2FFFF;
	_ =	strace $0x9FFFFFFF  }
0xc3: {  	(tm) =	ssettm $0x7FFFFFFF  }
tec
execute0_lowered:
.L_overlay_start_1:
0x0: {  	(tag) =	ssettag $0x1  }
0x1: {  	s0 =	rddreg [dreg:$0x0]  }
0x2: {  	s2 =	rddreg [dreg:$0x1];
	s1 =	srdreg.scid  }
0x3: {  	s3 =	rddreg [dreg:$0x2];
	s13 =	stileid.u32;
	s4 =	simm.s32 $0x0  }
0x4: {  	s14 =	simm.s32 $0x1400;
	s15 =	simm.s32 $0x80;
	s16 =	simm.s32 $0x2800  }
0x5: {  	s17 =	simm.s32 $0x3000;
	s19 =	simm.s32 $0x3800;
	s20 =	simm.s32 $0x1  }
0x6: {  	s22 =	simm.s32 $0x4000;
	s23 =	simm.s32 $0x2;
	s28 =	simm.s32 $0x3  }
0x7: {  	s29 =	simm.s32 $0x6;
	s30 =	simm.s32 $0x4;
	s6 =	smul.u32 $0x28, s13  }
0x8: {  	s31 =	simm.s32 $0x7;
	s1 =	sand.u32 $0x1, s1;
	s24 =	smul.u32 $0x2800, s13  }
0x9: {  	[smem:$0x7FF] =	sst s4;
	s26 =	sshll.u32 s13, $0x6;
	s5 =	smul.u32 $0x280, s1  }
0xa: {  	_ =	strace $0x8000004A;
	s25 =	smul.u32 $0x5000, s1;
	s1 =	ssub.s32 $0x2, s1  }
0xb: {  	s18 =	sshrl.u32 s24, $0x3;
	s8 =	sshrl.u32 s1, $0x1;
	s12 =	sadd.s32 s24, s3  }
0xc: {  	s5 =	sadd.s32 s6, s5;
	s10 =	sadd.s32 s18, s0;
	s11 =	sadd.s32 s25, s0  }
0xd: {  	s1 =	ssub.s32 s1, s8;
	s12 =	sshrl.u32 s12, $0x3;
	s9 =	sshll.u32 s5, $0x4  }
0xe: {  	s5 =	sadd.s32 s24, s2;
	s6 =	sadd.s32 $0xBA00, s10;
	s21 =	sadd.s32 $0x10A00, s11  }
0xf: {  	s8 =	smax.u32 s1, $0x1;
	s10 =	simm.s32 $0x9;
	s11 =	sor.u32 $0x1C09, s26  }
0x10: {  	s26 =	simm.s32 $0x5;
	s1 =	simm.s32 $0x2700;
	s7 =	sadd.s32 s9, s0  }
0x11: {  	s0 =	sadd.s32 $0x6A00, s0;
	s24 =	sadd.s32 s18, s21;
	s7 =	sadd.s32 $0x1A00, s7  }
0x12: {  	v0 =	vimm.f32 $0.0e+00;
	s13 =	sadd.s32 s9, s0;
	s0 =	simm.s32 $0x8;
	s9 =	simm.s32 $0x2780  }
.LBB2_1:
0x13: {  	s18 =	simm.s32 $0x40;
	s21 =	simm.s32 $0x0  }
.LBB2_2:
0x14: {  	p0 =	sne.s32 s18, $0x9FC0;
	[tilespmem:s21+$0x4800] =	vst v0;
	s21 =	smov.u32 s18;
	s18 =	sadd.s32 $0x40, s18  }
.Ltmp0:
0x15: {  	(pc) =	sbr.rel @p0 .LBB2_2-.Ltmp0, $2  }
0x16: {  	_ =	sdelay $0x2  }
0x17: {  	s21 =	sshra.s32 s21, $0x2  }
0x18: {  	[tilespmem:s21+$0x4800] =	vst v0;
	s18 =	simm.s32 $0x4800  }
0x19: {  	[spmem:s5] =	stream.linear.scatter [tilespmem:s18], [sflag:$0x9], $0x2800, $0x38;
	[tilespmem:$0xC000] =	vst v63  }
0x1a: {  	_ =	swait.ge [sflag:s10], $0x2800  }
0x1b: {  	[sflag:s10] =	ssyncset.done $0x0  }
0x1c: {  	[sflag:s10] =	ssyncadd.s32 $0xFFFFD800  }
0x1d: {  	[spmem:s12], [sflag:s11] =	dma.local [hbm:s6], $0x500  }
0x1e: {  	_ =	swait.ge [sflag:s10], $0x500  }
0x1f: {  	[sflag:s10] =	ssyncset.done $0x0  }
0x20: {  	s25 =	simm.s32 $0x0;
	[sflag:s10] =	ssyncadd.s32 $0xFFFFFB00  }
0x21: {  	[tilespmem:s25], [sflag:$0x9] =	stream.linear.gather [hbm4b:s7+s25], $0x1400, $0x38;
	[tilespmem:$0xC000] =	vst v63  }
0x22: {  	_ =	swait.ge [sflag:s10], $0x1400  }
0x23: {  	[sflag:s10] =	ssyncset.done $0x0  }
0x24: {  	[sflag:s10] =	ssyncadd.s32 $0xFFFFEC00  }
0x25: {  	[tilespmem:s14], [sflag:$0x9] =	stream.linear.gather [hbm4b:s13+s25], $0x1400, $0x38;
	[tilespmem:$0xC000] =	vst v63  }
0x26: {  	_ =	swait.ge [sflag:s10], $0x1400  }
0x27: {  	[sflag:s10] =	ssyncset.done $0x0  }
0x28: {  	[sflag:s10] =	ssyncadd.s32 $0xFFFFEC00  }
0x29: {  	[bflag:$0x0] =	sbarrier.arrive $0xFFFF  }
0x2a: {  	[tilespmem:s16], [sflag:$0x1] =	stream.indirect.gather [spmem:s3], $0x10, s25, s15, $0xb8;
	[tilespmem:$0xC000] =	vst v63  }
0x2b: {  	_ = 	snop  }
0x2c: {  	[tilespmem:s17], [sflag:$0x2] =	stream.indirect.gather [spmem:s3], $0x10, s15, s15, $0xb8;
	[tilespmem:$0xC000] =	vst v63  }
0x2d: {  	s21 =	simm.s32 $0x100  }
0x2e: {  	[tilespmem:s19], [sflag:$0x3] =	stream.indirect.gather [spmem:s3], $0x10, s21, s15, $0xb8;
	[tilespmem:$0xC000] =	vst v63  }
0x2f: {  	_ =	swait.ge [sflag:s20], $0x800  }
0x30: {  	[sflag:s20] =	ssyncset.done $0x0  }
0x31: {  	[sflag:s20] =	ssyncadd.s32 $0xFFFFF800  }
0x32: {  	[spmem:s2] =	stream.indirect.scatter.add.f32 [tilespmem:s16], [sflag:$0x5], $0x10, s14, s15, $0xb8;
	[tilespmem:$0xC000] =	vst v63  }
0x33: {  	s25 =	simm.s32 $0x180  }
0x34: {  	[tilespmem:s22], [sflag:$0x4] =	stream.indirect.gather [spmem:s3], $0x10, s25, s15, $0xb8;
	[tilespmem:$0xC000] =	vst v63  }
0x35: {  	_ =	swait.ge [sflag:s23], $0x800  }
0x36: {  	[sflag:s23] =	ssyncset.done $0x0  }
0x37: {  	s21 =	simm.s32 $0x1480;
	[sflag:s23] =	ssyncadd.s32 $0xFFFFF800  }
0x38: {  	[spmem:s2] =	stream.indirect.scatter.add.f32 [tilespmem:s17], [sflag:$0x6], $0x10, s21, s15, $0xb8;
	[tilespmem:$0xC000] =	vst v63  }
0x39: {  	_ =	swait.ge [sflag:s26], $0x800  }
0x3a: {  	[sflag:s26] =	ssyncset.done $0x0  }
0x3b: {  	s25 =	simm.s32 $0x200;
	[sflag:s26] =	ssyncadd.s32 $0xFFFFF800  }
0x3c: {  	[tilespmem:s16], [sflag:$0x1] =	stream.indirect.gather [spmem:s3], $0x10, s25, s15, $0xb8;
	[tilespmem:$0xC000] =	vst v63  }
0x3d: {  	_ =	swait.ge [sflag:s28], $0x800  }
0x3e: {  	[sflag:s28] =	ssyncset.done $0x0  }
0x3f: {  	s21 =	simm.s32 $0x1500;
	[sflag:s28] =	ssyncadd.s32 $0xFFFFF800  }
0x40: {  	[spmem:s2] =	stream.indirect.scatter.add.f32 [tilespmem:s19], [sflag:$0x7], $0x10, s21, s15, $0xb8;
	[tilespmem:$0xC000] =	vst v63  }
0x41: {  	_ =	swait.ge [sflag:s29], $0x800  }
0x42: {  	[sflag:s29] =	ssyncset.done $0x0  }
0x43: {  	s25 =	simm.s32 $0x280;
	[sflag:s29] =	ssyncadd.s32 $0xFFFFF800  }
0x44: {  	[tilespmem:s17], [sflag:$0x2] =	stream.indirect.gather [spmem:s3], $0x10, s25, s15, $0xb8;
	[tilespmem:$0xC000] =	vst v63  }
0x45: {  	_ =	swait.ge [sflag:s30], $0x800  }
0x46: {  	[sflag:s30] =	ssyncset.done $0x0  }
0x47: {  	s21 =	simm.s32 $0x1580;
	[sflag:s30] =	ssyncadd.s32 $0xFFFFF800  }
0x48: {  	[spmem:s2] =	stream.indirect.scatter.add.f32 [tilespmem:s22], [sflag:$0x8], $0x10, s21, s15, $0xb8;
	[tilespmem:$0xC000] =	vst v63  }
0x49: {  	_ =	swait.ge [sflag:s31], $0x800  }
0x4a: {  	[sflag:s31] =	ssyncset.done $0x0  }
0x4b: {  	s25 =	simm.s32 $0x300;
	[sflag:s31] =	ssyncadd.s32 $0xFFFFF800  }
0x4c: {  	[tilespmem:s19], [sflag:$0x3] =	stream.indirect.gather [spmem:s3], $0x10, s25, s15, $0xb8;
	[tilespmem:$0xC000] =	vst v63  }
0x4d: {  	_ =	swait.ge [sflag:s20], $0x800  }
0x4e: {  	[sflag:s20] =	ssyncset.done $0x0  }
0x4f: {  	s21 =	simm.s32 $0x1600;
	[sflag:s20] =	ssyncadd.s32 $0xFFFFF800  }
0x50: {  	[spmem:s2] =	stream.indirect.scatter.add.f32 [tilespmem:s16], [sflag:$0x5], $0x10, s21, s15, $0xb8;
	[tilespmem:$0xC000] =	vst v63  }
0x51: {  	_ =	swait.ge [sflag:s0], $0x800  }
0x52: {  	[sflag:s0] =	ssyncset.done $0x0  }
0x53: {  	s25 =	simm.s32 $0x380;
	[sflag:s0] =	ssyncadd.s32 $0xFFFFF800  }
0x54: {  	[tilespmem:s22], [sflag:$0x4] =	stream.indirect.gather [spmem:s3], $0x10, s25, s15, $0xb8;
	[tilespmem:$0xC000] =	vst v63  }
0x55: {  	_ =	swait.ge [sflag:s23], $0x800  }
0x56: {  	[sflag:s23] =	ssyncset.done $0x0  }
0x57: {  	s18 =	simm.s32 $0x800;
	s21 =	simm.s32 $0x1680;
	[sflag:s23] =	ssyncadd.s32 $0xFFFFF800  }
.LBB2_4:
0x58: {  	[spmem:s2] =	stream.indirect.scatter.add.f32 [tilespmem:s17], [sflag:$0x6], $0x10, s21, s15, $0xb8;
	[tilespmem:$0xC000] =	vst v63  }
0x59: {  	s21 =	smov.u32 s18  }
0x5a: {  	p0 =	sne.s32 s18, $0x4000;
	s18 =	sadd.s32 $0x800, s18;
	_ =	swait.ge [sflag:s26], $0x800  }
0x5b: {  	s21 =	sshra.s32 s21, $0x2;
	[sflag:s26] =	ssyncset.done $0x0  }
0x5c: {  	s25 =	sadd.s32 $0x200, s21;
	[sflag:s26] =	ssyncadd.s32 $0xFFFFF800  }
0x5d: {  	[tilespmem:s16], [sflag:$0x1] =	stream.indirect.gather [spmem:s3], $0x10, s25, s15, $0xb8;
	[tilespmem:$0xC000] =	vst v63  }
0x5e: {  	_ =	swait.ge [sflag:s28], $0x800  }
0x5f: {  	[sflag:s28] =	ssyncset.done $0x0  }
0x60: {  	s25 =	sadd.s32 $0x1500, s21;
	[sflag:s28] =	ssyncadd.s32 $0xFFFFF800  }
0x61: {  	[spmem:s2] =	stream.indirect.scatter.add.f32 [tilespmem:s19], [sflag:$0x7], $0x10, s25, s15, $0xb8;
	[tilespmem:$0xC000] =	vst v63  }
0x62: {  	_ =	swait.ge [sflag:s29], $0x800  }
0x63: {  	[sflag:s29] =	ssyncset.done $0x0  }
0x64: {  	s25 =	sadd.s32 $0x280, s21;
	[sflag:s29] =	ssyncadd.s32 $0xFFFFF800  }
0x65: {  	[tilespmem:s17], [sflag:$0x2] =	stream.indirect.gather [spmem:s3], $0x10, s25, s15, $0xb8;
	[tilespmem:$0xC000] =	vst v63  }
0x66: {  	_ =	swait.ge [sflag:s30], $0x800  }
0x67: {  	[sflag:s30] =	ssyncset.done $0x0  }
0x68: {  	s25 =	sadd.s32 $0x1580, s21;
	[sflag:s30] =	ssyncadd.s32 $0xFFFFF800  }
0x69: {  	[spmem:s2] =	stream.indirect.scatter.add.f32 [tilespmem:s22], [sflag:$0x8], $0x10, s25, s15, $0xb8;
	[tilespmem:$0xC000] =	vst v63  }
0x6a: {  	_ =	swait.ge [sflag:s31], $0x800  }
0x6b: {  	[sflag:s31] =	ssyncset.done $0x0  }
0x6c: {  	s25 =	sadd.s32 $0x300, s21;
	[sflag:s31] =	ssyncadd.s32 $0xFFFFF800  }
0x6d: {  	[tilespmem:s19], [sflag:$0x3] =	stream.indirect.gather [spmem:s3], $0x10, s25, s15, $0xb8;
	[tilespmem:$0xC000] =	vst v63  }
0x6e: {  	_ =	swait.ge [sflag:s20], $0x800  }
0x6f: {  	[sflag:s20] =	ssyncset.done $0x0  }
0x70: {  	s25 =	sadd.s32 $0x1600, s21;
	[sflag:s20] =	ssyncadd.s32 $0xFFFFF800  }
0x71: {  	[spmem:s2] =	stream.indirect.scatter.add.f32 [tilespmem:s16], [sflag:$0x5], $0x10, s25, s15, $0xb8;
	[tilespmem:$0xC000] =	vst v63  }
0x72: {  	_ =	swait.ge [sflag:s0], $0x800  }
0x73: {  	[sflag:s0] =	ssyncset.done $0x0  }
.Ltmp1:
0x74: {  	s25 =	sadd.s32 $0x380, s21;
	[sflag:s0] =	ssyncadd.s32 $0xFFFFF800;
	(pc) =	sbr.rel @p0 .LBB2_4-.Ltmp1, $4  }
0x75: {  	[tilespmem:s22], [sflag:$0x4] =	stream.indirect.gather [spmem:s3], $0x10, s25, s15, $0xb8;
	[tilespmem:$0xC000] =	vst v63  }
0x76: {  	_ =	swait.ge [sflag:s23], $0x800  }
0x77: {  	[sflag:s23] =	ssyncset.done $0x0  }
0x78: {  	s21 =	sadd.s32 $0x1680, s21;
	[sflag:s23] =	ssyncadd.s32 $0xFFFFF800  }
0x79: {  	[spmem:s2] =	stream.indirect.scatter.add.f32 [tilespmem:s17], [sflag:$0x6], $0x10, s21, s15, $0xb8;
	[tilespmem:$0xC000] =	vst v63  }
0x7a: {  	_ =	swait.ge [sflag:s26], $0x800  }
0x7b: {  	[sflag:s26] =	ssyncset.done $0x0  }
0x7c: {  	[sflag:s26] =	ssyncadd.s32 $0xFFFFF800  }
0x7d: {  	_ =	swait.ge [sflag:s28], $0x800  }
0x7e: {  	[sflag:s28] =	ssyncset.done $0x0  }
0x7f: {  	[sflag:s28] =	ssyncadd.s32 $0xFFFFF800  }
0x80: {  	[spmem:s2] =	stream.indirect.scatter.add.f32 [tilespmem:s19], [sflag:$0x7], $0x10, s1, s15, $0xb8;
	[tilespmem:$0xC000] =	vst v63  }
0x81: {  	_ =	swait.ge [sflag:s29], $0x800  }
0x82: {  	[sflag:s29] =	ssyncset.done $0x0  }
0x83: {  	[sflag:s29] =	ssyncadd.s32 $0xFFFFF800  }
0x84: {  	_ =	swait.ge [sflag:s30], $0x800  }
0x85: {  	[sflag:s30] =	ssyncset.done $0x0  }
0x86: {  	[sflag:s30] =	ssyncadd.s32 $0xFFFFF800  }
0x87: {  	[spmem:s2] =	stream.indirect.scatter.add.f32 [tilespmem:s22], [sflag:$0x8], $0x10, s9, s15, $0xb8;
	[tilespmem:$0xC000] =	vst v63  }
0x88: {  	_ =	swait.ge [sflag:s31], $0x800  }
0x89: {  	[sflag:s31] =	ssyncset.done $0x0  }
0x8a: {  	[sflag:s31] =	ssyncadd.s32 $0xFFFFF800  }
0x8b: {  	_ =	swait.ge [sflag:s0], $0x800  }
0x8c: {  	s4 =	sadd.s32 $0x1, s4;
	[sflag:s0] =	ssyncset.done $0x0  }
0x8d: {  	p0 =	sne.s32 s4, s8;
	[sflag:s0] =	ssyncadd.s32 $0xFFFFF800  }
.Ltmp2:
0x8e: {  	s18 =	sshrl.u32 s5, $0x3;
	[bflag:$0x0] =	sbarrier.arrive $0xFFFF;
	(pc) =	sbr.rel @p0 .LBB2_1-.Ltmp2, $4  }
0x8f: {  	[hbm:s24], [sflag:s11] =	dma.local [spmem:s18], $0x500  }
0x90: {  	_ =	swait.ge [sflag:s10], $0x500  }
0x91: {  	[sflag:s10] =	ssyncset.done $0x0  }
0x92: {  	[sflag:s10] =	ssyncadd.s32 $0xFFFFFB00  }
0x93: {  	_ =	sfence.sel $0x180000  }
0x94: {  	[bflag:$0x0] =	sbarrier.arrive $0xFFFF  }
0x95: {  	_ =	strace $0x9000004A  }
0x96: {  	s0 =	stileid.u32;
	[bflag:$0x2] =	sbarrier.arrive $0xFFFF  }
0x97: {  	p0 =	sne.s32 s0, $0x0;
	s0 =	rddreg [dreg:$0x3]  }
0x98: {  	s0 =	sadd.s32 @!p0 $0x100000, s0  }
0x99: {  	[sflag:s0] =	ssyncadd.tile.s32 @!p0 $0x1;
	_ =	shalt  }
.Lfunc_end2:
_tile_overlayer_lowered:
.L_overlay_start_2:
0x9a: {  	(tag) =	ssettag $0x2  }
0x9b: {  	s0 =	rddreg [dreg:$0x0];
	s2 =	stileid.u32  }
0x9c: {  	s1 =	rddreg [dreg:$0x1];
	p0 =	sne.s32 s2, $0x0  }
0x9d: {  	s3 =	rddreg [dreg:$0x2];
	[bflag:$0x3] =	sbarrier.arrive $0xFFFF;
	s2 =	simm.s32 @!p0 $0x1C09  }
0x9e: {  	[timem:s3], [sflag:s2] =	dma.local @!p0 [hbm:s0], s1  }
0x9f: {  	s0 =	simm.s32 @!p0 $0x9  }
0xa0: {  	_ =	swait.ge @!p0 [sflag:s0], s1  }
0xa1: {  	s1 =	ssub.s32 @!p0 $0x0, s1;
	[sflag:s0] =	ssyncset.done @!p0 $0x0  }
0xa2: {  	[sflag:s0] =	ssyncadd.s32 @!p0 s1  }
0xa3: {  	[bflag:$0x3] =	sbarrier.arrive $0xFFFF  }
0xa4: {  	_ =	shalt  }

// kernel: kernel.14.cloned.1.call-start
scs
__scs_entry_jumppad:
0x0: {  	(pc) =	sbr.rel $0x88, $3  }
0x1: {  	(tag) =	ssettag $0x0;
	lr =	simm.s32 $0x1  }
0x2: {  	[smem:$0x3F98] =	sst lr;
	_ =	strace $0xD0000000  }
0x3: {  	_ = 	snop  }
0x4: {  	_ = 	snop  }
0x5: {  	_ = 	snop  }
0x6: {  	_ = 	snop  }
0x7: {  	_ = 	snop  }
__scs_overlays_trampoline_lowered:
0x8: {  	[smem:$0x3FA7] =	sst s0  }
0x9: {  	[smem:$0x3FA8] =	sst s1  }
0xa: {  	[smem:$0x3FA9] =	sst s2  }
0xb: {  	[smem:$0x3FAA] =	sst s3  }
0xc: {  	[smem:$0x3FAB] =	sst s4  }
0xd: {  	[smem:$0x3FAC] =	sst s5  }
0xe: {  	[smem:$0x3FAD] =	sst s6  }
0xf: {  	[smem:$0x3FAE] =	sst s7  }
0x10: {  	[smem:$0x3FAF] =	sst s8  }
0x11: {  	[smem:$0x3FB0] =	sst s9;
	s0 =	simm.s32 @!p0 $0x0  }
0x12: {  	s1 =	sld [smem:$0x3F96];
	s0 =	simm.s32 @p0 $0x1  }
0x13: {  	[smem:$0x3FB1] =	sst s0;
	s0 =	simm.s32 @!p1 $0x0  }
0x14: {  	s2 =	sld [smem:$0x3F95];
	s0 =	simm.s32 @p1 $0x1  }
0x15: {  	[smem:$0x3FB2] =	sst s0;
	s0 =	simm.s32 @!p2 $0x0  }
0x16: {  	s3 =	sld [smem:$0x3FDB];
	s0 =	simm.s32 @p2 $0x1  }
0x17: {  	s4 =	simm.s32 $0x1BF5;
	[smem:$0x3FB4] =	sst s0  }
0x18: {  	s0 =	sld [smem:$0x3F97];
	_ =	swait.ge [sflag:s4], $0x0  }
0x19: {  	s7 =	sld [smem:$0x3F98]  }
0x1a: {  	s8 =	sadd.s32 $0xFFFFE003, lr  }
0x1b: {  	s9 =	sadd.s32 $0xFFFFFEF7, lr;
	s5 =	simm.s32 $0xFFFFFFFF;
	p2 =	slt.u32 s8, $0xFFFFF086  }
0x1c: {  	p1 =	slt.u32 s9, $0xF7A;
	s5 =	simm.s32 @!p2 $0x0  }
0x1d: {  	s5 =	simm.s32 @p1 $0x1;
	p0 =	seq.s32 s7, s2  }
0x1e: {  	s7 =	smul.u32 @!p0 $0xF7A, s2;
	p2 =	seq.s32 @!p0 s5, $0x0  }
0x1f: {  	s9 =	smul.u32 $0xF7A, s1;
	s8 =	simm.s32 @!p0 $0x1BF5;
	p2 =	por !p2, p0  }
0x20: {  	[sflag:s8] =	ssyncset.s32 @!p0 $0xFFFFF086;
	s6 =	sadd.s32 @!p0 s3, s7;
	s7 =	simm.s32 @!p0 $0x108  }
0x21: {  	s3 =	sadd.s32 s3, s9;
	s6 =	sadd.s32 @!p0 $0x88, s6;
	s7 =	simm.s32 @p2 $0x1082  }
0x22: {  	[simem:s7], [sflag:s8] =	dma.local @!p0 [hbm:s6], $0xF7A  }
0x23: {  	s9 =	sor.u32 $0xD0000000, s2;
	s6 =	simm.s32 $0x108;
	_ =	swait.ge @!p0 [sflag:s8], $0x0  }
0x24: {  	s3 =	sadd.s32 $0x88, s3;
	s6 =	simm.s32 @!p1 $0x1082;
	[sflag:s4] =	ssyncset.s32 $0xFFFFF086  }
0x25: {  	[simem:s6], [sflag:s4] =	dma.local [hbm:s3], $0xF7A  }
0x26: {  	[smem:$0x3F98] =	sst s1;
	(tag) =	ssettag s2;
	_ =	strace s9  }
0x27: {  	s1 =	sld [smem:$0x3FA8]  }
0x28: {  	s2 =	sld [smem:$0x3FA9]  }
0x29: {  	s4 =	sld [smem:$0x3FAB]  }
0x2a: {  	p0 =	seq.s32 s5, $0x0;
	s5 =	sld [smem:$0x3FAC]  }
0x2b: {  	s6 =	sld [smem:$0x3FAD]  }
0x2c: {  	s7 =	sld [smem:$0x3FAE]  }
0x2d: {  	s3 =	simm.s32 $0x108;
	s8 =	sld [smem:$0x3FAF]  }
0x2e: {  	s3 =	simm.s32 @!p0 $0x1082;
	s9 =	sld [smem:$0x3FB0]  }
0x2f: {  	lr =	sadd.s32 s0, s3;
	s0 =	sld [smem:$0x3FA7]  }
0x30: {  	s3 =	sld [smem:$0x3FAA]  }
0x31: {  	[smem:$0x3FB3] =	sst s10  }
0x32: {  	s10 =	sld [smem:$0x3FB1];
	_ =	sdelay $0x3  }
0x33: {  	p0 =	seq.s32 s10, $0x1;
	s10 =	sld [smem:$0x3FB3];
	_ =	sdelay $0x3  }
0x34: {  	[smem:$0x3FB3] =	sst s10  }
0x35: {  	s10 =	sld [smem:$0x3FB2];
	_ =	sdelay $0x3  }
0x36: {  	p1 =	seq.s32 s10, $0x1;
	s10 =	sld [smem:$0x3FB3];
	_ =	sdelay $0x3  }
0x37: {  	[smem:$0x3FB3] =	sst s10  }
0x38: {  	s10 =	sld [smem:$0x3FB4]  }
0x39: {  	_ = 	snop;
	(pc) =	sbr.ind lr, $3  }
0x3a: {  	_ = 	snop  }
0x3b: {  	_ = 	snop  }
0x3c: {  	p2 =	seq.s32 s10, $0x1;
	s10 =	sld [smem:$0x3FB3]  }
0x3d: {  	_ =	shalt  }
0x3e: {  	_ =	shalt  }
0x3f: {  	_ =	shalt  }
0x40: {  	_ =	shalt  }
0x41: {  	_ =	shalt  }
0x42: {  	_ =	shalt  }
0x43: {  	_ =	shalt  }
0x44: {  	_ =	shalt  }
0x45: {  	_ =	shalt  }
0x46: {  	_ =	shalt  }
0x47: {  	_ =	shalt  }
0x48: {  	_ =	shalt  }
0x49: {  	_ =	shalt  }
0x4a: {  	_ =	shalt  }
0x4b: {  	_ =	shalt  }
0x4c: {  	_ =	shalt  }
0x4d: {  	_ =	shalt  }
0x4e: {  	_ =	shalt  }
0x4f: {  	_ =	shalt  }
0x50: {  	_ =	shalt  }
0x51: {  	_ =	shalt  }
0x52: {  	_ =	shalt  }
0x53: {  	_ =	shalt  }
0x54: {  	_ =	shalt  }
0x55: {  	_ =	shalt  }
0x56: {  	_ =	shalt  }
0x57: {  	_ =	shalt  }
0x58: {  	_ =	shalt  }
0x59: {  	_ =	shalt  }
0x5a: {  	_ =	shalt  }
0x5b: {  	_ =	shalt  }
0x5c: {  	_ =	shalt  }
0x5d: {  	_ =	shalt  }
0x5e: {  	_ =	shalt  }
0x5f: {  	_ =	shalt  }
0x60: {  	_ =	shalt  }
0x61: {  	_ =	shalt  }
0x62: {  	_ =	shalt  }
0x63: {  	_ =	shalt  }
0x64: {  	_ =	shalt  }
0x65: {  	_ =	shalt  }
0x66: {  	_ =	shalt  }
0x67: {  	_ =	shalt  }
0x68: {  	_ =	shalt  }
0x69: {  	_ =	shalt  }
0x6a: {  	_ =	shalt  }
0x6b: {  	_ =	shalt  }
0x6c: {  	_ =	shalt  }
0x6d: {  	_ =	shalt  }
0x6e: {  	_ =	shalt  }
0x6f: {  	_ =	shalt  }
0x70: {  	_ =	shalt  }
0x71: {  	_ =	shalt  }
0x72: {  	_ =	shalt  }
0x73: {  	_ =	shalt  }
0x74: {  	_ =	shalt  }
0x75: {  	_ =	shalt  }
0x76: {  	_ =	shalt  }
0x77: {  	_ =	shalt  }
0x78: {  	_ =	shalt  }
0x79: {  	_ =	shalt  }
0x7a: {  	_ =	shalt  }
0x7b: {  	_ =	shalt  }
0x7c: {  	_ =	shalt  }
0x7d: {  	_ =	shalt  }
0x7e: {  	_ =	shalt  }
0x7f: {  	_ =	shalt  }
0x80: {  	_ =	shalt  }
0x81: {  	_ =	shalt  }
0x82: {  	_ =	shalt  }
0x83: {  	_ =	shalt  }
0x84: {  	_ =	shalt  }
0x85: {  	_ =	shalt  }
0x86: {  	_ =	shalt  }
0x87: {  	_ =	shalt  }
.Lfunc_end0:
.L_simem_size_0:
called_computation.2_lowered:
.L_overlay_start_0:
0x88: {  	s2 =	sld [smem:$0x3FD9]  }
0x89: {  	s3 =	sld [smem:$0x3FFE];
	_ =	sdelay $0x1  }
0x8a: {  	s1 =	srdreg.scid  }
0x8b: {  	s0 =	sand.u32 $0x1, s1  }
0x8c: {  	s16 =	sshll.u32 s0, $0xA;
	s2 =	sadd.s32 s3, s2  }
0x8d: {  	s2 =	sadd.s32 s2, s16  }
0x8e: {  	[smem:$0x3FBF] =	sst s2  }
0x8f: {  	_ = 	snop  }
0x90: {  	(tm) =	ssettm $0x1  }
0x91: {  	s17 =	sld [smem:$0x3FFB];
	_ =	sdelay $0x3  }
0x92: {  	_ =	strace s17  }
0x93: {  	s2 =	sld [smem:$0x3FFC];
	_ =	sdelay $0x3  }
0x94: {  	_ =	strace s2  }
0x95: {  	s2 =	sld [smem:$0x3FFD];
	_ =	sdelay $0x3  }
0x96: {  	_ =	strace s2  }
0x97: {  	_ =	strace $0x8FFFFFFF  }
0x98: {  	s18 =	sld [smem:$0x3FDB];
	_ =	sdelay $0x1  }
0x99: {  	s19 =	simm.s32 $_scs_section_size  }
0x9a: {  	s4 =	simm.s32 $_size__tile_overlayer_lowered;
	s5 =	simm.s32 $_tile_overlayer_lowered  }
0x9b: {  	s22 =	simm.s32 $0x1BFF;
	s21 =	sshll.u32 s5, $0x1;
	s2 =	sadd.s32 s19, s18  }
0x9c: {  	s6 =	simm.s32 $0x0;
	s20 =	sshll.u32 s4, $0x1;
	s4 =	sadd.s32 s21, s2  }
0x9d: {  	[timem:s6], [sflag:s22] =	dma.local [hbm:s4], s20  }
0x9e: {  	_ =	swait.ge [sflag:s22], s20  }
0x9f: {  	s3 =	ssub.s32 $0x0, s20;
	[sflag:s22] =	ssyncset.done $0x0  }
0xa0: {  	[sflag:s22] =	ssyncadd.s32 s3;
	_ =	sdelay $0x1  }
0xa1: {  	s23 =	simm.s32 $0x1B8B  }
0xa2: {  	_ =	swait.ge [sflag:s23], $0x1  }
0xa3: {  	[sflag:s23] =	ssyncset.done $0x0  }
0xa4: {  	s25 =	simm.s32 $0x1B8E;
	s24 =	sld [smem:$0x3FFE];
	[sflag:s23] =	ssyncadd.s32 $0xFFFFFFFF  }
0xa5: {  	s26 =	simm.s32 $execute0_lowered;
	[smem:$0x3FD2] =	sst s25  }
0xa6: {  	s4 =	sshll.u32 s26, $0x1;
	_ =	strace $0x8000004C;
	[dreg:$0x1] =	wrdreg $0xFFFFFFFF  }
0xa7: {  	s28 =	simm.s32 $_size_execute0_lowered;
	s2 =	sadd.s32 s2, s4;
	[dreg:$0x0] =	wrdreg $0x0  }
0xa8: {  	s4 =	sshll.u32 s28, $0x1;
	[dreg:$0x2] =	wrdreg s2  }
0xa9: {  	[dreg:$0x3] =	wrdreg s4  }
0xaa: {  	[dreg:$0x4] =	wrdreg $0xC0  }
0xab: {  	_ =	task [dreg:s6], $0x5FFFF  }
0xac: {  	[dreg:$0x1] =	wrdreg $0xFFFFFFFF  }
0xad: {  	[dreg:$0x0] =	wrdreg $0x60  }
0xae: {  	[dreg:$0x2] =	wrdreg s24  }
0xaf: {  	[dreg:$0x3] =	wrdreg $0x148000  }
0xb0: {  	[dreg:$0x4] =	wrdreg $0xA8000  }
0xb1: {  	[dreg:$0x5] =	wrdreg $0x9  }
0xb2: {  	_ =	task.clear_ibuf [dreg:s6], $0x6FFFF;
	_ =	strace $0x9000004C  }
0xb3: {  	s29 =	simm.s32 $0x9;
	_ =	strace $0x8000004E  }
0xb4: {  	_ =	swait.ge [sflag:s29], $0x1  }
0xb5: {  	[sflag:s29] =	ssyncadd.s32 $0xFFFFFFFF  }
0xb6: {  	_ =	strace $0x9000004E  }
0xb7: {  	_ =	sfence  }
0xb8: {  	s30 =	sld [smem:$0x0];
	_ =	sdelay $0x2  }
0xb9: {  	s31 =	sshll.u32 s1, $0xD;
	s1 =	sshrl.u32 s1, $0x2  }
0xba: {  	s3 =	sand.u32 $0x4000, s31;
	s1 =	sadd.s32 s1, s30  }
0xbb: {  	s0 =	sor.u32 s3, s0;
	s1 =	sshll.u32 s1, $0x11  }
0xbc: {  	s0 =	sor.u32 s1, s0  }
0xbd: {  	s0 =	sadd.s32 $0x8F2B, s0  }
0xbe: {  	[sflag:s0] =	ssyncadd.remote.s32 $0x1  }
0xbf: {  	_ =	sfence.sel $0xFFFF  }
0xc0: {  	[dreg:$0x0] =	wrdreg $0xFFFFFFFF;
	(pc) =	sbr.abs _section_cstart, $3  }
0xc1: {  	[dreg:$0x1] =	wrdreg $0xFFFFFFFF  }
0xc2: {  	_ =	task.clear_ibuf [dreg:s6], $0x2FFFF;
	_ =	strace $0x9FFFFFFF  }
0xc3: {  	(tm) =	ssettm $0x7FFFFFFF  }
tec
execute0_lowered:
.L_overlay_start_1:
0x0: {  	(tag) =	ssettag $0x1  }
0x1: {  	s0 =	rddreg [dreg:$0x0]  }
0x2: {  	s1 =	rddreg [dreg:$0x1]  }
0x3: {  	s2 =	rddreg [dreg:$0x2];
	s4 =	simm.s32 $0x0;
	s3 =	srdreg.scid  }
0x4: {  	s13 =	stileid.u32;
	s20 =	simm.s32 $0x1400;
	s21 =	simm.s32 $0x80  }
0x5: {  	s28 =	simm.s32 $0x6800;
	s29 =	simm.s32 $0x1;
	s7 =	smul.u32 $0x28000, s13  }
0x6: {  	s31 =	simm.s32 $0x8800;
	[smem:$0x7FF] =	sst s4;
	s10 =	smul.u32 $0xA000, s13  }
0x7: {  	s3 =	sand.u32 $0x1, s3;
	s6 =	sadd.s32 $0x1A00, s0;
	s14 =	smul.u32 $0x500, s13  }
0x8: {  	s8 =	sadd.s32 $0xABA00, s0;
	s11 =	sadd.s32 $0xBA00, s0;
	s24 =	smul.u32 $0x2800, s13  }
0x9: {  	s0 =	sadd.s32 $0x6A00, s0;
	_ =	strace $0x8000004D;
	s12 =	smul.u32 $0x28000, s3  }
0xa: {  	s5 =	ssub.s32 $0x2, s3;
	s3 =	smul.u32 $0x140000, s3;
	[dreg:$0x8] =	wrdreg s0  }
0xb: {  	s9 =	sshrl.u32 s5, $0x1;
	s7 =	sshrl.u32 s7, $0x2;
	s25 =	sadd.s32 s10, s2  }
0xc: {  	[dreg:$0x4] =	wrdreg s14;
	s14 =	sadd.s32 s6, s14;
	s9 =	ssub.s32 s5, s9  }
0xd: {  	s5 =	sadd.s32 s10, s1;
	s7 =	sadd.s32 s7, s1;
	[dreg:$0x6] =	wrdreg s25  }
0xe: {  	s16 =	sadd.s32 s8, s12;
	s10 =	sshrl.u32 s10, $0x3;
	[dreg:$0x7] =	wrdreg s14  }
0xf: {  	s17 =	sshrl.u32 s3, $0x3;
	s19 =	sadd.s32 s11, s12;
	s14 =	simm.s32 $0x2780  }
0x10: {  	s15 =	sadd.s32 $0x2000, s7;
	s26 =	sadd.s32 $0x4000, s7;
	s30 =	sadd.s32 $0x6000, s7  }
0x11: {  	s7 =	sadd.s32 $0x8000, s7;
	s0 =	sadd.s32 $0x14000, s17;
	s23 =	smax.u32 s9, $0x1  }
0x12: {  	s17 =	simm.s32 $0x2800;
	s3 =	sadd.s32 s10, s19;
	s19 =	simm.s32 $0x6  }
0x13: {  	[dreg:$0x5] =	wrdreg s7;
	s7 =	sshrl.u32 s24, $0x3;
	s22 =	sadd.s32 s8, s0  }
0x14: {  	s0 =	sadd.s32 s11, s0;
	[dreg:$0xb] =	wrdreg s23;
	s24 =	sadd.s32 s10, s16  }
0x15: {  	[dreg:$0xd] =	wrdreg s3;
	s11 =	simm.s32 $0x5;
	s16 =	simm.s32 $0x3  }
0x16: {  	s8 =	simm.s32 $0x7;
	s7 =	sadd.s32 $0x280, s7;
	[dreg:$0xc] =	wrdreg s24  }
0x17: {  	s23 =	simm.s32 $0x8;
	s25 =	sadd.s32 s10, s22;
	[dreg:$0x9] =	wrdreg s7  }
0x18: {  	s0 =	sadd.s32 s10, s0;
	s22 =	simm.s32 $0x4;
	[dreg:$0xe] =	wrdreg s25  }
0x19: {  	s18 =	sadd.s32 s6, s7;
	[dreg:$0xf] =	wrdreg s0;
	s25 =	simm.s32 $0x4800  }
0x1a: {  	v0 =	vimm.f32 $0.0e+00;
	s0 =	simm.s32 $0x2;
	[dreg:$0xa] =	wrdreg s18;
	s18 =	simm.s32 $0x9  }
.LBB2_1:
0x1b: {  	s7 =	simm.s32 $0x100;
	s6 =	simm.s32 $0x0  }
.LBB2_2:
0x1c: {  	p0 =	sne.s32 s7, $0x7F00;
	[tilespmem:s6+$0x2830] =	vst v0;
	s9 =	smov.u32 s7;
	s7 =	sadd.s32 $0x100, s7  }
.Ltmp0:
0x1d: {  	[tilespmem:s6+$0x2820] =	vst v0;
	(pc) =	sbr.rel @p0 .LBB2_2-.Ltmp0, $3  }
0x1e: {  	[tilespmem:s6+$0x2800] =	vst v0  }
0x1f: {  	[tilespmem:s6+$0x2810] =	vst v0;
	_ =	sdelay $0x1  }
0x20: {  	s6 =	sshra.s32 s9, $0x2  }
0x21: {  	[tilespmem:s6+$0x2830] =	vst v0  }
0x22: {  	[tilespmem:s6+$0x2820] =	vst v0  }
0x23: {  	[tilespmem:s6+$0x2800] =	vst v0  }
0x24: {  	[tilespmem:s6+$0x2810] =	vst v0  }
0x25: {  	[spmem:s5] =	stream.linear.scatter [tilespmem:s17], [sflag:$0x9], $0x2000, $0x38;
	[tilespmem:$0x1E800] =	vst v63  }
0x26: {  	_ =	swait.ge [sflag:s18], $0x2000  }
0x27: {  	[sflag:s18] =	ssyncset.done $0x0  }
0x28: {  	[sflag:s18] =	ssyncadd.s32 $0xFFFFE000  }
0x29: {  	[spmem:s15] =	stream.linear.scatter [tilespmem:s17], [sflag:$0x9], $0x2000, $0x38;
	[tilespmem:$0x1E800] =	vst v63  }
0x2a: {  	_ =	swait.ge [sflag:s18], $0x2000  }
0x2b: {  	[sflag:s18] =	ssyncset.done $0x0  }
0x2c: {  	[sflag:s18] =	ssyncadd.s32 $0xFFFFE000  }
0x2d: {  	[spmem:s26] =	stream.linear.scatter [tilespmem:s17], [sflag:$0x9], $0x2000, $0x38;
	[tilespmem:$0x1E800] =	vst v63  }
0x2e: {  	_ =	swait.ge [sflag:s18], $0x2000  }
0x2f: {  	[sflag:s18] =	ssyncset.done $0x0  }
0x30: {  	[sflag:s18] =	ssyncadd.s32 $0xFFFFE000  }
0x31: {  	[spmem:s30] =	stream.linear.scatter [tilespmem:s17], [sflag:$0x9], $0x2000, $0x38;
	[tilespmem:$0x1E800] =	vst v63  }
0x32: {  	_ =	swait.ge [sflag:s18], $0x2000  }
0x33: {  	[sflag:s18] =	ssyncset.done $0x0  }
0x34: {  	s12 =	stileid.u32;
	s3 =	rddreg [dreg:$0x5];
	[sflag:s18] =	ssyncadd.s32 $0xFFFFE000  }
0x35: {  	[spmem:s3] =	stream.linear.scatter [tilespmem:s17], [sflag:$0x9], $0x2000, $0x38;
	[tilespmem:$0x1E800] =	vst v63  }
0x36: {  	s24 =	smov.u32 s30;
	s6 =	sshll.u32 s12, $0x6;
	_ =	swait.ge [sflag:s18], $0x2000  }
0x37: {  	s6 =	sor.u32 $0x1C09, s6;
	[sflag:s18] =	ssyncset.done $0x0;
	s13 =	rddreg [dreg:$0x6]  }
0x38: {  	s30 =	rddreg [dreg:$0xc];
	[sflag:s18] =	ssyncadd.s32 $0xFFFFE000;
	s7 =	sshrl.u32 s13, $0x3  }
0x39: {  	[spmem:s7], [sflag:s6] =	dma.local [hbm:s30], $0x1400  }
0x3a: {  	_ =	swait.ge [sflag:s18], $0x1400  }
0x3b: {  	[sflag:s18] =	ssyncset.done $0x0  }
0x3c: {  	[sflag:s18] =	ssyncadd.s32 $0xFFFFEC00  }
0x3d: {  	[bflag:$0x0] =	sbarrier.arrive $0xFFFF  }
0x3e: {  	s10 =	simm.s32 $0x0;
	s9 =	rddreg [dreg:$0x7]  }
0x3f: {  	[tilespmem:s10], [sflag:$0x9] =	stream.linear.gather [hbm4b:s9+s10], $0x1400, $0x38;
	[tilespmem:$0x1E800] =	vst v63  }
0x40: {  	_ =	swait.ge [sflag:s18], $0x1400  }
0x41: {  	s12 =	rddreg [dreg:$0x4]  }
0x42: {  	[sflag:s18] =	ssyncset.done $0x0;
	s9 =	rddreg [dreg:$0x8]  }
0x43: {  	[sflag:s18] =	ssyncadd.s32 $0xFFFFEC00;
	s9 =	sadd.s32 s12, s9  }
0x44: {  	[tilespmem:s20], [sflag:$0x9] =	stream.linear.gather [hbm4b:s9+s10], $0x1400, $0x38;
	[tilespmem:$0x1E800] =	vst v63  }
0x45: {  	_ =	swait.ge [sflag:s18], $0x1400  }
0x46: {  	[sflag:s18] =	ssyncset.done $0x0  }
0x47: {  	[sflag:s18] =	ssyncadd.s32 $0xFFFFEC00  }
0x48: {  	[tilespmem:s17], [sflag:$0x1] =	stream.indirect.gather [spmem:s2], $0x40, s10, s21, $0xb8;
	[tilespmem:$0x1E800] =	vst v63  }
0x49: {  	_ = 	snop  }
0x4a: {  	[tilespmem:s25], [sflag:$0x2] =	stream.indirect.gather [spmem:s2], $0x40, s21, s21, $0xb8;
	[tilespmem:$0x1E800] =	vst v63  }
0x4b: {  	s13 =	simm.s32 $0x100  }
0x4c: {  	[tilespmem:s28], [sflag:$0x3] =	stream.indirect.gather [spmem:s2], $0x40, s13, s21, $0xb8;
	[tilespmem:$0x1E800] =	vst v63  }
0x4d: {  	_ =	swait.ge [sflag:s29], $0x2000  }
0x4e: {  	[sflag:s29] =	ssyncset.done $0x0  }
0x4f: {  	[sflag:s29] =	ssyncadd.s32 $0xFFFFE000  }
0x50: {  	[spmem:s1] =	stream.indirect.scatter.add.f32 [tilespmem:s17], [sflag:$0x5], $0x40, s20, s21, $0xb8;
	[tilespmem:$0x1E800] =	vst v63  }
0x51: {  	s30 =	simm.s32 $0x180  }
0x52: {  	[tilespmem:s31], [sflag:$0x4] =	stream.indirect.gather [spmem:s2], $0x40, s30, s21, $0xb8;
	[tilespmem:$0x1E800] =	vst v63  }
0x53: {  	_ =	swait.ge [sflag:s0], $0x2000  }
0x54: {  	[sflag:s0] =	ssyncset.done $0x0  }
0x55: {  	s10 =	simm.s32 $0x1480;
	[sflag:s0] =	ssyncadd.s32 $0xFFFFE000  }
0x56: {  	[spmem:s1] =	stream.indirect.scatter.add.f32 [tilespmem:s25], [sflag:$0x6], $0x40, s10, s21, $0xb8;
	[tilespmem:$0x1E800] =	vst v63  }
0x57: {  	_ =	swait.ge [sflag:s11], $0x2000  }
0x58: {  	[sflag:s11] =	ssyncset.done $0x0  }
0x59: {  	s12 =	simm.s32 $0x200;
	[sflag:s11] =	ssyncadd.s32 $0xFFFFE000  }
0x5a: {  	[tilespmem:s17], [sflag:$0x1] =	stream.indirect.gather [spmem:s2], $0x40, s12, s21, $0xb8;
	[tilespmem:$0x1E800] =	vst v63  }
0x5b: {  	_ =	swait.ge [sflag:s16], $0x2000  }
0x5c: {  	[sflag:s16] =	ssyncset.done $0x0  }
0x5d: {  	s13 =	simm.s32 $0x1500;
	[sflag:s16] =	ssyncadd.s32 $0xFFFFE000  }
0x5e: {  	[spmem:s1] =	stream.indirect.scatter.add.f32 [tilespmem:s28], [sflag:$0x7], $0x40, s13, s21, $0xb8;
	[tilespmem:$0x1E800] =	vst v63  }
0x5f: {  	_ =	swait.ge [sflag:s19], $0x2000  }
0x60: {  	[sflag:s19] =	ssyncset.done $0x0  }
0x61: {  	s30 =	simm.s32 $0x280;
	[sflag:s19] =	ssyncadd.s32 $0xFFFFE000  }
0x62: {  	[tilespmem:s25], [sflag:$0x2] =	stream.indirect.gather [spmem:s2], $0x40, s30, s21, $0xb8;
	[tilespmem:$0x1E800] =	vst v63  }
0x63: {  	_ =	swait.ge [sflag:s22], $0x2000  }
0x64: {  	[sflag:s22] =	ssyncset.done $0x0  }
0x65: {  	s3 =	simm.s32 $0x1580;
	[sflag:s22] =	ssyncadd.s32 $0xFFFFE000  }
0x66: {  	[spmem:s1] =	stream.indirect.scatter.add.f32 [tilespmem:s31], [sflag:$0x8], $0x40, s3, s21, $0xb8;
	[tilespmem:$0x1E800] =	vst v63  }
0x67: {  	_ =	swait.ge [sflag:s8], $0x2000  }
0x68: {  	[sflag:s8] =	ssyncset.done $0x0  }
0x69: {  	s12 =	simm.s32 $0x300;
	[sflag:s8] =	ssyncadd.s32 $0xFFFFE000  }
0x6a: {  	[tilespmem:s28], [sflag:$0x3] =	stream.indirect.gather [spmem:s2], $0x40, s12, s21, $0xb8;
	[tilespmem:$0x1E800] =	vst v63  }
0x6b: {  	_ =	swait.ge [sflag:s29], $0x2000  }
0x6c: {  	[sflag:s29] =	ssyncset.done $0x0  }
0x6d: {  	s13 =	simm.s32 $0x1600;
	[sflag:s29] =	ssyncadd.s32 $0xFFFFE000  }
0x6e: {  	[spmem:s1] =	stream.indirect.scatter.add.f32 [tilespmem:s17], [sflag:$0x5], $0x40, s13, s21, $0xb8;
	[tilespmem:$0x1E800] =	vst v63  }
0x6f: {  	_ =	swait.ge [sflag:s23], $0x2000  }
0x70: {  	[sflag:s23] =	ssyncset.done $0x0  }
0x71: {  	s30 =	simm.s32 $0x380;
	[sflag:s23] =	ssyncadd.s32 $0xFFFFE000  }
0x72: {  	[tilespmem:s31], [sflag:$0x4] =	stream.indirect.gather [spmem:s2], $0x40, s30, s21, $0xb8;
	[tilespmem:$0x1E800] =	vst v63  }
0x73: {  	_ =	swait.ge [sflag:s0], $0x2000  }
0x74: {  	[sflag:s0] =	ssyncset.done $0x0  }
0x75: {  	s10 =	simm.s32 $0x800;
	s12 =	simm.s32 $0x1680;
	[sflag:s0] =	ssyncadd.s32 $0xFFFFE000  }
.LBB2_4:
0x76: {  	[spmem:s1] =	stream.indirect.scatter.add.f32 [tilespmem:s25], [sflag:$0x6], $0x40, s12, s21, $0xb8;
	[tilespmem:$0x1E800] =	vst v63  }
0x77: {  	s12 =	smov.u32 s10  }
0x78: {  	p0 =	sne.s32 s10, $0x4000;
	s10 =	sadd.s32 $0x800, s10;
	_ =	swait.ge [sflag:s11], $0x2000  }
0x79: {  	s12 =	sshra.s32 s12, $0x2;
	[sflag:s11] =	ssyncset.done $0x0  }
0x7a: {  	s13 =	sadd.s32 $0x200, s12;
	[sflag:s11] =	ssyncadd.s32 $0xFFFFE000  }
0x7b: {  	[tilespmem:s17], [sflag:$0x1] =	stream.indirect.gather [spmem:s2], $0x40, s13, s21, $0xb8;
	[tilespmem:$0x1E800] =	vst v63  }
0x7c: {  	_ =	swait.ge [sflag:s16], $0x2000  }
0x7d: {  	[sflag:s16] =	ssyncset.done $0x0  }
0x7e: {  	s13 =	sadd.s32 $0x1500, s12;
	[sflag:s16] =	ssyncadd.s32 $0xFFFFE000  }
0x7f: {  	[spmem:s1] =	stream.indirect.scatter.add.f32 [tilespmem:s28], [sflag:$0x7], $0x40, s13, s21, $0xb8;
	[tilespmem:$0x1E800] =	vst v63  }
0x80: {  	_ =	swait.ge [sflag:s19], $0x2000  }
0x81: {  	[sflag:s19] =	ssyncset.done $0x0  }
0x82: {  	s13 =	sadd.s32 $0x280, s12;
	[sflag:s19] =	ssyncadd.s32 $0xFFFFE000  }
0x83: {  	[tilespmem:s25], [sflag:$0x2] =	stream.indirect.gather [spmem:s2], $0x40, s13, s21, $0xb8;
	[tilespmem:$0x1E800] =	vst v63  }
0x84: {  	_ =	swait.ge [sflag:s22], $0x2000  }
0x85: {  	[sflag:s22] =	ssyncset.done $0x0  }
0x86: {  	s13 =	sadd.s32 $0x1580, s12;
	[sflag:s22] =	ssyncadd.s32 $0xFFFFE000  }
0x87: {  	[spmem:s1] =	stream.indirect.scatter.add.f32 [tilespmem:s31], [sflag:$0x8], $0x40, s13, s21, $0xb8;
	[tilespmem:$0x1E800] =	vst v63  }
0x88: {  	_ =	swait.ge [sflag:s8], $0x2000  }
0x89: {  	[sflag:s8] =	ssyncset.done $0x0  }
0x8a: {  	s13 =	sadd.s32 $0x300, s12;
	[sflag:s8] =	ssyncadd.s32 $0xFFFFE000  }
0x8b: {  	[tilespmem:s28], [sflag:$0x3] =	stream.indirect.gather [spmem:s2], $0x40, s13, s21, $0xb8;
	[tilespmem:$0x1E800] =	vst v63  }
0x8c: {  	_ =	swait.ge [sflag:s29], $0x2000  }
0x8d: {  	[sflag:s29] =	ssyncset.done $0x0  }
0x8e: {  	s13 =	sadd.s32 $0x1600, s12;
	[sflag:s29] =	ssyncadd.s32 $0xFFFFE000  }
0x8f: {  	[spmem:s1] =	stream.indirect.scatter.add.f32 [tilespmem:s17], [sflag:$0x5], $0x40, s13, s21, $0xb8;
	[tilespmem:$0x1E800] =	vst v63  }
0x90: {  	_ =	swait.ge [sflag:s23], $0x2000  }
0x91: {  	[sflag:s23] =	ssyncset.done $0x0  }
.Ltmp1:
0x92: {  	s13 =	sadd.s32 $0x380, s12;
	[sflag:s23] =	ssyncadd.s32 $0xFFFFE000;
	(pc) =	sbr.rel @p0 .LBB2_4-.Ltmp1, $4  }
0x93: {  	[tilespmem:s31], [sflag:$0x4] =	stream.indirect.gather [spmem:s2], $0x40, s13, s21, $0xb8;
	[tilespmem:$0x1E800] =	vst v63  }
0x94: {  	_ =	swait.ge [sflag:s0], $0x2000  }
0x95: {  	[sflag:s0] =	ssyncset.done $0x0  }
0x96: {  	s12 =	sadd.s32 $0x1680, s12;
	[sflag:s0] =	ssyncadd.s32 $0xFFFFE000  }
0x97: {  	[spmem:s1] =	stream.indirect.scatter.add.f32 [tilespmem:s25], [sflag:$0x6], $0x40, s12, s21, $0xb8;
	[tilespmem:$0x1E800] =	vst v63  }
0x98: {  	_ =	swait.ge [sflag:s11], $0x2000  }
0x99: {  	[sflag:s11] =	ssyncset.done $0x0  }
0x9a: {  	[sflag:s11] =	ssyncadd.s32 $0xFFFFE000  }
0x9b: {  	_ =	swait.ge [sflag:s16], $0x2000  }
0x9c: {  	[sflag:s16] =	ssyncset.done $0x0  }
0x9d: {  	s10 =	simm.s32 $0x2700;
	[sflag:s16] =	ssyncadd.s32 $0xFFFFE000  }
0x9e: {  	[spmem:s1] =	stream.indirect.scatter.add.f32 [tilespmem:s28], [sflag:$0x7], $0x40, s10, s21, $0xb8;
	[tilespmem:$0x1E800] =	vst v63  }
0x9f: {  	_ =	swait.ge [sflag:s19], $0x2000  }
0xa0: {  	[sflag:s19] =	ssyncset.done $0x0  }
0xa1: {  	[sflag:s19] =	ssyncadd.s32 $0xFFFFE000  }
0xa2: {  	_ =	swait.ge [sflag:s22], $0x2000  }
0xa3: {  	[sflag:s22] =	ssyncset.done $0x0  }
0xa4: {  	[sflag:s22] =	ssyncadd.s32 $0xFFFFE000  }
0xa5: {  	[spmem:s1] =	stream.indirect.scatter.add.f32 [tilespmem:s31], [sflag:$0x8], $0x40, s14, s21, $0xb8;
	[tilespmem:$0x1E800] =	vst v63  }
0xa6: {  	_ =	swait.ge [sflag:s8], $0x2000  }
0xa7: {  	[sflag:s8] =	ssyncset.done $0x0  }
0xa8: {  	[sflag:s8] =	ssyncadd.s32 $0xFFFFE000  }
0xa9: {  	_ =	swait.ge [sflag:s23], $0x2000  }
0xaa: {  	s3 =	smov.u32 s26;
	[sflag:s23] =	ssyncset.done $0x0  }
0xab: {  	s26 =	simm.s32 $0x0;
	s13 =	rddreg [dreg:$0xa];
	[sflag:s23] =	ssyncadd.s32 $0xFFFFE000  }
0xac: {  	[tilespmem:s26], [sflag:$0x9] =	stream.linear.gather [hbm4b:s13+s26], $0x1400, $0x38;
	[tilespmem:$0x1E800] =	vst v63  }
0xad: {  	_ =	swait.ge [sflag:s18], $0x1400  }
0xae: {  	s30 =	smov.u32 s15;
	s15 =	rddreg [dreg:$0x8]  }
0xaf: {  	[sflag:s18] =	ssyncset.done $0x0;
	s13 =	rddreg [dreg:$0x9]  }
0xb0: {  	[sflag:s18] =	ssyncadd.s32 $0xFFFFEC00;
	s10 =	sadd.s32 s13, s15  }
0xb1: {  	[tilespmem:s20], [sflag:$0x9] =	stream.linear.gather [hbm4b:s10+s26], $0x1400, $0x38;
	[tilespmem:$0x1E800] =	vst v63  }
0xb2: {  	_ =	swait.ge [sflag:s18], $0x1400  }
0xb3: {  	[sflag:s18] =	ssyncset.done $0x0  }
0xb4: {  	[sflag:s18] =	ssyncadd.s32 $0xFFFFEC00  }
0xb5: {  	[tilespmem:s17], [sflag:$0x1] =	stream.indirect.gather [spmem:s2], $0x40, s26, s21, $0xb8;
	[tilespmem:$0x1E800] =	vst v63  }
0xb6: {  	_ = 	snop  }
0xb7: {  	[tilespmem:s25], [sflag:$0x2] =	stream.indirect.gather [spmem:s2], $0x40, s21, s21, $0xb8;
	[tilespmem:$0x1E800] =	vst v63  }
0xb8: {  	s26 =	simm.s32 $0x100  }
0xb9: {  	[tilespmem:s28], [sflag:$0x3] =	stream.indirect.gather [spmem:s2], $0x40, s26, s21, $0xb8;
	[tilespmem:$0x1E800] =	vst v63  }
0xba: {  	_ =	swait.ge [sflag:s29], $0x2000  }
0xbb: {  	[sflag:s29] =	ssyncset.done $0x0  }
0xbc: {  	[sflag:s29] =	ssyncadd.s32 $0xFFFFE000  }
0xbd: {  	[spmem:s1] =	stream.indirect.scatter.add.f32 [tilespmem:s17], [sflag:$0x5], $0x40, s20, s21, $0xb8;
	[tilespmem:$0x1E800] =	vst v63  }
0xbe: {  	s13 =	simm.s32 $0x180  }
0xbf: {  	[tilespmem:s31], [sflag:$0x4] =	stream.indirect.gather [spmem:s2], $0x40, s13, s21, $0xb8;
	[tilespmem:$0x1E800] =	vst v63  }
0xc0: {  	_ =	swait.ge [sflag:s0], $0x2000  }
0xc1: {  	[sflag:s0] =	ssyncset.done $0x0  }
0xc2: {  	s15 =	simm.s32 $0x1480;
	[sflag:s0] =	ssyncadd.s32 $0xFFFFE000  }
0xc3: {  	[spmem:s1] =	stream.indirect.scatter.add.f32 [tilespmem:s25], [sflag:$0x6], $0x40, s15, s21, $0xb8;
	[tilespmem:$0x1E800] =	vst v63  }
0xc4: {  	_ =	swait.ge [sflag:s11], $0x2000  }
0xc5: {  	[sflag:s11] =	ssyncset.done $0x0  }
0xc6: {  	s26 =	simm.s32 $0x200;
	[sflag:s11] =	ssyncadd.s32 $0xFFFFE000  }
0xc7: {  	[tilespmem:s17], [sflag:$0x1] =	stream.indirect.gather [spmem:s2], $0x40, s26, s21, $0xb8;
	[tilespmem:$0x1E800] =	vst v63  }
0xc8: {  	_ =	swait.ge [sflag:s16], $0x2000  }
0xc9: {  	[sflag:s16] =	ssyncset.done $0x0  }
0xca: {  	s13 =	simm.s32 $0x1500;
	[sflag:s16] =	ssyncadd.s32 $0xFFFFE000  }
0xcb: {  	[spmem:s1] =	stream.indirect.scatter.add.f32 [tilespmem:s28], [sflag:$0x7], $0x40, s13, s21, $0xb8;
	[tilespmem:$0x1E800] =	vst v63  }
0xcc: {  	_ =	swait.ge [sflag:s19], $0x2000  }
0xcd: {  	[sflag:s19] =	ssyncset.done $0x0  }
0xce: {  	s15 =	simm.s32 $0x280;
	[sflag:s19] =	ssyncadd.s32 $0xFFFFE000  }
0xcf: {  	[tilespmem:s25], [sflag:$0x2] =	stream.indirect.gather [spmem:s2], $0x40, s15, s21, $0xb8;
	[tilespmem:$0x1E800] =	vst v63  }
0xd0: {  	_ =	swait.ge [sflag:s22], $0x2000  }
0xd1: {  	[sflag:s22] =	ssyncset.done $0x0  }
0xd2: {  	s26 =	simm.s32 $0x1580;
	[sflag:s22] =	ssyncadd.s32 $0xFFFFE000  }
0xd3: {  	[spmem:s1] =	stream.indirect.scatter.add.f32 [tilespmem:s31], [sflag:$0x8], $0x40, s26, s21, $0xb8;
	[tilespmem:$0x1E800] =	vst v63  }
0xd4: {  	_ =	swait.ge [sflag:s8], $0x2000  }
0xd5: {  	[sflag:s8] =	ssyncset.done $0x0  }
0xd6: {  	s13 =	simm.s32 $0x300;
	[sflag:s8] =	ssyncadd.s32 $0xFFFFE000  }
0xd7: {  	[tilespmem:s28], [sflag:$0x3] =	stream.indirect.gather [spmem:s2], $0x40, s13, s21, $0xb8;
	[tilespmem:$0x1E800] =	vst v63  }
0xd8: {  	_ =	swait.ge [sflag:s29], $0x2000  }
0xd9: {  	[sflag:s29] =	ssyncset.done $0x0  }
0xda: {  	s15 =	simm.s32 $0x1600;
	[sflag:s29] =	ssyncadd.s32 $0xFFFFE000  }
0xdb: {  	[spmem:s1] =	stream.indirect.scatter.add.f32 [tilespmem:s17], [sflag:$0x5], $0x40, s15, s21, $0xb8;
	[tilespmem:$0x1E800] =	vst v63  }
0xdc: {  	_ =	swait.ge [sflag:s23], $0x2000  }
0xdd: {  	[sflag:s23] =	ssyncset.done $0x0  }
0xde: {  	s26 =	simm.s32 $0x380;
	[sflag:s23] =	ssyncadd.s32 $0xFFFFE000  }
0xdf: {  	[tilespmem:s31], [sflag:$0x4] =	stream.indirect.gather [spmem:s2], $0x40, s26, s21, $0xb8;
	[tilespmem:$0x1E800] =	vst v63  }
0xe0: {  	_ =	swait.ge [sflag:s0], $0x2000  }
0xe1: {  	[sflag:s0] =	ssyncset.done $0x0  }
0xe2: {  	s12 =	simm.s32 $0x800;
	s13 =	simm.s32 $0x1680;
	[sflag:s0] =	ssyncadd.s32 $0xFFFFE000  }
.LBB2_6:
0xe3: {  	[spmem:s1] =	stream.indirect.scatter.add.f32 [tilespmem:s25], [sflag:$0x6], $0x40, s13, s21, $0xb8;
	[tilespmem:$0x1E800] =	vst v63  }
0xe4: {  	s13 =	smov.u32 s12  }
0xe5: {  	p0 =	sne.s32 s12, $0x4000;
	s12 =	sadd.s32 $0x800, s12;
	_ =	swait.ge [sflag:s11], $0x2000  }
0xe6: {  	s13 =	sshra.s32 s13, $0x2;
	[sflag:s11] =	ssyncset.done $0x0  }
0xe7: {  	s15 =	sadd.s32 $0x200, s13;
	[sflag:s11] =	ssyncadd.s32 $0xFFFFE000  }
0xe8: {  	[tilespmem:s17], [sflag:$0x1] =	stream.indirect.gather [spmem:s2], $0x40, s15, s21, $0xb8;
	[tilespmem:$0x1E800] =	vst v63  }
0xe9: {  	_ =	swait.ge [sflag:s16], $0x2000  }
0xea: {  	[sflag:s16] =	ssyncset.done $0x0  }
0xeb: {  	s15 =	sadd.s32 $0x1500, s13;
	[sflag:s16] =	ssyncadd.s32 $0xFFFFE000  }
0xec: {  	[spmem:s1] =	stream.indirect.scatter.add.f32 [tilespmem:s28], [sflag:$0x7], $0x40, s15, s21, $0xb8;
	[tilespmem:$0x1E800] =	vst v63  }
0xed: {  	_ =	swait.ge [sflag:s19], $0x2000  }
0xee: {  	[sflag:s19] =	ssyncset.done $0x0  }
0xef: {  	s15 =	sadd.s32 $0x280, s13;
	[sflag:s19] =	ssyncadd.s32 $0xFFFFE000  }
0xf0: {  	[tilespmem:s25], [sflag:$0x2] =	stream.indirect.gather [spmem:s2], $0x40, s15, s21, $0xb8;
	[tilespmem:$0x1E800] =	vst v63  }
0xf1: {  	_ =	swait.ge [sflag:s22], $0x2000  }
0xf2: {  	[sflag:s22] =	ssyncset.done $0x0  }
0xf3: {  	s15 =	sadd.s32 $0x1580, s13;
	[sflag:s22] =	ssyncadd.s32 $0xFFFFE000  }
0xf4: {  	[spmem:s1] =	stream.indirect.scatter.add.f32 [tilespmem:s31], [sflag:$0x8], $0x40, s15, s21, $0xb8;
	[tilespmem:$0x1E800] =	vst v63  }
0xf5: {  	_ =	swait.ge [sflag:s8], $0x2000  }
0xf6: {  	[sflag:s8] =	ssyncset.done $0x0  }
0xf7: {  	s15 =	sadd.s32 $0x300, s13;
	[sflag:s8] =	ssyncadd.s32 $0xFFFFE000  }
0xf8: {  	[tilespmem:s28], [sflag:$0x3] =	stream.indirect.gather [spmem:s2], $0x40, s15, s21, $0xb8;
	[tilespmem:$0x1E800] =	vst v63  }
0xf9: {  	_ =	swait.ge [sflag:s29], $0x2000  }
0xfa: {  	[sflag:s29] =	ssyncset.done $0x0  }
0xfb: {  	s15 =	sadd.s32 $0x1600, s13;
	[sflag:s29] =	ssyncadd.s32 $0xFFFFE000  }
0xfc: {  	[spmem:s1] =	stream.indirect.scatter.add.f32 [tilespmem:s17], [sflag:$0x5], $0x40, s15, s21, $0xb8;
	[tilespmem:$0x1E800] =	vst v63  }
0xfd: {  	_ =	swait.ge [sflag:s23], $0x2000  }
0xfe: {  	[sflag:s23] =	ssyncset.done $0x0  }
.Ltmp2:
0xff: {  	s15 =	sadd.s32 $0x380, s13;
	[sflag:s23] =	ssyncadd.s32 $0xFFFFE000;
	(pc) =	sbr.rel @p0 .LBB2_6-.Ltmp2, $4  }
0x100: {  	[tilespmem:s31], [sflag:$0x4] =	stream.indirect.gather [spmem:s2], $0x40, s15, s21, $0xb8;
	[tilespmem:$0x1E800] =	vst v63  }
0x101: {  	_ =	swait.ge [sflag:s0], $0x2000  }
0x102: {  	[sflag:s0] =	ssyncset.done $0x0  }
0x103: {  	s13 =	sadd.s32 $0x1680, s13;
	[sflag:s0] =	ssyncadd.s32 $0xFFFFE000  }
0x104: {  	[spmem:s1] =	stream.indirect.scatter.add.f32 [tilespmem:s25], [sflag:$0x6], $0x40, s13, s21, $0xb8;
	[tilespmem:$0x1E800] =	vst v63  }
0x105: {  	_ =	swait.ge [sflag:s11], $0x2000  }
0x106: {  	[sflag:s11] =	ssyncset.done $0x0  }
0x107: {  	[sflag:s11] =	ssyncadd.s32 $0xFFFFE000  }
0x108: {  	_ =	swait.ge [sflag:s16], $0x2000  }
0x109: {  	[sflag:s16] =	ssyncset.done $0x0  }
0x10a: {  	s12 =	simm.s32 $0x2700;
	[sflag:s16] =	ssyncadd.s32 $0xFFFFE000  }
0x10b: {  	[spmem:s1] =	stream.indirect.scatter.add.f32 [tilespmem:s28], [sflag:$0x7], $0x40, s12, s21, $0xb8;
	[tilespmem:$0x1E800] =	vst v63  }
0x10c: {  	_ =	swait.ge [sflag:s19], $0x2000  }
0x10d: {  	[sflag:s19] =	ssyncset.done $0x0  }
0x10e: {  	[sflag:s19] =	ssyncadd.s32 $0xFFFFE000  }
0x10f: {  	_ =	swait.ge [sflag:s22], $0x2000  }
0x110: {  	[sflag:s22] =	ssyncset.done $0x0  }
0x111: {  	[sflag:s22] =	ssyncadd.s32 $0xFFFFE000  }
0x112: {  	[spmem:s1] =	stream.indirect.scatter.add.f32 [tilespmem:s31], [sflag:$0x8], $0x40, s14, s21, $0xb8;
	[tilespmem:$0x1E800] =	vst v63  }
0x113: {  	_ =	swait.ge [sflag:s8], $0x2000  }
0x114: {  	[sflag:s8] =	ssyncset.done $0x0  }
0x115: {  	[sflag:s8] =	ssyncadd.s32 $0xFFFFE000  }
0x116: {  	_ =	swait.ge [sflag:s23], $0x2000  }
0x117: {  	[sflag:s23] =	ssyncset.done $0x0  }
0x118: {  	[sflag:s23] =	ssyncadd.s32 $0xFFFFE000  }
0x119: {  	[bflag:$0x0] =	sbarrier.arrive $0xFFFF  }
0x11a: {  	s12 =	sshrl.u32 s5, $0x3;
	s26 =	rddreg [dreg:$0xd]  }
0x11b: {  	[hbm:s26], [sflag:s6] =	dma.local [spmem:s12], $0x1400  }
0x11c: {  	_ =	swait.ge [sflag:s18], $0x1400  }
0x11d: {  	[sflag:s18] =	ssyncset.done $0x0  }
0x11e: {  	[sflag:s18] =	ssyncadd.s32 $0xFFFFEC00  }
0x11f: {  	s15 =	simm.s32 $0x100;
	s13 =	simm.s32 $0x0;
	[bflag:$0x0] =	sbarrier.arrive $0xFFFF  }
.LBB2_8:
0x120: {  	p0 =	sne.s32 s15, $0x7F00;
	[tilespmem:s13+$0x2830] =	vst v0;
	s26 =	smov.u32 s15;
	s15 =	sadd.s32 $0x100, s15  }
.Ltmp3:
0x121: {  	[tilespmem:s13+$0x2820] =	vst v0;
	(pc) =	sbr.rel @p0 .LBB2_8-.Ltmp3, $3  }
0x122: {  	[tilespmem:s13+$0x2800] =	vst v0  }
0x123: {  	[tilespmem:s13+$0x2810] =	vst v0;
	_ =	sdelay $0x1  }
0x124: {  	s13 =	sshra.s32 s26, $0x2  }
0x125: {  	[tilespmem:s13+$0x2830] =	vst v0  }
0x126: {  	[tilespmem:s13+$0x2820] =	vst v0  }
0x127: {  	[tilespmem:s13+$0x2800] =	vst v0  }
0x128: {  	[tilespmem:s13+$0x2810] =	vst v0  }
0x129: {  	[spmem:s5] =	stream.linear.scatter [tilespmem:s17], [sflag:$0x9], $0x2000, $0x38;
	[tilespmem:$0x1E800] =	vst v63  }
0x12a: {  	_ =	swait.ge [sflag:s18], $0x2000  }
0x12b: {  	[sflag:s18] =	ssyncset.done $0x0  }
0x12c: {  	[sflag:s18] =	ssyncadd.s32 $0xFFFFE000  }
0x12d: {  	[spmem:s30] =	stream.linear.scatter [tilespmem:s17], [sflag:$0x9], $0x2000, $0x38;
	[tilespmem:$0x1E800] =	vst v63  }
0x12e: {  	_ =	swait.ge [sflag:s18], $0x2000  }
0x12f: {  	[sflag:s18] =	ssyncset.done $0x0  }
0x130: {  	[sflag:s18] =	ssyncadd.s32 $0xFFFFE000  }
0x131: {  	[spmem:s3] =	stream.linear.scatter [tilespmem:s17], [sflag:$0x9], $0x2000, $0x38;
	[tilespmem:$0x1E800] =	vst v63  }
0x132: {  	_ =	swait.ge [sflag:s18], $0x2000  }
0x133: {  	[sflag:s18] =	ssyncset.done $0x0  }
0x134: {  	[sflag:s18] =	ssyncadd.s32 $0xFFFFE000  }
0x135: {  	[spmem:s24] =	stream.linear.scatter [tilespmem:s17], [sflag:$0x9], $0x2000, $0x38;
	[tilespmem:$0x1E800] =	vst v63  }
0x136: {  	_ =	swait.ge [sflag:s18], $0x2000  }
0x137: {  	[sflag:s18] =	ssyncset.done $0x0  }
0x138: {  	s13 =	rddreg [dreg:$0x5];
	[sflag:s18] =	ssyncadd.s32 $0xFFFFE000  }
0x139: {  	[spmem:s13] =	stream.linear.scatter [tilespmem:s17], [sflag:$0x9], $0x2000, $0x38;
	[tilespmem:$0x1E800] =	vst v63  }
0x13a: {  	_ =	swait.ge [sflag:s18], $0x2000  }
0x13b: {  	s15 =	smov.u32 s30;
	[sflag:s18] =	ssyncset.done $0x0  }
0x13c: {  	s30 =	smov.u32 s24;
	s24 =	rddreg [dreg:$0xe];
	[sflag:s18] =	ssyncadd.s32 $0xFFFFE000  }
0x13d: {  	[spmem:s7], [sflag:s6] =	dma.local [hbm:s24], $0x1400  }
0x13e: {  	_ =	swait.ge [sflag:s18], $0x1400  }
0x13f: {  	[sflag:s18] =	ssyncset.done $0x0  }
0x140: {  	[sflag:s18] =	ssyncadd.s32 $0xFFFFEC00  }
0x141: {  	[bflag:$0x0] =	sbarrier.arrive $0xFFFF  }
0x142: {  	s13 =	simm.s32 $0x0;
	s24 =	rddreg [dreg:$0x7]  }
0x143: {  	[tilespmem:s13], [sflag:$0x9] =	stream.linear.gather [hbm4b:s24+s13], $0x1400, $0x38;
	[tilespmem:$0x1E800] =	vst v63  }
0x144: {  	_ =	swait.ge [sflag:s18], $0x1400  }
0x145: {  	[sflag:s18] =	ssyncset.done $0x0  }
0x146: {  	[sflag:s18] =	ssyncadd.s32 $0xFFFFEC00  }
0x147: {  	[tilespmem:s20], [sflag:$0x9] =	stream.linear.gather [hbm4b:s9+s13], $0x1400, $0x38;
	[tilespmem:$0x1E800] =	vst v63  }
0x148: {  	_ =	swait.ge [sflag:s18], $0x1400  }
0x149: {  	[sflag:s18] =	ssyncset.done $0x0  }
0x14a: {  	[sflag:s18] =	ssyncadd.s32 $0xFFFFEC00  }
0x14b: {  	[tilespmem:s17], [sflag:$0x1] =	stream.indirect.gather [spmem:s2], $0x40, s13, s21, $0xb8;
	[tilespmem:$0x1E800] =	vst v63  }
0x14c: {  	_ = 	snop  }
0x14d: {  	[tilespmem:s25], [sflag:$0x2] =	stream.indirect.gather [spmem:s2], $0x40, s21, s21, $0xb8;
	[tilespmem:$0x1E800] =	vst v63  }
0x14e: {  	s13 =	simm.s32 $0x100  }
0x14f: {  	[tilespmem:s28], [sflag:$0x3] =	stream.indirect.gather [spmem:s2], $0x40, s13, s21, $0xb8;
	[tilespmem:$0x1E800] =	vst v63  }
0x150: {  	_ =	swait.ge [sflag:s29], $0x2000  }
0x151: {  	[sflag:s29] =	ssyncset.done $0x0  }
0x152: {  	[sflag:s29] =	ssyncadd.s32 $0xFFFFE000  }
0x153: {  	[spmem:s1] =	stream.indirect.scatter.add.f32 [tilespmem:s17], [sflag:$0x5], $0x40, s20, s21, $0xb8;
	[tilespmem:$0x1E800] =	vst v63  }
0x154: {  	s24 =	simm.s32 $0x180  }
0x155: {  	[tilespmem:s31], [sflag:$0x4] =	stream.indirect.gather [spmem:s2], $0x40, s24, s21, $0xb8;
	[tilespmem:$0x1E800] =	vst v63  }
0x156: {  	_ =	swait.ge [sflag:s0], $0x2000  }
0x157: {  	[sflag:s0] =	ssyncset.done $0x0  }
0x158: {  	s7 =	simm.s32 $0x1480;
	[sflag:s0] =	ssyncadd.s32 $0xFFFFE000  }
0x159: {  	[spmem:s1] =	stream.indirect.scatter.add.f32 [tilespmem:s25], [sflag:$0x6], $0x40, s7, s21, $0xb8;
	[tilespmem:$0x1E800] =	vst v63  }
0x15a: {  	_ =	swait.ge [sflag:s11], $0x2000  }
0x15b: {  	[sflag:s11] =	ssyncset.done $0x0  }
0x15c: {  	s9 =	simm.s32 $0x200;
	[sflag:s11] =	ssyncadd.s32 $0xFFFFE000  }
0x15d: {  	[tilespmem:s17], [sflag:$0x1] =	stream.indirect.gather [spmem:s2], $0x40, s9, s21, $0xb8;
	[tilespmem:$0x1E800] =	vst v63  }
0x15e: {  	_ =	swait.ge [sflag:s16], $0x2000  }
0x15f: {  	[sflag:s16] =	ssyncset.done $0x0  }
0x160: {  	s13 =	simm.s32 $0x1500;
	[sflag:s16] =	ssyncadd.s32 $0xFFFFE000  }
0x161: {  	[spmem:s1] =	stream.indirect.scatter.add.f32 [tilespmem:s28], [sflag:$0x7], $0x40, s13, s21, $0xb8;
	[tilespmem:$0x1E800] =	vst v63  }
0x162: {  	_ =	swait.ge [sflag:s19], $0x2000  }
0x163: {  	[sflag:s19] =	ssyncset.done $0x0  }
0x164: {  	s24 =	simm.s32 $0x280;
	[sflag:s19] =	ssyncadd.s32 $0xFFFFE000  }
0x165: {  	[tilespmem:s25], [sflag:$0x2] =	stream.indirect.gather [spmem:s2], $0x40, s24, s21, $0xb8;
	[tilespmem:$0x1E800] =	vst v63  }
0x166: {  	_ =	swait.ge [sflag:s22], $0x2000  }
0x167: {  	[sflag:s22] =	ssyncset.done $0x0  }
0x168: {  	s26 =	smov.u32 s3;
	s3 =	simm.s32 $0x1580;
	[sflag:s22] =	ssyncadd.s32 $0xFFFFE000  }
0x169: {  	[spmem:s1] =	stream.indirect.scatter.add.f32 [tilespmem:s31], [sflag:$0x8], $0x40, s3, s21, $0xb8;
	[tilespmem:$0x1E800] =	vst v63  }
0x16a: {  	_ =	swait.ge [sflag:s8], $0x2000  }
0x16b: {  	[sflag:s8] =	ssyncset.done $0x0  }
0x16c: {  	s9 =	simm.s32 $0x300;
	[sflag:s8] =	ssyncadd.s32 $0xFFFFE000  }
0x16d: {  	[tilespmem:s28], [sflag:$0x3] =	stream.indirect.gather [spmem:s2], $0x40, s9, s21, $0xb8;
	[tilespmem:$0x1E800] =	vst v63  }
0x16e: {  	_ =	swait.ge [sflag:s29], $0x2000  }
0x16f: {  	[sflag:s29] =	ssyncset.done $0x0  }
0x170: {  	s13 =	simm.s32 $0x1600;
	[sflag:s29] =	ssyncadd.s32 $0xFFFFE000  }
0x171: {  	[spmem:s1] =	stream.indirect.scatter.add.f32 [tilespmem:s17], [sflag:$0x5], $0x40, s13, s21, $0xb8;
	[tilespmem:$0x1E800] =	vst v63  }
0x172: {  	_ =	swait.ge [sflag:s23], $0x2000  }
0x173: {  	[sflag:s23] =	ssyncset.done $0x0  }
0x174: {  	s24 =	simm.s32 $0x380;
	[sflag:s23] =	ssyncadd.s32 $0xFFFFE000  }
0x175: {  	[tilespmem:s31], [sflag:$0x4] =	stream.indirect.gather [spmem:s2], $0x40, s24, s21, $0xb8;
	[tilespmem:$0x1E800] =	vst v63  }
0x176: {  	_ =	swait.ge [sflag:s0], $0x2000  }
0x177: {  	[sflag:s0] =	ssyncset.done $0x0  }
0x178: {  	s7 =	simm.s32 $0x800;
	s9 =	simm.s32 $0x1680;
	[sflag:s0] =	ssyncadd.s32 $0xFFFFE000  }
.LBB2_10:
0x179: {  	[spmem:s1] =	stream.indirect.scatter.add.f32 [tilespmem:s25], [sflag:$0x6], $0x40, s9, s21, $0xb8;
	[tilespmem:$0x1E800] =	vst v63  }
0x17a: {  	s9 =	smov.u32 s7  }
0x17b: {  	p0 =	sne.s32 s7, $0x4000;
	s7 =	sadd.s32 $0x800, s7;
	_ =	swait.ge [sflag:s11], $0x2000  }
0x17c: {  	s9 =	sshra.s32 s9, $0x2;
	[sflag:s11] =	ssyncset.done $0x0  }
0x17d: {  	s13 =	sadd.s32 $0x200, s9;
	[sflag:s11] =	ssyncadd.s32 $0xFFFFE000  }
0x17e: {  	[tilespmem:s17], [sflag:$0x1] =	stream.indirect.gather [spmem:s2], $0x40, s13, s21, $0xb8;
	[tilespmem:$0x1E800] =	vst v63  }
0x17f: {  	_ =	swait.ge [sflag:s16], $0x2000  }
0x180: {  	[sflag:s16] =	ssyncset.done $0x0  }
0x181: {  	s13 =	sadd.s32 $0x1500, s9;
	[sflag:s16] =	ssyncadd.s32 $0xFFFFE000  }
0x182: {  	[spmem:s1] =	stream.indirect.scatter.add.f32 [tilespmem:s28], [sflag:$0x7], $0x40, s13, s21, $0xb8;
	[tilespmem:$0x1E800] =	vst v63  }
0x183: {  	_ =	swait.ge [sflag:s19], $0x2000  }
0x184: {  	[sflag:s19] =	ssyncset.done $0x0  }
0x185: {  	s13 =	sadd.s32 $0x280, s9;
	[sflag:s19] =	ssyncadd.s32 $0xFFFFE000  }
0x186: {  	[tilespmem:s25], [sflag:$0x2] =	stream.indirect.gather [spmem:s2], $0x40, s13, s21, $0xb8;
	[tilespmem:$0x1E800] =	vst v63  }
0x187: {  	_ =	swait.ge [sflag:s22], $0x2000  }
0x188: {  	[sflag:s22] =	ssyncset.done $0x0  }
0x189: {  	s13 =	sadd.s32 $0x1580, s9;
	[sflag:s22] =	ssyncadd.s32 $0xFFFFE000  }
0x18a: {  	[spmem:s1] =	stream.indirect.scatter.add.f32 [tilespmem:s31], [sflag:$0x8], $0x40, s13, s21, $0xb8;
	[tilespmem:$0x1E800] =	vst v63  }
0x18b: {  	_ =	swait.ge [sflag:s8], $0x2000  }
0x18c: {  	[sflag:s8] =	ssyncset.done $0x0  }
0x18d: {  	s13 =	sadd.s32 $0x300, s9;
	[sflag:s8] =	ssyncadd.s32 $0xFFFFE000  }
0x18e: {  	[tilespmem:s28], [sflag:$0x3] =	stream.indirect.gather [spmem:s2], $0x40, s13, s21, $0xb8;
	[tilespmem:$0x1E800] =	vst v63  }
0x18f: {  	_ =	swait.ge [sflag:s29], $0x2000  }
0x190: {  	[sflag:s29] =	ssyncset.done $0x0  }
0x191: {  	s13 =	sadd.s32 $0x1600, s9;
	[sflag:s29] =	ssyncadd.s32 $0xFFFFE000  }
0x192: {  	[spmem:s1] =	stream.indirect.scatter.add.f32 [tilespmem:s17], [sflag:$0x5], $0x40, s13, s21, $0xb8;
	[tilespmem:$0x1E800] =	vst v63  }
0x193: {  	_ =	swait.ge [sflag:s23], $0x2000  }
0x194: {  	[sflag:s23] =	ssyncset.done $0x0  }
.Ltmp4:
0x195: {  	s13 =	sadd.s32 $0x380, s9;
	[sflag:s23] =	ssyncadd.s32 $0xFFFFE000;
	(pc) =	sbr.rel @p0 .LBB2_10-.Ltmp4, $4  }
0x196: {  	[tilespmem:s31], [sflag:$0x4] =	stream.indirect.gather [spmem:s2], $0x40, s13, s21, $0xb8;
	[tilespmem:$0x1E800] =	vst v63  }
0x197: {  	_ =	swait.ge [sflag:s0], $0x2000  }
0x198: {  	[sflag:s0] =	ssyncset.done $0x0  }
0x199: {  	s9 =	sadd.s32 $0x1680, s9;
	[sflag:s0] =	ssyncadd.s32 $0xFFFFE000  }
0x19a: {  	[spmem:s1] =	stream.indirect.scatter.add.f32 [tilespmem:s25], [sflag:$0x6], $0x40, s9, s21, $0xb8;
	[tilespmem:$0x1E800] =	vst v63  }
0x19b: {  	_ =	swait.ge [sflag:s11], $0x2000  }
0x19c: {  	[sflag:s11] =	ssyncset.done $0x0  }
0x19d: {  	[sflag:s11] =	ssyncadd.s32 $0xFFFFE000  }
0x19e: {  	_ =	swait.ge [sflag:s16], $0x2000  }
0x19f: {  	[sflag:s16] =	ssyncset.done $0x0  }
0x1a0: {  	s3 =	simm.s32 $0x2700;
	[sflag:s16] =	ssyncadd.s32 $0xFFFFE000  }
0x1a1: {  	[spmem:s1] =	stream.indirect.scatter.add.f32 [tilespmem:s28], [sflag:$0x7], $0x40, s3, s21, $0xb8;
	[tilespmem:$0x1E800] =	vst v63  }
0x1a2: {  	_ =	swait.ge [sflag:s19], $0x2000  }
0x1a3: {  	[sflag:s19] =	ssyncset.done $0x0  }
0x1a4: {  	[sflag:s19] =	ssyncadd.s32 $0xFFFFE000  }
0x1a5: {  	_ =	swait.ge [sflag:s22], $0x2000  }
0x1a6: {  	[sflag:s22] =	ssyncset.done $0x0  }
0x1a7: {  	[sflag:s22] =	ssyncadd.s32 $0xFFFFE000  }
0x1a8: {  	[spmem:s1] =	stream.indirect.scatter.add.f32 [tilespmem:s31], [sflag:$0x8], $0x40, s14, s21, $0xb8;
	[tilespmem:$0x1E800] =	vst v63  }
0x1a9: {  	_ =	swait.ge [sflag:s8], $0x2000  }
0x1aa: {  	[sflag:s8] =	ssyncset.done $0x0  }
0x1ab: {  	[sflag:s8] =	ssyncadd.s32 $0xFFFFE000  }
0x1ac: {  	_ =	swait.ge [sflag:s23], $0x2000  }
0x1ad: {  	[sflag:s23] =	ssyncset.done $0x0  }
0x1ae: {  	s7 =	simm.s32 $0x0;
	s24 =	rddreg [dreg:$0xa];
	[sflag:s23] =	ssyncadd.s32 $0xFFFFE000  }
0x1af: {  	[tilespmem:s7], [sflag:$0x9] =	stream.linear.gather [hbm4b:s24+s7], $0x1400, $0x38;
	[tilespmem:$0x1E800] =	vst v63  }
0x1b0: {  	_ =	swait.ge [sflag:s18], $0x1400  }
0x1b1: {  	[sflag:s18] =	ssyncset.done $0x0  }
0x1b2: {  	[sflag:s18] =	ssyncadd.s32 $0xFFFFEC00  }
0x1b3: {  	[tilespmem:s20], [sflag:$0x9] =	stream.linear.gather [hbm4b:s10+s7], $0x1400, $0x38;
	[tilespmem:$0x1E800] =	vst v63  }
0x1b4: {  	_ =	swait.ge [sflag:s18], $0x1400  }
0x1b5: {  	[sflag:s18] =	ssyncset.done $0x0  }
0x1b6: {  	[sflag:s18] =	ssyncadd.s32 $0xFFFFEC00  }
0x1b7: {  	[tilespmem:s17], [sflag:$0x1] =	stream.indirect.gather [spmem:s2], $0x40, s7, s21, $0xb8;
	[tilespmem:$0x1E800] =	vst v63  }
0x1b8: {  	_ = 	snop  }
0x1b9: {  	[tilespmem:s25], [sflag:$0x2] =	stream.indirect.gather [spmem:s2], $0x40, s21, s21, $0xb8;
	[tilespmem:$0x1E800] =	vst v63  }
0x1ba: {  	s7 =	simm.s32 $0x100  }
0x1bb: {  	[tilespmem:s28], [sflag:$0x3] =	stream.indirect.gather [spmem:s2], $0x40, s7, s21, $0xb8;
	[tilespmem:$0x1E800] =	vst v63  }
0x1bc: {  	_ =	swait.ge [sflag:s29], $0x2000  }
0x1bd: {  	[sflag:s29] =	ssyncset.done $0x0  }
0x1be: {  	[sflag:s29] =	ssyncadd.s32 $0xFFFFE000  }
0x1bf: {  	[spmem:s1] =	stream.indirect.scatter.add.f32 [tilespmem:s17], [sflag:$0x5], $0x40, s20, s21, $0xb8;
	[tilespmem:$0x1E800] =	vst v63  }
0x1c0: {  	s9 =	simm.s32 $0x180  }
0x1c1: {  	[tilespmem:s31], [sflag:$0x4] =	stream.indirect.gather [spmem:s2], $0x40, s9, s21, $0xb8;
	[tilespmem:$0x1E800] =	vst v63  }
0x1c2: {  	_ =	swait.ge [sflag:s0], $0x2000  }
0x1c3: {  	[sflag:s0] =	ssyncset.done $0x0  }
0x1c4: {  	s10 =	simm.s32 $0x1480;
	[sflag:s0] =	ssyncadd.s32 $0xFFFFE000  }
0x1c5: {  	[spmem:s1] =	stream.indirect.scatter.add.f32 [tilespmem:s25], [sflag:$0x6], $0x40, s10, s21, $0xb8;
	[tilespmem:$0x1E800] =	vst v63  }
0x1c6: {  	_ =	swait.ge [sflag:s11], $0x2000  }
0x1c7: {  	[sflag:s11] =	ssyncset.done $0x0  }
0x1c8: {  	s13 =	simm.s32 $0x200;
	[sflag:s11] =	ssyncadd.s32 $0xFFFFE000  }
0x1c9: {  	[tilespmem:s17], [sflag:$0x1] =	stream.indirect.gather [spmem:s2], $0x40, s13, s21, $0xb8;
	[tilespmem:$0x1E800] =	vst v63  }
0x1ca: {  	_ =	swait.ge [sflag:s16], $0x2000  }
0x1cb: {  	[sflag:s16] =	ssyncset.done $0x0  }
0x1cc: {  	s24 =	simm.s32 $0x1500;
	[sflag:s16] =	ssyncadd.s32 $0xFFFFE000  }
0x1cd: {  	[spmem:s1] =	stream.indirect.scatter.add.f32 [tilespmem:s28], [sflag:$0x7], $0x40, s24, s21, $0xb8;
	[tilespmem:$0x1E800] =	vst v63  }
0x1ce: {  	_ =	swait.ge [sflag:s19], $0x2000  }
0x1cf: {  	[sflag:s19] =	ssyncset.done $0x0  }
0x1d0: {  	s3 =	simm.s32 $0x280;
	[sflag:s19] =	ssyncadd.s32 $0xFFFFE000  }
0x1d1: {  	[tilespmem:s25], [sflag:$0x2] =	stream.indirect.gather [spmem:s2], $0x40, s3, s21, $0xb8;
	[tilespmem:$0x1E800] =	vst v63  }
0x1d2: {  	_ =	swait.ge [sflag:s22], $0x2000  }
0x1d3: {  	[sflag:s22] =	ssyncset.done $0x0  }
0x1d4: {  	s9 =	simm.s32 $0x1580;
	[sflag:s22] =	ssyncadd.s32 $0xFFFFE000  }
0x1d5: {  	[spmem:s1] =	stream.indirect.scatter.add.f32 [tilespmem:s31], [sflag:$0x8], $0x40, s9, s21, $0xb8;
	[tilespmem:$0x1E800] =	vst v63  }
0x1d6: {  	_ =	swait.ge [sflag:s8], $0x2000  }
0x1d7: {  	[sflag:s8] =	ssyncset.done $0x0  }
0x1d8: {  	s10 =	simm.s32 $0x300;
	[sflag:s8] =	ssyncadd.s32 $0xFFFFE000  }
0x1d9: {  	[tilespmem:s28], [sflag:$0x3] =	stream.indirect.gather [spmem:s2], $0x40, s10, s21, $0xb8;
	[tilespmem:$0x1E800] =	vst v63  }
0x1da: {  	_ =	swait.ge [sflag:s29], $0x2000  }
0x1db: {  	[sflag:s29] =	ssyncset.done $0x0  }
0x1dc: {  	s13 =	simm.s32 $0x1600;
	[sflag:s29] =	ssyncadd.s32 $0xFFFFE000  }
0x1dd: {  	[spmem:s1] =	stream.indirect.scatter.add.f32 [tilespmem:s17], [sflag:$0x5], $0x40, s13, s21, $0xb8;
	[tilespmem:$0x1E800] =	vst v63  }
0x1de: {  	_ =	swait.ge [sflag:s23], $0x2000  }
0x1df: {  	[sflag:s23] =	ssyncset.done $0x0  }
0x1e0: {  	s24 =	simm.s32 $0x380;
	[sflag:s23] =	ssyncadd.s32 $0xFFFFE000  }
0x1e1: {  	[tilespmem:s31], [sflag:$0x4] =	stream.indirect.gather [spmem:s2], $0x40, s24, s21, $0xb8;
	[tilespmem:$0x1E800] =	vst v63  }
0x1e2: {  	_ =	swait.ge [sflag:s0], $0x2000  }
0x1e3: {  	[sflag:s0] =	ssyncset.done $0x0  }
0x1e4: {  	s7 =	simm.s32 $0x800;
	s9 =	simm.s32 $0x1680;
	[sflag:s0] =	ssyncadd.s32 $0xFFFFE000  }
.LBB2_12:
0x1e5: {  	[spmem:s1] =	stream.indirect.scatter.add.f32 [tilespmem:s25], [sflag:$0x6], $0x40, s9, s21, $0xb8;
	[tilespmem:$0x1E800] =	vst v63  }
0x1e6: {  	s9 =	smov.u32 s7  }
0x1e7: {  	p0 =	sne.s32 s7, $0x4000;
	s7 =	sadd.s32 $0x800, s7;
	_ =	swait.ge [sflag:s11], $0x2000  }
0x1e8: {  	s9 =	sshra.s32 s9, $0x2;
	[sflag:s11] =	ssyncset.done $0x0  }
0x1e9: {  	s10 =	sadd.s32 $0x200, s9;
	[sflag:s11] =	ssyncadd.s32 $0xFFFFE000  }
0x1ea: {  	[tilespmem:s17], [sflag:$0x1] =	stream.indirect.gather [spmem:s2], $0x40, s10, s21, $0xb8;
	[tilespmem:$0x1E800] =	vst v63  }
0x1eb: {  	_ =	swait.ge [sflag:s16], $0x2000  }
0x1ec: {  	[sflag:s16] =	ssyncset.done $0x0  }
0x1ed: {  	s10 =	sadd.s32 $0x1500, s9;
	[sflag:s16] =	ssyncadd.s32 $0xFFFFE000  }
0x1ee: {  	[spmem:s1] =	stream.indirect.scatter.add.f32 [tilespmem:s28], [sflag:$0x7], $0x40, s10, s21, $0xb8;
	[tilespmem:$0x1E800] =	vst v63  }
0x1ef: {  	_ =	swait.ge [sflag:s19], $0x2000  }
0x1f0: {  	[sflag:s19] =	ssyncset.done $0x0  }
0x1f1: {  	s10 =	sadd.s32 $0x280, s9;
	[sflag:s19] =	ssyncadd.s32 $0xFFFFE000  }
0x1f2: {  	[tilespmem:s25], [sflag:$0x2] =	stream.indirect.gather [spmem:s2], $0x40, s10, s21, $0xb8;
	[tilespmem:$0x1E800] =	vst v63  }
0x1f3: {  	_ =	swait.ge [sflag:s22], $0x2000  }
0x1f4: {  	[sflag:s22] =	ssyncset.done $0x0  }
0x1f5: {  	s10 =	sadd.s32 $0x1580, s9;
	[sflag:s22] =	ssyncadd.s32 $0xFFFFE000  }
0x1f6: {  	[spmem:s1] =	stream.indirect.scatter.add.f32 [tilespmem:s31], [sflag:$0x8], $0x40, s10, s21, $0xb8;
	[tilespmem:$0x1E800] =	vst v63  }
0x1f7: {  	_ =	swait.ge [sflag:s8], $0x2000  }
0x1f8: {  	[sflag:s8] =	ssyncset.done $0x0  }
0x1f9: {  	s10 =	sadd.s32 $0x300, s9;
	[sflag:s8] =	ssyncadd.s32 $0xFFFFE000  }
0x1fa: {  	[tilespmem:s28], [sflag:$0x3] =	stream.indirect.gather [spmem:s2], $0x40, s10, s21, $0xb8;
	[tilespmem:$0x1E800] =	vst v63  }
0x1fb: {  	_ =	swait.ge [sflag:s29], $0x2000  }
0x1fc: {  	[sflag:s29] =	ssyncset.done $0x0  }
0x1fd: {  	s10 =	sadd.s32 $0x1600, s9;
	[sflag:s29] =	ssyncadd.s32 $0xFFFFE000  }
0x1fe: {  	[spmem:s1] =	stream.indirect.scatter.add.f32 [tilespmem:s17], [sflag:$0x5], $0x40, s10, s21, $0xb8;
	[tilespmem:$0x1E800] =	vst v63  }
0x1ff: {  	_ =	swait.ge [sflag:s23], $0x2000  }
0x200: {  	[sflag:s23] =	ssyncset.done $0x0  }
.Ltmp5:
0x201: {  	s10 =	sadd.s32 $0x380, s9;
	[sflag:s23] =	ssyncadd.s32 $0xFFFFE000;
	(pc) =	sbr.rel @p0 .LBB2_12-.Ltmp5, $4  }
0x202: {  	[tilespmem:s31], [sflag:$0x4] =	stream.indirect.gather [spmem:s2], $0x40, s10, s21, $0xb8;
	[tilespmem:$0x1E800] =	vst v63  }
0x203: {  	_ =	swait.ge [sflag:s0], $0x2000  }
0x204: {  	[sflag:s0] =	ssyncset.done $0x0  }
0x205: {  	s9 =	sadd.s32 $0x1680, s9;
	[sflag:s0] =	ssyncadd.s32 $0xFFFFE000  }
0x206: {  	[spmem:s1] =	stream.indirect.scatter.add.f32 [tilespmem:s25], [sflag:$0x6], $0x40, s9, s21, $0xb8;
	[tilespmem:$0x1E800] =	vst v63  }
0x207: {  	_ =	swait.ge [sflag:s11], $0x2000  }
0x208: {  	[sflag:s11] =	ssyncset.done $0x0  }
0x209: {  	[sflag:s11] =	ssyncadd.s32 $0xFFFFE000  }
0x20a: {  	_ =	swait.ge [sflag:s16], $0x2000  }
0x20b: {  	[sflag:s16] =	ssyncset.done $0x0  }
0x20c: {  	s3 =	simm.s32 $0x2700;
	[sflag:s16] =	ssyncadd.s32 $0xFFFFE000  }
0x20d: {  	[spmem:s1] =	stream.indirect.scatter.add.f32 [tilespmem:s28], [sflag:$0x7], $0x40, s3, s21, $0xb8;
	[tilespmem:$0x1E800] =	vst v63  }
0x20e: {  	_ =	swait.ge [sflag:s19], $0x2000  }
0x20f: {  	[sflag:s19] =	ssyncset.done $0x0  }
0x210: {  	[sflag:s19] =	ssyncadd.s32 $0xFFFFE000  }
0x211: {  	_ =	swait.ge [sflag:s22], $0x2000  }
0x212: {  	[sflag:s22] =	ssyncset.done $0x0  }
0x213: {  	[sflag:s22] =	ssyncadd.s32 $0xFFFFE000  }
0x214: {  	[spmem:s1] =	stream.indirect.scatter.add.f32 [tilespmem:s31], [sflag:$0x8], $0x40, s14, s21, $0xb8;
	[tilespmem:$0x1E800] =	vst v63  }
0x215: {  	_ =	swait.ge [sflag:s8], $0x2000  }
0x216: {  	[sflag:s8] =	ssyncset.done $0x0  }
0x217: {  	[sflag:s8] =	ssyncadd.s32 $0xFFFFE000  }
0x218: {  	_ =	swait.ge [sflag:s23], $0x2000  }
0x219: {  	[sflag:s23] =	ssyncset.done $0x0  }
0x21a: {  	[sflag:s23] =	ssyncadd.s32 $0xFFFFE000  }
0x21b: {  	[bflag:$0x0] =	sbarrier.arrive $0xFFFF  }
0x21c: {  	s13 =	rddreg [dreg:$0xf]  }
0x21d: {  	[hbm:s13], [sflag:s6] =	dma.local [spmem:s12], $0x1400  }
0x21e: {  	_ =	swait.ge [sflag:s18], $0x1400  }
0x21f: {  	s4 =	sadd.s32 $0x1, s4;
	s24 =	rddreg [dreg:$0xb]  }
0x220: {  	p0 =	sne.s32 s4, s24  }
.Ltmp6:
0x221: {  	_ = 	snop;
	(pc) =	sbr.rel @p0 .LBB2_1-.Ltmp6, $3  }
0x222: {  	_ =	sdelay $0x1  }
0x223: {  	[sflag:s18] =	ssyncset.done $0x0  }
0x224: {  	[sflag:s18] =	ssyncadd.s32 $0xFFFFEC00  }
0x225: {  	_ =	sfence.sel $0x180000  }
0x226: {  	[bflag:$0x0] =	sbarrier.arrive $0xFFFF  }
0x227: {  	_ =	strace $0x9000004D  }
0x228: {  	s0 =	stileid.u32;
	[bflag:$0x2] =	sbarrier.arrive $0xFFFF  }
0x229: {  	p0 =	sne.s32 s0, $0x0;
	s0 =	rddreg [dreg:$0x3]  }
0x22a: {  	s0 =	sadd.s32 @!p0 $0x100000, s0  }
0x22b: {  	[sflag:s0] =	ssyncadd.tile.s32 @!p0 $0x1;
	_ =	shalt  }
.Lfunc_end2:
_tile_overlayer_lowered:
.L_overlay_start_2:
0x22c: {  	(tag) =	ssettag $0x2  }
0x22d: {  	s0 =	rddreg [dreg:$0x0];
	s2 =	stileid.u32  }
0x22e: {  	s1 =	rddreg [dreg:$0x1];
	p0 =	sne.s32 s2, $0x0  }
0x22f: {  	s3 =	rddreg [dreg:$0x2];
	[bflag:$0x3] =	sbarrier.arrive $0xFFFF;
	s2 =	simm.s32 @!p0 $0x1C09  }
0x230: {  	[timem:s3], [sflag:s2] =	dma.local @!p0 [hbm:s0], s1  }
0x231: {  	s0 =	simm.s32 @!p0 $0x9  }
0x232: {  	_ =	swait.ge @!p0 [sflag:s0], s1  }
0x233: {  	s1 =	ssub.s32 @!p0 $0x0, s1;
	[sflag:s0] =	ssyncset.done @!p0 $0x0  }
0x234: {  	[sflag:s0] =	ssyncadd.s32 @!p0 s1  }
0x235: {  	[bflag:$0x3] =	sbarrier.arrive $0xFFFF  }
0x236: {  	_ =	shalt  }

// kernel: kernel.8.cloned.1.call-start
scs
__scs_entry_jumppad:
0x0: {  	(pc) =	sbr.rel $0x88, $3  }
0x1: {  	(tag) =	ssettag $0x0;
	lr =	simm.s32 $0x1  }
0x2: {  	[smem:$0x3F98] =	sst lr;
	_ =	strace $0xD0000000  }
0x3: {  	_ = 	snop  }
0x4: {  	_ = 	snop  }
0x5: {  	_ = 	snop  }
0x6: {  	_ = 	snop  }
0x7: {  	_ = 	snop  }
__scs_overlays_trampoline_lowered:
0x8: {  	[smem:$0x3FA7] =	sst s0  }
0x9: {  	[smem:$0x3FA8] =	sst s1  }
0xa: {  	[smem:$0x3FA9] =	sst s2  }
0xb: {  	[smem:$0x3FAA] =	sst s3  }
0xc: {  	[smem:$0x3FAB] =	sst s4  }
0xd: {  	[smem:$0x3FAC] =	sst s5  }
0xe: {  	[smem:$0x3FAD] =	sst s6  }
0xf: {  	[smem:$0x3FAE] =	sst s7  }
0x10: {  	[smem:$0x3FAF] =	sst s8  }
0x11: {  	[smem:$0x3FB0] =	sst s9;
	s0 =	simm.s32 @!p0 $0x0  }
0x12: {  	s1 =	sld [smem:$0x3F96];
	s0 =	simm.s32 @p0 $0x1  }
0x13: {  	[smem:$0x3FB1] =	sst s0;
	s0 =	simm.s32 @!p1 $0x0  }
0x14: {  	s2 =	sld [smem:$0x3F95];
	s0 =	simm.s32 @p1 $0x1  }
0x15: {  	[smem:$0x3FB2] =	sst s0;
	s0 =	simm.s32 @!p2 $0x0  }
0x16: {  	s3 =	sld [smem:$0x3FDB];
	s0 =	simm.s32 @p2 $0x1  }
0x17: {  	s4 =	simm.s32 $0x1BF5;
	[smem:$0x3FB4] =	sst s0  }
0x18: {  	s0 =	sld [smem:$0x3F97];
	_ =	swait.ge [sflag:s4], $0x0  }
0x19: {  	s7 =	sld [smem:$0x3F98]  }
0x1a: {  	s8 =	sadd.s32 $0xFFFFE003, lr  }
0x1b: {  	s9 =	sadd.s32 $0xFFFFFEF7, lr;
	s5 =	simm.s32 $0xFFFFFFFF;
	p2 =	slt.u32 s8, $0xFFFFF086  }
0x1c: {  	p1 =	slt.u32 s9, $0xF7A;
	s5 =	simm.s32 @!p2 $0x0  }
0x1d: {  	s5 =	simm.s32 @p1 $0x1;
	p0 =	seq.s32 s7, s2  }
0x1e: {  	s7 =	smul.u32 @!p0 $0xF7A, s2;
	p2 =	seq.s32 @!p0 s5, $0x0  }
0x1f: {  	s9 =	smul.u32 $0xF7A, s1;
	s8 =	simm.s32 @!p0 $0x1BF5;
	p2 =	por !p2, p0  }
0x20: {  	[sflag:s8] =	ssyncset.s32 @!p0 $0xFFFFF086;
	s6 =	sadd.s32 @!p0 s3, s7;
	s7 =	simm.s32 @!p0 $0x108  }
0x21: {  	s3 =	sadd.s32 s3, s9;
	s6 =	sadd.s32 @!p0 $0x88, s6;
	s7 =	simm.s32 @p2 $0x1082  }
0x22: {  	[simem:s7], [sflag:s8] =	dma.local @!p0 [hbm:s6], $0xF7A  }
0x23: {  	s9 =	sor.u32 $0xD0000000, s2;
	s6 =	simm.s32 $0x108;
	_ =	swait.ge @!p0 [sflag:s8], $0x0  }
0x24: {  	s3 =	sadd.s32 $0x88, s3;
	s6 =	simm.s32 @!p1 $0x1082;
	[sflag:s4] =	ssyncset.s32 $0xFFFFF086  }
0x25: {  	[simem:s6], [sflag:s4] =	dma.local [hbm:s3], $0xF7A  }
0x26: {  	[smem:$0x3F98] =	sst s1;
	(tag) =	ssettag s2;
	_ =	strace s9  }
0x27: {  	s1 =	sld [smem:$0x3FA8]  }
0x28: {  	s2 =	sld [smem:$0x3FA9]  }
0x29: {  	s4 =	sld [smem:$0x3FAB]  }
0x2a: {  	p0 =	seq.s32 s5, $0x0;
	s5 =	sld [smem:$0x3FAC]  }
0x2b: {  	s6 =	sld [smem:$0x3FAD]  }
0x2c: {  	s7 =	sld [smem:$0x3FAE]  }
0x2d: {  	s3 =	simm.s32 $0x108;
	s8 =	sld [smem:$0x3FAF]  }
0x2e: {  	s3 =	simm.s32 @!p0 $0x1082;
	s9 =	sld [smem:$0x3FB0]  }
0x2f: {  	lr =	sadd.s32 s0, s3;
	s0 =	sld [smem:$0x3FA7]  }
0x30: {  	s3 =	sld [smem:$0x3FAA]  }
0x31: {  	[smem:$0x3FB3] =	sst s10  }
0x32: {  	s10 =	sld [smem:$0x3FB1];
	_ =	sdelay $0x3  }
0x33: {  	p0 =	seq.s32 s10, $0x1;
	s10 =	sld [smem:$0x3FB3];
	_ =	sdelay $0x3  }
0x34: {  	[smem:$0x3FB3] =	sst s10  }
0x35: {  	s10 =	sld [smem:$0x3FB2];
	_ =	sdelay $0x3  }
0x36: {  	p1 =	seq.s32 s10, $0x1;
	s10 =	sld [smem:$0x3FB3];
	_ =	sdelay $0x3  }
0x37: {  	[smem:$0x3FB3] =	sst s10  }
0x38: {  	s10 =	sld [smem:$0x3FB4]  }
0x39: {  	_ = 	snop;
	(pc) =	sbr.ind lr, $3  }
0x3a: {  	_ = 	snop  }
0x3b: {  	_ = 	snop  }
0x3c: {  	p2 =	seq.s32 s10, $0x1;
	s10 =	sld [smem:$0x3FB3]  }
0x3d: {  	_ =	shalt  }
0x3e: {  	_ =	shalt  }
0x3f: {  	_ =	shalt  }
0x40: {  	_ =	shalt  }
0x41: {  	_ =	shalt  }
0x42: {  	_ =	shalt  }
0x43: {  	_ =	shalt  }
0x44: {  	_ =	shalt  }
0x45: {  	_ =	shalt  }
0x46: {  	_ =	shalt  }
0x47: {  	_ =	shalt  }
0x48: {  	_ =	shalt  }
0x49: {  	_ =	shalt  }
0x4a: {  	_ =	shalt  }
0x4b: {  	_ =	shalt  }
0x4c: {  	_ =	shalt  }
0x4d: {  	_ =	shalt  }
0x4e: {  	_ =	shalt  }
0x4f: {  	_ =	shalt  }
0x50: {  	_ =	shalt  }
0x51: {  	_ =	shalt  }
0x52: {  	_ =	shalt  }
0x53: {  	_ =	shalt  }
0x54: {  	_ =	shalt  }
0x55: {  	_ =	shalt  }
0x56: {  	_ =	shalt  }
0x57: {  	_ =	shalt  }
0x58: {  	_ =	shalt  }
0x59: {  	_ =	shalt  }
0x5a: {  	_ =	shalt  }
0x5b: {  	_ =	shalt  }
0x5c: {  	_ =	shalt  }
0x5d: {  	_ =	shalt  }
0x5e: {  	_ =	shalt  }
0x5f: {  	_ =	shalt  }
0x60: {  	_ =	shalt  }
0x61: {  	_ =	shalt  }
0x62: {  	_ =	shalt  }
0x63: {  	_ =	shalt  }
0x64: {  	_ =	shalt  }
0x65: {  	_ =	shalt  }
0x66: {  	_ =	shalt  }
0x67: {  	_ =	shalt  }
0x68: {  	_ =	shalt  }
0x69: {  	_ =	shalt  }
0x6a: {  	_ =	shalt  }
0x6b: {  	_ =	shalt  }
0x6c: {  	_ =	shalt  }
0x6d: {  	_ =	shalt  }
0x6e: {  	_ =	shalt  }
0x6f: {  	_ =	shalt  }
0x70: {  	_ =	shalt  }
0x71: {  	_ =	shalt  }
0x72: {  	_ =	shalt  }
0x73: {  	_ =	shalt  }
0x74: {  	_ =	shalt  }
0x75: {  	_ =	shalt  }
0x76: {  	_ =	shalt  }
0x77: {  	_ =	shalt  }
0x78: {  	_ =	shalt  }
0x79: {  	_ =	shalt  }
0x7a: {  	_ =	shalt  }
0x7b: {  	_ =	shalt  }
0x7c: {  	_ =	shalt  }
0x7d: {  	_ =	shalt  }
0x7e: {  	_ =	shalt  }
0x7f: {  	_ =	shalt  }
0x80: {  	_ =	shalt  }
0x81: {  	_ =	shalt  }
0x82: {  	_ =	shalt  }
0x83: {  	_ =	shalt  }
0x84: {  	_ =	shalt  }
0x85: {  	_ =	shalt  }
0x86: {  	_ =	shalt  }
0x87: {  	_ =	shalt  }
.Lfunc_end0:
.L_simem_size_0:
called_computation_lowered:
.L_overlay_start_0:
0x88: {  	s2 =	sld [smem:$0x3FD9]  }
0x89: {  	s3 =	sld [smem:$0x3FFE];
	_ =	sdelay $0x1  }
0x8a: {  	s1 =	srdreg.scid  }
0x8b: {  	s0 =	sand.u32 $0x1, s1  }
0x8c: {  	s16 =	sshll.u32 s0, $0xA;
	s2 =	sadd.s32 s3, s2  }
0x8d: {  	s2 =	sadd.s32 s2, s16  }
0x8e: {  	[smem:$0x3FBF] =	sst s2  }
0x8f: {  	_ = 	snop  }
0x90: {  	(tm) =	ssettm $0x1  }
0x91: {  	s17 =	sld [smem:$0x3FFB];
	_ =	sdelay $0x3  }
0x92: {  	_ =	strace s17  }
0x93: {  	s2 =	sld [smem:$0x3FFC];
	_ =	sdelay $0x3  }
0x94: {  	_ =	strace s2  }
0x95: {  	s2 =	sld [smem:$0x3FFD];
	_ =	sdelay $0x3  }
0x96: {  	_ =	strace s2  }
0x97: {  	_ =	strace $0x8FFFFFFF  }
0x98: {  	s18 =	sld [smem:$0x3FDB];
	_ =	sdelay $0x1  }
0x99: {  	s19 =	simm.s32 $_scs_section_size  }
0x9a: {  	s4 =	simm.s32 $_size__tile_overlayer_lowered;
	s5 =	simm.s32 $_tile_overlayer_lowered  }
0x9b: {  	s22 =	simm.s32 $0x1BFF;
	s21 =	sshll.u32 s5, $0x1;
	s2 =	sadd.s32 s19, s18  }
0x9c: {  	s6 =	simm.s32 $0x0;
	s20 =	sshll.u32 s4, $0x1;
	s4 =	sadd.s32 s21, s2  }
0x9d: {  	[timem:s6], [sflag:s22] =	dma.local [hbm:s4], s20  }
0x9e: {  	_ =	swait.ge [sflag:s22], s20  }
0x9f: {  	s3 =	ssub.s32 $0x0, s20;
	[sflag:s22] =	ssyncset.done $0x0  }
0xa0: {  	[sflag:s22] =	ssyncadd.s32 s3;
	_ =	sdelay $0x1  }
0xa1: {  	s23 =	simm.s32 $0x1B8B  }
0xa2: {  	_ =	swait.ge [sflag:s23], $0x1  }
0xa3: {  	[sflag:s23] =	ssyncset.done $0x0  }
0xa4: {  	s25 =	simm.s32 $0x1B8E;
	s24 =	sld [smem:$0x3FFE];
	[sflag:s23] =	ssyncadd.s32 $0xFFFFFFFF  }
0xa5: {  	s26 =	simm.s32 $execute0_lowered;
	[smem:$0x3FD2] =	sst s25  }
0xa6: {  	s4 =	sshll.u32 s26, $0x1;
	_ =	strace $0x80000046;
	[dreg:$0x1] =	wrdreg $0xFFFFFFFF  }
0xa7: {  	s28 =	simm.s32 $_size_execute0_lowered;
	s2 =	sadd.s32 s2, s4;
	[dreg:$0x0] =	wrdreg $0x0  }
0xa8: {  	s4 =	sshll.u32 s28, $0x1;
	[dreg:$0x2] =	wrdreg s2  }
0xa9: {  	[dreg:$0x3] =	wrdreg s4  }
0xaa: {  	[dreg:$0x4] =	wrdreg $0xC0  }
0xab: {  	_ =	task [dreg:s6], $0x5FFFF  }
0xac: {  	[dreg:$0x1] =	wrdreg $0xFFFFFFFF  }
0xad: {  	[dreg:$0x0] =	wrdreg $0x60  }
0xae: {  	[dreg:$0x2] =	wrdreg s24  }
0xaf: {  	[dreg:$0x3] =	wrdreg $0x58000  }
0xb0: {  	[dreg:$0x4] =	wrdreg $0x9  }
0xb1: {  	_ =	task.clear_ibuf [dreg:s6], $0x5FFFF;
	_ =	strace $0x90000046  }
0xb2: {  	s29 =	simm.s32 $0x9;
	_ =	strace $0x80000048  }
0xb3: {  	_ =	swait.ge [sflag:s29], $0x1  }
0xb4: {  	[sflag:s29] =	ssyncadd.s32 $0xFFFFFFFF  }
0xb5: {  	_ =	strace $0x90000048  }
0xb6: {  	_ =	sfence  }
0xb7: {  	s30 =	sld [smem:$0x0];
	_ =	sdelay $0x2  }
0xb8: {  	s31 =	sshll.u32 s1, $0xD;
	s1 =	sshrl.u32 s1, $0x2  }
0xb9: {  	s3 =	sand.u32 $0x4000, s31;
	s1 =	sadd.s32 s1, s30  }
0xba: {  	s0 =	sor.u32 s3, s0;
	s1 =	sshll.u32 s1, $0x11  }
0xbb: {  	s0 =	sor.u32 s1, s0  }
0xbc: {  	s0 =	sadd.s32 $0x8F2B, s0  }
0xbd: {  	[sflag:s0] =	ssyncadd.remote.s32 $0x1  }
0xbe: {  	_ =	sfence.sel $0xFFFF  }
0xbf: {  	[dreg:$0x0] =	wrdreg $0xFFFFFFFF;
	(pc) =	sbr.abs _section_cstart, $3  }
0xc0: {  	[dreg:$0x1] =	wrdreg $0xFFFFFFFF  }
0xc1: {  	_ =	task.clear_ibuf [dreg:s6], $0x2FFFF;
	_ =	strace $0x9FFFFFFF  }
0xc2: {  	(tm) =	ssettm $0x7FFFFFFF  }
0xc3: {  	_ =	shalt  }
tec
execute0_lowered:
.L_overlay_start_1:
0x0: {  	(tag) =	ssettag $0x1  }
0x1: {  	s4 =	rddreg [dreg:$0x0]  }
0x2: {  	s1 =	rddreg [dreg:$0x1]  }
0x3: {  	s2 =	srdreg.scid;
	s0 =	rddreg [dreg:$0x2];
	s3 =	simm.s32 $0x0  }
0x4: {  	s10 =	simm.s32 $0x2800;
	s5 =	sand.u32 $0x1, s2;
	s2 =	stileid.u32  }
0x5: {  	s11 =	simm.s32 $0x1;
	[smem:$0x7FF] =	sst s3;
	s6 =	smul.u32 $0x5000, s5  }
0x6: {  	s5 =	ssub.s32 $0x2, s5;
	s7 =	smul.u32 $0x2800, s2;
	_ =	strace $0x80000047  }
0x7: {  	s9 =	smul.u32 $0x500, s2;
	s31 =	sshrl.u32 s5, $0x1;
	s6 =	sadd.s32 s6, s4  }
0x8: {  	s5 =	ssub.s32 s5, s31;
	s4 =	sadd.s32 s7, s1;
	s13 =	sshrl.u32 s7, $0x3  }
0x9: {  	s7 =	simm.s32 $0x2;
	s8 =	sadd.s32 $0x1A00, s6;
	s12 =	sadd.s32 $0xBA00, s6  }
0xa: {  	s5 =	smax.u32 s5, $0x1;
	s6 =	simm.s32 $0x3000;
	s8 =	sadd.s32 s9, s8  }
0xb: {  	v0 =	vimm.f32 $1.000000000e+00;
	v1 =	vimm.f32 $0.0e+00;
	s9 =	simm.s32 $0x80;
	s12 =	sadd.s32 s13, s12;
	s13 =	simm.s32 $0x0  }
.LBB2_1:
0xc: {  	s14 =	simm.s32 $0x0  }
.LBB2_2:
0xd: {  	p0 =	sne.s32 s14, $0x1FC0  }
.Ltmp0:
0xe: {  	_ = 	snop;
	(pc) =	sbr.rel @p0 .LBB2_2-.Ltmp0, $3  }
0xf: {  	_ =	sdelay $0x1  }
0x10: {  	s15 =	sshra.s32 s14, $0x2  }
0x11: {  	s14 =	sadd.s32 $0x40, s14;
	[tilespmem:s15+$0x2800] =	vst v0  }
0x12: {  	s14 =	simm.s32 $0x40;
	s15 =	simm.s32 $0x0  }
.LBB2_4:
0x13: {  	p0 =	sne.s32 s14, $0x9FC0;
	[tilespmem:s15+$0x3000] =	vst v1;
	s15 =	smov.u32 s14;
	s14 =	sadd.s32 $0x40, s14  }
.Ltmp1:
0x14: {  	(pc) =	sbr.rel @p0 .LBB2_4-.Ltmp1, $2  }
0x15: {  	_ =	sdelay $0x2  }
0x16: {  	s15 =	sshra.s32 s15, $0x2  }
0x17: {  	[tilespmem:s15+$0x3000] =	vst v1  }
0x18: {  	[spmem:s4] =	stream.linear.scatter [tilespmem:s6], [sflag:$0x2], $0x2800, $0x38;
	[tilespmem:$0x8000] =	vst v63  }
0x19: {  	_ =	swait.ge [sflag:s7], $0x2800  }
0x1a: {  	[sflag:s7] =	ssyncset.done $0x0  }
0x1b: {  	s14 =	simm.s32 $0x0;
	[sflag:s7] =	ssyncadd.s32 $0xFFFFD800  }
0x1c: {  	[tilespmem:s14], [sflag:$0x2] =	stream.linear.gather [hbm4b:s8+s14], $0x2800, $0x38;
	[tilespmem:$0x8000] =	vst v63  }
0x1d: {  	_ =	swait.ge [sflag:s7], $0x2800  }
0x1e: {  	[sflag:s7] =	ssyncset.done $0x0  }
0x1f: {  	p0 =	por $0x1, $0x1;
	[sflag:s7] =	ssyncadd.s32 $0xFFFFD800  }
0x20: {  	s16 =	simm.s32 @!p0 $0x1;
	[bflag:$0x0] =	sbarrier.arrive $0xFFFF  }
0x21: {  	[spmem:s1] =	stream.indirect.scatter.add.f32 [tilespmem:s10], [sflag:$0x1], $0x10, s14, s9, $0xb8;
	[tilespmem:$0x8000] =	vst v63  }
0x22: {  	_ =	swait.ge @!p0 [sflag:s16], $0x800  }
0x23: {  	s15 =	simm.s32 $0x1;
	[sflag:s16] =	ssyncset.done @!p0 $0x0  }
.LBB2_6:
0x24: {  	[sflag:s16] =	ssyncadd.s32 @!p0 $0xFFFFF800  }
0x25: {  	s14 =	sadd.s32 $0x80, s14;
	s16 =	smov.u32 s15;
	s15 =	sadd.s32 $0x1, s15  }
0x26: {  	p1 =	sne.s32 s15, $0x50  }
0x27: {  	[spmem:s1] =	stream.indirect.scatter.add.f32 [tilespmem:s10], [sflag:$0x1], $0x10, s14, s9, $0xb8;
	[tilespmem:$0x8000] =	vst v63  }
.Ltmp2:
0x28: {  	_ = 	snop;
	(pc) =	sbr.rel @p1 .LBB2_6-.Ltmp2, $4  }
0x29: {  	p0 =	slt.u32 s16, $0x8  }
0x2a: {  	s16 =	simm.s32 @!p0 $0x1  }
0x2b: {  	_ =	swait.ge @!p0 [sflag:s16], $0x800  }
0x2c: {  	[sflag:s16] =	ssyncset.done @!p0 $0x0  }
0x2d: {  	[sflag:s16] =	ssyncadd.s32 @!p0 $0xFFFFF800  }
0x2e: {  	_ =	swait.ge [sflag:s11], $0x800  }
0x2f: {  	[sflag:s11] =	ssyncset.done $0x0  }
0x30: {  	[sflag:s11] =	ssyncadd.s32 $0xFFFFF800  }
0x31: {  	_ =	swait.ge [sflag:s11], $0x800  }
0x32: {  	[sflag:s11] =	ssyncset.done $0x0  }
0x33: {  	[sflag:s11] =	ssyncadd.s32 $0xFFFFF800  }
0x34: {  	_ =	swait.ge [sflag:s11], $0x800  }
0x35: {  	[sflag:s11] =	ssyncset.done $0x0  }
0x36: {  	[sflag:s11] =	ssyncadd.s32 $0xFFFFF800  }
0x37: {  	_ =	swait.ge [sflag:s11], $0x800  }
0x38: {  	[sflag:s11] =	ssyncset.done $0x0  }
0x39: {  	[sflag:s11] =	ssyncadd.s32 $0xFFFFF800  }
0x3a: {  	_ =	swait.ge [sflag:s11], $0x800  }
0x3b: {  	[sflag:s11] =	ssyncset.done $0x0  }
0x3c: {  	[sflag:s11] =	ssyncadd.s32 $0xFFFFF800  }
0x3d: {  	_ =	swait.ge [sflag:s11], $0x800  }
0x3e: {  	[sflag:s11] =	ssyncset.done $0x0  }
0x3f: {  	[sflag:s11] =	ssyncadd.s32 $0xFFFFF800  }
0x40: {  	_ =	swait.ge [sflag:s11], $0x800  }
0x41: {  	[sflag:s11] =	ssyncset.done $0x0  }
0x42: {  	[sflag:s11] =	ssyncadd.s32 $0xFFFFF800  }
0x43: {  	_ =	swait.ge [sflag:s11], $0x800  }
0x44: {  	[sflag:s11] =	ssyncset.done $0x0  }
0x45: {  	[sflag:s11] =	ssyncadd.s32 $0xFFFFF800  }
0x46: {  	[bflag:$0x0] =	sbarrier.arrive $0xFFFF  }
0x47: {  	[tilespmem:s6], [sflag:$0x2] =	stream.linear.gather [spmem:s4], $0x2800, $0x38;
	[tilespmem:$0x8000] =	vst v63  }
0x48: {  	s13 =	sadd.s32 $0x1, s13;
	_ =	swait.ge [sflag:s7], $0x2800  }
0x49: {  	p0 =	sne.s32 s13, s5;
	[sflag:s7] =	ssyncset.done $0x0  }
.Ltmp3:
0x4a: {  	[sflag:s7] =	ssyncadd.s32 $0xFFFFD800;
	(pc) =	sbr.rel @p0 .LBB2_1-.Ltmp3, $4  }
0x4b: {  	[hbm4b:s12+s3] =	stream.linear.scatter [tilespmem:s6], [sflag:$0x2], $0x2800, $0x38;
	[tilespmem:$0x8000] =	vst v63  }
0x4c: {  	_ =	swait.ge [sflag:s7], $0x2800  }
0x4d: {  	[sflag:s7] =	ssyncset.done $0x0  }
0x4e: {  	[sflag:s7] =	ssyncadd.s32 $0xFFFFD800  }
0x4f: {  	_ =	sfence.sel $0x180000  }
0x50: {  	[bflag:$0x0] =	sbarrier.arrive $0xFFFF  }
0x51: {  	p0 =	sne.s32 s2, $0x0;
	_ =	strace $0x90000047  }
0x52: {  	s0 =	sadd.s32 @!p0 $0x100000, s0;
	[bflag:$0x2] =	sbarrier.arrive $0xFFFF  }
0x53: {  	[sflag:s0] =	ssyncadd.tile.s32 @!p0 $0x1;
	_ =	shalt  }
.Lfunc_end2:
_tile_overlayer_lowered:
.L_overlay_start_2:
0x54: {  	(tag) =	ssettag $0x2  }
0x55: {  	s0 =	rddreg [dreg:$0x0];
	s2 =	stileid.u32  }
0x56: {  	s1 =	rddreg [dreg:$0x1];
	p0 =	sne.s32 s2, $0x0  }
0x57: {  	s3 =	rddreg [dreg:$0x2];
	[bflag:$0x3] =	sbarrier.arrive $0xFFFF;
	s2 =	simm.s32 @!p0 $0x1C02  }
0x58: {  	[timem:s3], [sflag:s2] =	dma.local @!p0 [hbm:s0], s1  }
0x59: {  	s0 =	simm.s32 @!p0 $0x2  }
0x5a: {  	_ =	swait.ge @!p0 [sflag:s0], s1  }
0x5b: {  	s1 =	ssub.s32 @!p0 $0x0, s1;
	[sflag:s0] =	ssyncset.done @!p0 $0x0  }
0x5c: {  	[sflag:s0] =	ssyncadd.s32 @!p0 s1  }
0x5d: {  	[bflag:$0x3] =	sbarrier.arrive $0xFFFF  }
0x5e: {  	_ =	shalt  }

</sc_bundles>
